<compile_context>
chip_gen: v7x
topology: tpu7x:2x2x1
jax: 0.10.2.dev20260603
libtpu: 0.0.44.dev20260713+nightly
codegen_flags: <defaults>
</compile_context>

<pallas_src>
import functools

import jax
import jax.numpy as jnp
from jax import lax
from jax.experimental import pallas as pl
from jax.experimental.pallas import tpu as pltpu
from jax.experimental.pallas import tpu_sc as plsc

N_EMBD = 384
GRID = 10
BLK = 800

SC_NC = 2
SC_NS = 16
SC_NW = SC_NC * SC_NS
SC_NP = 20480
SC_CH = 16
SC_NCHUNK = SC_NP // (SC_NW * SC_CH)


def _elu(x):
    return jnp.where(x > 0, x, jnp.exp(jnp.minimum(x, 0.0)) - 1.0)


def _erf(x):
    a1, a2, a3, a4, a5 = (0.254829592, -0.284496736, 1.421413741,
                          -1.453152027, 1.061405429)
    p = 0.3275911
    s = jnp.sign(x)
    z = jnp.abs(x)
    t = 1.0 / (1.0 + p * z)
    poly = t * (a1 + t * (a2 + t * (a3 + t * (a4 + t * a5))))
    y = 1.0 - poly * jnp.exp(-z * z)
    return s * y


def _gelu(x):
    return 0.5 * x * (1.0 + _erf(x * 0.7071067811865476))


def _shift_down(x3):
    z = jnp.zeros_like(x3[:1])
    return jnp.concatenate([z, x3[:-1]], axis=0)


def _shift_up(x3):
    z = jnp.zeros_like(x3[:1])
    return jnp.concatenate([x3[1:], z], axis=0)


def _sc_emb_body(idx_hbm, tb_hbm, tp_hbm, out_hbm, idxall,
                 b0, b1, semg0, semg1, semo0, semo1):
    w = lax.axis_index("s") * SC_NC + lax.axis_index("c")
    rw = 12 * SC_CH
    pltpu.sync_copy(idx_hbm.at[pl.ds(w * SC_NCHUNK * rw, SC_NCHUNK * rw)],
                    idxall)

    def fire(k, bufs, sem):
        bt0, bt1, bt2, bp0, bp1, bp2 = bufs
        o = k * rw
        return [
            pltpu.async_copy(tb_hbm.at[idxall.at[pl.ds(o, SC_CH)]], bt0, sem),
            pltpu.async_copy(tb_hbm.at[idxall.at[pl.ds(o + SC_CH, SC_CH)]], bt1, sem),
            pltpu.async_copy(tb_hbm.at[idxall.at[pl.ds(o + 2 * SC_CH, SC_CH)]], bt2, sem),
            pltpu.async_copy(tp_hbm.at[idxall.at[pl.ds(o + 3 * SC_CH, 3 * SC_CH)]], bp0, sem),
            pltpu.async_copy(tp_hbm.at[idxall.at[pl.ds(o + 6 * SC_CH, 3 * SC_CH)]], bp1, sem),
            pltpu.async_copy(tp_hbm.at[idxall.at[pl.ds(o + 9 * SC_CH, 3 * SC_CH)]], bp2, sem),
        ]

    def combine(bufs):
        bt0, bt1, bt2, bp0, bp1, bp2 = bufs

        @plsc.parallel_loop(0, SC_CH, unroll=4)
        def comb(c):
            for s in range(24):
                j, r = s // 8, s % 8
                sl = pl.ds(s * 16, 16)
                psl = pl.ds(r * 16, 16)
                bt0[c, sl] = (bt0[c, sl] + bt1[c, sl] + bt2[c, sl]
                              + bp0[3 * c + j, psl] + bp1[3 * c + j, psl]
                              + bp2[3 * c + j, psl])

    def out_slice(k):
        return out_hbm.at[pl.ds((w * SC_NCHUNK + k) * SC_CH, SC_CH), :]

    def drain(bufs, sem):
        for b in bufs:
            src = (tb_hbm.at[pl.ds(0, b.shape[0]), :] if b.shape[1] == N_EMBD
                   else tp_hbm.at[pl.ds(0, b.shape[0]), :])
            pltpu.make_async_copy(src, b, sem).wait()

    npairs = SC_NCHUNK // 2
    fire(0, b0, semg0)
    fire(1, b1, semg1)

    def pair(i, carry):
        k0 = 2 * i
        drain(b0, semg0)
        combine(b0)
        pltpu.async_copy(b0[0], out_slice(k0), semo0)
        drain(b1, semg1)
        combine(b1)
        pltpu.async_copy(b1[0], out_slice(k0 + 1), semo1)

        @pl.when(i < npairs - 1)
        def _():
            pltpu.make_async_copy(b0[0], out_slice(0), semo0).wait()
            fire(k0 + 2, b0, semg0)
            pltpu.make_async_copy(b1[0], out_slice(0), semo1).wait()
            fire(k0 + 3, b1, semg1)
        return carry

    lax.fori_loop(0, npairs, pair, 0)
    pltpu.make_async_copy(b0[0], out_slice(0), semo0).wait()
    pltpu.make_async_copy(b1[0], out_slice(0), semo1).wait()


def _sc_embed(idx, tb32, tp32):
    bufset = lambda: [
        pltpu.VMEM((SC_CH, N_EMBD), jnp.float32),
        pltpu.VMEM((SC_CH, N_EMBD), jnp.float32),
        pltpu.VMEM((SC_CH, N_EMBD), jnp.float32),
        pltpu.VMEM((SC_CH * 3, 128), jnp.float32),
        pltpu.VMEM((SC_CH * 3, 128), jnp.float32),
        pltpu.VMEM((SC_CH * 3, 128), jnp.float32),
    ]
    fn = functools.partial(
        pl.kernel,
        mesh=plsc.VectorSubcoreMesh(core_axis_name="c", subcore_axis_name="s",
                                    num_cores=SC_NC),
        out_type=jax.ShapeDtypeStruct((SC_NP, N_EMBD), jnp.float32),
        scratch_types=[
            pltpu.VMEM((SC_NCHUNK * 12 * SC_CH,), jnp.int32),
            bufset(),
            bufset(),
            pltpu.SemaphoreType.DMA,
            pltpu.SemaphoreType.DMA,
            pltpu.SemaphoreType.DMA,
            pltpu.SemaphoreType.DMA,
        ],
    )(_sc_emb_body)
    return fn(idx, tb32, tp32)


def _conv_body(g3_ref, ent_ref, w1, b1, w2a, w2b, w2c, b2,
               wl, bl, out_ref):
    B = g3_ref.shape[1]
    h = (jnp.dot(g3_ref[...].reshape(GRID * B, 18), w1[...],
                 preferred_element_type=jnp.float32)
         + b1[...])
    h = _elu(h).astype(jnp.bfloat16)
    h3 = h.reshape(GRID, B, N_EMBD)
    y = (jnp.dot(_shift_down(h3).reshape(GRID * B, N_EMBD), w2a[...],
                 preferred_element_type=jnp.float32)
         + jnp.dot(h, w2b[...], preferred_element_type=jnp.float32)
         + jnp.dot(_shift_up(h3).reshape(GRID * B, N_EMBD), w2c[...],
                   preferred_element_type=jnp.float32)
         + b2[...])
    p3 = _elu(y).reshape(GRID, B, N_EMBD)
    pooled = (jnp.sum(p3, axis=0) * (1.0 / GRID)).astype(jnp.bfloat16)
    g = jnp.dot(pooled, wl[...], preferred_element_type=jnp.float32) + bl[...]
    mask = (ent_ref[...][:, 0:1] <= 0).astype(jnp.float32)
    out_ref[...] = mask * g


def _mlp_body(xg_ref, ent_ref, e_ref, lnw, lnb, wf, bf, wp, bp, out_ref):
    mask = (ent_ref[...][:, 0:1] <= 0).astype(jnp.float32)
    x = xg_ref[...] + mask * e_ref[...].astype(jnp.float32)
    mu = jnp.mean(x, axis=1, keepdims=True)
    var = jnp.mean((x - mu) ** 2, axis=1, keepdims=True)
    xn = ((x - mu) * jax.lax.rsqrt(var + 1e-5) * lnw[...]
          + lnb[...]).astype(jnp.bfloat16)
    hh = jnp.dot(xn, wf[...], preferred_element_type=jnp.float32) + bf[...]
    hh = _gelu(hh).astype(jnp.bfloat16)
    out_ref[...] = x + jnp.dot(hh, wp[...],
                               preferred_element_type=jnp.float32) + bp[...]


def kernel(g1_x, g1_ent, g2_x, g2_ent, params):
    p = params
    n1 = g1_x.shape[0]
    n2 = g2_x.shape[0]
    n = n1 + n2
    xg = jnp.concatenate([g1_x[:, 0], g2_x[:, 0]], axis=0)
    g3 = jnp.transpose(xg, (1, 0, 2))
    zrow = jnp.zeros((1, n, 6), jnp.float32)
    g18 = jnp.concatenate([
        jnp.concatenate([zrow, g3[:-1]], axis=0),
        g3,
        jnp.concatenate([g3[1:], zrow], axis=0)], axis=2)
    ent = jnp.concatenate([g1_ent, g2_ent], axis=0).astype(jnp.int32)

    w1 = p['conv1_w']
    w1s = jnp.concatenate([jnp.transpose(w1[:, :, 0]),
                           jnp.transpose(w1[:, :, 1]),
                           jnp.transpose(w1[:, :, 2])], axis=0)
    bf16 = jnp.bfloat16
    w2 = p['conv2_w']
    w2a = jnp.transpose(w2[:, :, 0]).astype(bf16)
    w2b = jnp.transpose(w2[:, :, 1]).astype(bf16)
    w2c = jnp.transpose(w2[:, :, 2]).astype(bf16)
    wl = jnp.transpose(p['grid_lin_w']).astype(bf16)
    tb32 = jnp.concatenate([p['emb_entity_types'], p['emb_length'],
                            p['emb_radius'],
                            jnp.zeros((2, N_EMBD), jnp.float32)],
                           axis=0)
    tp32 = jnp.concatenate([p['emb_start_point'], p['emb_middle_point'],
                            p['emb_end_point']], axis=0)
    wf = jnp.transpose(p['fc_w']).astype(bf16)
    wp = jnp.transpose(p['proj_w']).astype(bf16)

    ep = jnp.zeros((SC_NP, 13), jnp.int32).at[:n].set(ent)
    nrows = SC_NW * SC_NCHUNK
    t0 = ep[:, 1].reshape(nrows, SC_CH)
    t1 = (6 + ep[:, 2]).reshape(nrows, SC_CH)
    t2 = (262 + ep[:, 3]).reshape(nrows, SC_CH)
    si = ep[:, 4:7].reshape(nrows, 3 * SC_CH)
    mi = (256 + ep[:, 7:10]).reshape(nrows, 3 * SC_CH)
    ei = (512 + ep[:, 10:13]).reshape(nrows, 3 * SC_CH)
    idx = jnp.concatenate([t0, t1, t2, si, mi, ei],
                          axis=1).reshape(-1)
    emb = _sc_embed(idx, tb32, tp32)

    row = lambda a: a.reshape(1, -1)
    nblk = n // BLK
    const = lambda ndim: pl.BlockSpec(index_map=lambda i: (0,) * ndim)
    nodeblk = pl.BlockSpec((BLK, N_EMBD), lambda i: (i, 0))
    xg = pl.pallas_call(
        _conv_body,
        grid=(nblk,),
        in_specs=[
            pl.BlockSpec((GRID, BLK, 18), lambda i: (0, i, 0)),
            pl.BlockSpec((BLK, 13), lambda i: (i, 0)),
            const(2), const(2),
            const(2), const(2), const(2), const(2),
            const(2), const(2),
        ],
        out_specs=nodeblk,
        out_shape=jax.ShapeDtypeStruct((n, N_EMBD), jnp.float32),
    )(g18, ent, w1s, row(p['conv1_b']), w2a, w2b, w2c,
      row(p['conv2_b']), wl, row(p['grid_lin_b']))

    out = pl.pallas_call(
        _mlp_body,
        grid=(nblk,),
        in_specs=[
            nodeblk,
            pl.BlockSpec((BLK, 13), lambda i: (i, 0)),
            nodeblk,
            const(2), const(2), const(2), const(2), const(2), const(2),
        ],
        out_specs=nodeblk,
        out_shape=jax.ShapeDtypeStruct((n, N_EMBD), jnp.float32),
    )(xg, ent, emb, row(p['ln_w']), row(p['ln_b']), wf, row(p['fc_b']), wp,
      row(p['proj_b']))
    return (out[:n1], out[n1:])

# --- scband reference (transcript-rebuilt; emitter-appended) ---
"""Pipeline reference for scband-edge-embedding-31147102831289 (READ-ONLY COPY).

The authoritative reference and input builder live on the scoring server;
editing this copy changes nothing except your own understanding.
"""

import jax, jax.numpy as jnp
import numpy as np

N_NODES = 10000
N_EMBD = 384
GRID_SIZE = 10
N_VOCAB = 256
N_CURVE_TYPES = 6
ENT_FEATURE_MAP = {'entity_types': (1, 2), 'length': (2, 3), 'radius': (3, 4), 'start_point': (4, 7), 'middle_point': (7, 10), 'end_point': (10, 13)}
ENT_DIM = 13
ENT_KEYS = ['entity_types', 'length', 'radius', 'start_point', 'middle_point', 'end_point']


def _make_ent(key):
    k1, k2, k3 = jax.random.split(key, 3)
    flag = jax.random.randint(k1, (N_NODES, 1), 0, 2)
    etype = jax.random.randint(k2, (N_NODES, 1), 0, N_CURVE_TYPES)
    rest = jax.random.randint(k3, (N_NODES, ENT_DIM - 2), 0, N_VOCAB)
    return jnp.concatenate([flag, etype, rest], axis=1)


def setup_inputs(seed: int = 0):
    key = jax.random.key(seed)
    ks = jax.random.split(key, 24)
    g1_x = jax.random.normal(ks[0], (N_NODES, 1, GRID_SIZE, 6), dtype=jnp.float32)
    g2_x = jax.random.normal(ks[1], (N_NODES, 1, GRID_SIZE, 6), dtype=jnp.float32)
    g1_ent = _make_ent(ks[2])
    g2_ent = _make_ent(ks[3])
    s = 0.02
    params = {
        'conv1_w': jax.random.normal(ks[4], (N_EMBD, 6, 3), dtype=jnp.float32) * s,
        'conv1_b': jnp.zeros((N_EMBD,), dtype=jnp.float32),
        'conv2_w': jax.random.normal(ks[5], (N_EMBD, N_EMBD, 3), dtype=jnp.float32) * s,
        'conv2_b': jnp.zeros((N_EMBD,), dtype=jnp.float32),
        'grid_lin_w': jax.random.normal(ks[6], (N_EMBD, N_EMBD), dtype=jnp.float32) * s,
        'grid_lin_b': jnp.zeros((N_EMBD,), dtype=jnp.float32),
        'emb_entity_types': jax.random.normal(ks[7], (N_CURVE_TYPES, N_EMBD), dtype=jnp.float32) * s,
        'emb_length': jax.random.normal(ks[8], (N_VOCAB, N_EMBD), dtype=jnp.float32) * s,
        'emb_radius': jax.random.normal(ks[9], (N_VOCAB, N_EMBD), dtype=jnp.float32) * s,
        'emb_start_point': jax.random.normal(ks[10], (N_VOCAB, N_EMBD // 3), dtype=jnp.float32) * s,
        'emb_middle_point': jax.random.normal(ks[11], (N_VOCAB, N_EMBD // 3), dtype=jnp.float32) * s,
        'emb_end_point': jax.random.normal(ks[12], (N_VOCAB, N_EMBD // 3), dtype=jnp.float32) * s,
        'ln_w': jnp.ones((N_EMBD,), dtype=jnp.float32),
        'ln_b': jnp.zeros((N_EMBD,), dtype=jnp.float32),
        'fc_w': jax.random.normal(ks[13], (4 * N_EMBD, N_EMBD), dtype=jnp.float32) * s,
        'fc_b': jnp.zeros((4 * N_EMBD,), dtype=jnp.float32),
        'proj_w': jax.random.normal(ks[14], (N_EMBD, 4 * N_EMBD), dtype=jnp.float32) * s,
        'proj_b': jnp.zeros((N_EMBD,), dtype=jnp.float32),
    }
    return {'g1_x': g1_x, 'g1_ent': g1_ent, 'g2_x': g2_x, 'g2_ent': g2_ent, 'params': params}


def _conv1d(x, w, b):
    y = jax.lax.conv_general_dilated(x, w, window_strides=(1,), padding=((1, 1),), dimension_numbers=('NCH', 'OIH', 'NCH'))
    return y + b[None, :, None]


def _layer_norm(x, w, b):
    mu = jnp.mean(x, axis=-1, keepdims=True)
    var = jnp.mean((x - mu) ** 2, axis=-1, keepdims=True)
    return (x - mu) / jnp.sqrt(var + 1e-5) * w + b


def _forward_one(x_grid, ent, p):
    # indices of graph nodes corresponding to B-rep edges (flag column <= 0.5)
    edge_mask = (ent[:, 0] <= 0.5).astype(jnp.float32)[:, None]
    n = x_grid.shape[0]
    x = jnp.zeros((n, N_EMBD), dtype=jnp.float32)
    # grid features: points + tangents -> [N, G, 6] -> [N, 6, G]
    grid = jnp.concatenate([x_grid[:, 0, :, :3], x_grid[:, 0, :, 3:6]], axis=-1)
    grid = jnp.transpose(grid, (0, 2, 1))
    ge = grid
    # cnn1d(num_layers=3): conv-ELU, conv-ELU, adaptive avg pool(1), flatten, linear
    h = jax.nn.elu(_conv1d(ge, p['conv1_w'], p['conv1_b']))
    h = jax.nn.elu(_conv1d(h, p['conv2_w'], p['conv2_b']))
    h = jnp.mean(h, axis=-1)
    h = h @ p['grid_lin_w'].T + p['grid_lin_b']
    x = x + edge_mask * h
    # quantized entity embeddings
    for key in ENT_KEYS:
        s, e = ENT_FEATURE_MAP[key]
        idx = ent[:, s:e]
        emb = jnp.take(p['emb_' + key], idx, axis=0)
        x = x + edge_mask * emb.reshape(emb.shape[0], -1)
    # x = x + MLP(LN(x)), dropout is identity in eval
    h2 = _layer_norm(x, p['ln_w'], p['ln_b'])
    h2 = h2 @ p['fc_w'].T + p['fc_b']
    h2 = jax.nn.gelu(h2, approximate=False)
    h2 = h2 @ p['proj_w'].T + p['proj_b']
    return x + h2


def reference(g1_x, g1_ent, g2_x, g2_ent, params):
    x1 = _forward_one(g1_x, g1_ent, params)
    x2 = _forward_one(g2_x, g2_ent, params)
    return (x1, x2)

if __name__ == "__main__":
    import jax
    _d = setup_inputs()
    print(jax.jit(kernel)(*tuple(_d.values())))

</pallas_src>

<mosaic_0001>
#map = affine_map<(d0, d1) -> (0)>
#map1 = affine_map<(d0, d1) -> (0, 0)>
module attributes {stable_mosaic.version = 14 : i64} {
  func.func @_sc_emb_body(%arg0: i32, %arg1: i32, %arg2: memref<245760xi32, #tpu.memory_space<hbm>>, %arg3: memref<520x384xf32, #tpu.memory_space<hbm>>, %arg4: memref<768x128xf32, #tpu.memory_space<hbm>>, %arg5: memref<20480x384xf32, #tpu.memory_space<hbm>>, %arg6: memref<7680xi32, #tpu.memory_space<vmem>>, %arg7: memref<16x384xf32, #tpu.memory_space<vmem>>, %arg8: memref<16x384xf32, #tpu.memory_space<vmem>>, %arg9: memref<16x384xf32, #tpu.memory_space<vmem>>, %arg10: memref<48x128xf32, #tpu.memory_space<vmem>>, %arg11: memref<48x128xf32, #tpu.memory_space<vmem>>, %arg12: memref<48x128xf32, #tpu.memory_space<vmem>>, %arg13: memref<16x384xf32, #tpu.memory_space<vmem>>, %arg14: memref<16x384xf32, #tpu.memory_space<vmem>>, %arg15: memref<16x384xf32, #tpu.memory_space<vmem>>, %arg16: memref<48x128xf32, #tpu.memory_space<vmem>>, %arg17: memref<48x128xf32, #tpu.memory_space<vmem>>, %arg18: memref<48x128xf32, #tpu.memory_space<vmem>>, %arg19: memref<!tpu.dma_semaphore, #tpu.memory_space<semaphore_mem>>, %arg20: memref<!tpu.dma_semaphore, #tpu.memory_space<semaphore_mem>>, %arg21: memref<!tpu.dma_semaphore, #tpu.memory_space<semaphore_mem>>, %arg22: memref<!tpu.dma_semaphore, #tpu.memory_space<semaphore_mem>>) attributes {dimension_semantics = [#tpu.dimension_semantics<core_parallel>, #tpu.dimension_semantics<subcore_parallel>], iteration_bounds = array<i64: 2, 16>, scalar_prefetch = 0 : i64, scratch_operands = 17 : i64, tpu.core_type = #tpu.core_type<sc_vector_subcore>, window_params = [{transform_indices = #map}, {transform_indices = #map1}, {transform_indices = #map1}, {transform_indices = #map1}]} {
    %mul3A = arith.constant 2 : i32
    %mul3A_0 = arith.muli %arg1, %mul3A : i32
    %add3A = arith.addi %mul3A_0, %arg0 : i32
    %mul3A_1 = arith.constant 40 : i32
    %mul3A_2 = arith.muli %add3A, %mul3A_1 : i32
    %mul3A_3 = arith.constant 192 : i32
    %mul3A_4 = arith.muli %mul3A_2, %mul3A_3 : i32
    "tpu.region"() ({
      %run_scoped3A = tpu.sem_alloc : memref<!tpu.dma_semaphore, #tpu.memory_space<semaphore_mem>>
      %dma_start3A_88 = tpu.memref_slice %arg2[%mul3A_4] : memref<245760xi32, #tpu.memory_space<hbm>> -> memref<7680xi32, #tpu.memory_space<hbm>>
      %dma_start3A_89 = tpu.memref_slice %arg2[%mul3A_4] : memref<245760xi32, #tpu.memory_space<hbm>> -> memref<7680xi32, #tpu.memory_space<hbm>>
      tpu.enqueue_dma source(%dma_start3A_89 : memref<7680xi32, #tpu.memory_space<hbm>>) target(%arg6 : memref<7680xi32, #tpu.memory_space<vmem>>) target_semaphore(%run_scoped3A : memref<!tpu.dma_semaphore, #tpu.memory_space<semaphore_mem>>)
      %dma_wait3A_90 = tpu.memref_slice %arg2[%mul3A_4] : memref<245760xi32, #tpu.memory_space<hbm>> -> memref<7680xi32, #tpu.memory_space<hbm>>
      %dma_wait3A_91 = tpu.memref_slice %arg2[%mul3A_4] : memref<245760xi32, #tpu.memory_space<hbm>> -> memref<7680xi32, #tpu.memory_space<hbm>>
      tpu.wait_dma2 semaphore(%run_scoped3A : memref<!tpu.dma_semaphore, #tpu.memory_space<semaphore_mem>>) src(%dma_wait3A_91 : memref<7680xi32, #tpu.memory_space<hbm>>) dst(%arg6 : memref<7680xi32, #tpu.memory_space<vmem>>)
      tpu.yield
    }) : () -> ()
    %dma_start3A = arith.constant 0 : i32
    %dma_start3A_5 = tpu.memref_slice %arg6[%dma_start3A] : memref<7680xi32, #tpu.memory_space<vmem>> -> memref<16xi32, #tpu.memory_space<vmem>>
    %dma_start3A_6 = arith.constant 0 : i32
    %dma_start3A_7 = arith.constant 0 : i32
    %dma_start3A_8 = tpu.memref_slice %arg3[%dma_start3A_6, %dma_start3A_7] : memref<520x384xf32, #tpu.memory_space<hbm>> -> memref<520x384xf32, #tpu.memory_space<hbm>>
    tpu.enqueue_indirect_dma source(%dma_start3A_8 : memref<520x384xf32, #tpu.memory_space<hbm>>) target(%arg7 : memref<16x384xf32, #tpu.memory_space<vmem>>) offsets(%dma_start3A_5 : memref<16xi32, #tpu.memory_space<vmem>>) semaphore(%arg19 : memref<!tpu.dma_semaphore, #tpu.memory_space<semaphore_mem>>)
    %dma_start3A_9 = arith.constant 16 : i32
    %dma_start3A_10 = tpu.memref_slice %arg6[%dma_start3A_9] : memref<7680xi32, #tpu.memory_space<vmem>> -> memref<16xi32, #tpu.memory_space<vmem>>
    %dma_start3A_11 = arith.constant 0 : i32
    %dma_start3A_12 = arith.constant 0 : i32
    %dma_start3A_13 = tpu.memref_slice %arg3[%dma_start3A_11, %dma_start3A_12] : memref<520x384xf32, #tpu.memory_space<hbm>> -> memref<520x384xf32, #tpu.memory_space<hbm>>
    tpu.enqueue_indirect_dma source(%dma_start3A_13 : memref<520x384xf32, #tpu.memory_space<hbm>>) target(%arg8 : memref<16x384xf32, #tpu.memory_space<vmem>>) offsets(%dma_start3A_10 : memref<16xi32, #tpu.memory_space<vmem>>) semaphore(%arg19 : memref<!tpu.dma_semaphore, #tpu.memory_space<semaphore_mem>>)
    %dma_start3A_14 = arith.constant 32 : i32
    %dma_start3A_15 = tpu.memref_slice %arg6[%dma_start3A_14] : memref<7680xi32, #tpu.memory_space<vmem>> -> memref<16xi32, #tpu.memory_space<vmem>>
    %dma_start3A_16 = arith.constant 0 : i32
    %dma_start3A_17 = arith.constant 0 : i32
    %dma_start3A_18 = tpu.memref_slice %arg3[%dma_start3A_16, %dma_start3A_17] : memref<520x384xf32, #tpu.memory_space<hbm>> -> memref<520x384xf32, #tpu.memory_space<hbm>>
    tpu.enqueue_indirect_dma source(%dma_start3A_18 : memref<520x384xf32, #tpu.memory_space<hbm>>) target(%arg9 : memref<16x384xf32, #tpu.memory_space<vmem>>) offsets(%dma_start3A_15 : memref<16xi32, #tpu.memory_space<vmem>>) semaphore(%arg19 : memref<!tpu.dma_semaphore, #tpu.memory_space<semaphore_mem>>)
    %dma_start3A_19 = arith.constant 48 : i32
    %dma_start3A_20 = tpu.memref_slice %arg6[%dma_start3A_19] : memref<7680xi32, #tpu.memory_space<vmem>> -> memref<48xi32, #tpu.memory_space<vmem>>
    %dma_start3A_21 = arith.constant 0 : i32
    %dma_start3A_22 = arith.constant 0 : i32
    %dma_start3A_23 = tpu.memref_slice %arg4[%dma_start3A_21, %dma_start3A_22] : memref<768x128xf32, #tpu.memory_space<hbm>> -> memref<768x128xf32, #tpu.memory_space<hbm>>
    tpu.enqueue_indirect_dma source(%dma_start3A_23 : memref<768x128xf32, #tpu.memory_space<hbm>>) target(%arg10 : memref<48x128xf32, #tpu.memory_space<vmem>>) offsets(%dma_start3A_20 : memref<48xi32, #tpu.memory_space<vmem>>) semaphore(%arg19 : memref<!tpu.dma_semaphore, #tpu.memory_space<semaphore_mem>>)
    %dma_start3A_24 = arith.constant 96 : i32
    %dma_start3A_25 = tpu.memref_slice %arg6[%dma_start3A_24] : memref<7680xi32, #tpu.memory_space<vmem>> -> memref<48xi32, #tpu.memory_space<vmem>>
    %dma_start3A_26 = arith.constant 0 : i32
    %dma_start3A_27 = arith.constant 0 : i32
    %dma_start3A_28 = tpu.memref_slice %arg4[%dma_start3A_26, %dma_start3A_27] : memref<768x128xf32, #tpu.memory_space<hbm>> -> memref<768x128xf32, #tpu.memory_space<hbm>>
    tpu.enqueue_indirect_dma source(%dma_start3A_28 : memref<768x128xf32, #tpu.memory_space<hbm>>) target(%arg11 : memref<48x128xf32, #tpu.memory_space<vmem>>) offsets(%dma_start3A_25 : memref<48xi32, #tpu.memory_space<vmem>>) semaphore(%arg19 : memref<!tpu.dma_semaphore, #tpu.memory_space<semaphore_mem>>)
    %dma_start3A_29 = arith.constant 144 : i32
    %dma_start3A_30 = tpu.memref_slice %arg6[%dma_start3A_29] : memref<7680xi32, #tpu.memory_space<vmem>> -> memref<48xi32, #tpu.memory_space<vmem>>
    %dma_start3A_31 = arith.constant 0 : i32
    %dma_start3A_32 = arith.constant 0 : i32
    %dma_start3A_33 = tpu.memref_slice %arg4[%dma_start3A_31, %dma_start3A_32] : memref<768x128xf32, #tpu.memory_space<hbm>> -> memref<768x128xf32, #tpu.memory_space<hbm>>
    tpu.enqueue_indirect_dma source(%dma_start3A_33 : memref<768x128xf32, #tpu.memory_space<hbm>>) target(%arg12 : memref<48x128xf32, #tpu.memory_space<vmem>>) offsets(%dma_start3A_30 : memref<48xi32, #tpu.memory_space<vmem>>) semaphore(%arg19 : memref<!tpu.dma_semaphore, #tpu.memory_space<semaphore_mem>>)
    %dma_start3A_34 = arith.constant 192 : i32
    %dma_start3A_35 = tpu.memref_slice %arg6[%dma_start3A_34] : memref<7680xi32, #tpu.memory_space<vmem>> -> memref<16xi32, #tpu.memory_space<vmem>>
    %dma_start3A_36 = arith.constant 0 : i32
    %dma_start3A_37 = arith.constant 0 : i32
    %dma_start3A_38 = tpu.memref_slice %arg3[%dma_start3A_36, %dma_start3A_37] : memref<520x384xf32, #tpu.memory_space<hbm>> -> memref<520x384xf32, #tpu.memory_space<hbm>>
    tpu.enqueue_indirect_dma source(%dma_start3A_38 : memref<520x384xf32, #tpu.memory_space<hbm>>) target(%arg13 : memref<16x384xf32, #tpu.memory_space<vmem>>) offsets(%dma_start3A_35 : memref<16xi32, #tpu.memory_space<vmem>>) semaphore(%arg20 : memref<!tpu.dma_semaphore, #tpu.memory_space<semaphore_mem>>)
    %dma_start3A_39 = arith.constant 208 : i32
    %dma_start3A_40 = tpu.memref_slice %arg6[%dma_start3A_39] : memref<7680xi32, #tpu.memory_space<vmem>> -> memref<16xi32, #tpu.memory_space<vmem>>
    %dma_start3A_41 = arith.constant 0 : i32
    %dma_start3A_42 = arith.constant 0 : i32
    %dma_start3A_43 = tpu.memref_slice %arg3[%dma_start3A_41, %dma_start3A_42] : memref<520x384xf32, #tpu.memory_space<hbm>> -> memref<520x384xf32, #tpu.memory_space<hbm>>
    tpu.enqueue_indirect_dma source(%dma_start3A_43 : memref<520x384xf32, #tpu.memory_space<hbm>>) target(%arg14 : memref<16x384xf32, #tpu.memory_space<vmem>>) offsets(%dma_start3A_40 : memref<16xi32, #tpu.memory_space<vmem>>) semaphore(%arg20 : memref<!tpu.dma_semaphore, #tpu.memory_space<semaphore_mem>>)
    %dma_start3A_44 = arith.constant 224 : i32
    %dma_start3A_45 = tpu.memref_slice %arg6[%dma_start3A_44] : memref<7680xi32, #tpu.memory_space<vmem>> -> memref<16xi32, #tpu.memory_space<vmem>>
    %dma_start3A_46 = arith.constant 0 : i32
    %dma_start3A_47 = arith.constant 0 : i32
    %dma_start3A_48 = tpu.memref_slice %arg3[%dma_start3A_46, %dma_start3A_47] : memref<520x384xf32, #tpu.memory_space<hbm>> -> memref<520x384xf32, #tpu.memory_space<hbm>>
    tpu.enqueue_indirect_dma source(%dma_start3A_48 : memref<520x384xf32, #tpu.memory_space<hbm>>) target(%arg15 : memref<16x384xf32, #tpu.memory_space<vmem>>) offsets(%dma_start3A_45 : memref<16xi32, #tpu.memory_space<vmem>>) semaphore(%arg20 : memref<!tpu.dma_semaphore, #tpu.memory_space<semaphore_mem>>)
    %dma_start3A_49 = arith.constant 240 : i32
    %dma_start3A_50 = tpu.memref_slice %arg6[%dma_start3A_49] : memref<7680xi32, #tpu.memory_space<vmem>> -> memref<48xi32, #tpu.memory_space<vmem>>
    %dma_start3A_51 = arith.constant 0 : i32
    %dma_start3A_52 = arith.constant 0 : i32
    %dma_start3A_53 = tpu.memref_slice %arg4[%dma_start3A_51, %dma_start3A_52] : memref<768x128xf32, #tpu.memory_space<hbm>> -> memref<768x128xf32, #tpu.memory_space<hbm>>
    tpu.enqueue_indirect_dma source(%dma_start3A_53 : memref<768x128xf32, #tpu.memory_space<hbm>>) target(%arg16 : memref<48x128xf32, #tpu.memory_space<vmem>>) offsets(%dma_start3A_50 : memref<48xi32, #tpu.memory_space<vmem>>) semaphore(%arg20 : memref<!tpu.dma_semaphore, #tpu.memory_space<semaphore_mem>>)
    %dma_start3A_54 = arith.constant 288 : i32
    %dma_start3A_55 = tpu.memref_slice %arg6[%dma_start3A_54] : memref<7680xi32, #tpu.memory_space<vmem>> -> memref<48xi32, #tpu.memory_space<vmem>>
    %dma_start3A_56 = arith.constant 0 : i32
    %dma_start3A_57 = arith.constant 0 : i32
    %dma_start3A_58 = tpu.memref_slice %arg4[%dma_start3A_56, %dma_start3A_57] : memref<768x128xf32, #tpu.memory_space<hbm>> -> memref<768x128xf32, #tpu.memory_space<hbm>>
    tpu.enqueue_indirect_dma source(%dma_start3A_58 : memref<768x128xf32, #tpu.memory_space<hbm>>) target(%arg17 : memref<48x128xf32, #tpu.memory_space<vmem>>) offsets(%dma_start3A_55 : memref<48xi32, #tpu.memory_space<vmem>>) semaphore(%arg20 : memref<!tpu.dma_semaphore, #tpu.memory_space<semaphore_mem>>)
    %dma_start3A_59 = arith.constant 336 : i32
    %dma_start3A_60 = tpu.memref_slice %arg6[%dma_start3A_59] : memref<7680xi32, #tpu.memory_space<vmem>> -> memref<48xi32, #tpu.memory_space<vmem>>
    %dma_start3A_61 = arith.constant 0 : i32
    %dma_start3A_62 = arith.constant 0 : i32
    %dma_start3A_63 = tpu.memref_slice %arg4[%dma_start3A_61, %dma_start3A_62] : memref<768x128xf32, #tpu.memory_space<hbm>> -> memref<768x128xf32, #tpu.memory_space<hbm>>
    tpu.enqueue_indirect_dma source(%dma_start3A_63 : memref<768x128xf32, #tpu.memory_space<hbm>>) target(%arg18 : memref<48x128xf32, #tpu.memory_space<vmem>>) offsets(%dma_start3A_60 : memref<48xi32, #tpu.memory_space<vmem>>) semaphore(%arg20 : memref<!tpu.dma_semaphore, #tpu.memory_space<semaphore_mem>>)
    %scan3A = arith.constant 0 : i32
    %scan3A_64 = arith.constant 0 : i32
    %scan3A_65 = arith.constant 20 : i32
    %scan3A_66 = arith.addi %scan3A_64, %scan3A_65 : i32
    %scan3A_67 = arith.constant 1 : i32
    scf.for %scan3A_88 = %scan3A_64 to %scan3A_66 step %scan3A_67  : i32 {
      %mul3A_89 = arith.constant 2 : i32
      %mul3A_90 = arith.muli %mul3A_89, %scan3A_88 : i32
      %dma_wait3A_91 = arith.constant 0 : i32
      %dma_wait3A_92 = arith.constant 0 : i32
      %dma_wait3A_93 = tpu.memref_slice %arg3[%dma_wait3A_91, %dma_wait3A_92] : memref<520x384xf32, #tpu.memory_space<hbm>> -> memref<16x384xf32, #tpu.memory_space<hbm>>
      %dma_wait3A_94 = arith.constant 0 : i32
      %dma_wait3A_95 = arith.constant 0 : i32
      %dma_wait3A_96 = tpu.memref_slice %arg3[%dma_wait3A_94, %dma_wait3A_95] : memref<520x384xf32, #tpu.memory_space<hbm>> -> memref<16x384xf32, #tpu.memory_space<hbm>>
      tpu.wait_dma2 semaphore(%arg19 : memref<!tpu.dma_semaphore, #tpu.memory_space<semaphore_mem>>) src(%dma_wait3A_96 : memref<16x384xf32, #tpu.memory_space<hbm>>) dst(%arg7 : memref<16x384xf32, #tpu.memory_space<vmem>>)
      %dma_wait3A_97 = arith.constant 0 : i32
      %dma_wait3A_98 = arith.constant 0 : i32
      %dma_wait3A_99 = tpu.memref_slice %arg3[%dma_wait3A_97, %dma_wait3A_98] : memref<520x384xf32, #tpu.memory_space<hbm>> -> memref<16x384xf32, #tpu.memory_space<hbm>>
      %dma_wait3A_100 = arith.constant 0 : i32
      %dma_wait3A_101 = arith.constant 0 : i32
      %dma_wait3A_102 = tpu.memref_slice %arg3[%dma_wait3A_100, %dma_wait3A_101] : memref<520x384xf32, #tpu.memory_space<hbm>> -> memref<16x384xf32, #tpu.memory_space<hbm>>
      tpu.wait_dma2 semaphore(%arg19 : memref<!tpu.dma_semaphore, #tpu.memory_space<semaphore_mem>>) src(%dma_wait3A_102 : memref<16x384xf32, #tpu.memory_space<hbm>>) dst(%arg8 : memref<16x384xf32, #tpu.memory_space<vmem>>)
      %dma_wait3A_103 = arith.constant 0 : i32
      %dma_wait3A_104 = arith.constant 0 : i32
      %dma_wait3A_105 = tpu.memref_slice %arg3[%dma_wait3A_103, %dma_wait3A_104] : memref<520x384xf32, #tpu.memory_space<hbm>> -> memref<16x384xf32, #tpu.memory_space<hbm>>
      %dma_wait3A_106 = arith.constant 0 : i32
      %dma_wait3A_107 = arith.constant 0 : i32
      %dma_wait3A_108 = tpu.memref_slice %arg3[%dma_wait3A_106, %dma_wait3A_107] : memref<520x384xf32, #tpu.memory_space<hbm>> -> memref<16x384xf32, #tpu.memory_space<hbm>>
      tpu.wait_dma2 semaphore(%arg19 : memref<!tpu.dma_semaphore, #tpu.memory_space<semaphore_mem>>) src(%dma_wait3A_108 : memref<16x384xf32, #tpu.memory_space<hbm>>) dst(%arg9 : memref<16x384xf32, #tpu.memory_space<vmem>>)
      %dma_wait3A_109 = arith.constant 0 : i32
      %dma_wait3A_110 = arith.constant 0 : i32
      %dma_wait3A_111 = tpu.memref_slice %arg4[%dma_wait3A_109, %dma_wait3A_110] : memref<768x128xf32, #tpu.memory_space<hbm>> -> memref<48x128xf32, #tpu.memory_space<hbm>>
      %dma_wait3A_112 = arith.constant 0 : i32
      %dma_wait3A_113 = arith.constant 0 : i32
      %dma_wait3A_114 = tpu.memref_slice %arg4[%dma_wait3A_112, %dma_wait3A_113] : memref<768x128xf32, #tpu.memory_space<hbm>> -> memref<48x128xf32, #tpu.memory_space<hbm>>
      tpu.wait_dma2 semaphore(%arg19 : memref<!tpu.dma_semaphore, #tpu.memory_space<semaphore_mem>>) src(%dma_wait3A_114 : memref<48x128xf32, #tpu.memory_space<hbm>>) dst(%arg10 : memref<48x128xf32, #tpu.memory_space<vmem>>)
      %dma_wait3A_115 = arith.constant 0 : i32
      %dma_wait3A_116 = arith.constant 0 : i32
      %dma_wait3A_117 = tpu.memref_slice %arg4[%dma_wait3A_115, %dma_wait3A_116] : memref<768x128xf32, #tpu.memory_space<hbm>> -> memref<48x128xf32, #tpu.memory_space<hbm>>
      %dma_wait3A_118 = arith.constant 0 : i32
      %dma_wait3A_119 = arith.constant 0 : i32
      %dma_wait3A_120 = tpu.memref_slice %arg4[%dma_wait3A_118, %dma_wait3A_119] : memref<768x128xf32, #tpu.memory_space<hbm>> -> memref<48x128xf32, #tpu.memory_space<hbm>>
      tpu.wait_dma2 semaphore(%arg19 : memref<!tpu.dma_semaphore, #tpu.memory_space<semaphore_mem>>) src(%dma_wait3A_120 : memref<48x128xf32, #tpu.memory_space<hbm>>) dst(%arg11 : memref<48x128xf32, #tpu.memory_space<vmem>>)
      %dma_wait3A_121 = arith.constant 0 : i32
      %dma_wait3A_122 = arith.constant 0 : i32
      %dma_wait3A_123 = tpu.memref_slice %arg4[%dma_wait3A_121, %dma_wait3A_122] : memref<768x128xf32, #tpu.memory_space<hbm>> -> memref<48x128xf32, #tpu.memory_space<hbm>>
      %dma_wait3A_124 = arith.constant 0 : i32
      %dma_wait3A_125 = arith.constant 0 : i32
      %dma_wait3A_126 = tpu.memref_slice %arg4[%dma_wait3A_124, %dma_wait3A_125] : memref<768x128xf32, #tpu.memory_space<hbm>> -> memref<48x128xf32, #tpu.memory_space<hbm>>
      tpu.wait_dma2 semaphore(%arg19 : memref<!tpu.dma_semaphore, #tpu.memory_space<semaphore_mem>>) src(%dma_wait3A_126 : memref<48x128xf32, #tpu.memory_space<hbm>>) dst(%arg12 : memref<48x128xf32, #tpu.memory_space<vmem>>)
      %parallel_loop3A = arith.constant 0 : i32
      %parallel_loop3A_127 = arith.constant 16 : i32
      %parallel_loop3A_128 = arith.constant 1 : i32
      scf.for %parallel_loop3A_190 = %parallel_loop3A to %parallel_loop3A_127 step %parallel_loop3A_128  : i32 {
        %parallel_loop3A_191 = arith.index_cast %parallel_loop3A_190 : i32 to index
        %parallel_loop3A_192 = arith.constant 0 : index
        %parallel_loop3A_193 = tpu.vector_load %arg7[%parallel_loop3A_191, %parallel_loop3A_192] {strides = array<i32>} : memref<16x384xf32, #tpu.memory_space<vmem>>, vector<1x16xf32>,
        %parallel_loop3A_194 = vector.shape_cast %parallel_loop3A_193 : vector<1x16xf32> to vector<16xf32>
        %parallel_loop3A_195 = arith.index_cast %parallel_loop3A_190 : i32 to index
        %parallel_loop3A_196 = arith.constant 0 : index
        %parallel_loop3A_197 = tpu.vector_load %arg8[%parallel_loop3A_195, %parallel_loop3A_196] {strides = array<i32>} : memref<16x384xf32, #tpu.memory_space<vmem>>, vector<1x16xf32>,
        %parallel_loop3A_198 = vector.shape_cast %parallel_loop3A_197 : vector<1x16xf32> to vector<16xf32>
        %parallel_loop3A_199 = arith.addf %parallel_loop3A_194, %parallel_loop3A_198 : vector<16xf32>
        %parallel_loop3A_200 = arith.index_cast %parallel_loop3A_190 : i32 to index
        %parallel_loop3A_201 = arith.constant 0 : index
        %parallel_loop3A_202 = tpu.vector_load %arg9[%parallel_loop3A_200, %parallel_loop3A_201] {strides = array<i32>} : memref<16x384xf32, #tpu.memory_space<vmem>>, vector<1x16xf32>,
        %parallel_loop3A_203 = vector.shape_cast %parallel_loop3A_202 : vector<1x16xf32> to vector<16xf32>
        %parallel_loop3A_204 = arith.addf %parallel_loop3A_199, %parallel_loop3A_203 : vector<16xf32>
        %parallel_loop3A_205 = arith.constant 3 : i32
        %parallel_loop3A_206 = arith.muli %parallel_loop3A_205, %parallel_loop3A_190 : i32
        %parallel_loop3A_207 = arith.constant 0 : i32
        %parallel_loop3A_208 = arith.addi %parallel_loop3A_206, %parallel_loop3A_207 : i32
        %parallel_loop3A_209 = arith.index_cast %parallel_loop3A_208 : i32 to index
        %parallel_loop3A_210 = arith.constant 0 : index
        %parallel_loop3A_211 = tpu.vector_load %arg10[%parallel_loop3A_209, %parallel_loop3A_210] {strides = array<i32>} : memref<48x128xf32, #tpu.memory_space<vmem>>, vector<1x16xf32>,
        %parallel_loop3A_212 = vector.shape_cast %parallel_loop3A_211 : vector<1x16xf32> to vector<16xf32>
        %parallel_loop3A_213 = arith.addf %parallel_loop3A_204, %parallel_loop3A_212 : vector<16xf32>
        %parallel_loop3A_214 = arith.constant 3 : i32
        %parallel_loop3A_215 = arith.muli %parallel_loop3A_214, %parallel_loop3A_190 : i32
        %parallel_loop3A_216 = arith.constant 0 : i32
        %parallel_loop3A_217 = arith.addi %parallel_loop3A_215, %parallel_loop3A_216 : i32
        %parallel_loop3A_218 = arith.index_cast %parallel_loop3A_217 : i32 to index
        %parallel_loop3A_219 = arith.constant 0 : index
        %parallel_loop3A_220 = tpu.vector_load %arg11[%parallel_loop3A_218, %parallel_loop3A_219] {strides = array<i32>} : memref<48x128xf32, #tpu.memory_space<vmem>>, vector<1x16xf32>,
        %parallel_loop3A_221 = vector.shape_cast %parallel_loop3A_220 : vector<1x16xf32> to vector<16xf32>
        %parallel_loop3A_222 = arith.addf %parallel_loop3A_213, %parallel_loop3A_221 : vector<16xf32>
        %parallel_loop3A_223 = arith.constant 3 : i32
        %parallel_loop3A_224 = arith.muli %parallel_loop3A_223, %parallel_loop3A_190 : i32
        %parallel_loop3A_225 = arith.constant 0 : i32
        %parallel_loop3A_226 = arith.addi %parallel_loop3A_224, %parallel_loop3A_225 : i32
        %parallel_loop3A_227 = arith.index_cast %parallel_loop3A_226 : i32 to index
        %parallel_loop3A_228 = arith.constant 0 : index
        %parallel_loop3A_229 = tpu.vector_load %arg12[%parallel_loop3A_227, %parallel_loop3A_228] {strides = array<i32>} : memref<48x128xf32, #tpu.memory_space<vmem>>, vector<1x16xf32>,
        %parallel_loop3A_230 = vector.shape_cast %parallel_loop3A_229 : vector<1x16xf32> to vector<16xf32>
        %parallel_loop3A_231 = arith.addf %parallel_loop3A_222, %parallel_loop3A_230 : vector<16xf32>
        %parallel_loop3A_232 = arith.index_cast %parallel_loop3A_190 : i32 to index
        %parallel_loop3A_233 = arith.constant 0 : index
        %parallel_loop3A_234 = tpu.vector_load %arg7[%parallel_loop3A_232, %parallel_loop3A_233] {strides = array<i32>} : memref<16x384xf32, #tpu.memory_space<vmem>>, vector<1x16xf32>,
        %parallel_loop3A_235 = vector.shape_cast %parallel_loop3A_234 : vector<1x16xf32> to vector<16xf32>
        %parallel_loop3A_236 = vector.shape_cast %parallel_loop3A_231 : vector<16xf32> to vector<1x16xf32>
        tpu.vector_store %arg7[%parallel_loop3A_232, %parallel_loop3A_233], %parallel_loop3A_236 {strides = array<i32>} : memref<16x384xf32, #tpu.memory_space<vmem>>, vector<1x16xf32>,
        %parallel_loop3A_237 = arith.index_cast %parallel_loop3A_190 : i32 to index
        %parallel_loop3A_238 = arith.constant 16 : index
        %parallel_loop3A_239 = tpu.vector_load %arg7[%parallel_loop3A_237, %parallel_loop3A_238] {strides = array<i32>} : memref<16x384xf32, #tpu.memory_space<vmem>>, vector<1x16xf32>,
        %parallel_loop3A_240 = vector.shape_cast %parallel_loop3A_239 : vector<1x16xf32> to vector<16xf32>
        %parallel_loop3A_241 = arith.index_cast %parallel_loop3A_190 : i32 to index
        %parallel_loop3A_242 = arith.constant 16 : index
        %parallel_loop3A_243 = tpu.vector_load %arg8[%parallel_loop3A_241, %parallel_loop3A_242] {strides = array<i32>} : memref<16x384xf32, #tpu.memory_space<vmem>>, vector<1x16xf32>,
        %parallel_loop3A_244 = vector.shape_cast %parallel_loop3A_243 : vector<1x16xf32> to vector<16xf32>
        %parallel_loop3A_245 = arith.addf %parallel_loop3A_240, %parallel_loop3A_244 : vector<16xf32>
        %parallel_loop3A_246 = arith.index_cast %parallel_loop3A_190 : i32 to index
        %parallel_loop3A_247 = arith.constant 16 : index
        %parallel_loop3A_248 = tpu.vector_load %arg9[%parallel_loop3A_246, %parallel_loop3A_247] {strides = array<i32>} : memref<16x384xf32, #tpu.memory_space<vmem>>, vector<1x16xf32>,
        %parallel_loop3A_249 = vector.shape_cast %parallel_loop3A_248 : vector<1x16xf32> to vector<16xf32>
        %parallel_loop3A_250 = arith.addf %parallel_loop3A_245, %parallel_loop3A_249 : vector<16xf32>
        %parallel_loop3A_251 = arith.constant 3 : i32
        %parallel_loop3A_252 = arith.muli %parallel_loop3A_251, %parallel_loop3A_190 : i32
        %parallel_loop3A_253 = arith.constant 0 : i32
        %parallel_loop3A_254 = arith.addi %parallel_loop3A_252, %parallel_loop3A_253 : i32
        %parallel_loop3A_255 = arith.index_cast %parallel_loop3A_254 : i32 to index
        %parallel_loop3A_256 = arith.constant 16 : index
        %parallel_loop3A_257 = tpu.vector_load %arg10[%parallel_loop3A_255, %parallel_loop3A_256] {strides = array<i32>} : memref<48x128xf32, #tpu.memory_space<vmem>>, vector<1x16xf32>,
        %parallel_loop3A_258 = vector.shape_cast %parallel_loop3A_257 : vector<1x16xf32> to vector<16xf32>
        %parallel_loop3A_259 = arith.addf %parallel_loop3A_250, %parallel_loop3A_258 : vector<16xf32>
        %parallel_loop3A_260 = arith.constant 3 : i32
        %parallel_loop3A_261 = arith.muli %parallel_loop3A_260, %parallel_loop3A_190 : i32
        %parallel_loop3A_262 = arith.constant 0 : i32
        %parallel_loop3A_263 = arith.addi %parallel_loop3A_261, %parallel_loop3A_262 : i32
        %parallel_loop3A_264 = arith.index_cast %parallel_loop3A_263 : i32 to index
        %parallel_loop3A_265 = arith.constant 16 : index
        %parallel_loop3A_266 = tpu.vector_load %arg11[%parallel_loop3A_264, %parallel_loop3A_265] {strides = array<i32>} : memref<48x128xf32, #tpu.memory_space<vmem>>, vector<1x16xf32>,
        %parallel_loop3A_267 = vector.shape_cast %parallel_loop3A_266 : vector<1x16xf32> to vector<16xf32>
        %parallel_loop3A_268 = arith.addf %parallel_loop3A_259, %parallel_loop3A_267 : vector<16xf32>
        %parallel_loop3A_269 = arith.constant 3 : i32
        %parallel_loop3A_270 = arith.muli %parallel_loop3A_269, %parallel_loop3A_190 : i32
        %parallel_loop3A_271 = arith.constant 0 : i32
        %parallel_loop3A_272 = arith.addi %parallel_loop3A_270, %parallel_loop3A_271 : i32
        %parallel_loop3A_273 = arith.index_cast %parallel_loop3A_272 : i32 to index
        %parallel_loop3A_274 = arith.constant 16 : index
        %parallel_loop3A_275 = tpu.vector_load %arg12[%parallel_loop3A_273, %parallel_loop3A_274] {strides = array<i32>} : memref<48x128xf32, #tpu.memory_space<vmem>>, vector<1x16xf32>,
        %parallel_loop3A_276 = vector.shape_cast %parallel_loop3A_275 : vector<1x16xf32> to vector<16xf32>
        %parallel_loop3A_277 = arith.addf %parallel_loop3A_268, %parallel_loop3A_276 : vector<16xf32>
        %parallel_loop3A_278 = arith.index_cast %parallel_loop3A_190 : i32 to index
        %parallel_loop3A_279 = arith.constant 16 : index
        %parallel_loop3A_280 = tpu.vector_load %arg7[%parallel_loop3A_278, %parallel_loop3A_279] {strides = array<i32>} : memref<16x384xf32, #tpu.memory_space<vmem>>, vector<1x16xf32>,
        %parallel_loop3A_281 = vector.shape_cast %parallel_loop3A_280 : vector<1x16xf32> to vector<16xf32>
        %parallel_loop3A_282 = vector.shape_cast %parallel_loop3A_277 : vector<16xf32> to vector<1x16xf32>
        tpu.vector_store %arg7[%parallel_loop3A_278, %parallel_loop3A_279], %parallel_loop3A_282 {strides = array<i32>} : memref<16x384xf32, #tpu.memory_space<vmem>>, vector<1x16xf32>,
        %parallel_loop3A_283 = arith.index_cast %parallel_loop3A_190 : i32 to index
        %parallel_loop3A_284 = arith.constant 32 : index
        %parallel_loop3A_285 = tpu.vector_load %arg7[%parallel_loop3A_283, %parallel_loop3A_284] {strides = array<i32>} : memref<16x384xf32, #tpu.memory_space<vmem>>, vector<1x16xf32>,
        %parallel_loop3A_286 = vector.shape_cast %parallel_loop3A_285 : vector<1x16xf32> to vector<16xf32>
        %parallel_loop3A_287 = arith.index_cast %parallel_loop3A_190 : i32 to index
        %parallel_loop3A_288 = arith.constant 32 : index
        %parallel_loop3A_289 = tpu.vector_load %arg8[%parallel_loop3A_287, %parallel_loop3A_288] {strides = array<i32>} : memref<16x384xf32, #tpu.memory_space<vmem>>, vector<1x16xf32>,
        %parallel_loop3A_290 = vector.shape_cast %parallel_loop3A_289 : vector<1x16xf32> to vector<16xf32>
        %parallel_loop3A_291 = arith.addf %parallel_loop3A_286, %parallel_loop3A_290 : vector<16xf32>
        %parallel_loop3A_292 = arith.index_cast %parallel_loop3A_190 : i32 to index
        %parallel_loop3A_293 = arith.constant 32 : index
        %parallel_loop3A_294 = tpu.vector_load %arg9[%parallel_loop3A_292, %parallel_loop3A_293] {strides = array<i32>} : memref<16x384xf32, #tpu.memory_space<vmem>>, vector<1x16xf32>,
        %parallel_loop3A_295 = vector.shape_cast %parallel_loop3A_294 : vector<1x16xf32> to vector<16xf32>
        %parallel_loop3A_296 = arith.addf %parallel_loop3A_291, %parallel_loop3A_295 : vector<16xf32>
        %parallel_loop3A_297 = arith.constant 3 : i32
        %parallel_loop3A_298 = arith.muli %parallel_loop3A_297, %parallel_loop3A_190 : i32
        %parallel_loop3A_299 = arith.constant 0 : i32
        %parallel_loop3A_300 = arith.addi %parallel_loop3A_298, %parallel_loop3A_299 : i32
        %parallel_loop3A_301 = arith.index_cast %parallel_loop3A_300 : i32 to index
        %parallel_loop3A_302 = arith.constant 32 : index
        %parallel_loop3A_303 = tpu.vector_load %arg10[%parallel_loop3A_301, %parallel_loop3A_302] {strides = array<i32>} : memref<48x128xf32, #tpu.memory_space<vmem>>, vector<1x16xf32>,
        %parallel_loop3A_304 = vector.shape_cast %parallel_loop3A_303 : vector<1x16xf32> to vector<16xf32>
        %parallel_loop3A_305 = arith.addf %parallel_loop3A_296, %parallel_loop3A_304 : vector<16xf32>
        %parallel_loop3A_306 = arith.constant 3 : i32
        %parallel_loop3A_307 = arith.muli %parallel_loop3A_306, %parallel_loop3A_190 : i32
        %parallel_loop3A_308 = arith.constant 0 : i32
        %parallel_loop3A_309 = arith.addi %parallel_loop3A_307, %parallel_loop3A_308 : i32
        %parallel_loop3A_310 = arith.index_cast %parallel_loop3A_309 : i32 to index
        %parallel_loop3A_311 = arith.constant 32 : index
        %parallel_loop3A_312 = tpu.vector_load %arg11[%parallel_loop3A_310, %parallel_loop3A_311] {strides = array<i32>} : memref<48x128xf32, #tpu.memory_space<vmem>>, vector<1x16xf32>,
        %parallel_loop3A_313 = vector.shape_cast %parallel_loop3A_312 : vector<1x16xf32> to vector<16xf32>
        %parallel_loop3A_314 = arith.addf %parallel_loop3A_305, %parallel_loop3A_313 : vector<16xf32>
        %parallel_loop3A_315 = arith.constant 3 : i32
        %parallel_loop3A_316 = arith.muli %parallel_loop3A_315, %parallel_loop3A_190 : i32
        %parallel_loop3A_317 = arith.constant 0 : i32
        %parallel_loop3A_318 = arith.addi %parallel_loop3A_316, %parallel_loop3A_317 : i32
        %parallel_loop3A_319 = arith.index_cast %parallel_loop3A_318 : i32 to index
        %parallel_loop3A_320 = arith.constant 32 : index
        %parallel_loop3A_321 = tpu.vector_load %arg12[%parallel_loop3A_319, %parallel_loop3A_320] {strides = array<i32>} : memref<48x128xf32, #tpu.memory_space<vmem>>, vector<1x16xf32>,
        %parallel_loop3A_322 = vector.shape_cast %parallel_loop3A_321 : vector<1x16xf32> to vector<16xf32>
        %parallel_loop3A_323 = arith.addf %parallel_loop3A_314, %parallel_loop3A_322 : vector<16xf32>
        %parallel_loop3A_324 = arith.index_cast %parallel_loop3A_190 : i32 to index
        %parallel_loop3A_325 = arith.constant 32 : index
        %parallel_loop3A_326 = tpu.vector_load %arg7[%parallel_loop3A_324, %parallel_loop3A_325] {strides = array<i32>} : memref<16x384xf32, #tpu.memory_space<vmem>>, vector<1x16xf32>,
        %parallel_loop3A_327 = vector.shape_cast %parallel_loop3A_326 : vector<1x16xf32> to vector<16xf32>
        %parallel_loop3A_328 = vector.shape_cast %parallel_loop3A_323 : vector<16xf32> to vector<1x16xf32>
        tpu.vector_store %arg7[%parallel_loop3A_324, %parallel_loop3A_325], %parallel_loop3A_328 {strides = array<i32>} : memref<16x384xf32, #tpu.memory_space<vmem>>, vector<1x16xf32>,
        %parallel_loop3A_329 = arith.index_cast %parallel_loop3A_190 : i32 to index
        %parallel_loop3A_330 = arith.constant 48 : index
        %parallel_loop3A_331 = tpu.vector_load %arg7[%parallel_loop3A_329, %parallel_loop3A_330] {strides = array<i32>} : memref<16x384xf32, #tpu.memory_space<vmem>>, vector<1x16xf32>,
        %parallel_loop3A_332 = vector.shape_cast %parallel_loop3A_331 : vector<1x16xf32> to vector<16xf32>
        %parallel_loop3A_333 = arith.index_cast %parallel_loop3A_190 : i32 to index
        %parallel_loop3A_334 = arith.constant 48 : index
        %parallel_loop3A_335 = tpu.vector_load %arg8[%parallel_loop3A_333, %parallel_loop3A_334] {strides = array<i32>} : memref<16x384xf32, #tpu.memory_space<vmem>>, vector<1x16xf32>,
        %parallel_loop3A_336 = vector.shape_cast %parallel_loop3A_335 : vector<1x16xf32> to vector<16xf32>
        %parallel_loop3A_337 = arith.addf %parallel_loop3A_332, %parallel_loop3A_336 : vector<16xf32>
        %parallel_loop3A_338 = arith.index_cast %parallel_loop3A_190 : i32 to index
        %parallel_loop3A_339 = arith.constant 48 : index
        %parallel_loop3A_340 = tpu.vector_load %arg9[%parallel_loop3A_338, %parallel_loop3A_339] {strides = array<i32>} : memref<16x384xf32, #tpu.memory_space<vmem>>, vector<1x16xf32>,
        %parallel_loop3A_341 = vector.shape_cast %parallel_loop3A_340 : vector<1x16xf32> to vector<16xf32>
        %parallel_loop3A_342 = arith.addf %parallel_loop3A_337, %parallel_loop3A_341 : vector<16xf32>
        %parallel_loop3A_343 = arith.constant 3 : i32
        %parallel_loop3A_344 = arith.muli %parallel_loop3A_343, %parallel_loop3A_190 : i32
        %parallel_loop3A_345 = arith.constant 0 : i32
        %parallel_loop3A_346 = arith.addi %parallel_loop3A_344, %parallel_loop3A_345 : i32
        %parallel_loop3A_347 = arith.index_cast %parallel_loop3A_346 : i32 to index
        %parallel_loop3A_348 = arith.constant 48 : index
        %parallel_loop3A_349 = tpu.vector_load %arg10[%parallel_loop3A_347, %parallel_loop3A_348] {strides = array<i32>} : memref<48x128xf32, #tpu.memory_space<vmem>>, vector<1x16xf32>,
        %parallel_loop3A_350 = vector.shape_cast %parallel_loop3A_349 : vector<1x16xf32> to vector<16xf32>
        %parallel_loop3A_351 = arith.addf %parallel_loop3A_342, %parallel_loop3A_350 : vector<16xf32>
        %parallel_loop3A_352 = arith.constant 3 : i32
        %parallel_loop3A_353 = arith.muli %parallel_loop3A_352, %parallel_loop3A_190 : i32
        %parallel_loop3A_354 = arith.constant 0 : i32
        %parallel_loop3A_355 = arith.addi %parallel_loop3A_353, %parallel_loop3A_354 : i32
        %parallel_loop3A_356 = arith.index_cast %parallel_loop3A_355 : i32 to index
        %parallel_loop3A_357 = arith.constant 48 : index
        %parallel_loop3A_358 = tpu.vector_load %arg11[%parallel_loop3A_356, %parallel_loop3A_357] {strides = array<i32>} : memref<48x128xf32, #tpu.memory_space<vmem>>, vector<1x16xf32>,
        %parallel_loop3A_359 = vector.shape_cast %parallel_loop3A_358 : vector<1x16xf32> to vector<16xf32>
        %parallel_loop3A_360 = arith.addf %parallel_loop3A_351, %parallel_loop3A_359 : vector<16xf32>
        %parallel_loop3A_361 = arith.constant 3 : i32
        %parallel_loop3A_362 = arith.muli %parallel_loop3A_361, %parallel_loop3A_190 : i32
        %parallel_loop3A_363 = arith.constant 0 : i32
        %parallel_loop3A_364 = arith.addi %parallel_loop3A_362, %parallel_loop3A_363 : i32
        %parallel_loop3A_365 = arith.index_cast %parallel_loop3A_364 : i32 to index
        %parallel_loop3A_366 = arith.constant 48 : index
        %parallel_loop3A_367 = tpu.vector_load %arg12[%parallel_loop3A_365, %parallel_loop3A_366] {strides = array<i32>} : memref<48x128xf32, #tpu.memory_space<vmem>>, vector<1x16xf32>,
        %parallel_loop3A_368 = vector.shape_cast %parallel_loop3A_367 : vector<1x16xf32> to vector<16xf32>
        %parallel_loop3A_369 = arith.addf %parallel_loop3A_360, %parallel_loop3A_368 : vector<16xf32>
        %parallel_loop3A_370 = arith.index_cast %parallel_loop3A_190 : i32 to index
        %parallel_loop3A_371 = arith.constant 48 : index
        %parallel_loop3A_372 = tpu.vector_load %arg7[%parallel_loop3A_370, %parallel_loop3A_371] {strides = array<i32>} : memref<16x384xf32, #tpu.memory_space<vmem>>, vector<1x16xf32>,
        %parallel_loop3A_373 = vector.shape_cast %parallel_loop3A_372 : vector<1x16xf32> to vector<16xf32>
        %parallel_loop3A_374 = vector.shape_cast %parallel_loop3A_369 : vector<16xf32> to vector<1x16xf32>
        tpu.vector_store %arg7[%parallel_loop3A_370, %parallel_loop3A_371], %parallel_loop3A_374 {strides = array<i32>} : memref<16x384xf32, #tpu.memory_space<vmem>>, vector<1x16xf32>,
        %parallel_loop3A_375 = arith.index_cast %parallel_loop3A_190 : i32 to index
        %parallel_loop3A_376 = arith.constant 64 : index
        %parallel_loop3A_377 = tpu.vector_load %arg7[%parallel_loop3A_375, %parallel_loop3A_376] {strides = array<i32>} : memref<16x384xf32, #tpu.memory_space<vmem>>, vector<1x16xf32>,
        %parallel_loop3A_378 = vector.shape_cast %parallel_loop3A_377 : vector<1x16xf32> to vector<16xf32>
        %parallel_loop3A_379 = arith.index_cast %parallel_loop3A_190 : i32 to index
        %parallel_loop3A_380 = arith.constant 64 : index
        %parallel_loop3A_381 = tpu.vector_load %arg8[%parallel_loop3A_379, %parallel_loop3A_380] {strides = array<i32>} : memref<16x384xf32, #tpu.memory_space<vmem>>, vector<1x16xf32>,
        %parallel_loop3A_382 = vector.shape_cast %parallel_loop3A_381 : vector<1x16xf32> to vector<16xf32>
        %parallel_loop3A_383 = arith.addf %parallel_loop3A_378, %parallel_loop3A_382 : vector<16xf32>
        %parallel_loop3A_384 = arith.index_cast %parallel_loop3A_190 : i32 to index
        %parallel_loop3A_385 = arith.constant 64 : index
        %parallel_loop3A_386 = tpu.vector_load %arg9[%parallel_loop3A_384, %parallel_loop3A_385] {strides = array<i32>} : memref<16x384xf32, #tpu.memory_space<vmem>>, vector<1x16xf32>,
        %parallel_loop3A_387 = vector.shape_cast %parallel_loop3A_386 : vector<1x16xf32> to vector<16xf32>
        %parallel_loop3A_388 = arith.addf %parallel_loop3A_383, %parallel_loop3A_387 : vector<16xf32>
        %parallel_loop3A_389 = arith.constant 3 : i32
        %parallel_loop3A_390 = arith.muli %parallel_loop3A_389, %parallel_loop3A_190 : i32
        %parallel_loop3A_391 = arith.constant 0 : i32
        %parallel_loop3A_392 = arith.addi %parallel_loop3A_390, %parallel_loop3A_391 : i32
        %parallel_loop3A_393 = arith.index_cast %parallel_loop3A_392 : i32 to index
        %parallel_loop3A_394 = arith.constant 64 : index
        %parallel_loop3A_395 = tpu.vector_load %arg10[%parallel_loop3A_393, %parallel_loop3A_394] {strides = array<i32>} : memref<48x128xf32, #tpu.memory_space<vmem>>, vector<1x16xf32>,
        %parallel_loop3A_396 = vector.shape_cast %parallel_loop3A_395 : vector<1x16xf32> to vector<16xf32>
        %parallel_loop3A_397 = arith.addf %parallel_loop3A_388, %parallel_loop3A_396 : vector<16xf32>
        %parallel_loop3A_398 = arith.constant 3 : i32
        %parallel_loop3A_399 = arith.muli %parallel_loop3A_398, %parallel_loop3A_190 : i32
        %parallel_loop3A_400 = arith.constant 0 : i32
        %parallel_loop3A_401 = arith.addi %parallel_loop3A_399, %parallel_loop3A_400 : i32
        %parallel_loop3A_402 = arith.index_cast %parallel_loop3A_401 : i32 to index
        %parallel_loop3A_403 = arith.constant 64 : index
        %parallel_loop3A_404 = tpu.vector_load %arg11[%parallel_loop3A_402, %parallel_loop3A_403] {strides = array<i32>} : memref<48x128xf32, #tpu.memory_space<vmem>>, vector<1x16xf32>,
        %parallel_loop3A_405 = vector.shape_cast %parallel_loop3A_404 : vector<1x16xf32> to vector<16xf32>
        %parallel_loop3A_406 = arith.addf %parallel_loop3A_397, %parallel_loop3A_405 : vector<16xf32>
        %parallel_loop3A_407 = arith.constant 3 : i32
        %parallel_loop3A_408 = arith.muli %parallel_loop3A_407, %parallel_loop3A_190 : i32
        %parallel_loop3A_409 = arith.constant 0 : i32
        %parallel_loop3A_410 = arith.addi %parallel_loop3A_408, %parallel_loop3A_409 : i32
        %parallel_loop3A_411 = arith.index_cast %parallel_loop3A_410 : i32 to index
        %parallel_loop3A_412 = arith.constant 64 : index
        %parallel_loop3A_413 = tpu.vector_load %arg12[%parallel_loop3A_411, %parallel_loop3A_412] {strides = array<i32>} : memref<48x128xf32, #tpu.memory_space<vmem>>, vector<1x16xf32>,
        %parallel_loop3A_414 = vector.shape_cast %parallel_loop3A_413 : vector<1x16xf32> to vector<16xf32>
        %parallel_loop3A_415 = arith.addf %parallel_loop3A_406, %parallel_loop3A_414 : vector<16xf32>
        %parallel_loop3A_416 = arith.index_cast %parallel_loop3A_190 : i32 to index
        %parallel_loop3A_417 = arith.constant 64 : index
        %parallel_loop3A_418 = tpu.vector_load %arg7[%parallel_loop3A_416, %parallel_loop3A_417] {strides = array<i32>} : memref<16x384xf32, #tpu.memory_space<vmem>>, vector<1x16xf32>,
        %parallel_loop3A_419 = vector.shape_cast %parallel_loop3A_418 : vector<1x16xf32> to vector<16xf32>
        %parallel_loop3A_420 = vector.shape_cast %parallel_loop3A_415 : vector<16xf32> to vector<1x16xf32>
        tpu.vector_store %arg7[%parallel_loop3A_416, %parallel_loop3A_417], %parallel_loop3A_420 {strides = array<i32>} : memref<16x384xf32, #tpu.memory_space<vmem>>, vector<1x16xf32>,
        %parallel_loop3A_421 = arith.index_cast %parallel_loop3A_190 : i32 to index
        %parallel_loop3A_422 = arith.constant 80 : index
        %parallel_loop3A_423 = tpu.vector_load %arg7[%parallel_loop3A_421, %parallel_loop3A_422] {strides = array<i32>} : memref<16x384xf32, #tpu.memory_space<vmem>>, vector<1x16xf32>,
        %parallel_loop3A_424 = vector.shape_cast %parallel_loop3A_423 : vector<1x16xf32> to vector<16xf32>
        %parallel_loop3A_425 = arith.index_cast %parallel_loop3A_190 : i32 to index
        %parallel_loop3A_426 = arith.constant 80 : index
        %parallel_loop3A_427 = tpu.vector_load %arg8[%parallel_loop3A_425, %parallel_loop3A_426] {strides = array<i32>} : memref<16x384xf32, #tpu.memory_space<vmem>>, vector<1x16xf32>,
        %parallel_loop3A_428 = vector.shape_cast %parallel_loop3A_427 : vector<1x16xf32> to vector<16xf32>
        %parallel_loop3A_429 = arith.addf %parallel_loop3A_424, %parallel_loop3A_428 : vector<16xf32>
        %parallel_loop3A_430 = arith.index_cast %parallel_loop3A_190 : i32 to index
        %parallel_loop3A_431 = arith.constant 80 : index
        %parallel_loop3A_432 = tpu.vector_load %arg9[%parallel_loop3A_430, %parallel_loop3A_431] {strides = array<i32>} : memref<16x384xf32, #tpu.memory_space<vmem>>, vector<1x16xf32>,
        %parallel_loop3A_433 = vector.shape_cast %parallel_loop3A_432 : vector<1x16xf32> to vector<16xf32>
        %parallel_loop3A_434 = arith.addf %parallel_loop3A_429, %parallel_loop3A_433 : vector<16xf32>
        %parallel_loop3A_435 = arith.constant 3 : i32
        %parallel_loop3A_436 = arith.muli %parallel_loop3A_435, %parallel_loop3A_190 : i32
        %parallel_loop3A_437 = arith.constant 0 : i32
        %parallel_loop3A_438 = arith.addi %parallel_loop3A_436, %parallel_loop3A_437 : i32
        %parallel_loop3A_439 = arith.index_cast %parallel_loop3A_438 : i32 to index
        %parallel_loop3A_440 = arith.constant 80 : index
        %parallel_loop3A_441 = tpu.vector_load %arg10[%parallel_loop3A_439, %parallel_loop3A_440] {strides = array<i32>} : memref<48x128xf32, #tpu.memory_space<vmem>>, vector<1x16xf32>,
        %parallel_loop3A_442 = vector.shape_cast %parallel_loop3A_441 : vector<1x16xf32> to vector<16xf32>
        %parallel_loop3A_443 = arith.addf %parallel_loop3A_434, %parallel_loop3A_442 : vector<16xf32>
        %parallel_loop3A_444 = arith.constant 3 : i32
        %parallel_loop3A_445 = arith.muli %parallel_loop3A_444, %parallel_loop3A_190 : i32
        %parallel_loop3A_446 = arith.constant 0 : i32
        %parallel_loop3A_447 = arith.addi %parallel_loop3A_445, %parallel_loop3A_446 : i32
        %parallel_loop3A_448 = arith.index_cast %parallel_loop3A_447 : i32 to index
        %parallel_loop3A_449 = arith.constant 80 : index
        %parallel_loop3A_450 = tpu.vector_load %arg11[%parallel_loop3A_448, %parallel_loop3A_449] {strides = array<i32>} : memref<48x128xf32, #tpu.memory_space<vmem>>, vector<1x16xf32>,
        %parallel_loop3A_451 = vector.shape_cast %parallel_loop3A_450 : vector<1x16xf32> to vector<16xf32>
        %parallel_loop3A_452 = arith.addf %parallel_loop3A_443, %parallel_loop3A_451 : vector<16xf32>
        %parallel_loop3A_453 = arith.constant 3 : i32
        %parallel_loop3A_454 = arith.muli %parallel_loop3A_453, %parallel_loop3A_190 : i32
        %parallel_loop3A_455 = arith.constant 0 : i32
        %parallel_loop3A_456 = arith.addi %parallel_loop3A_454, %parallel_loop3A_455 : i32
        %parallel_loop3A_457 = arith.index_cast %parallel_loop3A_456 : i32 to index
        %parallel_loop3A_458 = arith.constant 80 : index
        %parallel_loop3A_459 = tpu.vector_load %arg12[%parallel_loop3A_457, %parallel_loop3A_458] {strides = array<i32>} : memref<48x128xf32, #tpu.memory_space<vmem>>, vector<1x16xf32>,
        %parallel_loop3A_460 = vector.shape_cast %parallel_loop3A_459 : vector<1x16xf32> to vector<16xf32>
        %parallel_loop3A_461 = arith.addf %parallel_loop3A_452, %parallel_loop3A_460 : vector<16xf32>
        %parallel_loop3A_462 = arith.index_cast %parallel_loop3A_190 : i32 to index
        %parallel_loop3A_463 = arith.constant 80 : index
        %parallel_loop3A_464 = tpu.vector_load %arg7[%parallel_loop3A_462, %parallel_loop3A_463] {strides = array<i32>} : memref<16x384xf32, #tpu.memory_space<vmem>>, vector<1x16xf32>,
        %parallel_loop3A_465 = vector.shape_cast %parallel_loop3A_464 : vector<1x16xf32> to vector<16xf32>
        %parallel_loop3A_466 = vector.shape_cast %parallel_loop3A_461 : vector<16xf32> to vector<1x16xf32>
        tpu.vector_store %arg7[%parallel_loop3A_462, %parallel_loop3A_463], %parallel_loop3A_466 {strides = array<i32>} : memref<16x384xf32, #tpu.memory_space<vmem>>, vector<1x16xf32>,
        %parallel_loop3A_467 = arith.index_cast %parallel_loop3A_190 : i32 to index
        %parallel_loop3A_468 = arith.constant 96 : index
        %parallel_loop3A_469 = tpu.vector_load %arg7[%parallel_loop3A_467, %parallel_loop3A_468] {strides = array<i32>} : memref<16x384xf32, #tpu.memory_space<vmem>>, vector<1x16xf32>,
        %parallel_loop3A_470 = vector.shape_cast %parallel_loop3A_469 : vector<1x16xf32> to vector<16xf32>
        %parallel_loop3A_471 = arith.index_cast %parallel_loop3A_190 : i32 to index
        %parallel_loop3A_472 = arith.constant 96 : index
        %parallel_loop3A_473 = tpu.vector_load %arg8[%parallel_loop3A_471, %parallel_loop3A_472] {strides = array<i32>} : memref<16x384xf32, #tpu.memory_space<vmem>>, vector<1x16xf32>,
        %parallel_loop3A_474 = vector.shape_cast %parallel_loop3A_473 : vector<1x16xf32> to vector<16xf32>
        %parallel_loop3A_475 = arith.addf %parallel_loop3A_470, %parallel_loop3A_474 : vector<16xf32>
        %parallel_loop3A_476 = arith.index_cast %parallel_loop3A_190 : i32 to index
        %parallel_loop3A_477 = arith.constant 96 : index
        %parallel_loop3A_478 = tpu.vector_load %arg9[%parallel_loop3A_476, %parallel_loop3A_477] {strides = array<i32>} : memref<16x384xf32, #tpu.memory_space<vmem>>, vector<1x16xf32>,
        %parallel_loop3A_479 = vector.shape_cast %parallel_loop3A_478 : vector<1x16xf32> to vector<16xf32>
        %parallel_loop3A_480 = arith.addf %parallel_loop3A_475, %parallel_loop3A_479 : vector<16xf32>
        %parallel_loop3A_481 = arith.constant 3 : i32
        %parallel_loop3A_482 = arith.muli %parallel_loop3A_481, %parallel_loop3A_190 : i32
        %parallel_loop3A_483 = arith.constant 0 : i32
        %parallel_loop3A_484 = arith.addi %parallel_loop3A_482, %parallel_loop3A_483 : i32
        %parallel_loop3A_485 = arith.index_cast %parallel_loop3A_484 : i32 to index
        %parallel_loop3A_486 = arith.constant 96 : index
        %parallel_loop3A_487 = tpu.vector_load %arg10[%parallel_loop3A_485, %parallel_loop3A_486] {strides = array<i32>} : memref<48x128xf32, #tpu.memory_space<vmem>>, vector<1x16xf32>,
        %parallel_loop3A_488 = vector.shape_cast %parallel_loop3A_487 : vector<1x16xf32> to vector<16xf32>
        %parallel_loop3A_489 = arith.addf %parallel_loop3A_480, %parallel_loop3A_488 : vector<16xf32>
        %parallel_loop3A_490 = arith.constant 3 : i32
        %parallel_loop3A_491 = arith.muli %parallel_loop3A_490, %parallel_loop3A_190 : i32
        %parallel_loop3A_492 = arith.constant 0 : i32
        %parallel_loop3A_493 = arith.addi %parallel_loop3A_491, %parallel_loop3A_492 : i32
        %parallel_loop3A_494 = arith.index_cast %parallel_loop3A_493 : i32 to index
        %parallel_loop3A_495 = arith.constant 96 : index
        %parallel_loop3A_496 = tpu.vector_load %arg11[%parallel_loop3A_494, %parallel_loop3A_495] {strides = array<i32>} : memref<48x128xf32, #tpu.memory_space<vmem>>, vector<1x16xf32>,
        %parallel_loop3A_497 = vector.shape_cast %parallel_loop3A_496 : vector<1x16xf32> to vector<16xf32>
        %parallel_loop3A_498 = arith.addf %parallel_loop3A_489, %parallel_loop3A_497 : vector<16xf32>
        %parallel_loop3A_499 = arith.constant 3 : i32
        %parallel_loop3A_500 = arith.muli %parallel_loop3A_499, %parallel_loop3A_190 : i32
        %parallel_loop3A_501 = arith.constant 0 : i32
        %parallel_loop3A_502 = arith.addi %parallel_loop3A_500, %parallel_loop3A_501 : i32
        %parallel_loop3A_503 = arith.index_cast %parallel_loop3A_502 : i32 to index
        %parallel_loop3A_504 = arith.constant 96 : index
        %parallel_loop3A_505 = tpu.vector_load %arg12[%parallel_loop3A_503, %parallel_loop3A_504] {strides = array<i32>} : memref<48x128xf32, #tpu.memory_space<vmem>>, vector<1x16xf32>,
        %parallel_loop3A_506 = vector.shape_cast %parallel_loop3A_505 : vector<1x16xf32> to vector<16xf32>
        %parallel_loop3A_507 = arith.addf %parallel_loop3A_498, %parallel_loop3A_506 : vector<16xf32>
        %parallel_loop3A_508 = arith.index_cast %parallel_loop3A_190 : i32 to index
        %parallel_loop3A_509 = arith.constant 96 : index
        %parallel_loop3A_510 = tpu.vector_load %arg7[%parallel_loop3A_508, %parallel_loop3A_509] {strides = array<i32>} : memref<16x384xf32, #tpu.memory_space<vmem>>, vector<1x16xf32>,
        %parallel_loop3A_511 = vector.shape_cast %parallel_loop3A_510 : vector<1x16xf32> to vector<16xf32>
        %parallel_loop3A_512 = vector.shape_cast %parallel_loop3A_507 : vector<16xf32> to vector<1x16xf32>
        tpu.vector_store %arg7[%parallel_loop3A_508, %parallel_loop3A_509], %parallel_loop3A_512 {strides = array<i32>} : memref<16x384xf32, #tpu.memory_space<vmem>>, vector<1x16xf32>,
        %parallel_loop3A_513 = arith.index_cast %parallel_loop3A_190 : i32 to index
        %parallel_loop3A_514 = arith.constant 112 : index
        %parallel_loop3A_515 = tpu.vector_load %arg7[%parallel_loop3A_513, %parallel_loop3A_514] {strides = array<i32>} : memref<16x384xf32, #tpu.memory_space<vmem>>, vector<1x16xf32>,
        %parallel_loop3A_516 = vector.shape_cast %parallel_loop3A_515 : vector<1x16xf32> to vector<16xf32>
        %parallel_loop3A_517 = arith.index_cast %parallel_loop3A_190 : i32 to index
        %parallel_loop3A_518 = arith.constant 112 : index
        %parallel_loop3A_519 = tpu.vector_load %arg8[%parallel_loop3A_517, %parallel_loop3A_518] {strides = array<i32>} : memref<16x384xf32, #tpu.memory_space<vmem>>, vector<1x16xf32>,
        %parallel_loop3A_520 = vector.shape_cast %parallel_loop3A_519 : vector<1x16xf32> to vector<16xf32>
        %parallel_loop3A_521 = arith.addf %parallel_loop3A_516, %parallel_loop3A_520 : vector<16xf32>
        %parallel_loop3A_522 = arith.index_cast %parallel_loop3A_190 : i32 to index
        %parallel_loop3A_523 = arith.constant 112 : index
        %parallel_loop3A_524 = tpu.vector_load %arg9[%parallel_loop3A_522, %parallel_loop3A_523] {strides = array<i32>} : memref<16x384xf32, #tpu.memory_space<vmem>>, vector<1x16xf32>,
        %parallel_loop3A_525 = vector.shape_cast %parallel_loop3A_524 : vector<1x16xf32> to vector<16xf32>
        %parallel_loop3A_526 = arith.addf %parallel_loop3A_521, %parallel_loop3A_525 : vector<16xf32>
        %parallel_loop3A_527 = arith.constant 3 : i32
        %parallel_loop3A_528 = arith.muli %parallel_loop3A_527, %parallel_loop3A_190 : i32
        %parallel_loop3A_529 = arith.constant 0 : i32
        %parallel_loop3A_530 = arith.addi %parallel_loop3A_528, %parallel_loop3A_529 : i32
        %parallel_loop3A_531 = arith.index_cast %parallel_loop3A_530 : i32 to index
        %parallel_loop3A_532 = arith.constant 112 : index
        %parallel_loop3A_533 = tpu.vector_load %arg10[%parallel_loop3A_531, %parallel_loop3A_532] {strides = array<i32>} : memref<48x128xf32, #tpu.memory_space<vmem>>, vector<1x16xf32>,
        %parallel_loop3A_534 = vector.shape_cast %parallel_loop3A_533 : vector<1x16xf32> to vector<16xf32>
        %parallel_loop3A_535 = arith.addf %parallel_loop3A_526, %parallel_loop3A_534 : vector<16xf32>
        %parallel_loop3A_536 = arith.constant 3 : i32
        %parallel_loop3A_537 = arith.muli %parallel_loop3A_536, %parallel_loop3A_190 : i32
        %parallel_loop3A_538 = arith.constant 0 : i32
        %parallel_loop3A_539 = arith.addi %parallel_loop3A_537, %parallel_loop3A_538 : i32
        %parallel_loop3A_540 = arith.index_cast %parallel_loop3A_539 : i32 to index
        %parallel_loop3A_541 = arith.constant 112 : index
        %parallel_loop3A_542 = tpu.vector_load %arg11[%parallel_loop3A_540, %parallel_loop3A_541] {strides = array<i32>} : memref<48x128xf32, #tpu.memory_space<vmem>>, vector<1x16xf32>,
        %parallel_loop3A_543 = vector.shape_cast %parallel_loop3A_542 : vector<1x16xf32> to vector<16xf32>
        %parallel_loop3A_544 = arith.addf %parallel_loop3A_535, %parallel_loop3A_543 : vector<16xf32>
        %parallel_loop3A_545 = arith.constant 3 : i32
        %parallel_loop3A_546 = arith.muli %parallel_loop3A_545, %parallel_loop3A_190 : i32
        %parallel_loop3A_547 = arith.constant 0 : i32
        %parallel_loop3A_548 = arith.addi %parallel_loop3A_546, %parallel_loop3A_547 : i32
        %parallel_loop3A_549 = arith.index_cast %parallel_loop3A_548 : i32 to index
        %parallel_loop3A_550 = arith.constant 112 : index
        %parallel_loop3A_551 = tpu.vector_load %arg12[%parallel_loop3A_549, %parallel_loop3A_550] {strides = array<i32>} : memref<48x128xf32, #tpu.memory_space<vmem>>, vector<1x16xf32>,
        %parallel_loop3A_552 = vector.shape_cast %parallel_loop3A_551 : vector<1x16xf32> to vector<16xf32>
        %parallel_loop3A_553 = arith.addf %parallel_loop3A_544, %parallel_loop3A_552 : vector<16xf32>
        %parallel_loop3A_554 = arith.index_cast %parallel_loop3A_190 : i32 to index
        %parallel_loop3A_555 = arith.constant 112 : index
        %parallel_loop3A_556 = tpu.vector_load %arg7[%parallel_loop3A_554, %parallel_loop3A_555] {strides = array<i32>} : memref<16x384xf32, #tpu.memory_space<vmem>>, vector<1x16xf32>,
        %parallel_loop3A_557 = vector.shape_cast %parallel_loop3A_556 : vector<1x16xf32> to vector<16xf32>
        %parallel_loop3A_558 = vector.shape_cast %parallel_loop3A_553 : vector<16xf32> to vector<1x16xf32>
        tpu.vector_store %arg7[%parallel_loop3A_554, %parallel_loop3A_555], %parallel_loop3A_558 {strides = array<i32>} : memref<16x384xf32, #tpu.memory_space<vmem>>, vector<1x16xf32>,
        %parallel_loop3A_559 = arith.index_cast %parallel_loop3A_190 : i32 to index
        %parallel_loop3A_560 = arith.constant 128 : index
        %parallel_loop3A_561 = tpu.vector_load %arg7[%parallel_loop3A_559, %parallel_loop3A_560] {strides = array<i32>} : memref<16x384xf32, #tpu.memory_space<vmem>>, vector<1x16xf32>,
        %parallel_loop3A_562 = vector.shape_cast %parallel_loop3A_561 : vector<1x16xf32> to vector<16xf32>
        %parallel_loop3A_563 = arith.index_cast %parallel_loop3A_190 : i32 to index
        %parallel_loop3A_564 = arith.constant 128 : index
        %parallel_loop3A_565 = tpu.vector_load %arg8[%parallel_loop3A_563, %parallel_loop3A_564] {strides = array<i32>} : memref<16x384xf32, #tpu.memory_space<vmem>>, vector<1x16xf32>,
        %parallel_loop3A_566 = vector.shape_cast %parallel_loop3A_565 : vector<1x16xf32> to vector<16xf32>
        %parallel_loop3A_567 = arith.addf %parallel_loop3A_562, %parallel_loop3A_566 : vector<16xf32>
        %parallel_loop3A_568 = arith.index_cast %parallel_loop3A_190 : i32 to index
        %parallel_loop3A_569 = arith.constant 128 : index
        %parallel_loop3A_570 = tpu.vector_load %arg9[%parallel_loop3A_568, %parallel_loop3A_569] {strides = array<i32>} : memref<16x384xf32, #tpu.memory_space<vmem>>, vector<1x16xf32>,
        %parallel_loop3A_571 = vector.shape_cast %parallel_loop3A_570 : vector<1x16xf32> to vector<16xf32>
        %parallel_loop3A_572 = arith.addf %parallel_loop3A_567, %parallel_loop3A_571 : vector<16xf32>
        %parallel_loop3A_573 = arith.constant 3 : i32
        %parallel_loop3A_574 = arith.muli %parallel_loop3A_573, %parallel_loop3A_190 : i32
        %parallel_loop3A_575 = arith.constant 1 : i32
        %parallel_loop3A_576 = arith.addi %parallel_loop3A_574, %parallel_loop3A_575 : i32
        %parallel_loop3A_577 = arith.index_cast %parallel_loop3A_576 : i32 to index
        %parallel_loop3A_578 = arith.constant 0 : index
        %parallel_loop3A_579 = tpu.vector_load %arg10[%parallel_loop3A_577, %parallel_loop3A_578] {strides = array<i32>} : memref<48x128xf32, #tpu.memory_space<vmem>>, vector<1x16xf32>,
        %parallel_loop3A_580 = vector.shape_cast %parallel_loop3A_579 : vector<1x16xf32> to vector<16xf32>
        %parallel_loop3A_581 = arith.addf %parallel_loop3A_572, %parallel_loop3A_580 : vector<16xf32>
        %parallel_loop3A_582 = arith.constant 3 : i32
        %parallel_loop3A_583 = arith.muli %parallel_loop3A_582, %parallel_loop3A_190 : i32
        %parallel_loop3A_584 = arith.constant 1 : i32
        %parallel_loop3A_585 = arith.addi %parallel_loop3A_583, %parallel_loop3A_584 : i32
        %parallel_loop3A_586 = arith.index_cast %parallel_loop3A_585 : i32 to index
        %parallel_loop3A_587 = arith.constant 0 : index
        %parallel_loop3A_588 = tpu.vector_load %arg11[%parallel_loop3A_586, %parallel_loop3A_587] {strides = array<i32>} : memref<48x128xf32, #tpu.memory_space<vmem>>, vector<1x16xf32>,
        %parallel_loop3A_589 = vector.shape_cast %parallel_loop3A_588 : vector<1x16xf32> to vector<16xf32>
        %parallel_loop3A_590 = arith.addf %parallel_loop3A_581, %parallel_loop3A_589 : vector<16xf32>
        %parallel_loop3A_591 = arith.constant 3 : i32
        %parallel_loop3A_592 = arith.muli %parallel_loop3A_591, %parallel_loop3A_190 : i32
        %parallel_loop3A_593 = arith.constant 1 : i32
        %parallel_loop3A_594 = arith.addi %parallel_loop3A_592, %parallel_loop3A_593 : i32
        %parallel_loop3A_595 = arith.index_cast %parallel_loop3A_594 : i32 to index
        %parallel_loop3A_596 = arith.constant 0 : index
        %parallel_loop3A_597 = tpu.vector_load %arg12[%parallel_loop3A_595, %parallel_loop3A_596] {strides = array<i32>} : memref<48x128xf32, #tpu.memory_space<vmem>>, vector<1x16xf32>,
        %parallel_loop3A_598 = vector.shape_cast %parallel_loop3A_597 : vector<1x16xf32> to vector<16xf32>
        %parallel_loop3A_599 = arith.addf %parallel_loop3A_590, %parallel_loop3A_598 : vector<16xf32>
        %parallel_loop3A_600 = arith.index_cast %parallel_loop3A_190 : i32 to index
        %parallel_loop3A_601 = arith.constant 128 : index
        %parallel_loop3A_602 = tpu.vector_load %arg7[%parallel_loop3A_600, %parallel_loop3A_601] {strides = array<i32>} : memref<16x384xf32, #tpu.memory_space<vmem>>, vector<1x16xf32>,
        %parallel_loop3A_603 = vector.shape_cast %parallel_loop3A_602 : vector<1x16xf32> to vector<16xf32>
        %parallel_loop3A_604 = vector.shape_cast %parallel_loop3A_599 : vector<16xf32> to vector<1x16xf32>
        tpu.vector_store %arg7[%parallel_loop3A_600, %parallel_loop3A_601], %parallel_loop3A_604 {strides = array<i32>} : memref<16x384xf32, #tpu.memory_space<vmem>>, vector<1x16xf32>,
        %parallel_loop3A_605 = arith.index_cast %parallel_loop3A_190 : i32 to index
        %parallel_loop3A_606 = arith.constant 144 : index
        %parallel_loop3A_607 = tpu.vector_load %arg7[%parallel_loop3A_605, %parallel_loop3A_606] {strides = array<i32>} : memref<16x384xf32, #tpu.memory_space<vmem>>, vector<1x16xf32>,
        %parallel_loop3A_608 = vector.shape_cast %parallel_loop3A_607 : vector<1x16xf32> to vector<16xf32>
        %parallel_loop3A_609 = arith.index_cast %parallel_loop3A_190 : i32 to index
        %parallel_loop3A_610 = arith.constant 144 : index
        %parallel_loop3A_611 = tpu.vector_load %arg8[%parallel_loop3A_609, %parallel_loop3A_610] {strides = array<i32>} : memref<16x384xf32, #tpu.memory_space<vmem>>, vector<1x16xf32>,
        %parallel_loop3A_612 = vector.shape_cast %parallel_loop3A_611 : vector<1x16xf32> to vector<16xf32>
        %parallel_loop3A_613 = arith.addf %parallel_loop3A_608, %parallel_loop3A_612 : vector<16xf32>
        %parallel_loop3A_614 = arith.index_cast %parallel_loop3A_190 : i32 to index
        %parallel_loop3A_615 = arith.constant 144 : index
        %parallel_loop3A_616 = tpu.vector_load %arg9[%parallel_loop3A_614, %parallel_loop3A_615] {strides = array<i32>} : memref<16x384xf32, #tpu.memory_space<vmem>>, vector<1x16xf32>,
        %parallel_loop3A_617 = vector.shape_cast %parallel_loop3A_616 : vector<1x16xf32> to vector<16xf32>
        %parallel_loop3A_618 = arith.addf %parallel_loop3A_613, %parallel_loop3A_617 : vector<16xf32>
        %parallel_loop3A_619 = arith.constant 3 : i32
        %parallel_loop3A_620 = arith.muli %parallel_loop3A_619, %parallel_loop3A_190 : i32
        %parallel_loop3A_621 = arith.constant 1 : i32
        %parallel_loop3A_622 = arith.addi %parallel_loop3A_620, %parallel_loop3A_621 : i32
        %parallel_loop3A_623 = arith.index_cast %parallel_loop3A_622 : i32 to index
        %parallel_loop3A_624 = arith.constant 16 : index
        %parallel_loop3A_625 = tpu.vector_load %arg10[%parallel_loop3A_623, %parallel_loop3A_624] {strides = array<i32>} : memref<48x128xf32, #tpu.memory_space<vmem>>, vector<1x16xf32>,
        %parallel_loop3A_626 = vector.shape_cast %parallel_loop3A_625 : vector<1x16xf32> to vector<16xf32>
        %parallel_loop3A_627 = arith.addf %parallel_loop3A_618, %parallel_loop3A_626 : vector<16xf32>
        %parallel_loop3A_628 = arith.constant 3 : i32
        %parallel_loop3A_629 = arith.muli %parallel_loop3A_628, %parallel_loop3A_190 : i32
        %parallel_loop3A_630 = arith.constant 1 : i32
        %parallel_loop3A_631 = arith.addi %parallel_loop3A_629, %parallel_loop3A_630 : i32
        %parallel_loop3A_632 = arith.index_cast %parallel_loop3A_631 : i32 to index
        %parallel_loop3A_633 = arith.constant 16 : index
        %parallel_loop3A_634 = tpu.vector_load %arg11[%parallel_loop3A_632, %parallel_loop3A_633] {strides = array<i32>} : memref<48x128xf32, #tpu.memory_space<vmem>>, vector<1x16xf32>,
        %parallel_loop3A_635 = vector.shape_cast %parallel_loop3A_634 : vector<1x16xf32> to vector<16xf32>
        %parallel_loop3A_636 = arith.addf %parallel_loop3A_627, %parallel_loop3A_635 : vector<16xf32>
        %parallel_loop3A_637 = arith.constant 3 : i32
        %parallel_loop3A_638 = arith.muli %parallel_loop3A_637, %parallel_loop3A_190 : i32
        %parallel_loop3A_639 = arith.constant 1 : i32
        %parallel_loop3A_640 = arith.addi %parallel_loop3A_638, %parallel_loop3A_639 : i32
        %parallel_loop3A_641 = arith.index_cast %parallel_loop3A_640 : i32 to index
        %parallel_loop3A_642 = arith.constant 16 : index
        %parallel_loop3A_643 = tpu.vector_load %arg12[%parallel_loop3A_641, %parallel_loop3A_642] {strides = array<i32>} : memref<48x128xf32, #tpu.memory_space<vmem>>, vector<1x16xf32>,
        %parallel_loop3A_644 = vector.shape_cast %parallel_loop3A_643 : vector<1x16xf32> to vector<16xf32>
        %parallel_loop3A_645 = arith.addf %parallel_loop3A_636, %parallel_loop3A_644 : vector<16xf32>
        %parallel_loop3A_646 = arith.index_cast %parallel_loop3A_190 : i32 to index
        %parallel_loop3A_647 = arith.constant 144 : index
        %parallel_loop3A_648 = tpu.vector_load %arg7[%parallel_loop3A_646, %parallel_loop3A_647] {strides = array<i32>} : memref<16x384xf32, #tpu.memory_space<vmem>>, vector<1x16xf32>,
        %parallel_loop3A_649 = vector.shape_cast %parallel_loop3A_648 : vector<1x16xf32> to vector<16xf32>
        %parallel_loop3A_650 = vector.shape_cast %parallel_loop3A_645 : vector<16xf32> to vector<1x16xf32>
        tpu.vector_store %arg7[%parallel_loop3A_646, %parallel_loop3A_647], %parallel_loop3A_650 {strides = array<i32>} : memref<16x384xf32, #tpu.memory_space<vmem>>, vector<1x16xf32>,
        %parallel_loop3A_651 = arith.index_cast %parallel_loop3A_190 : i32 to index
        %parallel_loop3A_652 = arith.constant 160 : index
        %parallel_loop3A_653 = tpu.vector_load %arg7[%parallel_loop3A_651, %parallel_loop3A_652] {strides = array<i32>} : memref<16x384xf32, #tpu.memory_space<vmem>>, vector<1x16xf32>,
        %parallel_loop3A_654 = vector.shape_cast %parallel_loop3A_653 : vector<1x16xf32> to vector<16xf32>
        %parallel_loop3A_655 = arith.index_cast %parallel_loop3A_190 : i32 to index
        %parallel_loop3A_656 = arith.constant 160 : index
        %parallel_loop3A_657 = tpu.vector_load %arg8[%parallel_loop3A_655, %parallel_loop3A_656] {strides = array<i32>} : memref<16x384xf32, #tpu.memory_space<vmem>>, vector<1x16xf32>,
        %parallel_loop3A_658 = vector.shape_cast %parallel_loop3A_657 : vector<1x16xf32> to vector<16xf32>
        %parallel_loop3A_659 = arith.addf %parallel_loop3A_654, %parallel_loop3A_658 : vector<16xf32>
        %parallel_loop3A_660 = arith.index_cast %parallel_loop3A_190 : i32 to index
        %parallel_loop3A_661 = arith.constant 160 : index
        %parallel_loop3A_662 = tpu.vector_load %arg9[%parallel_loop3A_660, %parallel_loop3A_661] {strides = array<i32>} : memref<16x384xf32, #tpu.memory_space<vmem>>, vector<1x16xf32>,
        %parallel_loop3A_663 = vector.shape_cast %parallel_loop3A_662 : vector<1x16xf32> to vector<16xf32>
        %parallel_loop3A_664 = arith.addf %parallel_loop3A_659, %parallel_loop3A_663 : vector<16xf32>
        %parallel_loop3A_665 = arith.constant 3 : i32
        %parallel_loop3A_666 = arith.muli %parallel_loop3A_665, %parallel_loop3A_190 : i32
        %parallel_loop3A_667 = arith.constant 1 : i32
        %parallel_loop3A_668 = arith.addi %parallel_loop3A_666, %parallel_loop3A_667 : i32
        %parallel_loop3A_669 = arith.index_cast %parallel_loop3A_668 : i32 to index
        %parallel_loop3A_670 = arith.constant 32 : index
        %parallel_loop3A_671 = tpu.vector_load %arg10[%parallel_loop3A_669, %parallel_loop3A_670] {strides = array<i32>} : memref<48x128xf32, #tpu.memory_space<vmem>>, vector<1x16xf32>,
        %parallel_loop3A_672 = vector.shape_cast %parallel_loop3A_671 : vector<1x16xf32> to vector<16xf32>
        %parallel_loop3A_673 = arith.addf %parallel_loop3A_664, %parallel_loop3A_672 : vector<16xf32>
        %parallel_loop3A_674 = arith.constant 3 : i32
        %parallel_loop3A_675 = arith.muli %parallel_loop3A_674, %parallel_loop3A_190 : i32
        %parallel_loop3A_676 = arith.constant 1 : i32
        %parallel_loop3A_677 = arith.addi %parallel_loop3A_675, %parallel_loop3A_676 : i32
        %parallel_loop3A_678 = arith.index_cast %parallel_loop3A_677 : i32 to index
        %parallel_loop3A_679 = arith.constant 32 : index
        %parallel_loop3A_680 = tpu.vector_load %arg11[%parallel_loop3A_678, %parallel_loop3A_679] {strides = array<i32>} : memref<48x128xf32, #tpu.memory_space<vmem>>, vector<1x16xf32>,
        %parallel_loop3A_681 = vector.shape_cast %parallel_loop3A_680 : vector<1x16xf32> to vector<16xf32>
        %parallel_loop3A_682 = arith.addf %parallel_loop3A_673, %parallel_loop3A_681 : vector<16xf32>
        %parallel_loop3A_683 = arith.constant 3 : i32
        %parallel_loop3A_684 = arith.muli %parallel_loop3A_683, %parallel_loop3A_190 : i32
        %parallel_loop3A_685 = arith.constant 1 : i32
        %parallel_loop3A_686 = arith.addi %parallel_loop3A_684, %parallel_loop3A_685 : i32
        %parallel_loop3A_687 = arith.index_cast %parallel_loop3A_686 : i32 to index
        %parallel_loop3A_688 = arith.constant 32 : index
        %parallel_loop3A_689 = tpu.vector_load %arg12[%parallel_loop3A_687, %parallel_loop3A_688] {strides = array<i32>} : memref<48x128xf32, #tpu.memory_space<vmem>>, vector<1x16xf32>,
        %parallel_loop3A_690 = vector.shape_cast %parallel_loop3A_689 : vector<1x16xf32> to vector<16xf32>
        %parallel_loop3A_691 = arith.addf %parallel_loop3A_682, %parallel_loop3A_690 : vector<16xf32>
        %parallel_loop3A_692 = arith.index_cast %parallel_loop3A_190 : i32 to index
        %parallel_loop3A_693 = arith.constant 160 : index
        %parallel_loop3A_694 = tpu.vector_load %arg7[%parallel_loop3A_692, %parallel_loop3A_693] {strides = array<i32>} : memref<16x384xf32, #tpu.memory_space<vmem>>, vector<1x16xf32>,
        %parallel_loop3A_695 = vector.shape_cast %parallel_loop3A_694 : vector<1x16xf32> to vector<16xf32>
        %parallel_loop3A_696 = vector.shape_cast %parallel_loop3A_691 : vector<16xf32> to vector<1x16xf32>
        tpu.vector_store %arg7[%parallel_loop3A_692, %parallel_loop3A_693], %parallel_loop3A_696 {strides = array<i32>} : memref<16x384xf32, #tpu.memory_space<vmem>>, vector<1x16xf32>,
        %parallel_loop3A_697 = arith.index_cast %parallel_loop3A_190 : i32 to index
        %parallel_loop3A_698 = arith.constant 176 : index
        %parallel_loop3A_699 = tpu.vector_load %arg7[%parallel_loop3A_697, %parallel_loop3A_698] {strides = array<i32>} : memref<16x384xf32, #tpu.memory_space<vmem>>, vector<1x16xf32>,
        %parallel_loop3A_700 = vector.shape_cast %parallel_loop3A_699 : vector<1x16xf32> to vector<16xf32>
        %parallel_loop3A_701 = arith.index_cast %parallel_loop3A_190 : i32 to index
        %parallel_loop3A_702 = arith.constant 176 : index
        %parallel_loop3A_703 = tpu.vector_load %arg8[%parallel_loop3A_701, %parallel_loop3A_702] {strides = array<i32>} : memref<16x384xf32, #tpu.memory_space<vmem>>, vector<1x16xf32>,
        %parallel_loop3A_704 = vector.shape_cast %parallel_loop3A_703 : vector<1x16xf32> to vector<16xf32>
        %parallel_loop3A_705 = arith.addf %parallel_loop3A_700, %parallel_loop3A_704 : vector<16xf32>
        %parallel_loop3A_706 = arith.index_cast %parallel_loop3A_190 : i32 to index
        %parallel_loop3A_707 = arith.constant 176 : index
        %parallel_loop3A_708 = tpu.vector_load %arg9[%parallel_loop3A_706, %parallel_loop3A_707] {strides = array<i32>} : memref<16x384xf32, #tpu.memory_space<vmem>>, vector<1x16xf32>,
        %parallel_loop3A_709 = vector.shape_cast %parallel_loop3A_708 : vector<1x16xf32> to vector<16xf32>
        %parallel_loop3A_710 = arith.addf %parallel_loop3A_705, %parallel_loop3A_709 : vector<16xf32>
        %parallel_loop3A_711 = arith.constant 3 : i32
        %parallel_loop3A_712 = arith.muli %parallel_loop3A_711, %parallel_loop3A_190 : i32
        %parallel_loop3A_713 = arith.constant 1 : i32
        %parallel_loop3A_714 = arith.addi %parallel_loop3A_712, %parallel_loop3A_713 : i32
        %parallel_loop3A_715 = arith.index_cast %parallel_loop3A_714 : i32 to index
        %parallel_loop3A_716 = arith.constant 48 : index
        %parallel_loop3A_717 = tpu.vector_load %arg10[%parallel_loop3A_715, %parallel_loop3A_716] {strides = array<i32>} : memref<48x128xf32, #tpu.memory_space<vmem>>, vector<1x16xf32>,
        %parallel_loop3A_718 = vector.shape_cast %parallel_loop3A_717 : vector<1x16xf32> to vector<16xf32>
        %parallel_loop3A_719 = arith.addf %parallel_loop3A_710, %parallel_loop3A_718 : vector<16xf32>
        %parallel_loop3A_720 = arith.constant 3 : i32
        %parallel_loop3A_721 = arith.muli %parallel_loop3A_720, %parallel_loop3A_190 : i32
        %parallel_loop3A_722 = arith.constant 1 : i32
        %parallel_loop3A_723 = arith.addi %parallel_loop3A_721, %parallel_loop3A_722 : i32
        %parallel_loop3A_724 = arith.index_cast %parallel_loop3A_723 : i32 to index
        %parallel_loop3A_725 = arith.constant 48 : index
        %parallel_loop3A_726 = tpu.vector_load %arg11[%parallel_loop3A_724, %parallel_loop3A_725] {strides = array<i32>} : memref<48x128xf32, #tpu.memory_space<vmem>>, vector<1x16xf32>,
        %parallel_loop3A_727 = vector.shape_cast %parallel_loop3A_726 : vector<1x16xf32> to vector<16xf32>
        %parallel_loop3A_728 = arith.addf %parallel_loop3A_719, %parallel_loop3A_727 : vector<16xf32>
        %parallel_loop3A_729 = arith.constant 3 : i32
        %parallel_loop3A_730 = arith.muli %parallel_loop3A_729, %parallel_loop3A_190 : i32
        %parallel_loop3A_731 = arith.constant 1 : i32
        %parallel_loop3A_732 = arith.addi %parallel_loop3A_730, %parallel_loop3A_731 : i32
        %parallel_loop3A_733 = arith.index_cast %parallel_loop3A_732 : i32 to index
        %parallel_loop3A_734 = arith.constant 48 : index
        %parallel_loop3A_735 = tpu.vector_load %arg12[%parallel_loop3A_733, %parallel_loop3A_734] {strides = array<i32>} : memref<48x128xf32, #tpu.memory_space<vmem>>, vector<1x16xf32>,
        %parallel_loop3A_736 = vector.shape_cast %parallel_loop3A_735 : vector<1x16xf32> to vector<16xf32>
        %parallel_loop3A_737 = arith.addf %parallel_loop3A_728, %parallel_loop3A_736 : vector<16xf32>
        %parallel_loop3A_738 = arith.index_cast %parallel_loop3A_190 : i32 to index
        %parallel_loop3A_739 = arith.constant 176 : index
        %parallel_loop3A_740 = tpu.vector_load %arg7[%parallel_loop3A_738, %parallel_loop3A_739] {strides = array<i32>} : memref<16x384xf32, #tpu.memory_space<vmem>>, vector<1x16xf32>,
        %parallel_loop3A_741 = vector.shape_cast %parallel_loop3A_740 : vector<1x16xf32> to vector<16xf32>
        %parallel_loop3A_742 = vector.shape_cast %parallel_loop3A_737 : vector<16xf32> to vector<1x16xf32>
        tpu.vector_store %arg7[%parallel_loop3A_738, %parallel_loop3A_739], %parallel_loop3A_742 {strides = array<i32>} : memref<16x384xf32, #tpu.memory_space<vmem>>, vector<1x16xf32>,
        %parallel_loop3A_743 = arith.index_cast %parallel_loop3A_190 : i32 to index
        %parallel_loop3A_744 = arith.constant 192 : index
        %parallel_loop3A_745 = tpu.vector_load %arg7[%parallel_loop3A_743, %parallel_loop3A_744] {strides = array<i32>} : memref<16x384xf32, #tpu.memory_space<vmem>>, vector<1x16xf32>,
        %parallel_loop3A_746 = vector.shape_cast %parallel_loop3A_745 : vector<1x16xf32> to vector<16xf32>
        %parallel_loop3A_747 = arith.index_cast %parallel_loop3A_190 : i32 to index
        %parallel_loop3A_748 = arith.constant 192 : index
        %parallel_loop3A_749 = tpu.vector_load %arg8[%parallel_loop3A_747, %parallel_loop3A_748] {strides = array<i32>} : memref<16x384xf32, #tpu.memory_space<vmem>>, vector<1x16xf32>,
        %parallel_loop3A_750 = vector.shape_cast %parallel_loop3A_749 : vector<1x16xf32> to vector<16xf32>
        %parallel_loop3A_751 = arith.addf %parallel_loop3A_746, %parallel_loop3A_750 : vector<16xf32>
        %parallel_loop3A_752 = arith.index_cast %parallel_loop3A_190 : i32 to index
        %parallel_loop3A_753 = arith.constant 192 : index
        %parallel_loop3A_754 = tpu.vector_load %arg9[%parallel_loop3A_752, %parallel_loop3A_753] {strides = array<i32>} : memref<16x384xf32, #tpu.memory_space<vmem>>, vector<1x16xf32>,
        %parallel_loop3A_755 = vector.shape_cast %parallel_loop3A_754 : vector<1x16xf32> to vector<16xf32>
        %parallel_loop3A_756 = arith.addf %parallel_loop3A_751, %parallel_loop3A_755 : vector<16xf32>
        %parallel_loop3A_757 = arith.constant 3 : i32
        %parallel_loop3A_758 = arith.muli %parallel_loop3A_757, %parallel_loop3A_190 : i32
        %parallel_loop3A_759 = arith.constant 1 : i32
        %parallel_loop3A_760 = arith.addi %parallel_loop3A_758, %parallel_loop3A_759 : i32
        %parallel_loop3A_761 = arith.index_cast %parallel_loop3A_760 : i32 to index
        %parallel_loop3A_762 = arith.constant 64 : index
        %parallel_loop3A_763 = tpu.vector_load %arg10[%parallel_loop3A_761, %parallel_loop3A_762] {strides = array<i32>} : memref<48x128xf32, #tpu.memory_space<vmem>>, vector<1x16xf32>,
        %parallel_loop3A_764 = vector.shape_cast %parallel_loop3A_763 : vector<1x16xf32> to vector<16xf32>
        %parallel_loop3A_765 = arith.addf %parallel_loop3A_756, %parallel_loop3A_764 : vector<16xf32>
        %parallel_loop3A_766 = arith.constant 3 : i32
        %parallel_loop3A_767 = arith.muli %parallel_loop3A_766, %parallel_loop3A_190 : i32
        %parallel_loop3A_768 = arith.constant 1 : i32
        %parallel_loop3A_769 = arith.addi %parallel_loop3A_767, %parallel_loop3A_768 : i32
        %parallel_loop3A_770 = arith.index_cast %parallel_loop3A_769 : i32 to index
        %parallel_loop3A_771 = arith.constant 64 : index
        %parallel_loop3A_772 = tpu.vector_load %arg11[%parallel_loop3A_770, %parallel_loop3A_771] {strides = array<i32>} : memref<48x128xf32, #tpu.memory_space<vmem>>, vector<1x16xf32>,
        %parallel_loop3A_773 = vector.shape_cast %parallel_loop3A_772 : vector<1x16xf32> to vector<16xf32>
        %parallel_loop3A_774 = arith.addf %parallel_loop3A_765, %parallel_loop3A_773 : vector<16xf32>
        %parallel_loop3A_775 = arith.constant 3 : i32
        %parallel_loop3A_776 = arith.muli %parallel_loop3A_775, %parallel_loop3A_190 : i32
        %parallel_loop3A_777 = arith.constant 1 : i32
        %parallel_loop3A_778 = arith.addi %parallel_loop3A_776, %parallel_loop3A_777 : i32
        %parallel_loop3A_779 = arith.index_cast %parallel_loop3A_778 : i32 to index
        %parallel_loop3A_780 = arith.constant 64 : index
        %parallel_loop3A_781 = tpu.vector_load %arg12[%parallel_loop3A_779, %parallel_loop3A_780] {strides = array<i32>} : memref<48x128xf32, #tpu.memory_space<vmem>>, vector<1x16xf32>,
        %parallel_loop3A_782 = vector.shape_cast %parallel_loop3A_781 : vector<1x16xf32> to vector<16xf32>
        %parallel_loop3A_783 = arith.addf %parallel_loop3A_774, %parallel_loop3A_782 : vector<16xf32>
        %parallel_loop3A_784 = arith.index_cast %parallel_loop3A_190 : i32 to index
        %parallel_loop3A_785 = arith.constant 192 : index
        %parallel_loop3A_786 = tpu.vector_load %arg7[%parallel_loop3A_784, %parallel_loop3A_785] {strides = array<i32>} : memref<16x384xf32, #tpu.memory_space<vmem>>, vector<1x16xf32>,
        %parallel_loop3A_787 = vector.shape_cast %parallel_loop3A_786 : vector<1x16xf32> to vector<16xf32>
        %parallel_loop3A_788 = vector.shape_cast %parallel_loop3A_783 : vector<16xf32> to vector<1x16xf32>
        tpu.vector_store %arg7[%parallel_loop3A_784, %parallel_loop3A_785], %parallel_loop3A_788 {strides = array<i32>} : memref<16x384xf32, #tpu.memory_space<vmem>>, vector<1x16xf32>,
        %parallel_loop3A_789 = arith.index_cast %parallel_loop3A_190 : i32 to index
        %parallel_loop3A_790 = arith.constant 208 : index
        %parallel_loop3A_791 = tpu.vector_load %arg7[%parallel_loop3A_789, %parallel_loop3A_790] {strides = array<i32>} : memref<16x384xf32, #tpu.memory_space<vmem>>, vector<1x16xf32>,
        %parallel_loop3A_792 = vector.shape_cast %parallel_loop3A_791 : vector<1x16xf32> to vector<16xf32>
        %parallel_loop3A_793 = arith.index_cast %parallel_loop3A_190 : i32 to index
        %parallel_loop3A_794 = arith.constant 208 : index
        %parallel_loop3A_795 = tpu.vector_load %arg8[%parallel_loop3A_793, %parallel_loop3A_794] {strides = array<i32>} : memref<16x384xf32, #tpu.memory_space<vmem>>, vector<1x16xf32>,
        %parallel_loop3A_796 = vector.shape_cast %parallel_loop3A_795 : vector<1x16xf32> to vector<16xf32>
        %parallel_loop3A_797 = arith.addf %parallel_loop3A_792, %parallel_loop3A_796 : vector<16xf32>
        %parallel_loop3A_798 = arith.index_cast %parallel_loop3A_190 : i32 to index
        %parallel_loop3A_799 = arith.constant 208 : index
        %parallel_loop3A_800 = tpu.vector_load %arg9[%parallel_loop3A_798, %parallel_loop3A_799] {strides = array<i32>} : memref<16x384xf32, #tpu.memory_space<vmem>>, vector<1x16xf32>,
        %parallel_loop3A_801 = vector.shape_cast %parallel_loop3A_800 : vector<1x16xf32> to vector<16xf32>
        %parallel_loop3A_802 = arith.addf %parallel_loop3A_797, %parallel_loop3A_801 : vector<16xf32>
        %parallel_loop3A_803 = arith.constant 3 : i32
        %parallel_loop3A_804 = arith.muli %parallel_loop3A_803, %parallel_loop3A_190 : i32
        %parallel_loop3A_805 = arith.constant 1 : i32
        %parallel_loop3A_806 = arith.addi %parallel_loop3A_804, %parallel_loop3A_805 : i32
        %parallel_loop3A_807 = arith.index_cast %parallel_loop3A_806 : i32 to index
        %parallel_loop3A_808 = arith.constant 80 : index
        %parallel_loop3A_809 = tpu.vector_load %arg10[%parallel_loop3A_807, %parallel_loop3A_808] {strides = array<i32>} : memref<48x128xf32, #tpu.memory_space<vmem>>, vector<1x16xf32>,
        %parallel_loop3A_810 = vector.shape_cast %parallel_loop3A_809 : vector<1x16xf32> to vector<16xf32>
        %parallel_loop3A_811 = arith.addf %parallel_loop3A_802, %parallel_loop3A_810 : vector<16xf32>
        %parallel_loop3A_812 = arith.constant 3 : i32
        %parallel_loop3A_813 = arith.muli %parallel_loop3A_812, %parallel_loop3A_190 : i32
        %parallel_loop3A_814 = arith.constant 1 : i32
        %parallel_loop3A_815 = arith.addi %parallel_loop3A_813, %parallel_loop3A_814 : i32
        %parallel_loop3A_816 = arith.index_cast %parallel_loop3A_815 : i32 to index
        %parallel_loop3A_817 = arith.constant 80 : index
        %parallel_loop3A_818 = tpu.vector_load %arg11[%parallel_loop3A_816, %parallel_loop3A_817] {strides = array<i32>} : memref<48x128xf32, #tpu.memory_space<vmem>>, vector<1x16xf32>,
        %parallel_loop3A_819 = vector.shape_cast %parallel_loop3A_818 : vector<1x16xf32> to vector<16xf32>
        %parallel_loop3A_820 = arith.addf %parallel_loop3A_811, %parallel_loop3A_819 : vector<16xf32>
        %parallel_loop3A_821 = arith.constant 3 : i32
        %parallel_loop3A_822 = arith.muli %parallel_loop3A_821, %parallel_loop3A_190 : i32
        %parallel_loop3A_823 = arith.constant 1 : i32
        %parallel_loop3A_824 = arith.addi %parallel_loop3A_822, %parallel_loop3A_823 : i32
        %parallel_loop3A_825 = arith.index_cast %parallel_loop3A_824 : i32 to index
        %parallel_loop3A_826 = arith.constant 80 : index
        %parallel_loop3A_827 = tpu.vector_load %arg12[%parallel_loop3A_825, %parallel_loop3A_826] {strides = array<i32>} : memref<48x128xf32, #tpu.memory_space<vmem>>, vector<1x16xf32>,
        %parallel_loop3A_828 = vector.shape_cast %parallel_loop3A_827 : vector<1x16xf32> to vector<16xf32>
        %parallel_loop3A_829 = arith.addf %parallel_loop3A_820, %parallel_loop3A_828 : vector<16xf32>
        %parallel_loop3A_830 = arith.index_cast %parallel_loop3A_190 : i32 to index
        %parallel_loop3A_831 = arith.constant 208 : index
        %parallel_loop3A_832 = tpu.vector_load %arg7[%parallel_loop3A_830, %parallel_loop3A_831] {strides = array<i32>} : memref<16x384xf32, #tpu.memory_space<vmem>>, vector<1x16xf32>,
        %parallel_loop3A_833 = vector.shape_cast %parallel_loop3A_832 : vector<1x16xf32> to vector<16xf32>
        %parallel_loop3A_834 = vector.shape_cast %parallel_loop3A_829 : vector<16xf32> to vector<1x16xf32>
        tpu.vector_store %arg7[%parallel_loop3A_830, %parallel_loop3A_831], %parallel_loop3A_834 {strides = array<i32>} : memref<16x384xf32, #tpu.memory_space<vmem>>, vector<1x16xf32>,
        %parallel_loop3A_835 = arith.index_cast %parallel_loop3A_190 : i32 to index
        %parallel_loop3A_836 = arith.constant 224 : index
        %parallel_loop3A_837 = tpu.vector_load %arg7[%parallel_loop3A_835, %parallel_loop3A_836] {strides = array<i32>} : memref<16x384xf32, #tpu.memory_space<vmem>>, vector<1x16xf32>,
        %parallel_loop3A_838 = vector.shape_cast %parallel_loop3A_837 : vector<1x16xf32> to vector<16xf32>
        %parallel_loop3A_839 = arith.index_cast %parallel_loop3A_190 : i32 to index
        %parallel_loop3A_840 = arith.constant 224 : index
        %parallel_loop3A_841 = tpu.vector_load %arg8[%parallel_loop3A_839, %parallel_loop3A_840] {strides = array<i32>} : memref<16x384xf32, #tpu.memory_space<vmem>>, vector<1x16xf32>,
        %parallel_loop3A_842 = vector.shape_cast %parallel_loop3A_841 : vector<1x16xf32> to vector<16xf32>
        %parallel_loop3A_843 = arith.addf %parallel_loop3A_838, %parallel_loop3A_842 : vector<16xf32>
        %parallel_loop3A_844 = arith.index_cast %parallel_loop3A_190 : i32 to index
        %parallel_loop3A_845 = arith.constant 224 : index
        %parallel_loop3A_846 = tpu.vector_load %arg9[%parallel_loop3A_844, %parallel_loop3A_845] {strides = array<i32>} : memref<16x384xf32, #tpu.memory_space<vmem>>, vector<1x16xf32>,
        %parallel_loop3A_847 = vector.shape_cast %parallel_loop3A_846 : vector<1x16xf32> to vector<16xf32>
        %parallel_loop3A_848 = arith.addf %parallel_loop3A_843, %parallel_loop3A_847 : vector<16xf32>
        %parallel_loop3A_849 = arith.constant 3 : i32
        %parallel_loop3A_850 = arith.muli %parallel_loop3A_849, %parallel_loop3A_190 : i32
        %parallel_loop3A_851 = arith.constant 1 : i32
        %parallel_loop3A_852 = arith.addi %parallel_loop3A_850, %parallel_loop3A_851 : i32
        %parallel_loop3A_853 = arith.index_cast %parallel_loop3A_852 : i32 to index
        %parallel_loop3A_854 = arith.constant 96 : index
        %parallel_loop3A_855 = tpu.vector_load %arg10[%parallel_loop3A_853, %parallel_loop3A_854] {strides = array<i32>} : memref<48x128xf32, #tpu.memory_space<vmem>>, vector<1x16xf32>,
        %parallel_loop3A_856 = vector.shape_cast %parallel_loop3A_855 : vector<1x16xf32> to vector<16xf32>
        %parallel_loop3A_857 = arith.addf %parallel_loop3A_848, %parallel_loop3A_856 : vector<16xf32>
        %parallel_loop3A_858 = arith.constant 3 : i32
        %parallel_loop3A_859 = arith.muli %parallel_loop3A_858, %parallel_loop3A_190 : i32
        %parallel_loop3A_860 = arith.constant 1 : i32
        %parallel_loop3A_861 = arith.addi %parallel_loop3A_859, %parallel_loop3A_860 : i32
        %parallel_loop3A_862 = arith.index_cast %parallel_loop3A_861 : i32 to index
        %parallel_loop3A_863 = arith.constant 96 : index
        %parallel_loop3A_864 = tpu.vector_load %arg11[%parallel_loop3A_862, %parallel_loop3A_863] {strides = array<i32>} : memref<48x128xf32, #tpu.memory_space<vmem>>, vector<1x16xf32>,
        %parallel_loop3A_865 = vector.shape_cast %parallel_loop3A_864 : vector<1x16xf32> to vector<16xf32>
        %parallel_loop3A_866 = arith.addf %parallel_loop3A_857, %parallel_loop3A_865 : vector<16xf32>
        %parallel_loop3A_867 = arith.constant 3 : i32
        %parallel_loop3A_868 = arith.muli %parallel_loop3A_867, %parallel_loop3A_190 : i32
        %parallel_loop3A_869 = arith.constant 1 : i32
        %parallel_loop3A_870 = arith.addi %parallel_loop3A_868, %parallel_loop3A_869 : i32
        %parallel_loop3A_871 = arith.index_cast %parallel_loop3A_870 : i32 to index
        %parallel_loop3A_872 = arith.constant 96 : index
        %parallel_loop3A_873 = tpu.vector_load %arg12[%parallel_loop3A_871, %parallel_loop3A_872] {strides = array<i32>} : memref<48x128xf32, #tpu.memory_space<vmem>>, vector<1x16xf32>,
        %parallel_loop3A_874 = vector.shape_cast %parallel_loop3A_873 : vector<1x16xf32> to vector<16xf32>
        %parallel_loop3A_875 = arith.addf %parallel_loop3A_866, %parallel_loop3A_874 : vector<16xf32>
        %parallel_loop3A_876 = arith.index_cast %parallel_loop3A_190 : i32 to index
        %parallel_loop3A_877 = arith.constant 224 : index
        %parallel_loop3A_878 = tpu.vector_load %arg7[%parallel_loop3A_876, %parallel_loop3A_877] {strides = array<i32>} : memref<16x384xf32, #tpu.memory_space<vmem>>, vector<1x16xf32>,
        %parallel_loop3A_879 = vector.shape_cast %parallel_loop3A_878 : vector<1x16xf32> to vector<16xf32>
        %parallel_loop3A_880 = vector.shape_cast %parallel_loop3A_875 : vector<16xf32> to vector<1x16xf32>
        tpu.vector_store %arg7[%parallel_loop3A_876, %parallel_loop3A_877], %parallel_loop3A_880 {strides = array<i32>} : memref<16x384xf32, #tpu.memory_space<vmem>>, vector<1x16xf32>,
        %parallel_loop3A_881 = arith.index_cast %parallel_loop3A_190 : i32 to index
        %parallel_loop3A_882 = arith.constant 240 : index
        %parallel_loop3A_883 = tpu.vector_load %arg7[%parallel_loop3A_881, %parallel_loop3A_882] {strides = array<i32>} : memref<16x384xf32, #tpu.memory_space<vmem>>, vector<1x16xf32>,
        %parallel_loop3A_884 = vector.shape_cast %parallel_loop3A_883 : vector<1x16xf32> to vector<16xf32>
        %parallel_loop3A_885 = arith.index_cast %parallel_loop3A_190 : i32 to index
        %parallel_loop3A_886 = arith.constant 240 : index
        %parallel_loop3A_887 = tpu.vector_load %arg8[%parallel_loop3A_885, %parallel_loop3A_886] {strides = array<i32>} : memref<16x384xf32, #tpu.memory_space<vmem>>, vector<1x16xf32>,
        %parallel_loop3A_888 = vector.shape_cast %parallel_loop3A_887 : vector<1x16xf32> to vector<16xf32>
        %parallel_loop3A_889 = arith.addf %parallel_loop3A_884, %parallel_loop3A_888 : vector<16xf32>
        %parallel_loop3A_890 = arith.index_cast %parallel_loop3A_190 : i32 to index
        %parallel_loop3A_891 = arith.constant 240 : index
        %parallel_loop3A_892 = tpu.vector_load %arg9[%parallel_loop3A_890, %parallel_loop3A_891] {strides = array<i32>} : memref<16x384xf32, #tpu.memory_space<vmem>>, vector<1x16xf32>,
        %parallel_loop3A_893 = vector.shape_cast %parallel_loop3A_892 : vector<1x16xf32> to vector<16xf32>
        %parallel_loop3A_894 = arith.addf %parallel_loop3A_889, %parallel_loop3A_893 : vector<16xf32>
        %parallel_loop3A_895 = arith.constant 3 : i32
        %parallel_loop3A_896 = arith.muli %parallel_loop3A_895, %parallel_loop3A_190 : i32
        %parallel_loop3A_897 = arith.constant 1 : i32
        %parallel_loop3A_898 = arith.addi %parallel_loop3A_896, %parallel_loop3A_897 : i32
        %parallel_loop3A_899 = arith.index_cast %parallel_loop3A_898 : i32 to index
        %parallel_loop3A_900 = arith.constant 112 : index
        %parallel_loop3A_901 = tpu.vector_load %arg10[%parallel_loop3A_899, %parallel_loop3A_900] {strides = array<i32>} : memref<48x128xf32, #tpu.memory_space<vmem>>, vector<1x16xf32>,
        %parallel_loop3A_902 = vector.shape_cast %parallel_loop3A_901 : vector<1x16xf32> to vector<16xf32>
        %parallel_loop3A_903 = arith.addf %parallel_loop3A_894, %parallel_loop3A_902 : vector<16xf32>
        %parallel_loop3A_904 = arith.constant 3 : i32
        %parallel_loop3A_905 = arith.muli %parallel_loop3A_904, %parallel_loop3A_190 : i32
        %parallel_loop3A_906 = arith.constant 1 : i32
        %parallel_loop3A_907 = arith.addi %parallel_loop3A_905, %parallel_loop3A_906 : i32
        %parallel_loop3A_908 = arith.index_cast %parallel_loop3A_907 : i32 to index
        %parallel_loop3A_909 = arith.constant 112 : index
        %parallel_loop3A_910 = tpu.vector_load %arg11[%parallel_loop3A_908, %parallel_loop3A_909] {strides = array<i32>} : memref<48x128xf32, #tpu.memory_space<vmem>>, vector<1x16xf32>,
        %parallel_loop3A_911 = vector.shape_cast %parallel_loop3A_910 : vector<1x16xf32> to vector<16xf32>
        %parallel_loop3A_912 = arith.addf %parallel_loop3A_903, %parallel_loop3A_911 : vector<16xf32>
        %parallel_loop3A_913 = arith.constant 3 : i32
        %parallel_loop3A_914 = arith.muli %parallel_loop3A_913, %parallel_loop3A_190 : i32
        %parallel_loop3A_915 = arith.constant 1 : i32
        %parallel_loop3A_916 = arith.addi %parallel_loop3A_914, %parallel_loop3A_915 : i32
        %parallel_loop3A_917 = arith.index_cast %parallel_loop3A_916 : i32 to index
        %parallel_loop3A_918 = arith.constant 112 : index
        %parallel_loop3A_919 = tpu.vector_load %arg12[%parallel_loop3A_917, %parallel_loop3A_918] {strides = array<i32>} : memref<48x128xf32, #tpu.memory_space<vmem>>, vector<1x16xf32>,
        %parallel_loop3A_920 = vector.shape_cast %parallel_loop3A_919 : vector<1x16xf32> to vector<16xf32>
        %parallel_loop3A_921 = arith.addf %parallel_loop3A_912, %parallel_loop3A_920 : vector<16xf32>
        %parallel_loop3A_922 = arith.index_cast %parallel_loop3A_190 : i32 to index
        %parallel_loop3A_923 = arith.constant 240 : index
        %parallel_loop3A_924 = tpu.vector_load %arg7[%parallel_loop3A_922, %parallel_loop3A_923] {strides = array<i32>} : memref<16x384xf32, #tpu.memory_space<vmem>>, vector<1x16xf32>,
        %parallel_loop3A_925 = vector.shape_cast %parallel_loop3A_924 : vector<1x16xf32> to vector<16xf32>
        %parallel_loop3A_926 = vector.shape_cast %parallel_loop3A_921 : vector<16xf32> to vector<1x16xf32>
        tpu.vector_store %arg7[%parallel_loop3A_922, %parallel_loop3A_923], %parallel_loop3A_926 {strides = array<i32>} : memref<16x384xf32, #tpu.memory_space<vmem>>, vector<1x16xf32>,
        %parallel_loop3A_927 = arith.index_cast %parallel_loop3A_190 : i32 to index
        %parallel_loop3A_928 = arith.constant 256 : index
        %parallel_loop3A_929 = tpu.vector_load %arg7[%parallel_loop3A_927, %parallel_loop3A_928] {strides = array<i32>} : memref<16x384xf32, #tpu.memory_space<vmem>>, vector<1x16xf32>,
        %parallel_loop3A_930 = vector.shape_cast %parallel_loop3A_929 : vector<1x16xf32> to vector<16xf32>
        %parallel_loop3A_931 = arith.index_cast %parallel_loop3A_190 : i32 to index
        %parallel_loop3A_932 = arith.constant 256 : index
        %parallel_loop3A_933 = tpu.vector_load %arg8[%parallel_loop3A_931, %parallel_loop3A_932] {strides = array<i32>} : memref<16x384xf32, #tpu.memory_space<vmem>>, vector<1x16xf32>,
        %parallel_loop3A_934 = vector.shape_cast %parallel_loop3A_933 : vector<1x16xf32> to vector<16xf32>
        %parallel_loop3A_935 = arith.addf %parallel_loop3A_930, %parallel_loop3A_934 : vector<16xf32>
        %parallel_loop3A_936 = arith.index_cast %parallel_loop3A_190 : i32 to index
        %parallel_loop3A_937 = arith.constant 256 : index
        %parallel_loop3A_938 = tpu.vector_load %arg9[%parallel_loop3A_936, %parallel_loop3A_937] {strides = array<i32>} : memref<16x384xf32, #tpu.memory_space<vmem>>, vector<1x16xf32>,
        %parallel_loop3A_939 = vector.shape_cast %parallel_loop3A_938 : vector<1x16xf32> to vector<16xf32>
        %parallel_loop3A_940 = arith.addf %parallel_loop3A_935, %parallel_loop3A_939 : vector<16xf32>
        %parallel_loop3A_941 = arith.constant 3 : i32
        %parallel_loop3A_942 = arith.muli %parallel_loop3A_941, %parallel_loop3A_190 : i32
        %parallel_loop3A_943 = arith.constant 2 : i32
        %parallel_loop3A_944 = arith.addi %parallel_loop3A_942, %parallel_loop3A_943 : i32
        %parallel_loop3A_945 = arith.index_cast %parallel_loop3A_944 : i32 to index
        %parallel_loop3A_946 = arith.constant 0 : index
        %parallel_loop3A_947 = tpu.vector_load %arg10[%parallel_loop3A_945, %parallel_loop3A_946] {strides = array<i32>} : memref<48x128xf32, #tpu.memory_space<vmem>>, vector<1x16xf32>,
        %parallel_loop3A_948 = vector.shape_cast %parallel_loop3A_947 : vector<1x16xf32> to vector<16xf32>
        %parallel_loop3A_949 = arith.addf %parallel_loop3A_940, %parallel_loop3A_948 : vector<16xf32>
        %parallel_loop3A_950 = arith.constant 3 : i32
        %parallel_loop3A_951 = arith.muli %parallel_loop3A_950, %parallel_loop3A_190 : i32
        %parallel_loop3A_952 = arith.constant 2 : i32
        %parallel_loop3A_953 = arith.addi %parallel_loop3A_951, %parallel_loop3A_952 : i32
        %parallel_loop3A_954 = arith.index_cast %parallel_loop3A_953 : i32 to index
        %parallel_loop3A_955 = arith.constant 0 : index
        %parallel_loop3A_956 = tpu.vector_load %arg11[%parallel_loop3A_954, %parallel_loop3A_955] {strides = array<i32>} : memref<48x128xf32, #tpu.memory_space<vmem>>, vector<1x16xf32>,
        %parallel_loop3A_957 = vector.shape_cast %parallel_loop3A_956 : vector<1x16xf32> to vector<16xf32>
        %parallel_loop3A_958 = arith.addf %parallel_loop3A_949, %parallel_loop3A_957 : vector<16xf32>
        %parallel_loop3A_959 = arith.constant 3 : i32
        %parallel_loop3A_960 = arith.muli %parallel_loop3A_959, %parallel_loop3A_190 : i32
        %parallel_loop3A_961 = arith.constant 2 : i32
        %parallel_loop3A_962 = arith.addi %parallel_loop3A_960, %parallel_loop3A_961 : i32
        %parallel_loop3A_963 = arith.index_cast %parallel_loop3A_962 : i32 to index
        %parallel_loop3A_964 = arith.constant 0 : index
        %parallel_loop3A_965 = tpu.vector_load %arg12[%parallel_loop3A_963, %parallel_loop3A_964] {strides = array<i32>} : memref<48x128xf32, #tpu.memory_space<vmem>>, vector<1x16xf32>,
        %parallel_loop3A_966 = vector.shape_cast %parallel_loop3A_965 : vector<1x16xf32> to vector<16xf32>
        %parallel_loop3A_967 = arith.addf %parallel_loop3A_958, %parallel_loop3A_966 : vector<16xf32>
        %parallel_loop3A_968 = arith.index_cast %parallel_loop3A_190 : i32 to index
        %parallel_loop3A_969 = arith.constant 256 : index
        %parallel_loop3A_970 = tpu.vector_load %arg7[%parallel_loop3A_968, %parallel_loop3A_969] {strides = array<i32>} : memref<16x384xf32, #tpu.memory_space<vmem>>, vector<1x16xf32>,
        %parallel_loop3A_971 = vector.shape_cast %parallel_loop3A_970 : vector<1x16xf32> to vector<16xf32>
        %parallel_loop3A_972 = vector.shape_cast %parallel_loop3A_967 : vector<16xf32> to vector<1x16xf32>
        tpu.vector_store %arg7[%parallel_loop3A_968, %parallel_loop3A_969], %parallel_loop3A_972 {strides = array<i32>} : memref<16x384xf32, #tpu.memory_space<vmem>>, vector<1x16xf32>,
        %parallel_loop3A_973 = arith.index_cast %parallel_loop3A_190 : i32 to index
        %parallel_loop3A_974 = arith.constant 272 : index
        %parallel_loop3A_975 = tpu.vector_load %arg7[%parallel_loop3A_973, %parallel_loop3A_974] {strides = array<i32>} : memref<16x384xf32, #tpu.memory_space<vmem>>, vector<1x16xf32>,
        %parallel_loop3A_976 = vector.shape_cast %parallel_loop3A_975 : vector<1x16xf32> to vector<16xf32>
        %parallel_loop3A_977 = arith.index_cast %parallel_loop3A_190 : i32 to index
        %parallel_loop3A_978 = arith.constant 272 : index
        %parallel_loop3A_979 = tpu.vector_load %arg8[%parallel_loop3A_977, %parallel_loop3A_978] {strides = array<i32>} : memref<16x384xf32, #tpu.memory_space<vmem>>, vector<1x16xf32>,
        %parallel_loop3A_980 = vector.shape_cast %parallel_loop3A_979 : vector<1x16xf32> to vector<16xf32>
        %parallel_loop3A_981 = arith.addf %parallel_loop3A_976, %parallel_loop3A_980 : vector<16xf32>
        %parallel_loop3A_982 = arith.index_cast %parallel_loop3A_190 : i32 to index
        %parallel_loop3A_983 = arith.constant 272 : index
        %parallel_loop3A_984 = tpu.vector_load %arg9[%parallel_loop3A_982, %parallel_loop3A_983] {strides = array<i32>} : memref<16x384xf32, #tpu.memory_space<vmem>>, vector<1x16xf32>,
        %parallel_loop3A_985 = vector.shape_cast %parallel_loop3A_984 : vector<1x16xf32> to vector<16xf32>
        %parallel_loop3A_986 = arith.addf %parallel_loop3A_981, %parallel_loop3A_985 : vector<16xf32>
        %parallel_loop3A_987 = arith.constant 3 : i32
        %parallel_loop3A_988 = arith.muli %parallel_loop3A_987, %parallel_loop3A_190 : i32
        %parallel_loop3A_989 = arith.constant 2 : i32
        %parallel_loop3A_990 = arith.addi %parallel_loop3A_988, %parallel_loop3A_989 : i32
        %parallel_loop3A_991 = arith.index_cast %parallel_loop3A_990 : i32 to index
        %parallel_loop3A_992 = arith.constant 16 : index
        %parallel_loop3A_993 = tpu.vector_load %arg10[%parallel_loop3A_991, %parallel_loop3A_992] {strides = array<i32>} : memref<48x128xf32, #tpu.memory_space<vmem>>, vector<1x16xf32>,
        %parallel_loop3A_994 = vector.shape_cast %parallel_loop3A_993 : vector<1x16xf32> to vector<16xf32>
        %parallel_loop3A_995 = arith.addf %parallel_loop3A_986, %parallel_loop3A_994 : vector<16xf32>
        %parallel_loop3A_996 = arith.constant 3 : i32
        %parallel_loop3A_997 = arith.muli %parallel_loop3A_996, %parallel_loop3A_190 : i32
        %parallel_loop3A_998 = arith.constant 2 : i32
        %parallel_loop3A_999 = arith.addi %parallel_loop3A_997, %parallel_loop3A_998 : i32
        %parallel_loop3A_1000 = arith.index_cast %parallel_loop3A_999 : i32 to index
        %parallel_loop3A_1001 = arith.constant 16 : index
        %parallel_loop3A_1002 = tpu.vector_load %arg11[%parallel_loop3A_1000, %parallel_loop3A_1001] {strides = array<i32>} : memref<48x128xf32, #tpu.memory_space<vmem>>, vector<1x16xf32>,
        %parallel_loop3A_1003 = vector.shape_cast %parallel_loop3A_1002 : vector<1x16xf32> to vector<16xf32>
        %parallel_loop3A_1004 = arith.addf %parallel_loop3A_995, %parallel_loop3A_1003 : vector<16xf32>
        %parallel_loop3A_1005 = arith.constant 3 : i32
        %parallel_loop3A_1006 = arith.muli %parallel_loop3A_1005, %parallel_loop3A_190 : i32
        %parallel_loop3A_1007 = arith.constant 2 : i32
        %parallel_loop3A_1008 = arith.addi %parallel_loop3A_1006, %parallel_loop3A_1007 : i32
        %parallel_loop3A_1009 = arith.index_cast %parallel_loop3A_1008 : i32 to index
        %parallel_loop3A_1010 = arith.constant 16 : index
        %parallel_loop3A_1011 = tpu.vector_load %arg12[%parallel_loop3A_1009, %parallel_loop3A_1010] {strides = array<i32>} : memref<48x128xf32, #tpu.memory_space<vmem>>, vector<1x16xf32>,
        %parallel_loop3A_1012 = vector.shape_cast %parallel_loop3A_1011 : vector<1x16xf32> to vector<16xf32>
        %parallel_loop3A_1013 = arith.addf %parallel_loop3A_1004, %parallel_loop3A_1012 : vector<16xf32>
        %parallel_loop3A_1014 = arith.index_cast %parallel_loop3A_190 : i32 to index
        %parallel_loop3A_1015 = arith.constant 272 : index
        %parallel_loop3A_1016 = tpu.vector_load %arg7[%parallel_loop3A_1014, %parallel_loop3A_1015] {strides = array<i32>} : memref<16x384xf32, #tpu.memory_space<vmem>>, vector<1x16xf32>,
        %parallel_loop3A_1017 = vector.shape_cast %parallel_loop3A_1016 : vector<1x16xf32> to vector<16xf32>
        %parallel_loop3A_1018 = vector.shape_cast %parallel_loop3A_1013 : vector<16xf32> to vector<1x16xf32>
        tpu.vector_store %arg7[%parallel_loop3A_1014, %parallel_loop3A_1015], %parallel_loop3A_1018 {strides = array<i32>} : memref<16x384xf32, #tpu.memory_space<vmem>>, vector<1x16xf32>,
        %parallel_loop3A_1019 = arith.index_cast %parallel_loop3A_190 : i32 to index
        %parallel_loop3A_1020 = arith.constant 288 : index
        %parallel_loop3A_1021 = tpu.vector_load %arg7[%parallel_loop3A_1019, %parallel_loop3A_1020] {strides = array<i32>} : memref<16x384xf32, #tpu.memory_space<vmem>>, vector<1x16xf32>,
        %parallel_loop3A_1022 = vector.shape_cast %parallel_loop3A_1021 : vector<1x16xf32> to vector<16xf32>
        %parallel_loop3A_1023 = arith.index_cast %parallel_loop3A_190 : i32 to index
        %parallel_loop3A_1024 = arith.constant 288 : index
        %parallel_loop3A_1025 = tpu.vector_load %arg8[%parallel_loop3A_1023, %parallel_loop3A_1024] {strides = array<i32>} : memref<16x384xf32, #tpu.memory_space<vmem>>, vector<1x16xf32>,
        %parallel_loop3A_1026 = vector.shape_cast %parallel_loop3A_1025 : vector<1x16xf32> to vector<16xf32>
        %parallel_loop3A_1027 = arith.addf %parallel_loop3A_1022, %parallel_loop3A_1026 : vector<16xf32>
        %parallel_loop3A_1028 = arith.index_cast %parallel_loop3A_190 : i32 to index
        %parallel_loop3A_1029 = arith.constant 288 : index
        %parallel_loop3A_1030 = tpu.vector_load %arg9[%parallel_loop3A_1028, %parallel_loop3A_1029] {strides = array<i32>} : memref<16x384xf32, #tpu.memory_space<vmem>>, vector<1x16xf32>,
        %parallel_loop3A_1031 = vector.shape_cast %parallel_loop3A_1030 : vector<1x16xf32> to vector<16xf32>
        %parallel_loop3A_1032 = arith.addf %parallel_loop3A_1027, %parallel_loop3A_1031 : vector<16xf32>
        %parallel_loop3A_1033 = arith.constant 3 : i32
        %parallel_loop3A_1034 = arith.muli %parallel_loop3A_1033, %parallel_loop3A_190 : i32
        %parallel_loop3A_1035 = arith.constant 2 : i32
        %parallel_loop3A_1036 = arith.addi %parallel_loop3A_1034, %parallel_loop3A_1035 : i32
        %parallel_loop3A_1037 = arith.index_cast %parallel_loop3A_1036 : i32 to index
        %parallel_loop3A_1038 = arith.constant 32 : index
        %parallel_loop3A_1039 = tpu.vector_load %arg10[%parallel_loop3A_1037, %parallel_loop3A_1038] {strides = array<i32>} : memref<48x128xf32, #tpu.memory_space<vmem>>, vector<1x16xf32>,
        %parallel_loop3A_1040 = vector.shape_cast %parallel_loop3A_1039 : vector<1x16xf32> to vector<16xf32>
        %parallel_loop3A_1041 = arith.addf %parallel_loop3A_1032, %parallel_loop3A_1040 : vector<16xf32>
        %parallel_loop3A_1042 = arith.constant 3 : i32
        %parallel_loop3A_1043 = arith.muli %parallel_loop3A_1042, %parallel_loop3A_190 : i32
        %parallel_loop3A_1044 = arith.constant 2 : i32
        %parallel_loop3A_1045 = arith.addi %parallel_loop3A_1043, %parallel_loop3A_1044 : i32
        %parallel_loop3A_1046 = arith.index_cast %parallel_loop3A_1045 : i32 to index
        %parallel_loop3A_1047 = arith.constant 32 : index
        %parallel_loop3A_1048 = tpu.vector_load %arg11[%parallel_loop3A_1046, %parallel_loop3A_1047] {strides = array<i32>} : memref<48x128xf32, #tpu.memory_space<vmem>>, vector<1x16xf32>,
        %parallel_loop3A_1049 = vector.shape_cast %parallel_loop3A_1048 : vector<1x16xf32> to vector<16xf32>
        %parallel_loop3A_1050 = arith.addf %parallel_loop3A_1041, %parallel_loop3A_1049 : vector<16xf32>
        %parallel_loop3A_1051 = arith.constant 3 : i32
        %parallel_loop3A_1052 = arith.muli %parallel_loop3A_1051, %parallel_loop3A_190 : i32
        %parallel_loop3A_1053 = arith.constant 2 : i32
        %parallel_loop3A_1054 = arith.addi %parallel_loop3A_1052, %parallel_loop3A_1053 : i32
        %parallel_loop3A_1055 = arith.index_cast %parallel_loop3A_1054 : i32 to index
        %parallel_loop3A_1056 = arith.constant 32 : index
        %parallel_loop3A_1057 = tpu.vector_load %arg12[%parallel_loop3A_1055, %parallel_loop3A_1056] {strides = array<i32>} : memref<48x128xf32, #tpu.memory_space<vmem>>, vector<1x16xf32>,
        %parallel_loop3A_1058 = vector.shape_cast %parallel_loop3A_1057 : vector<1x16xf32> to vector<16xf32>
        %parallel_loop3A_1059 = arith.addf %parallel_loop3A_1050, %parallel_loop3A_1058 : vector<16xf32>
        %parallel_loop3A_1060 = arith.index_cast %parallel_loop3A_190 : i32 to index
        %parallel_loop3A_1061 = arith.constant 288 : index
        %parallel_loop3A_1062 = tpu.vector_load %arg7[%parallel_loop3A_1060, %parallel_loop3A_1061] {strides = array<i32>} : memref<16x384xf32, #tpu.memory_space<vmem>>, vector<1x16xf32>,
        %parallel_loop3A_1063 = vector.shape_cast %parallel_loop3A_1062 : vector<1x16xf32> to vector<16xf32>
        %parallel_loop3A_1064 = vector.shape_cast %parallel_loop3A_1059 : vector<16xf32> to vector<1x16xf32>
        tpu.vector_store %arg7[%parallel_loop3A_1060, %parallel_loop3A_1061], %parallel_loop3A_1064 {strides = array<i32>} : memref<16x384xf32, #tpu.memory_space<vmem>>, vector<1x16xf32>,
        %parallel_loop3A_1065 = arith.index_cast %parallel_loop3A_190 : i32 to index
        %parallel_loop3A_1066 = arith.constant 304 : index
        %parallel_loop3A_1067 = tpu.vector_load %arg7[%parallel_loop3A_1065, %parallel_loop3A_1066] {strides = array<i32>} : memref<16x384xf32, #tpu.memory_space<vmem>>, vector<1x16xf32>,
        %parallel_loop3A_1068 = vector.shape_cast %parallel_loop3A_1067 : vector<1x16xf32> to vector<16xf32>
        %parallel_loop3A_1069 = arith.index_cast %parallel_loop3A_190 : i32 to index
        %parallel_loop3A_1070 = arith.constant 304 : index
        %parallel_loop3A_1071 = tpu.vector_load %arg8[%parallel_loop3A_1069, %parallel_loop3A_1070] {strides = array<i32>} : memref<16x384xf32, #tpu.memory_space<vmem>>, vector<1x16xf32>,
        %parallel_loop3A_1072 = vector.shape_cast %parallel_loop3A_1071 : vector<1x16xf32> to vector<16xf32>
        %parallel_loop3A_1073 = arith.addf %parallel_loop3A_1068, %parallel_loop3A_1072 : vector<16xf32>
        %parallel_loop3A_1074 = arith.index_cast %parallel_loop3A_190 : i32 to index
        %parallel_loop3A_1075 = arith.constant 304 : index
        %parallel_loop3A_1076 = tpu.vector_load %arg9[%parallel_loop3A_1074, %parallel_loop3A_1075] {strides = array<i32>} : memref<16x384xf32, #tpu.memory_space<vmem>>, vector<1x16xf32>,
        %parallel_loop3A_1077 = vector.shape_cast %parallel_loop3A_1076 : vector<1x16xf32> to vector<16xf32>
        %parallel_loop3A_1078 = arith.addf %parallel_loop3A_1073, %parallel_loop3A_1077 : vector<16xf32>
        %parallel_loop3A_1079 = arith.constant 3 : i32
        %parallel_loop3A_1080 = arith.muli %parallel_loop3A_1079, %parallel_loop3A_190 : i32
        %parallel_loop3A_1081 = arith.constant 2 : i32
        %parallel_loop3A_1082 = arith.addi %parallel_loop3A_1080, %parallel_loop3A_1081 : i32
        %parallel_loop3A_1083 = arith.index_cast %parallel_loop3A_1082 : i32 to index
        %parallel_loop3A_1084 = arith.constant 48 : index
        %parallel_loop3A_1085 = tpu.vector_load %arg10[%parallel_loop3A_1083, %parallel_loop3A_1084] {strides = array<i32>} : memref<48x128xf32, #tpu.memory_space<vmem>>, vector<1x16xf32>,
        %parallel_loop3A_1086 = vector.shape_cast %parallel_loop3A_1085 : vector<1x16xf32> to vector<16xf32>
        %parallel_loop3A_1087 = arith.addf %parallel_loop3A_1078, %parallel_loop3A_1086 : vector<16xf32>
        %parallel_loop3A_1088 = arith.constant 3 : i32
        %parallel_loop3A_1089 = arith.muli %parallel_loop3A_1088, %parallel_loop3A_190 : i32
        %parallel_loop3A_1090 = arith.constant 2 : i32
        %parallel_loop3A_1091 = arith.addi %parallel_loop3A_1089, %parallel_loop3A_1090 : i32
        %parallel_loop3A_1092 = arith.index_cast %parallel_loop3A_1091 : i32 to index
        %parallel_loop3A_1093 = arith.constant 48 : index
        %parallel_loop3A_1094 = tpu.vector_load %arg11[%parallel_loop3A_1092, %parallel_loop3A_1093] {strides = array<i32>} : memref<48x128xf32, #tpu.memory_space<vmem>>, vector<1x16xf32>,
        %parallel_loop3A_1095 = vector.shape_cast %parallel_loop3A_1094 : vector<1x16xf32> to vector<16xf32>
        %parallel_loop3A_1096 = arith.addf %parallel_loop3A_1087, %parallel_loop3A_1095 : vector<16xf32>
        %parallel_loop3A_1097 = arith.constant 3 : i32
        %parallel_loop3A_1098 = arith.muli %parallel_loop3A_1097, %parallel_loop3A_190 : i32
        %parallel_loop3A_1099 = arith.constant 2 : i32
        %parallel_loop3A_1100 = arith.addi %parallel_loop3A_1098, %parallel_loop3A_1099 : i32
        %parallel_loop3A_1101 = arith.index_cast %parallel_loop3A_1100 : i32 to index
        %parallel_loop3A_1102 = arith.constant 48 : index
        %parallel_loop3A_1103 = tpu.vector_load %arg12[%parallel_loop3A_1101, %parallel_loop3A_1102] {strides = array<i32>} : memref<48x128xf32, #tpu.memory_space<vmem>>, vector<1x16xf32>,
        %parallel_loop3A_1104 = vector.shape_cast %parallel_loop3A_1103 : vector<1x16xf32> to vector<16xf32>
        %parallel_loop3A_1105 = arith.addf %parallel_loop3A_1096, %parallel_loop3A_1104 : vector<16xf32>
        %parallel_loop3A_1106 = arith.index_cast %parallel_loop3A_190 : i32 to index
        %parallel_loop3A_1107 = arith.constant 304 : index
        %parallel_loop3A_1108 = tpu.vector_load %arg7[%parallel_loop3A_1106, %parallel_loop3A_1107] {strides = array<i32>} : memref<16x384xf32, #tpu.memory_space<vmem>>, vector<1x16xf32>,
        %parallel_loop3A_1109 = vector.shape_cast %parallel_loop3A_1108 : vector<1x16xf32> to vector<16xf32>
        %parallel_loop3A_1110 = vector.shape_cast %parallel_loop3A_1105 : vector<16xf32> to vector<1x16xf32>
        tpu.vector_store %arg7[%parallel_loop3A_1106, %parallel_loop3A_1107], %parallel_loop3A_1110 {strides = array<i32>} : memref<16x384xf32, #tpu.memory_space<vmem>>, vector<1x16xf32>,
        %parallel_loop3A_1111 = arith.index_cast %parallel_loop3A_190 : i32 to index
        %parallel_loop3A_1112 = arith.constant 320 : index
        %parallel_loop3A_1113 = tpu.vector_load %arg7[%parallel_loop3A_1111, %parallel_loop3A_1112] {strides = array<i32>} : memref<16x384xf32, #tpu.memory_space<vmem>>, vector<1x16xf32>,
        %parallel_loop3A_1114 = vector.shape_cast %parallel_loop3A_1113 : vector<1x16xf32> to vector<16xf32>
        %parallel_loop3A_1115 = arith.index_cast %parallel_loop3A_190 : i32 to index
        %parallel_loop3A_1116 = arith.constant 320 : index
        %parallel_loop3A_1117 = tpu.vector_load %arg8[%parallel_loop3A_1115, %parallel_loop3A_1116] {strides = array<i32>} : memref<16x384xf32, #tpu.memory_space<vmem>>, vector<1x16xf32>,
        %parallel_loop3A_1118 = vector.shape_cast %parallel_loop3A_1117 : vector<1x16xf32> to vector<16xf32>
        %parallel_loop3A_1119 = arith.addf %parallel_loop3A_1114, %parallel_loop3A_1118 : vector<16xf32>
        %parallel_loop3A_1120 = arith.index_cast %parallel_loop3A_190 : i32 to index
        %parallel_loop3A_1121 = arith.constant 320 : index
        %parallel_loop3A_1122 = tpu.vector_load %arg9[%parallel_loop3A_1120, %parallel_loop3A_1121] {strides = array<i32>} : memref<16x384xf32, #tpu.memory_space<vmem>>, vector<1x16xf32>,
        %parallel_loop3A_1123 = vector.shape_cast %parallel_loop3A_1122 : vector<1x16xf32> to vector<16xf32>
        %parallel_loop3A_1124 = arith.addf %parallel_loop3A_1119, %parallel_loop3A_1123 : vector<16xf32>
        %parallel_loop3A_1125 = arith.constant 3 : i32
        %parallel_loop3A_1126 = arith.muli %parallel_loop3A_1125, %parallel_loop3A_190 : i32
        %parallel_loop3A_1127 = arith.constant 2 : i32
        %parallel_loop3A_1128 = arith.addi %parallel_loop3A_1126, %parallel_loop3A_1127 : i32
        %parallel_loop3A_1129 = arith.index_cast %parallel_loop3A_1128 : i32 to index
        %parallel_loop3A_1130 = arith.constant 64 : index
        %parallel_loop3A_1131 = tpu.vector_load %arg10[%parallel_loop3A_1129, %parallel_loop3A_1130] {strides = array<i32>} : memref<48x128xf32, #tpu.memory_space<vmem>>, vector<1x16xf32>,
        %parallel_loop3A_1132 = vector.shape_cast %parallel_loop3A_1131 : vector<1x16xf32> to vector<16xf32>
        %parallel_loop3A_1133 = arith.addf %parallel_loop3A_1124, %parallel_loop3A_1132 : vector<16xf32>
        %parallel_loop3A_1134 = arith.constant 3 : i32
        %parallel_loop3A_1135 = arith.muli %parallel_loop3A_1134, %parallel_loop3A_190 : i32
        %parallel_loop3A_1136 = arith.constant 2 : i32
        %parallel_loop3A_1137 = arith.addi %parallel_loop3A_1135, %parallel_loop3A_1136 : i32
        %parallel_loop3A_1138 = arith.index_cast %parallel_loop3A_1137 : i32 to index
        %parallel_loop3A_1139 = arith.constant 64 : index
        %parallel_loop3A_1140 = tpu.vector_load %arg11[%parallel_loop3A_1138, %parallel_loop3A_1139] {strides = array<i32>} : memref<48x128xf32, #tpu.memory_space<vmem>>, vector<1x16xf32>,
        %parallel_loop3A_1141 = vector.shape_cast %parallel_loop3A_1140 : vector<1x16xf32> to vector<16xf32>
        %parallel_loop3A_1142 = arith.addf %parallel_loop3A_1133, %parallel_loop3A_1141 : vector<16xf32>
        %parallel_loop3A_1143 = arith.constant 3 : i32
        %parallel_loop3A_1144 = arith.muli %parallel_loop3A_1143, %parallel_loop3A_190 : i32
        %parallel_loop3A_1145 = arith.constant 2 : i32
        %parallel_loop3A_1146 = arith.addi %parallel_loop3A_1144, %parallel_loop3A_1145 : i32
        %parallel_loop3A_1147 = arith.index_cast %parallel_loop3A_1146 : i32 to index
        %parallel_loop3A_1148 = arith.constant 64 : index
        %parallel_loop3A_1149 = tpu.vector_load %arg12[%parallel_loop3A_1147, %parallel_loop3A_1148] {strides = array<i32>} : memref<48x128xf32, #tpu.memory_space<vmem>>, vector<1x16xf32>,
        %parallel_loop3A_1150 = vector.shape_cast %parallel_loop3A_1149 : vector<1x16xf32> to vector<16xf32>
        %parallel_loop3A_1151 = arith.addf %parallel_loop3A_1142, %parallel_loop3A_1150 : vector<16xf32>
        %parallel_loop3A_1152 = arith.index_cast %parallel_loop3A_190 : i32 to index
        %parallel_loop3A_1153 = arith.constant 320 : index
        %parallel_loop3A_1154 = tpu.vector_load %arg7[%parallel_loop3A_1152, %parallel_loop3A_1153] {strides = array<i32>} : memref<16x384xf32, #tpu.memory_space<vmem>>, vector<1x16xf32>,
        %parallel_loop3A_1155 = vector.shape_cast %parallel_loop3A_1154 : vector<1x16xf32> to vector<16xf32>
        %parallel_loop3A_1156 = vector.shape_cast %parallel_loop3A_1151 : vector<16xf32> to vector<1x16xf32>
        tpu.vector_store %arg7[%parallel_loop3A_1152, %parallel_loop3A_1153], %parallel_loop3A_1156 {strides = array<i32>} : memref<16x384xf32, #tpu.memory_space<vmem>>, vector<1x16xf32>,
        %parallel_loop3A_1157 = arith.index_cast %parallel_loop3A_190 : i32 to index
        %parallel_loop3A_1158 = arith.constant 336 : index
        %parallel_loop3A_1159 = tpu.vector_load %arg7[%parallel_loop3A_1157, %parallel_loop3A_1158] {strides = array<i32>} : memref<16x384xf32, #tpu.memory_space<vmem>>, vector<1x16xf32>,
        %parallel_loop3A_1160 = vector.shape_cast %parallel_loop3A_1159 : vector<1x16xf32> to vector<16xf32>
        %parallel_loop3A_1161 = arith.index_cast %parallel_loop3A_190 : i32 to index
        %parallel_loop3A_1162 = arith.constant 336 : index
        %parallel_loop3A_1163 = tpu.vector_load %arg8[%parallel_loop3A_1161, %parallel_loop3A_1162] {strides = array<i32>} : memref<16x384xf32, #tpu.memory_space<vmem>>, vector<1x16xf32>,
        %parallel_loop3A_1164 = vector.shape_cast %parallel_loop3A_1163 : vector<1x16xf32> to vector<16xf32>
        %parallel_loop3A_1165 = arith.addf %parallel_loop3A_1160, %parallel_loop3A_1164 : vector<16xf32>
        %parallel_loop3A_1166 = arith.index_cast %parallel_loop3A_190 : i32 to index
        %parallel_loop3A_1167 = arith.constant 336 : index
        %parallel_loop3A_1168 = tpu.vector_load %arg9[%parallel_loop3A_1166, %parallel_loop3A_1167] {strides = array<i32>} : memref<16x384xf32, #tpu.memory_space<vmem>>, vector<1x16xf32>,
        %parallel_loop3A_1169 = vector.shape_cast %parallel_loop3A_1168 : vector<1x16xf32> to vector<16xf32>
        %parallel_loop3A_1170 = arith.addf %parallel_loop3A_1165, %parallel_loop3A_1169 : vector<16xf32>
        %parallel_loop3A_1171 = arith.constant 3 : i32
        %parallel_loop3A_1172 = arith.muli %parallel_loop3A_1171, %parallel_loop3A_190 : i32
        %parallel_loop3A_1173 = arith.constant 2 : i32
        %parallel_loop3A_1174 = arith.addi %parallel_loop3A_1172, %parallel_loop3A_1173 : i32
        %parallel_loop3A_1175 = arith.index_cast %parallel_loop3A_1174 : i32 to index
        %parallel_loop3A_1176 = arith.constant 80 : index
        %parallel_loop3A_1177 = tpu.vector_load %arg10[%parallel_loop3A_1175, %parallel_loop3A_1176] {strides = array<i32>} : memref<48x128xf32, #tpu.memory_space<vmem>>, vector<1x16xf32>,
        %parallel_loop3A_1178 = vector.shape_cast %parallel_loop3A_1177 : vector<1x16xf32> to vector<16xf32>
        %parallel_loop3A_1179 = arith.addf %parallel_loop3A_1170, %parallel_loop3A_1178 : vector<16xf32>
        %parallel_loop3A_1180 = arith.constant 3 : i32
        %parallel_loop3A_1181 = arith.muli %parallel_loop3A_1180, %parallel_loop3A_190 : i32
        %parallel_loop3A_1182 = arith.constant 2 : i32
        %parallel_loop3A_1183 = arith.addi %parallel_loop3A_1181, %parallel_loop3A_1182 : i32
        %parallel_loop3A_1184 = arith.index_cast %parallel_loop3A_1183 : i32 to index
        %parallel_loop3A_1185 = arith.constant 80 : index
        %parallel_loop3A_1186 = tpu.vector_load %arg11[%parallel_loop3A_1184, %parallel_loop3A_1185] {strides = array<i32>} : memref<48x128xf32, #tpu.memory_space<vmem>>, vector<1x16xf32>,
        %parallel_loop3A_1187 = vector.shape_cast %parallel_loop3A_1186 : vector<1x16xf32> to vector<16xf32>
        %parallel_loop3A_1188 = arith.addf %parallel_loop3A_1179, %parallel_loop3A_1187 : vector<16xf32>
        %parallel_loop3A_1189 = arith.constant 3 : i32
        %parallel_loop3A_1190 = arith.muli %parallel_loop3A_1189, %parallel_loop3A_190 : i32
        %parallel_loop3A_1191 = arith.constant 2 : i32
        %parallel_loop3A_1192 = arith.addi %parallel_loop3A_1190, %parallel_loop3A_1191 : i32
        %parallel_loop3A_1193 = arith.index_cast %parallel_loop3A_1192 : i32 to index
        %parallel_loop3A_1194 = arith.constant 80 : index
        %parallel_loop3A_1195 = tpu.vector_load %arg12[%parallel_loop3A_1193, %parallel_loop3A_1194] {strides = array<i32>} : memref<48x128xf32, #tpu.memory_space<vmem>>, vector<1x16xf32>,
        %parallel_loop3A_1196 = vector.shape_cast %parallel_loop3A_1195 : vector<1x16xf32> to vector<16xf32>
        %parallel_loop3A_1197 = arith.addf %parallel_loop3A_1188, %parallel_loop3A_1196 : vector<16xf32>
        %parallel_loop3A_1198 = arith.index_cast %parallel_loop3A_190 : i32 to index
        %parallel_loop3A_1199 = arith.constant 336 : index
        %parallel_loop3A_1200 = tpu.vector_load %arg7[%parallel_loop3A_1198, %parallel_loop3A_1199] {strides = array<i32>} : memref<16x384xf32, #tpu.memory_space<vmem>>, vector<1x16xf32>,
        %parallel_loop3A_1201 = vector.shape_cast %parallel_loop3A_1200 : vector<1x16xf32> to vector<16xf32>
        %parallel_loop3A_1202 = vector.shape_cast %parallel_loop3A_1197 : vector<16xf32> to vector<1x16xf32>
        tpu.vector_store %arg7[%parallel_loop3A_1198, %parallel_loop3A_1199], %parallel_loop3A_1202 {strides = array<i32>} : memref<16x384xf32, #tpu.memory_space<vmem>>, vector<1x16xf32>,
        %parallel_loop3A_1203 = arith.index_cast %parallel_loop3A_190 : i32 to index
        %parallel_loop3A_1204 = arith.constant 352 : index
        %parallel_loop3A_1205 = tpu.vector_load %arg7[%parallel_loop3A_1203, %parallel_loop3A_1204] {strides = array<i32>} : memref<16x384xf32, #tpu.memory_space<vmem>>, vector<1x16xf32>,
        %parallel_loop3A_1206 = vector.shape_cast %parallel_loop3A_1205 : vector<1x16xf32> to vector<16xf32>
        %parallel_loop3A_1207 = arith.index_cast %parallel_loop3A_190 : i32 to index
        %parallel_loop3A_1208 = arith.constant 352 : index
        %parallel_loop3A_1209 = tpu.vector_load %arg8[%parallel_loop3A_1207, %parallel_loop3A_1208] {strides = array<i32>} : memref<16x384xf32, #tpu.memory_space<vmem>>, vector<1x16xf32>,
        %parallel_loop3A_1210 = vector.shape_cast %parallel_loop3A_1209 : vector<1x16xf32> to vector<16xf32>
        %parallel_loop3A_1211 = arith.addf %parallel_loop3A_1206, %parallel_loop3A_1210 : vector<16xf32>
        %parallel_loop3A_1212 = arith.index_cast %parallel_loop3A_190 : i32 to index
        %parallel_loop3A_1213 = arith.constant 352 : index
        %parallel_loop3A_1214 = tpu.vector_load %arg9[%parallel_loop3A_1212, %parallel_loop3A_1213] {strides = array<i32>} : memref<16x384xf32, #tpu.memory_space<vmem>>, vector<1x16xf32>,
        %parallel_loop3A_1215 = vector.shape_cast %parallel_loop3A_1214 : vector<1x16xf32> to vector<16xf32>
        %parallel_loop3A_1216 = arith.addf %parallel_loop3A_1211, %parallel_loop3A_1215 : vector<16xf32>
        %parallel_loop3A_1217 = arith.constant 3 : i32
        %parallel_loop3A_1218 = arith.muli %parallel_loop3A_1217, %parallel_loop3A_190 : i32
        %parallel_loop3A_1219 = arith.constant 2 : i32
        %parallel_loop3A_1220 = arith.addi %parallel_loop3A_1218, %parallel_loop3A_1219 : i32
        %parallel_loop3A_1221 = arith.index_cast %parallel_loop3A_1220 : i32 to index
        %parallel_loop3A_1222 = arith.constant 96 : index
        %parallel_loop3A_1223 = tpu.vector_load %arg10[%parallel_loop3A_1221, %parallel_loop3A_1222] {strides = array<i32>} : memref<48x128xf32, #tpu.memory_space<vmem>>, vector<1x16xf32>,
        %parallel_loop3A_1224 = vector.shape_cast %parallel_loop3A_1223 : vector<1x16xf32> to vector<16xf32>
        %parallel_loop3A_1225 = arith.addf %parallel_loop3A_1216, %parallel_loop3A_1224 : vector<16xf32>
        %parallel_loop3A_1226 = arith.constant 3 : i32
        %parallel_loop3A_1227 = arith.muli %parallel_loop3A_1226, %parallel_loop3A_190 : i32
        %parallel_loop3A_1228 = arith.constant 2 : i32
        %parallel_loop3A_1229 = arith.addi %parallel_loop3A_1227, %parallel_loop3A_1228 : i32
        %parallel_loop3A_1230 = arith.index_cast %parallel_loop3A_1229 : i32 to index
        %parallel_loop3A_1231 = arith.constant 96 : index
        %parallel_loop3A_1232 = tpu.vector_load %arg11[%parallel_loop3A_1230, %parallel_loop3A_1231] {strides = array<i32>} : memref<48x128xf32, #tpu.memory_space<vmem>>, vector<1x16xf32>,
        %parallel_loop3A_1233 = vector.shape_cast %parallel_loop3A_1232 : vector<1x16xf32> to vector<16xf32>
        %parallel_loop3A_1234 = arith.addf %parallel_loop3A_1225, %parallel_loop3A_1233 : vector<16xf32>
        %parallel_loop3A_1235 = arith.constant 3 : i32
        %parallel_loop3A_1236 = arith.muli %parallel_loop3A_1235, %parallel_loop3A_190 : i32
        %parallel_loop3A_1237 = arith.constant 2 : i32
        %parallel_loop3A_1238 = arith.addi %parallel_loop3A_1236, %parallel_loop3A_1237 : i32
        %parallel_loop3A_1239 = arith.index_cast %parallel_loop3A_1238 : i32 to index
        %parallel_loop3A_1240 = arith.constant 96 : index
        %parallel_loop3A_1241 = tpu.vector_load %arg12[%parallel_loop3A_1239, %parallel_loop3A_1240] {strides = array<i32>} : memref<48x128xf32, #tpu.memory_space<vmem>>, vector<1x16xf32>,
        %parallel_loop3A_1242 = vector.shape_cast %parallel_loop3A_1241 : vector<1x16xf32> to vector<16xf32>
        %parallel_loop3A_1243 = arith.addf %parallel_loop3A_1234, %parallel_loop3A_1242 : vector<16xf32>
        %parallel_loop3A_1244 = arith.index_cast %parallel_loop3A_190 : i32 to index
        %parallel_loop3A_1245 = arith.constant 352 : index
        %parallel_loop3A_1246 = tpu.vector_load %arg7[%parallel_loop3A_1244, %parallel_loop3A_1245] {strides = array<i32>} : memref<16x384xf32, #tpu.memory_space<vmem>>, vector<1x16xf32>,
        %parallel_loop3A_1247 = vector.shape_cast %parallel_loop3A_1246 : vector<1x16xf32> to vector<16xf32>
        %parallel_loop3A_1248 = vector.shape_cast %parallel_loop3A_1243 : vector<16xf32> to vector<1x16xf32>
        tpu.vector_store %arg7[%parallel_loop3A_1244, %parallel_loop3A_1245], %parallel_loop3A_1248 {strides = array<i32>} : memref<16x384xf32, #tpu.memory_space<vmem>>, vector<1x16xf32>,
        %parallel_loop3A_1249 = arith.index_cast %parallel_loop3A_190 : i32 to index
        %parallel_loop3A_1250 = arith.constant 368 : index
        %parallel_loop3A_1251 = tpu.vector_load %arg7[%parallel_loop3A_1249, %parallel_loop3A_1250] {strides = array<i32>} : memref<16x384xf32, #tpu.memory_space<vmem>>, vector<1x16xf32>,
        %parallel_loop3A_1252 = vector.shape_cast %parallel_loop3A_1251 : vector<1x16xf32> to vector<16xf32>
        %parallel_loop3A_1253 = arith.index_cast %parallel_loop3A_190 : i32 to index
        %parallel_loop3A_1254 = arith.constant 368 : index
        %parallel_loop3A_1255 = tpu.vector_load %arg8[%parallel_loop3A_1253, %parallel_loop3A_1254] {strides = array<i32>} : memref<16x384xf32, #tpu.memory_space<vmem>>, vector<1x16xf32>,
        %parallel_loop3A_1256 = vector.shape_cast %parallel_loop3A_1255 : vector<1x16xf32> to vector<16xf32>
        %parallel_loop3A_1257 = arith.addf %parallel_loop3A_1252, %parallel_loop3A_1256 : vector<16xf32>
        %parallel_loop3A_1258 = arith.index_cast %parallel_loop3A_190 : i32 to index
        %parallel_loop3A_1259 = arith.constant 368 : index
        %parallel_loop3A_1260 = tpu.vector_load %arg9[%parallel_loop3A_1258, %parallel_loop3A_1259] {strides = array<i32>} : memref<16x384xf32, #tpu.memory_space<vmem>>, vector<1x16xf32>,
        %parallel_loop3A_1261 = vector.shape_cast %parallel_loop3A_1260 : vector<1x16xf32> to vector<16xf32>
        %parallel_loop3A_1262 = arith.addf %parallel_loop3A_1257, %parallel_loop3A_1261 : vector<16xf32>
        %parallel_loop3A_1263 = arith.constant 3 : i32
        %parallel_loop3A_1264 = arith.muli %parallel_loop3A_1263, %parallel_loop3A_190 : i32
        %parallel_loop3A_1265 = arith.constant 2 : i32
        %parallel_loop3A_1266 = arith.addi %parallel_loop3A_1264, %parallel_loop3A_1265 : i32
        %parallel_loop3A_1267 = arith.index_cast %parallel_loop3A_1266 : i32 to index
        %parallel_loop3A_1268 = arith.constant 112 : index
        %parallel_loop3A_1269 = tpu.vector_load %arg10[%parallel_loop3A_1267, %parallel_loop3A_1268] {strides = array<i32>} : memref<48x128xf32, #tpu.memory_space<vmem>>, vector<1x16xf32>,
        %parallel_loop3A_1270 = vector.shape_cast %parallel_loop3A_1269 : vector<1x16xf32> to vector<16xf32>
        %parallel_loop3A_1271 = arith.addf %parallel_loop3A_1262, %parallel_loop3A_1270 : vector<16xf32>
        %parallel_loop3A_1272 = arith.constant 3 : i32
        %parallel_loop3A_1273 = arith.muli %parallel_loop3A_1272, %parallel_loop3A_190 : i32
        %parallel_loop3A_1274 = arith.constant 2 : i32
        %parallel_loop3A_1275 = arith.addi %parallel_loop3A_1273, %parallel_loop3A_1274 : i32
        %parallel_loop3A_1276 = arith.index_cast %parallel_loop3A_1275 : i32 to index
        %parallel_loop3A_1277 = arith.constant 112 : index
        %parallel_loop3A_1278 = tpu.vector_load %arg11[%parallel_loop3A_1276, %parallel_loop3A_1277] {strides = array<i32>} : memref<48x128xf32, #tpu.memory_space<vmem>>, vector<1x16xf32>,
        %parallel_loop3A_1279 = vector.shape_cast %parallel_loop3A_1278 : vector<1x16xf32> to vector<16xf32>
        %parallel_loop3A_1280 = arith.addf %parallel_loop3A_1271, %parallel_loop3A_1279 : vector<16xf32>
        %parallel_loop3A_1281 = arith.constant 3 : i32
        %parallel_loop3A_1282 = arith.muli %parallel_loop3A_1281, %parallel_loop3A_190 : i32
        %parallel_loop3A_1283 = arith.constant 2 : i32
        %parallel_loop3A_1284 = arith.addi %parallel_loop3A_1282, %parallel_loop3A_1283 : i32
        %parallel_loop3A_1285 = arith.index_cast %parallel_loop3A_1284 : i32 to index
        %parallel_loop3A_1286 = arith.constant 112 : index
        %parallel_loop3A_1287 = tpu.vector_load %arg12[%parallel_loop3A_1285, %parallel_loop3A_1286] {strides = array<i32>} : memref<48x128xf32, #tpu.memory_space<vmem>>, vector<1x16xf32>,
        %parallel_loop3A_1288 = vector.shape_cast %parallel_loop3A_1287 : vector<1x16xf32> to vector<16xf32>
        %parallel_loop3A_1289 = arith.addf %parallel_loop3A_1280, %parallel_loop3A_1288 : vector<16xf32>
        %parallel_loop3A_1290 = arith.index_cast %parallel_loop3A_190 : i32 to index
        %parallel_loop3A_1291 = arith.constant 368 : index
        %parallel_loop3A_1292 = tpu.vector_load %arg7[%parallel_loop3A_1290, %parallel_loop3A_1291] {strides = array<i32>} : memref<16x384xf32, #tpu.memory_space<vmem>>, vector<1x16xf32>,
        %parallel_loop3A_1293 = vector.shape_cast %parallel_loop3A_1292 : vector<1x16xf32> to vector<16xf32>
        %parallel_loop3A_1294 = vector.shape_cast %parallel_loop3A_1289 : vector<16xf32> to vector<1x16xf32>
        tpu.vector_store %arg7[%parallel_loop3A_1290, %parallel_loop3A_1291], %parallel_loop3A_1294 {strides = array<i32>} : memref<16x384xf32, #tpu.memory_space<vmem>>, vector<1x16xf32>,
      } {sc.loop_unroll_factor = 4 : i64, sc.parallel_access}
      %mul3A_129 = arith.constant 40 : i32
      %mul3A_130 = arith.muli %add3A, %mul3A_129 : i32
      %add3A_131 = arith.addi %mul3A_130, %mul3A_90 : i32
      %mul3A_132 = arith.constant 16 : i32
      %mul3A_133 = arith.muli %add3A_131, %mul3A_132 : i32
      %dma_start3A_134 = arith.constant 0 : i32
      %dma_start3A_135 = tpu.memref_slice %arg5[%mul3A_133, %dma_start3A_134] : memref<20480x384xf32, #tpu.memory_space<hbm>> -> memref<16x384xf32, #tpu.memory_space<hbm>>
      %dma_start3A_136 = arith.constant 0 : i32
      %dma_start3A_137 = tpu.memref_slice %arg5[%mul3A_133, %dma_start3A_136] : memref<20480x384xf32, #tpu.memory_space<hbm>> -> memref<16x384xf32, #tpu.memory_space<hbm>>
      tpu.enqueue_dma source(%arg7 : memref<16x384xf32, #tpu.memory_space<vmem>>) target(%dma_start3A_137 : memref<16x384xf32, #tpu.memory_space<hbm>>) target_semaphore(%arg21 : memref<!tpu.dma_semaphore, #tpu.memory_space<semaphore_mem>>)
      %dma_wait3A_138 = arith.constant 0 : i32
      %dma_wait3A_139 = arith.constant 0 : i32
      %dma_wait3A_140 = tpu.memref_slice %arg3[%dma_wait3A_138, %dma_wait3A_139] : memref<520x384xf32, #tpu.memory_space<hbm>> -> memref<16x384xf32, #tpu.memory_space<hbm>>
      %dma_wait3A_141 = arith.constant 0 : i32
      %dma_wait3A_142 = arith.constant 0 : i32
      %dma_wait3A_143 = tpu.memref_slice %arg3[%dma_wait3A_141, %dma_wait3A_142] : memref<520x384xf32, #tpu.memory_space<hbm>> -> memref<16x384xf32, #tpu.memory_space<hbm>>
      tpu.wait_dma2 semaphore(%arg20 : memref<!tpu.dma_semaphore, #tpu.memory_space<semaphore_mem>>) src(%dma_wait3A_143 : memref<16x384xf32, #tpu.memory_space<hbm>>) dst(%arg13 : memref<16x384xf32, #tpu.memory_space<vmem>>)
      %dma_wait3A_144 = arith.constant 0 : i32
      %dma_wait3A_145 = arith.constant 0 : i32
      %dma_wait3A_146 = tpu.memref_slice %arg3[%dma_wait3A_144, %dma_wait3A_145] : memref<520x384xf32, #tpu.memory_space<hbm>> -> memref<16x384xf32, #tpu.memory_space<hbm>>
      %dma_wait3A_147 = arith.constant 0 : i32
      %dma_wait3A_148 = arith.constant 0 : i32
      %dma_wait3A_149 = tpu.memref_slice %arg3[%dma_wait3A_147, %dma_wait3A_148] : memref<520x384xf32, #tpu.memory_space<hbm>> -> memref<16x384xf32, #tpu.memory_space<hbm>>
      tpu.wait_dma2 semaphore(%arg20 : memref<!tpu.dma_semaphore, #tpu.memory_space<semaphore_mem>>) src(%dma_wait3A_149 : memref<16x384xf32, #tpu.memory_space<hbm>>) dst(%arg14 : memref<16x384xf32, #tpu.memory_space<vmem>>)
      %dma_wait3A_150 = arith.constant 0 : i32
      %dma_wait3A_151 = arith.constant 0 : i32
      %dma_wait3A_152 = tpu.memref_slice %arg3[%dma_wait3A_150, %dma_wait3A_151] : memref<520x384xf32, #tpu.memory_space<hbm>> -> memref<16x384xf32, #tpu.memory_space<hbm>>
      %dma_wait3A_153 = arith.constant 0 : i32
      %dma_wait3A_154 = arith.constant 0 : i32
      %dma_wait3A_155 = tpu.memref_slice %arg3[%dma_wait3A_153, %dma_wait3A_154] : memref<520x384xf32, #tpu.memory_space<hbm>> -> memref<16x384xf32, #tpu.memory_space<hbm>>
      tpu.wait_dma2 semaphore(%arg20 : memref<!tpu.dma_semaphore, #tpu.memory_space<semaphore_mem>>) src(%dma_wait3A_155 : memref<16x384xf32, #tpu.memory_space<hbm>>) dst(%arg15 : memref<16x384xf32, #tpu.memory_space<vmem>>)
      %dma_wait3A_156 = arith.constant 0 : i32
      %dma_wait3A_157 = arith.constant 0 : i32
      %dma_wait3A_158 = tpu.memref_slice %arg4[%dma_wait3A_156, %dma_wait3A_157] : memref<768x128xf32, #tpu.memory_space<hbm>> -> memref<48x128xf32, #tpu.memory_space<hbm>>
      %dma_wait3A_159 = arith.constant 0 : i32
      %dma_wait3A_160 = arith.constant 0 : i32
      %dma_wait3A_161 = tpu.memref_slice %arg4[%dma_wait3A_159, %dma_wait3A_160] : memref<768x128xf32, #tpu.memory_space<hbm>> -> memref<48x128xf32, #tpu.memory_space<hbm>>
      tpu.wait_dma2 semaphore(%arg20 : memref<!tpu.dma_semaphore, #tpu.memory_space<semaphore_mem>>) src(%dma_wait3A_161 : memref<48x128xf32, #tpu.memory_space<hbm>>) dst(%arg16 : memref<48x128xf32, #tpu.memory_space<vmem>>)
      %dma_wait3A_162 = arith.constant 0 : i32
      %dma_wait3A_163 = arith.constant 0 : i32
      %dma_wait3A_164 = tpu.memref_slice %arg4[%dma_wait3A_162, %dma_wait3A_163] : memref<768x128xf32, #tpu.memory_space<hbm>> -> memref<48x128xf32, #tpu.memory_space<hbm>>
      %dma_wait3A_165 = arith.constant 0 : i32
      %dma_wait3A_166 = arith.constant 0 : i32
      %dma_wait3A_167 = tpu.memref_slice %arg4[%dma_wait3A_165, %dma_wait3A_166] : memref<768x128xf32, #tpu.memory_space<hbm>> -> memref<48x128xf32, #tpu.memory_space<hbm>>
      tpu.wait_dma2 semaphore(%arg20 : memref<!tpu.dma_semaphore, #tpu.memory_space<semaphore_mem>>) src(%dma_wait3A_167 : memref<48x128xf32, #tpu.memory_space<hbm>>) dst(%arg17 : memref<48x128xf32, #tpu.memory_space<vmem>>)
      %dma_wait3A_168 = arith.constant 0 : i32
      %dma_wait3A_169 = arith.constant 0 : i32
      %dma_wait3A_170 = tpu.memref_slice %arg4[%dma_wait3A_168, %dma_wait3A_169] : memref<768x128xf32, #tpu.memory_space<hbm>> -> memref<48x128xf32, #tpu.memory_space<hbm>>
      %dma_wait3A_171 = arith.constant 0 : i32
      %dma_wait3A_172 = arith.constant 0 : i32
      %dma_wait3A_173 = tpu.memref_slice %arg4[%dma_wait3A_171, %dma_wait3A_172] : memref<768x128xf32, #tpu.memory_space<hbm>> -> memref<48x128xf32, #tpu.memory_space<hbm>>
      tpu.wait_dma2 semaphore(%arg20 : memref<!tpu.dma_semaphore, #tpu.memory_space<semaphore_mem>>) src(%dma_wait3A_173 : memref<48x128xf32, #tpu.memory_space<hbm>>) dst(%arg18 : memref<48x128xf32, #tpu.memory_space<vmem>>)
      %parallel_loop3A_174 = arith.constant 0 : i32
      %parallel_loop3A_175 = arith.constant 16 : i32
      %parallel_loop3A_176 = arith.constant 1 : i32
      scf.for %parallel_loop3A_190 = %parallel_loop3A_174 to %parallel_loop3A_175 step %parallel_loop3A_176  : i32 {
        %parallel_loop3A_191 = arith.index_cast %parallel_loop3A_190 : i32 to index
        %parallel_loop3A_192 = arith.constant 0 : index
        %parallel_loop3A_193 = tpu.vector_load %arg13[%parallel_loop3A_191, %parallel_loop3A_192] {strides = array<i32>} : memref<16x384xf32, #tpu.memory_space<vmem>>, vector<1x16xf32>,
        %parallel_loop3A_194 = vector.shape_cast %parallel_loop3A_193 : vector<1x16xf32> to vector<16xf32>
        %parallel_loop3A_195 = arith.index_cast %parallel_loop3A_190 : i32 to index
        %parallel_loop3A_196 = arith.constant 0 : index
        %parallel_loop3A_197 = tpu.vector_load %arg14[%parallel_loop3A_195, %parallel_loop3A_196] {strides = array<i32>} : memref<16x384xf32, #tpu.memory_space<vmem>>, vector<1x16xf32>,
        %parallel_loop3A_198 = vector.shape_cast %parallel_loop3A_197 : vector<1x16xf32> to vector<16xf32>
        %parallel_loop3A_199 = arith.addf %parallel_loop3A_194, %parallel_loop3A_198 : vector<16xf32>
        %parallel_loop3A_200 = arith.index_cast %parallel_loop3A_190 : i32 to index
        %parallel_loop3A_201 = arith.constant 0 : index
        %parallel_loop3A_202 = tpu.vector_load %arg15[%parallel_loop3A_200, %parallel_loop3A_201] {strides = array<i32>} : memref<16x384xf32, #tpu.memory_space<vmem>>, vector<1x16xf32>,
        %parallel_loop3A_203 = vector.shape_cast %parallel_loop3A_202 : vector<1x16xf32> to vector<16xf32>
        %parallel_loop3A_204 = arith.addf %parallel_loop3A_199, %parallel_loop3A_203 : vector<16xf32>
        %parallel_loop3A_205 = arith.constant 3 : i32
        %parallel_loop3A_206 = arith.muli %parallel_loop3A_205, %parallel_loop3A_190 : i32
        %parallel_loop3A_207 = arith.constant 0 : i32
        %parallel_loop3A_208 = arith.addi %parallel_loop3A_206, %parallel_loop3A_207 : i32
        %parallel_loop3A_209 = arith.index_cast %parallel_loop3A_208 : i32 to index
        %parallel_loop3A_210 = arith.constant 0 : index
        %parallel_loop3A_211 = tpu.vector_load %arg16[%parallel_loop3A_209, %parallel_loop3A_210] {strides = array<i32>} : memref<48x128xf32, #tpu.memory_space<vmem>>, vector<1x16xf32>,
        %parallel_loop3A_212 = vector.shape_cast %parallel_loop3A_211 : vector<1x16xf32> to vector<16xf32>
        %parallel_loop3A_213 = arith.addf %parallel_loop3A_204, %parallel_loop3A_212 : vector<16xf32>
        %parallel_loop3A_214 = arith.constant 3 : i32
        %parallel_loop3A_215 = arith.muli %parallel_loop3A_214, %parallel_loop3A_190 : i32
        %parallel_loop3A_216 = arith.constant 0 : i32
        %parallel_loop3A_217 = arith.addi %parallel_loop3A_215, %parallel_loop3A_216 : i32
        %parallel_loop3A_218 = arith.index_cast %parallel_loop3A_217 : i32 to index
        %parallel_loop3A_219 = arith.constant 0 : index
        %parallel_loop3A_220 = tpu.vector_load %arg17[%parallel_loop3A_218, %parallel_loop3A_219] {strides = array<i32>} : memref<48x128xf32, #tpu.memory_space<vmem>>, vector<1x16xf32>,
        %parallel_loop3A_221 = vector.shape_cast %parallel_loop3A_220 : vector<1x16xf32> to vector<16xf32>
        %parallel_loop3A_222 = arith.addf %parallel_loop3A_213, %parallel_loop3A_221 : vector<16xf32>
        %parallel_loop3A_223 = arith.constant 3 : i32
        %parallel_loop3A_224 = arith.muli %parallel_loop3A_223, %parallel_loop3A_190 : i32
        %parallel_loop3A_225 = arith.constant 0 : i32
        %parallel_loop3A_226 = arith.addi %parallel_loop3A_224, %parallel_loop3A_225 : i32
        %parallel_loop3A_227 = arith.index_cast %parallel_loop3A_226 : i32 to index
        %parallel_loop3A_228 = arith.constant 0 : index
        %parallel_loop3A_229 = tpu.vector_load %arg18[%parallel_loop3A_227, %parallel_loop3A_228] {strides = array<i32>} : memref<48x128xf32, #tpu.memory_space<vmem>>, vector<1x16xf32>,
        %parallel_loop3A_230 = vector.shape_cast %parallel_loop3A_229 : vector<1x16xf32> to vector<16xf32>
        %parallel_loop3A_231 = arith.addf %parallel_loop3A_222, %parallel_loop3A_230 : vector<16xf32>
        %parallel_loop3A_232 = arith.index_cast %parallel_loop3A_190 : i32 to index
        %parallel_loop3A_233 = arith.constant 0 : index
        %parallel_loop3A_234 = tpu.vector_load %arg13[%parallel_loop3A_232, %parallel_loop3A_233] {strides = array<i32>} : memref<16x384xf32, #tpu.memory_space<vmem>>, vector<1x16xf32>,
        %parallel_loop3A_235 = vector.shape_cast %parallel_loop3A_234 : vector<1x16xf32> to vector<16xf32>
        %parallel_loop3A_236 = vector.shape_cast %parallel_loop3A_231 : vector<16xf32> to vector<1x16xf32>
        tpu.vector_store %arg13[%parallel_loop3A_232, %parallel_loop3A_233], %parallel_loop3A_236 {strides = array<i32>} : memref<16x384xf32, #tpu.memory_space<vmem>>, vector<1x16xf32>,
        %parallel_loop3A_237 = arith.index_cast %parallel_loop3A_190 : i32 to index
        %parallel_loop3A_238 = arith.constant 16 : index
        %parallel_loop3A_239 = tpu.vector_load %arg13[%parallel_loop3A_237, %parallel_loop3A_238] {strides = array<i32>} : memref<16x384xf32, #tpu.memory_space<vmem>>, vector<1x16xf32>,
        %parallel_loop3A_240 = vector.shape_cast %parallel_loop3A_239 : vector<1x16xf32> to vector<16xf32>
        %parallel_loop3A_241 = arith.index_cast %parallel_loop3A_190 : i32 to index
        %parallel_loop3A_242 = arith.constant 16 : index
        %parallel_loop3A_243 = tpu.vector_load %arg14[%parallel_loop3A_241, %parallel_loop3A_242] {strides = array<i32>} : memref<16x384xf32, #tpu.memory_space<vmem>>, vector<1x16xf32>,
        %parallel_loop3A_244 = vector.shape_cast %parallel_loop3A_243 : vector<1x16xf32> to vector<16xf32>
        %parallel_loop3A_245 = arith.addf %parallel_loop3A_240, %parallel_loop3A_244 : vector<16xf32>
        %parallel_loop3A_246 = arith.index_cast %parallel_loop3A_190 : i32 to index
        %parallel_loop3A_247 = arith.constant 16 : index
        %parallel_loop3A_248 = tpu.vector_load %arg15[%parallel_loop3A_246, %parallel_loop3A_247] {strides = array<i32>} : memref<16x384xf32, #tpu.memory_space<vmem>>, vector<1x16xf32>,
        %parallel_loop3A_249 = vector.shape_cast %parallel_loop3A_248 : vector<1x16xf32> to vector<16xf32>
        %parallel_loop3A_250 = arith.addf %parallel_loop3A_245, %parallel_loop3A_249 : vector<16xf32>
        %parallel_loop3A_251 = arith.constant 3 : i32
        %parallel_loop3A_252 = arith.muli %parallel_loop3A_251, %parallel_loop3A_190 : i32
        %parallel_loop3A_253 = arith.constant 0 : i32
        %parallel_loop3A_254 = arith.addi %parallel_loop3A_252, %parallel_loop3A_253 : i32
        %parallel_loop3A_255 = arith.index_cast %parallel_loop3A_254 : i32 to index
        %parallel_loop3A_256 = arith.constant 16 : index
        %parallel_loop3A_257 = tpu.vector_load %arg16[%parallel_loop3A_255, %parallel_loop3A_256] {strides = array<i32>} : memref<48x128xf32, #tpu.memory_space<vmem>>, vector<1x16xf32>,
        %parallel_loop3A_258 = vector.shape_cast %parallel_loop3A_257 : vector<1x16xf32> to vector<16xf32>
        %parallel_loop3A_259 = arith.addf %parallel_loop3A_250, %parallel_loop3A_258 : vector<16xf32>
        %parallel_loop3A_260 = arith.constant 3 : i32
        %parallel_loop3A_261 = arith.muli %parallel_loop3A_260, %parallel_loop3A_190 : i32
        %parallel_loop3A_262 = arith.constant 0 : i32
        %parallel_loop3A_263 = arith.addi %parallel_loop3A_261, %parallel_loop3A_262 : i32
        %parallel_loop3A_264 = arith.index_cast %parallel_loop3A_263 : i32 to index
        %parallel_loop3A_265 = arith.constant 16 : index
        %parallel_loop3A_266 = tpu.vector_load %arg17[%parallel_loop3A_264, %parallel_loop3A_265] {strides = array<i32>} : memref<48x128xf32, #tpu.memory_space<vmem>>, vector<1x16xf32>,
        %parallel_loop3A_267 = vector.shape_cast %parallel_loop3A_266 : vector<1x16xf32> to vector<16xf32>
        %parallel_loop3A_268 = arith.addf %parallel_loop3A_259, %parallel_loop3A_267 : vector<16xf32>
        %parallel_loop3A_269 = arith.constant 3 : i32
        %parallel_loop3A_270 = arith.muli %parallel_loop3A_269, %parallel_loop3A_190 : i32
        %parallel_loop3A_271 = arith.constant 0 : i32
        %parallel_loop3A_272 = arith.addi %parallel_loop3A_270, %parallel_loop3A_271 : i32
        %parallel_loop3A_273 = arith.index_cast %parallel_loop3A_272 : i32 to index
        %parallel_loop3A_274 = arith.constant 16 : index
        %parallel_loop3A_275 = tpu.vector_load %arg18[%parallel_loop3A_273, %parallel_loop3A_274] {strides = array<i32>} : memref<48x128xf32, #tpu.memory_space<vmem>>, vector<1x16xf32>,
        %parallel_loop3A_276 = vector.shape_cast %parallel_loop3A_275 : vector<1x16xf32> to vector<16xf32>
        %parallel_loop3A_277 = arith.addf %parallel_loop3A_268, %parallel_loop3A_276 : vector<16xf32>
        %parallel_loop3A_278 = arith.index_cast %parallel_loop3A_190 : i32 to index
        %parallel_loop3A_279 = arith.constant 16 : index
        %parallel_loop3A_280 = tpu.vector_load %arg13[%parallel_loop3A_278, %parallel_loop3A_279] {strides = array<i32>} : memref<16x384xf32, #tpu.memory_space<vmem>>, vector<1x16xf32>,
        %parallel_loop3A_281 = vector.shape_cast %parallel_loop3A_280 : vector<1x16xf32> to vector<16xf32>
        %parallel_loop3A_282 = vector.shape_cast %parallel_loop3A_277 : vector<16xf32> to vector<1x16xf32>
        tpu.vector_store %arg13[%parallel_loop3A_278, %parallel_loop3A_279], %parallel_loop3A_282 {strides = array<i32>} : memref<16x384xf32, #tpu.memory_space<vmem>>, vector<1x16xf32>,
        %parallel_loop3A_283 = arith.index_cast %parallel_loop3A_190 : i32 to index
        %parallel_loop3A_284 = arith.constant 32 : index
        %parallel_loop3A_285 = tpu.vector_load %arg13[%parallel_loop3A_283, %parallel_loop3A_284] {strides = array<i32>} : memref<16x384xf32, #tpu.memory_space<vmem>>, vector<1x16xf32>,
        %parallel_loop3A_286 = vector.shape_cast %parallel_loop3A_285 : vector<1x16xf32> to vector<16xf32>
        %parallel_loop3A_287 = arith.index_cast %parallel_loop3A_190 : i32 to index
        %parallel_loop3A_288 = arith.constant 32 : index
        %parallel_loop3A_289 = tpu.vector_load %arg14[%parallel_loop3A_287, %parallel_loop3A_288] {strides = array<i32>} : memref<16x384xf32, #tpu.memory_space<vmem>>, vector<1x16xf32>,
        %parallel_loop3A_290 = vector.shape_cast %parallel_loop3A_289 : vector<1x16xf32> to vector<16xf32>
        %parallel_loop3A_291 = arith.addf %parallel_loop3A_286, %parallel_loop3A_290 : vector<16xf32>
        %parallel_loop3A_292 = arith.index_cast %parallel_loop3A_190 : i32 to index
        %parallel_loop3A_293 = arith.constant 32 : index
        %parallel_loop3A_294 = tpu.vector_load %arg15[%parallel_loop3A_292, %parallel_loop3A_293] {strides = array<i32>} : memref<16x384xf32, #tpu.memory_space<vmem>>, vector<1x16xf32>,
        %parallel_loop3A_295 = vector.shape_cast %parallel_loop3A_294 : vector<1x16xf32> to vector<16xf32>
        %parallel_loop3A_296 = arith.addf %parallel_loop3A_291, %parallel_loop3A_295 : vector<16xf32>
        %parallel_loop3A_297 = arith.constant 3 : i32
        %parallel_loop3A_298 = arith.muli %parallel_loop3A_297, %parallel_loop3A_190 : i32
        %parallel_loop3A_299 = arith.constant 0 : i32
        %parallel_loop3A_300 = arith.addi %parallel_loop3A_298, %parallel_loop3A_299 : i32
        %parallel_loop3A_301 = arith.index_cast %parallel_loop3A_300 : i32 to index
        %parallel_loop3A_302 = arith.constant 32 : index
        %parallel_loop3A_303 = tpu.vector_load %arg16[%parallel_loop3A_301, %parallel_loop3A_302] {strides = array<i32>} : memref<48x128xf32, #tpu.memory_space<vmem>>, vector<1x16xf32>,
        %parallel_loop3A_304 = vector.shape_cast %parallel_loop3A_303 : vector<1x16xf32> to vector<16xf32>
        %parallel_loop3A_305 = arith.addf %parallel_loop3A_296, %parallel_loop3A_304 : vector<16xf32>
        %parallel_loop3A_306 = arith.constant 3 : i32
        %parallel_loop3A_307 = arith.muli %parallel_loop3A_306, %parallel_loop3A_190 : i32
        %parallel_loop3A_308 = arith.constant 0 : i32
        %parallel_loop3A_309 = arith.addi %parallel_loop3A_307, %parallel_loop3A_308 : i32
        %parallel_loop3A_310 = arith.index_cast %parallel_loop3A_309 : i32 to index
        %parallel_loop3A_311 = arith.constant 32 : index
        %parallel_loop3A_312 = tpu.vector_load %arg17[%parallel_loop3A_310, %parallel_loop3A_311] {strides = array<i32>} : memref<48x128xf32, #tpu.memory_space<vmem>>, vector<1x16xf32>,
        %parallel_loop3A_313 = vector.shape_cast %parallel_loop3A_312 : vector<1x16xf32> to vector<16xf32>
        %parallel_loop3A_314 = arith.addf %parallel_loop3A_305, %parallel_loop3A_313 : vector<16xf32>
        %parallel_loop3A_315 = arith.constant 3 : i32
        %parallel_loop3A_316 = arith.muli %parallel_loop3A_315, %parallel_loop3A_190 : i32
        %parallel_loop3A_317 = arith.constant 0 : i32
        %parallel_loop3A_318 = arith.addi %parallel_loop3A_316, %parallel_loop3A_317 : i32
        %parallel_loop3A_319 = arith.index_cast %parallel_loop3A_318 : i32 to index
        %parallel_loop3A_320 = arith.constant 32 : index
        %parallel_loop3A_321 = tpu.vector_load %arg18[%parallel_loop3A_319, %parallel_loop3A_320] {strides = array<i32>} : memref<48x128xf32, #tpu.memory_space<vmem>>, vector<1x16xf32>,
        %parallel_loop3A_322 = vector.shape_cast %parallel_loop3A_321 : vector<1x16xf32> to vector<16xf32>
        %parallel_loop3A_323 = arith.addf %parallel_loop3A_314, %parallel_loop3A_322 : vector<16xf32>
        %parallel_loop3A_324 = arith.index_cast %parallel_loop3A_190 : i32 to index
        %parallel_loop3A_325 = arith.constant 32 : index
        %parallel_loop3A_326 = tpu.vector_load %arg13[%parallel_loop3A_324, %parallel_loop3A_325] {strides = array<i32>} : memref<16x384xf32, #tpu.memory_space<vmem>>, vector<1x16xf32>,
        %parallel_loop3A_327 = vector.shape_cast %parallel_loop3A_326 : vector<1x16xf32> to vector<16xf32>
        %parallel_loop3A_328 = vector.shape_cast %parallel_loop3A_323 : vector<16xf32> to vector<1x16xf32>
        tpu.vector_store %arg13[%parallel_loop3A_324, %parallel_loop3A_325], %parallel_loop3A_328 {strides = array<i32>} : memref<16x384xf32, #tpu.memory_space<vmem>>, vector<1x16xf32>,
        %parallel_loop3A_329 = arith.index_cast %parallel_loop3A_190 : i32 to index
        %parallel_loop3A_330 = arith.constant 48 : index
        %parallel_loop3A_331 = tpu.vector_load %arg13[%parallel_loop3A_329, %parallel_loop3A_330] {strides = array<i32>} : memref<16x384xf32, #tpu.memory_space<vmem>>, vector<1x16xf32>,
        %parallel_loop3A_332 = vector.shape_cast %parallel_loop3A_331 : vector<1x16xf32> to vector<16xf32>
        %parallel_loop3A_333 = arith.index_cast %parallel_loop3A_190 : i32 to index
        %parallel_loop3A_334 = arith.constant 48 : index
        %parallel_loop3A_335 = tpu.vector_load %arg14[%parallel_loop3A_333, %parallel_loop3A_334] {strides = array<i32>} : memref<16x384xf32, #tpu.memory_space<vmem>>, vector<1x16xf32>,
        %parallel_loop3A_336 = vector.shape_cast %parallel_loop3A_335 : vector<1x16xf32> to vector<16xf32>
        %parallel_loop3A_337 = arith.addf %parallel_loop3A_332, %parallel_loop3A_336 : vector<16xf32>
        %parallel_loop3A_338 = arith.index_cast %parallel_loop3A_190 : i32 to index
        %parallel_loop3A_339 = arith.constant 48 : index
        %parallel_loop3A_340 = tpu.vector_load %arg15[%parallel_loop3A_338, %parallel_loop3A_339] {strides = array<i32>} : memref<16x384xf32, #tpu.memory_space<vmem>>, vector<1x16xf32>,
        %parallel_loop3A_341 = vector.shape_cast %parallel_loop3A_340 : vector<1x16xf32> to vector<16xf32>
        %parallel_loop3A_342 = arith.addf %parallel_loop3A_337, %parallel_loop3A_341 : vector<16xf32>
        %parallel_loop3A_343 = arith.constant 3 : i32
        %parallel_loop3A_344 = arith.muli %parallel_loop3A_343, %parallel_loop3A_190 : i32
        %parallel_loop3A_345 = arith.constant 0 : i32
        %parallel_loop3A_346 = arith.addi %parallel_loop3A_344, %parallel_loop3A_345 : i32
        %parallel_loop3A_347 = arith.index_cast %parallel_loop3A_346 : i32 to index
        %parallel_loop3A_348 = arith.constant 48 : index
        %parallel_loop3A_349 = tpu.vector_load %arg16[%parallel_loop3A_347, %parallel_loop3A_348] {strides = array<i32>} : memref<48x128xf32, #tpu.memory_space<vmem>>, vector<1x16xf32>,
        %parallel_loop3A_350 = vector.shape_cast %parallel_loop3A_349 : vector<1x16xf32> to vector<16xf32>
        %parallel_loop3A_351 = arith.addf %parallel_loop3A_342, %parallel_loop3A_350 : vector<16xf32>
        %parallel_loop3A_352 = arith.constant 3 : i32
        %parallel_loop3A_353 = arith.muli %parallel_loop3A_352, %parallel_loop3A_190 : i32
        %parallel_loop3A_354 = arith.constant 0 : i32
        %parallel_loop3A_355 = arith.addi %parallel_loop3A_353, %parallel_loop3A_354 : i32
        %parallel_loop3A_356 = arith.index_cast %parallel_loop3A_355 : i32 to index
        %parallel_loop3A_357 = arith.constant 48 : index
        %parallel_loop3A_358 = tpu.vector_load %arg17[%parallel_loop3A_356, %parallel_loop3A_357] {strides = array<i32>} : memref<48x128xf32, #tpu.memory_space<vmem>>, vector<1x16xf32>,
        %parallel_loop3A_359 = vector.shape_cast %parallel_loop3A_358 : vector<1x16xf32> to vector<16xf32>
        %parallel_loop3A_360 = arith.addf %parallel_loop3A_351, %parallel_loop3A_359 : vector<16xf32>
        %parallel_loop3A_361 = arith.constant 3 : i32
        %parallel_loop3A_362 = arith.muli %parallel_loop3A_361, %parallel_loop3A_190 : i32
        %parallel_loop3A_363 = arith.constant 0 : i32
        %parallel_loop3A_364 = arith.addi %parallel_loop3A_362, %parallel_loop3A_363 : i32
        %parallel_loop3A_365 = arith.index_cast %parallel_loop3A_364 : i32 to index
        %parallel_loop3A_366 = arith.constant 48 : index
        %parallel_loop3A_367 = tpu.vector_load %arg18[%parallel_loop3A_365, %parallel_loop3A_366] {strides = array<i32>} : memref<48x128xf32, #tpu.memory_space<vmem>>, vector<1x16xf32>,
        %parallel_loop3A_368 = vector.shape_cast %parallel_loop3A_367 : vector<1x16xf32> to vector<16xf32>
        %parallel_loop3A_369 = arith.addf %parallel_loop3A_360, %parallel_loop3A_368 : vector<16xf32>
        %parallel_loop3A_370 = arith.index_cast %parallel_loop3A_190 : i32 to index
        %parallel_loop3A_371 = arith.constant 48 : index
        %parallel_loop3A_372 = tpu.vector_load %arg13[%parallel_loop3A_370, %parallel_loop3A_371] {strides = array<i32>} : memref<16x384xf32, #tpu.memory_space<vmem>>, vector<1x16xf32>,
        %parallel_loop3A_373 = vector.shape_cast %parallel_loop3A_372 : vector<1x16xf32> to vector<16xf32>
        %parallel_loop3A_374 = vector.shape_cast %parallel_loop3A_369 : vector<16xf32> to vector<1x16xf32>
        tpu.vector_store %arg13[%parallel_loop3A_370, %parallel_loop3A_371], %parallel_loop3A_374 {strides = array<i32>} : memref<16x384xf32, #tpu.memory_space<vmem>>, vector<1x16xf32>,
        %parallel_loop3A_375 = arith.index_cast %parallel_loop3A_190 : i32 to index
        %parallel_loop3A_376 = arith.constant 64 : index
        %parallel_loop3A_377 = tpu.vector_load %arg13[%parallel_loop3A_375, %parallel_loop3A_376] {strides = array<i32>} : memref<16x384xf32, #tpu.memory_space<vmem>>, vector<1x16xf32>,
        %parallel_loop3A_378 = vector.shape_cast %parallel_loop3A_377 : vector<1x16xf32> to vector<16xf32>
        %parallel_loop3A_379 = arith.index_cast %parallel_loop3A_190 : i32 to index
        %parallel_loop3A_380 = arith.constant 64 : index
        %parallel_loop3A_381 = tpu.vector_load %arg14[%parallel_loop3A_379, %parallel_loop3A_380] {strides = array<i32>} : memref<16x384xf32, #tpu.memory_space<vmem>>, vector<1x16xf32>,
        %parallel_loop3A_382 = vector.shape_cast %parallel_loop3A_381 : vector<1x16xf32> to vector<16xf32>
        %parallel_loop3A_383 = arith.addf %parallel_loop3A_378, %parallel_loop3A_382 : vector<16xf32>
        %parallel_loop3A_384 = arith.index_cast %parallel_loop3A_190 : i32 to index
        %parallel_loop3A_385 = arith.constant 64 : index
        %parallel_loop3A_386 = tpu.vector_load %arg15[%parallel_loop3A_384, %parallel_loop3A_385] {strides = array<i32>} : memref<16x384xf32, #tpu.memory_space<vmem>>, vector<1x16xf32>,
        %parallel_loop3A_387 = vector.shape_cast %parallel_loop3A_386 : vector<1x16xf32> to vector<16xf32>
        %parallel_loop3A_388 = arith.addf %parallel_loop3A_383, %parallel_loop3A_387 : vector<16xf32>
        %parallel_loop3A_389 = arith.constant 3 : i32
        %parallel_loop3A_390 = arith.muli %parallel_loop3A_389, %parallel_loop3A_190 : i32
        %parallel_loop3A_391 = arith.constant 0 : i32
        %parallel_loop3A_392 = arith.addi %parallel_loop3A_390, %parallel_loop3A_391 : i32
        %parallel_loop3A_393 = arith.index_cast %parallel_loop3A_392 : i32 to index
        %parallel_loop3A_394 = arith.constant 64 : index
        %parallel_loop3A_395 = tpu.vector_load %arg16[%parallel_loop3A_393, %parallel_loop3A_394] {strides = array<i32>} : memref<48x128xf32, #tpu.memory_space<vmem>>, vector<1x16xf32>,
        %parallel_loop3A_396 = vector.shape_cast %parallel_loop3A_395 : vector<1x16xf32> to vector<16xf32>
        %parallel_loop3A_397 = arith.addf %parallel_loop3A_388, %parallel_loop3A_396 : vector<16xf32>
        %parallel_loop3A_398 = arith.constant 3 : i32
        %parallel_loop3A_399 = arith.muli %parallel_loop3A_398, %parallel_loop3A_190 : i32
        %parallel_loop3A_400 = arith.constant 0 : i32
        %parallel_loop3A_401 = arith.addi %parallel_loop3A_399, %parallel_loop3A_400 : i32
        %parallel_loop3A_402 = arith.index_cast %parallel_loop3A_401 : i32 to index
        %parallel_loop3A_403 = arith.constant 64 : index
        %parallel_loop3A_404 = tpu.vector_load %arg17[%parallel_loop3A_402, %parallel_loop3A_403] {strides = array<i32>} : memref<48x128xf32, #tpu.memory_space<vmem>>, vector<1x16xf32>,
        %parallel_loop3A_405 = vector.shape_cast %parallel_loop3A_404 : vector<1x16xf32> to vector<16xf32>
        %parallel_loop3A_406 = arith.addf %parallel_loop3A_397, %parallel_loop3A_405 : vector<16xf32>
        %parallel_loop3A_407 = arith.constant 3 : i32
        %parallel_loop3A_408 = arith.muli %parallel_loop3A_407, %parallel_loop3A_190 : i32
        %parallel_loop3A_409 = arith.constant 0 : i32
        %parallel_loop3A_410 = arith.addi %parallel_loop3A_408, %parallel_loop3A_409 : i32
        %parallel_loop3A_411 = arith.index_cast %parallel_loop3A_410 : i32 to index
        %parallel_loop3A_412 = arith.constant 64 : index
        %parallel_loop3A_413 = tpu.vector_load %arg18[%parallel_loop3A_411, %parallel_loop3A_412] {strides = array<i32>} : memref<48x128xf32, #tpu.memory_space<vmem>>, vector<1x16xf32>,
        %parallel_loop3A_414 = vector.shape_cast %parallel_loop3A_413 : vector<1x16xf32> to vector<16xf32>
        %parallel_loop3A_415 = arith.addf %parallel_loop3A_406, %parallel_loop3A_414 : vector<16xf32>
        %parallel_loop3A_416 = arith.index_cast %parallel_loop3A_190 : i32 to index
        %parallel_loop3A_417 = arith.constant 64 : index
        %parallel_loop3A_418 = tpu.vector_load %arg13[%parallel_loop3A_416, %parallel_loop3A_417] {strides = array<i32>} : memref<16x384xf32, #tpu.memory_space<vmem>>, vector<1x16xf32>,
        %parallel_loop3A_419 = vector.shape_cast %parallel_loop3A_418 : vector<1x16xf32> to vector<16xf32>
        %parallel_loop3A_420 = vector.shape_cast %parallel_loop3A_415 : vector<16xf32> to vector<1x16xf32>
        tpu.vector_store %arg13[%parallel_loop3A_416, %parallel_loop3A_417], %parallel_loop3A_420 {strides = array<i32>} : memref<16x384xf32, #tpu.memory_space<vmem>>, vector<1x16xf32>,
        %parallel_loop3A_421 = arith.index_cast %parallel_loop3A_190 : i32 to index
        %parallel_loop3A_422 = arith.constant 80 : index
        %parallel_loop3A_423 = tpu.vector_load %arg13[%parallel_loop3A_421, %parallel_loop3A_422] {strides = array<i32>} : memref<16x384xf32, #tpu.memory_space<vmem>>, vector<1x16xf32>,
        %parallel_loop3A_424 = vector.shape_cast %parallel_loop3A_423 : vector<1x16xf32> to vector<16xf32>
        %parallel_loop3A_425 = arith.index_cast %parallel_loop3A_190 : i32 to index
        %parallel_loop3A_426 = arith.constant 80 : index
        %parallel_loop3A_427 = tpu.vector_load %arg14[%parallel_loop3A_425, %parallel_loop3A_426] {strides = array<i32>} : memref<16x384xf32, #tpu.memory_space<vmem>>, vector<1x16xf32>,
        %parallel_loop3A_428 = vector.shape_cast %parallel_loop3A_427 : vector<1x16xf32> to vector<16xf32>
        %parallel_loop3A_429 = arith.addf %parallel_loop3A_424, %parallel_loop3A_428 : vector<16xf32>
        %parallel_loop3A_430 = arith.index_cast %parallel_loop3A_190 : i32 to index
        %parallel_loop3A_431 = arith.constant 80 : index
        %parallel_loop3A_432 = tpu.vector_load %arg15[%parallel_loop3A_430, %parallel_loop3A_431] {strides = array<i32>} : memref<16x384xf32, #tpu.memory_space<vmem>>, vector<1x16xf32>,
        %parallel_loop3A_433 = vector.shape_cast %parallel_loop3A_432 : vector<1x16xf32> to vector<16xf32>
        %parallel_loop3A_434 = arith.addf %parallel_loop3A_429, %parallel_loop3A_433 : vector<16xf32>
        %parallel_loop3A_435 = arith.constant 3 : i32
        %parallel_loop3A_436 = arith.muli %parallel_loop3A_435, %parallel_loop3A_190 : i32
        %parallel_loop3A_437 = arith.constant 0 : i32
        %parallel_loop3A_438 = arith.addi %parallel_loop3A_436, %parallel_loop3A_437 : i32
        %parallel_loop3A_439 = arith.index_cast %parallel_loop3A_438 : i32 to index
        %parallel_loop3A_440 = arith.constant 80 : index
        %parallel_loop3A_441 = tpu.vector_load %arg16[%parallel_loop3A_439, %parallel_loop3A_440] {strides = array<i32>} : memref<48x128xf32, #tpu.memory_space<vmem>>, vector<1x16xf32>,
        %parallel_loop3A_442 = vector.shape_cast %parallel_loop3A_441 : vector<1x16xf32> to vector<16xf32>
        %parallel_loop3A_443 = arith.addf %parallel_loop3A_434, %parallel_loop3A_442 : vector<16xf32>
        %parallel_loop3A_444 = arith.constant 3 : i32
        %parallel_loop3A_445 = arith.muli %parallel_loop3A_444, %parallel_loop3A_190 : i32
        %parallel_loop3A_446 = arith.constant 0 : i32
        %parallel_loop3A_447 = arith.addi %parallel_loop3A_445, %parallel_loop3A_446 : i32
        %parallel_loop3A_448 = arith.index_cast %parallel_loop3A_447 : i32 to index
        %parallel_loop3A_449 = arith.constant 80 : index
        %parallel_loop3A_450 = tpu.vector_load %arg17[%parallel_loop3A_448, %parallel_loop3A_449] {strides = array<i32>} : memref<48x128xf32, #tpu.memory_space<vmem>>, vector<1x16xf32>,
        %parallel_loop3A_451 = vector.shape_cast %parallel_loop3A_450 : vector<1x16xf32> to vector<16xf32>
        %parallel_loop3A_452 = arith.addf %parallel_loop3A_443, %parallel_loop3A_451 : vector<16xf32>
        %parallel_loop3A_453 = arith.constant 3 : i32
        %parallel_loop3A_454 = arith.muli %parallel_loop3A_453, %parallel_loop3A_190 : i32
        %parallel_loop3A_455 = arith.constant 0 : i32
        %parallel_loop3A_456 = arith.addi %parallel_loop3A_454, %parallel_loop3A_455 : i32
        %parallel_loop3A_457 = arith.index_cast %parallel_loop3A_456 : i32 to index
        %parallel_loop3A_458 = arith.constant 80 : index
        %parallel_loop3A_459 = tpu.vector_load %arg18[%parallel_loop3A_457, %parallel_loop3A_458] {strides = array<i32>} : memref<48x128xf32, #tpu.memory_space<vmem>>, vector<1x16xf32>,
        %parallel_loop3A_460 = vector.shape_cast %parallel_loop3A_459 : vector<1x16xf32> to vector<16xf32>
        %parallel_loop3A_461 = arith.addf %parallel_loop3A_452, %parallel_loop3A_460 : vector<16xf32>
        %parallel_loop3A_462 = arith.index_cast %parallel_loop3A_190 : i32 to index
        %parallel_loop3A_463 = arith.constant 80 : index
        %parallel_loop3A_464 = tpu.vector_load %arg13[%parallel_loop3A_462, %parallel_loop3A_463] {strides = array<i32>} : memref<16x384xf32, #tpu.memory_space<vmem>>, vector<1x16xf32>,
        %parallel_loop3A_465 = vector.shape_cast %parallel_loop3A_464 : vector<1x16xf32> to vector<16xf32>
        %parallel_loop3A_466 = vector.shape_cast %parallel_loop3A_461 : vector<16xf32> to vector<1x16xf32>
        tpu.vector_store %arg13[%parallel_loop3A_462, %parallel_loop3A_463], %parallel_loop3A_466 {strides = array<i32>} : memref<16x384xf32, #tpu.memory_space<vmem>>, vector<1x16xf32>,
        %parallel_loop3A_467 = arith.index_cast %parallel_loop3A_190 : i32 to index
        %parallel_loop3A_468 = arith.constant 96 : index
        %parallel_loop3A_469 = tpu.vector_load %arg13[%parallel_loop3A_467, %parallel_loop3A_468] {strides = array<i32>} : memref<16x384xf32, #tpu.memory_space<vmem>>, vector<1x16xf32>,
        %parallel_loop3A_470 = vector.shape_cast %parallel_loop3A_469 : vector<1x16xf32> to vector<16xf32>
        %parallel_loop3A_471 = arith.index_cast %parallel_loop3A_190 : i32 to index
        %parallel_loop3A_472 = arith.constant 96 : index
        %parallel_loop3A_473 = tpu.vector_load %arg14[%parallel_loop3A_471, %parallel_loop3A_472] {strides = array<i32>} : memref<16x384xf32, #tpu.memory_space<vmem>>, vector<1x16xf32>,
        %parallel_loop3A_474 = vector.shape_cast %parallel_loop3A_473 : vector<1x16xf32> to vector<16xf32>
        %parallel_loop3A_475 = arith.addf %parallel_loop3A_470, %parallel_loop3A_474 : vector<16xf32>
        %parallel_loop3A_476 = arith.index_cast %parallel_loop3A_190 : i32 to index
        %parallel_loop3A_477 = arith.constant 96 : index
        %parallel_loop3A_478 = tpu.vector_load %arg15[%parallel_loop3A_476, %parallel_loop3A_477] {strides = array<i32>} : memref<16x384xf32, #tpu.memory_space<vmem>>, vector<1x16xf32>,
        %parallel_loop3A_479 = vector.shape_cast %parallel_loop3A_478 : vector<1x16xf32> to vector<16xf32>
        %parallel_loop3A_480 = arith.addf %parallel_loop3A_475, %parallel_loop3A_479 : vector<16xf32>
        %parallel_loop3A_481 = arith.constant 3 : i32
        %parallel_loop3A_482 = arith.muli %parallel_loop3A_481, %parallel_loop3A_190 : i32
        %parallel_loop3A_483 = arith.constant 0 : i32
        %parallel_loop3A_484 = arith.addi %parallel_loop3A_482, %parallel_loop3A_483 : i32
        %parallel_loop3A_485 = arith.index_cast %parallel_loop3A_484 : i32 to index
        %parallel_loop3A_486 = arith.constant 96 : index
        %parallel_loop3A_487 = tpu.vector_load %arg16[%parallel_loop3A_485, %parallel_loop3A_486] {strides = array<i32>} : memref<48x128xf32, #tpu.memory_space<vmem>>, vector<1x16xf32>,
        %parallel_loop3A_488 = vector.shape_cast %parallel_loop3A_487 : vector<1x16xf32> to vector<16xf32>
        %parallel_loop3A_489 = arith.addf %parallel_loop3A_480, %parallel_loop3A_488 : vector<16xf32>
        %parallel_loop3A_490 = arith.constant 3 : i32
        %parallel_loop3A_491 = arith.muli %parallel_loop3A_490, %parallel_loop3A_190 : i32
        %parallel_loop3A_492 = arith.constant 0 : i32
        %parallel_loop3A_493 = arith.addi %parallel_loop3A_491, %parallel_loop3A_492 : i32
        %parallel_loop3A_494 = arith.index_cast %parallel_loop3A_493 : i32 to index
        %parallel_loop3A_495 = arith.constant 96 : index
        %parallel_loop3A_496 = tpu.vector_load %arg17[%parallel_loop3A_494, %parallel_loop3A_495] {strides = array<i32>} : memref<48x128xf32, #tpu.memory_space<vmem>>, vector<1x16xf32>,
        %parallel_loop3A_497 = vector.shape_cast %parallel_loop3A_496 : vector<1x16xf32> to vector<16xf32>
        %parallel_loop3A_498 = arith.addf %parallel_loop3A_489, %parallel_loop3A_497 : vector<16xf32>
        %parallel_loop3A_499 = arith.constant 3 : i32
        %parallel_loop3A_500 = arith.muli %parallel_loop3A_499, %parallel_loop3A_190 : i32
        %parallel_loop3A_501 = arith.constant 0 : i32
        %parallel_loop3A_502 = arith.addi %parallel_loop3A_500, %parallel_loop3A_501 : i32
        %parallel_loop3A_503 = arith.index_cast %parallel_loop3A_502 : i32 to index
        %parallel_loop3A_504 = arith.constant 96 : index
        %parallel_loop3A_505 = tpu.vector_load %arg18[%parallel_loop3A_503, %parallel_loop3A_504] {strides = array<i32>} : memref<48x128xf32, #tpu.memory_space<vmem>>, vector<1x16xf32>,
        %parallel_loop3A_506 = vector.shape_cast %parallel_loop3A_505 : vector<1x16xf32> to vector<16xf32>
        %parallel_loop3A_507 = arith.addf %parallel_loop3A_498, %parallel_loop3A_506 : vector<16xf32>
        %parallel_loop3A_508 = arith.index_cast %parallel_loop3A_190 : i32 to index
        %parallel_loop3A_509 = arith.constant 96 : index
        %parallel_loop3A_510 = tpu.vector_load %arg13[%parallel_loop3A_508, %parallel_loop3A_509] {strides = array<i32>} : memref<16x384xf32, #tpu.memory_space<vmem>>, vector<1x16xf32>,
        %parallel_loop3A_511 = vector.shape_cast %parallel_loop3A_510 : vector<1x16xf32> to vector<16xf32>
        %parallel_loop3A_512 = vector.shape_cast %parallel_loop3A_507 : vector<16xf32> to vector<1x16xf32>
        tpu.vector_store %arg13[%parallel_loop3A_508, %parallel_loop3A_509], %parallel_loop3A_512 {strides = array<i32>} : memref<16x384xf32, #tpu.memory_space<vmem>>, vector<1x16xf32>,
        %parallel_loop3A_513 = arith.index_cast %parallel_loop3A_190 : i32 to index
        %parallel_loop3A_514 = arith.constant 112 : index
        %parallel_loop3A_515 = tpu.vector_load %arg13[%parallel_loop3A_513, %parallel_loop3A_514] {strides = array<i32>} : memref<16x384xf32, #tpu.memory_space<vmem>>, vector<1x16xf32>,
        %parallel_loop3A_516 = vector.shape_cast %parallel_loop3A_515 : vector<1x16xf32> to vector<16xf32>
        %parallel_loop3A_517 = arith.index_cast %parallel_loop3A_190 : i32 to index
        %parallel_loop3A_518 = arith.constant 112 : index
        %parallel_loop3A_519 = tpu.vector_load %arg14[%parallel_loop3A_517, %parallel_loop3A_518] {strides = array<i32>} : memref<16x384xf32, #tpu.memory_space<vmem>>, vector<1x16xf32>,
        %parallel_loop3A_520 = vector.shape_cast %parallel_loop3A_519 : vector<1x16xf32> to vector<16xf32>
        %parallel_loop3A_521 = arith.addf %parallel_loop3A_516, %parallel_loop3A_520 : vector<16xf32>
        %parallel_loop3A_522 = arith.index_cast %parallel_loop3A_190 : i32 to index
        %parallel_loop3A_523 = arith.constant 112 : index
        %parallel_loop3A_524 = tpu.vector_load %arg15[%parallel_loop3A_522, %parallel_loop3A_523] {strides = array<i32>} : memref<16x384xf32, #tpu.memory_space<vmem>>, vector<1x16xf32>,
        %parallel_loop3A_525 = vector.shape_cast %parallel_loop3A_524 : vector<1x16xf32> to vector<16xf32>
        %parallel_loop3A_526 = arith.addf %parallel_loop3A_521, %parallel_loop3A_525 : vector<16xf32>
        %parallel_loop3A_527 = arith.constant 3 : i32
        %parallel_loop3A_528 = arith.muli %parallel_loop3A_527, %parallel_loop3A_190 : i32
        %parallel_loop3A_529 = arith.constant 0 : i32
        %parallel_loop3A_530 = arith.addi %parallel_loop3A_528, %parallel_loop3A_529 : i32
        %parallel_loop3A_531 = arith.index_cast %parallel_loop3A_530 : i32 to index
        %parallel_loop3A_532 = arith.constant 112 : index
        %parallel_loop3A_533 = tpu.vector_load %arg16[%parallel_loop3A_531, %parallel_loop3A_532] {strides = array<i32>} : memref<48x128xf32, #tpu.memory_space<vmem>>, vector<1x16xf32>,
        %parallel_loop3A_534 = vector.shape_cast %parallel_loop3A_533 : vector<1x16xf32> to vector<16xf32>
        %parallel_loop3A_535 = arith.addf %parallel_loop3A_526, %parallel_loop3A_534 : vector<16xf32>
        %parallel_loop3A_536 = arith.constant 3 : i32
        %parallel_loop3A_537 = arith.muli %parallel_loop3A_536, %parallel_loop3A_190 : i32
        %parallel_loop3A_538 = arith.constant 0 : i32
        %parallel_loop3A_539 = arith.addi %parallel_loop3A_537, %parallel_loop3A_538 : i32
        %parallel_loop3A_540 = arith.index_cast %parallel_loop3A_539 : i32 to index
        %parallel_loop3A_541 = arith.constant 112 : index
        %parallel_loop3A_542 = tpu.vector_load %arg17[%parallel_loop3A_540, %parallel_loop3A_541] {strides = array<i32>} : memref<48x128xf32, #tpu.memory_space<vmem>>, vector<1x16xf32>,
        %parallel_loop3A_543 = vector.shape_cast %parallel_loop3A_542 : vector<1x16xf32> to vector<16xf32>
        %parallel_loop3A_544 = arith.addf %parallel_loop3A_535, %parallel_loop3A_543 : vector<16xf32>
        %parallel_loop3A_545 = arith.constant 3 : i32
        %parallel_loop3A_546 = arith.muli %parallel_loop3A_545, %parallel_loop3A_190 : i32
        %parallel_loop3A_547 = arith.constant 0 : i32
        %parallel_loop3A_548 = arith.addi %parallel_loop3A_546, %parallel_loop3A_547 : i32
        %parallel_loop3A_549 = arith.index_cast %parallel_loop3A_548 : i32 to index
        %parallel_loop3A_550 = arith.constant 112 : index
        %parallel_loop3A_551 = tpu.vector_load %arg18[%parallel_loop3A_549, %parallel_loop3A_550] {strides = array<i32>} : memref<48x128xf32, #tpu.memory_space<vmem>>, vector<1x16xf32>,
        %parallel_loop3A_552 = vector.shape_cast %parallel_loop3A_551 : vector<1x16xf32> to vector<16xf32>
        %parallel_loop3A_553 = arith.addf %parallel_loop3A_544, %parallel_loop3A_552 : vector<16xf32>
        %parallel_loop3A_554 = arith.index_cast %parallel_loop3A_190 : i32 to index
        %parallel_loop3A_555 = arith.constant 112 : index
        %parallel_loop3A_556 = tpu.vector_load %arg13[%parallel_loop3A_554, %parallel_loop3A_555] {strides = array<i32>} : memref<16x384xf32, #tpu.memory_space<vmem>>, vector<1x16xf32>,
        %parallel_loop3A_557 = vector.shape_cast %parallel_loop3A_556 : vector<1x16xf32> to vector<16xf32>
        %parallel_loop3A_558 = vector.shape_cast %parallel_loop3A_553 : vector<16xf32> to vector<1x16xf32>
        tpu.vector_store %arg13[%parallel_loop3A_554, %parallel_loop3A_555], %parallel_loop3A_558 {strides = array<i32>} : memref<16x384xf32, #tpu.memory_space<vmem>>, vector<1x16xf32>,
        %parallel_loop3A_559 = arith.index_cast %parallel_loop3A_190 : i32 to index
        %parallel_loop3A_560 = arith.constant 128 : index
        %parallel_loop3A_561 = tpu.vector_load %arg13[%parallel_loop3A_559, %parallel_loop3A_560] {strides = array<i32>} : memref<16x384xf32, #tpu.memory_space<vmem>>, vector<1x16xf32>,
        %parallel_loop3A_562 = vector.shape_cast %parallel_loop3A_561 : vector<1x16xf32> to vector<16xf32>
        %parallel_loop3A_563 = arith.index_cast %parallel_loop3A_190 : i32 to index
        %parallel_loop3A_564 = arith.constant 128 : index
        %parallel_loop3A_565 = tpu.vector_load %arg14[%parallel_loop3A_563, %parallel_loop3A_564] {strides = array<i32>} : memref<16x384xf32, #tpu.memory_space<vmem>>, vector<1x16xf32>,
        %parallel_loop3A_566 = vector.shape_cast %parallel_loop3A_565 : vector<1x16xf32> to vector<16xf32>
        %parallel_loop3A_567 = arith.addf %parallel_loop3A_562, %parallel_loop3A_566 : vector<16xf32>
        %parallel_loop3A_568 = arith.index_cast %parallel_loop3A_190 : i32 to index
        %parallel_loop3A_569 = arith.constant 128 : index
        %parallel_loop3A_570 = tpu.vector_load %arg15[%parallel_loop3A_568, %parallel_loop3A_569] {strides = array<i32>} : memref<16x384xf32, #tpu.memory_space<vmem>>, vector<1x16xf32>,
        %parallel_loop3A_571 = vector.shape_cast %parallel_loop3A_570 : vector<1x16xf32> to vector<16xf32>
        %parallel_loop3A_572 = arith.addf %parallel_loop3A_567, %parallel_loop3A_571 : vector<16xf32>
        %parallel_loop3A_573 = arith.constant 3 : i32
        %parallel_loop3A_574 = arith.muli %parallel_loop3A_573, %parallel_loop3A_190 : i32
        %parallel_loop3A_575 = arith.constant 1 : i32
        %parallel_loop3A_576 = arith.addi %parallel_loop3A_574, %parallel_loop3A_575 : i32
        %parallel_loop3A_577 = arith.index_cast %parallel_loop3A_576 : i32 to index
        %parallel_loop3A_578 = arith.constant 0 : index
        %parallel_loop3A_579 = tpu.vector_load %arg16[%parallel_loop3A_577, %parallel_loop3A_578] {strides = array<i32>} : memref<48x128xf32, #tpu.memory_space<vmem>>, vector<1x16xf32>,
        %parallel_loop3A_580 = vector.shape_cast %parallel_loop3A_579 : vector<1x16xf32> to vector<16xf32>
        %parallel_loop3A_581 = arith.addf %parallel_loop3A_572, %parallel_loop3A_580 : vector<16xf32>
        %parallel_loop3A_582 = arith.constant 3 : i32
        %parallel_loop3A_583 = arith.muli %parallel_loop3A_582, %parallel_loop3A_190 : i32
        %parallel_loop3A_584 = arith.constant 1 : i32
        %parallel_loop3A_585 = arith.addi %parallel_loop3A_583, %parallel_loop3A_584 : i32
        %parallel_loop3A_586 = arith.index_cast %parallel_loop3A_585 : i32 to index
        %parallel_loop3A_587 = arith.constant 0 : index
        %parallel_loop3A_588 = tpu.vector_load %arg17[%parallel_loop3A_586, %parallel_loop3A_587] {strides = array<i32>} : memref<48x128xf32, #tpu.memory_space<vmem>>, vector<1x16xf32>,
        %parallel_loop3A_589 = vector.shape_cast %parallel_loop3A_588 : vector<1x16xf32> to vector<16xf32>
        %parallel_loop3A_590 = arith.addf %parallel_loop3A_581, %parallel_loop3A_589 : vector<16xf32>
        %parallel_loop3A_591 = arith.constant 3 : i32
        %parallel_loop3A_592 = arith.muli %parallel_loop3A_591, %parallel_loop3A_190 : i32
        %parallel_loop3A_593 = arith.constant 1 : i32
        %parallel_loop3A_594 = arith.addi %parallel_loop3A_592, %parallel_loop3A_593 : i32
        %parallel_loop3A_595 = arith.index_cast %parallel_loop3A_594 : i32 to index
        %parallel_loop3A_596 = arith.constant 0 : index
        %parallel_loop3A_597 = tpu.vector_load %arg18[%parallel_loop3A_595, %parallel_loop3A_596] {strides = array<i32>} : memref<48x128xf32, #tpu.memory_space<vmem>>, vector<1x16xf32>,
        %parallel_loop3A_598 = vector.shape_cast %parallel_loop3A_597 : vector<1x16xf32> to vector<16xf32>
        %parallel_loop3A_599 = arith.addf %parallel_loop3A_590, %parallel_loop3A_598 : vector<16xf32>
        %parallel_loop3A_600 = arith.index_cast %parallel_loop3A_190 : i32 to index
        %parallel_loop3A_601 = arith.constant 128 : index
        %parallel_loop3A_602 = tpu.vector_load %arg13[%parallel_loop3A_600, %parallel_loop3A_601] {strides = array<i32>} : memref<16x384xf32, #tpu.memory_space<vmem>>, vector<1x16xf32>,
        %parallel_loop3A_603 = vector.shape_cast %parallel_loop3A_602 : vector<1x16xf32> to vector<16xf32>
        %parallel_loop3A_604 = vector.shape_cast %parallel_loop3A_599 : vector<16xf32> to vector<1x16xf32>
        tpu.vector_store %arg13[%parallel_loop3A_600, %parallel_loop3A_601], %parallel_loop3A_604 {strides = array<i32>} : memref<16x384xf32, #tpu.memory_space<vmem>>, vector<1x16xf32>,
        %parallel_loop3A_605 = arith.index_cast %parallel_loop3A_190 : i32 to index
        %parallel_loop3A_606 = arith.constant 144 : index
        %parallel_loop3A_607 = tpu.vector_load %arg13[%parallel_loop3A_605, %parallel_loop3A_606] {strides = array<i32>} : memref<16x384xf32, #tpu.memory_space<vmem>>, vector<1x16xf32>,
        %parallel_loop3A_608 = vector.shape_cast %parallel_loop3A_607 : vector<1x16xf32> to vector<16xf32>
        %parallel_loop3A_609 = arith.index_cast %parallel_loop3A_190 : i32 to index
        %parallel_loop3A_610 = arith.constant 144 : index
        %parallel_loop3A_611 = tpu.vector_load %arg14[%parallel_loop3A_609, %parallel_loop3A_610] {strides = array<i32>} : memref<16x384xf32, #tpu.memory_space<vmem>>, vector<1x16xf32>,
        %parallel_loop3A_612 = vector.shape_cast %parallel_loop3A_611 : vector<1x16xf32> to vector<16xf32>
        %parallel_loop3A_613 = arith.addf %parallel_loop3A_608, %parallel_loop3A_612 : vector<16xf32>
        %parallel_loop3A_614 = arith.index_cast %parallel_loop3A_190 : i32 to index
        %parallel_loop3A_615 = arith.constant 144 : index
        %parallel_loop3A_616 = tpu.vector_load %arg15[%parallel_loop3A_614, %parallel_loop3A_615] {strides = array<i32>} : memref<16x384xf32, #tpu.memory_space<vmem>>, vector<1x16xf32>,
        %parallel_loop3A_617 = vector.shape_cast %parallel_loop3A_616 : vector<1x16xf32> to vector<16xf32>
        %parallel_loop3A_618 = arith.addf %parallel_loop3A_613, %parallel_loop3A_617 : vector<16xf32>
        %parallel_loop3A_619 = arith.constant 3 : i32
        %parallel_loop3A_620 = arith.muli %parallel_loop3A_619, %parallel_loop3A_190 : i32
        %parallel_loop3A_621 = arith.constant 1 : i32
        %parallel_loop3A_622 = arith.addi %parallel_loop3A_620, %parallel_loop3A_621 : i32
        %parallel_loop3A_623 = arith.index_cast %parallel_loop3A_622 : i32 to index
        %parallel_loop3A_624 = arith.constant 16 : index
        %parallel_loop3A_625 = tpu.vector_load %arg16[%parallel_loop3A_623, %parallel_loop3A_624] {strides = array<i32>} : memref<48x128xf32, #tpu.memory_space<vmem>>, vector<1x16xf32>,
        %parallel_loop3A_626 = vector.shape_cast %parallel_loop3A_625 : vector<1x16xf32> to vector<16xf32>
        %parallel_loop3A_627 = arith.addf %parallel_loop3A_618, %parallel_loop3A_626 : vector<16xf32>
        %parallel_loop3A_628 = arith.constant 3 : i32
        %parallel_loop3A_629 = arith.muli %parallel_loop3A_628, %parallel_loop3A_190 : i32
        %parallel_loop3A_630 = arith.constant 1 : i32
        %parallel_loop3A_631 = arith.addi %parallel_loop3A_629, %parallel_loop3A_630 : i32
        %parallel_loop3A_632 = arith.index_cast %parallel_loop3A_631 : i32 to index
        %parallel_loop3A_633 = arith.constant 16 : index
        %parallel_loop3A_634 = tpu.vector_load %arg17[%parallel_loop3A_632, %parallel_loop3A_633] {strides = array<i32>} : memref<48x128xf32, #tpu.memory_space<vmem>>, vector<1x16xf32>,
        %parallel_loop3A_635 = vector.shape_cast %parallel_loop3A_634 : vector<1x16xf32> to vector<16xf32>
        %parallel_loop3A_636 = arith.addf %parallel_loop3A_627, %parallel_loop3A_635 : vector<16xf32>
        %parallel_loop3A_637 = arith.constant 3 : i32
        %parallel_loop3A_638 = arith.muli %parallel_loop3A_637, %parallel_loop3A_190 : i32
        %parallel_loop3A_639 = arith.constant 1 : i32
        %parallel_loop3A_640 = arith.addi %parallel_loop3A_638, %parallel_loop3A_639 : i32
        %parallel_loop3A_641 = arith.index_cast %parallel_loop3A_640 : i32 to index
        %parallel_loop3A_642 = arith.constant 16 : index
        %parallel_loop3A_643 = tpu.vector_load %arg18[%parallel_loop3A_641, %parallel_loop3A_642] {strides = array<i32>} : memref<48x128xf32, #tpu.memory_space<vmem>>, vector<1x16xf32>,
        %parallel_loop3A_644 = vector.shape_cast %parallel_loop3A_643 : vector<1x16xf32> to vector<16xf32>
        %parallel_loop3A_645 = arith.addf %parallel_loop3A_636, %parallel_loop3A_644 : vector<16xf32>
        %parallel_loop3A_646 = arith.index_cast %parallel_loop3A_190 : i32 to index
        %parallel_loop3A_647 = arith.constant 144 : index
        %parallel_loop3A_648 = tpu.vector_load %arg13[%parallel_loop3A_646, %parallel_loop3A_647] {strides = array<i32>} : memref<16x384xf32, #tpu.memory_space<vmem>>, vector<1x16xf32>,
        %parallel_loop3A_649 = vector.shape_cast %parallel_loop3A_648 : vector<1x16xf32> to vector<16xf32>
        %parallel_loop3A_650 = vector.shape_cast %parallel_loop3A_645 : vector<16xf32> to vector<1x16xf32>
        tpu.vector_store %arg13[%parallel_loop3A_646, %parallel_loop3A_647], %parallel_loop3A_650 {strides = array<i32>} : memref<16x384xf32, #tpu.memory_space<vmem>>, vector<1x16xf32>,
        %parallel_loop3A_651 = arith.index_cast %parallel_loop3A_190 : i32 to index
        %parallel_loop3A_652 = arith.constant 160 : index
        %parallel_loop3A_653 = tpu.vector_load %arg13[%parallel_loop3A_651, %parallel_loop3A_652] {strides = array<i32>} : memref<16x384xf32, #tpu.memory_space<vmem>>, vector<1x16xf32>,
        %parallel_loop3A_654 = vector.shape_cast %parallel_loop3A_653 : vector<1x16xf32> to vector<16xf32>
        %parallel_loop3A_655 = arith.index_cast %parallel_loop3A_190 : i32 to index
        %parallel_loop3A_656 = arith.constant 160 : index
        %parallel_loop3A_657 = tpu.vector_load %arg14[%parallel_loop3A_655, %parallel_loop3A_656] {strides = array<i32>} : memref<16x384xf32, #tpu.memory_space<vmem>>, vector<1x16xf32>,
        %parallel_loop3A_658 = vector.shape_cast %parallel_loop3A_657 : vector<1x16xf32> to vector<16xf32>
        %parallel_loop3A_659 = arith.addf %parallel_loop3A_654, %parallel_loop3A_658 : vector<16xf32>
        %parallel_loop3A_660 = arith.index_cast %parallel_loop3A_190 : i32 to index
        %parallel_loop3A_661 = arith.constant 160 : index
        %parallel_loop3A_662 = tpu.vector_load %arg15[%parallel_loop3A_660, %parallel_loop3A_661] {strides = array<i32>} : memref<16x384xf32, #tpu.memory_space<vmem>>, vector<1x16xf32>,
        %parallel_loop3A_663 = vector.shape_cast %parallel_loop3A_662 : vector<1x16xf32> to vector<16xf32>
        %parallel_loop3A_664 = arith.addf %parallel_loop3A_659, %parallel_loop3A_663 : vector<16xf32>
        %parallel_loop3A_665 = arith.constant 3 : i32
        %parallel_loop3A_666 = arith.muli %parallel_loop3A_665, %parallel_loop3A_190 : i32
        %parallel_loop3A_667 = arith.constant 1 : i32
        %parallel_loop3A_668 = arith.addi %parallel_loop3A_666, %parallel_loop3A_667 : i32
        %parallel_loop3A_669 = arith.index_cast %parallel_loop3A_668 : i32 to index
        %parallel_loop3A_670 = arith.constant 32 : index
        %parallel_loop3A_671 = tpu.vector_load %arg16[%parallel_loop3A_669, %parallel_loop3A_670] {strides = array<i32>} : memref<48x128xf32, #tpu.memory_space<vmem>>, vector<1x16xf32>,
        %parallel_loop3A_672 = vector.shape_cast %parallel_loop3A_671 : vector<1x16xf32> to vector<16xf32>
        %parallel_loop3A_673 = arith.addf %parallel_loop3A_664, %parallel_loop3A_672 : vector<16xf32>
        %parallel_loop3A_674 = arith.constant 3 : i32
        %parallel_loop3A_675 = arith.muli %parallel_loop3A_674, %parallel_loop3A_190 : i32
        %parallel_loop3A_676 = arith.constant 1 : i32
        %parallel_loop3A_677 = arith.addi %parallel_loop3A_675, %parallel_loop3A_676 : i32
        %parallel_loop3A_678 = arith.index_cast %parallel_loop3A_677 : i32 to index
        %parallel_loop3A_679 = arith.constant 32 : index
        %parallel_loop3A_680 = tpu.vector_load %arg17[%parallel_loop3A_678, %parallel_loop3A_679] {strides = array<i32>} : memref<48x128xf32, #tpu.memory_space<vmem>>, vector<1x16xf32>,
        %parallel_loop3A_681 = vector.shape_cast %parallel_loop3A_680 : vector<1x16xf32> to vector<16xf32>
        %parallel_loop3A_682 = arith.addf %parallel_loop3A_673, %parallel_loop3A_681 : vector<16xf32>
        %parallel_loop3A_683 = arith.constant 3 : i32
        %parallel_loop3A_684 = arith.muli %parallel_loop3A_683, %parallel_loop3A_190 : i32
        %parallel_loop3A_685 = arith.constant 1 : i32
        %parallel_loop3A_686 = arith.addi %parallel_loop3A_684, %parallel_loop3A_685 : i32
        %parallel_loop3A_687 = arith.index_cast %parallel_loop3A_686 : i32 to index
        %parallel_loop3A_688 = arith.constant 32 : index
        %parallel_loop3A_689 = tpu.vector_load %arg18[%parallel_loop3A_687, %parallel_loop3A_688] {strides = array<i32>} : memref<48x128xf32, #tpu.memory_space<vmem>>, vector<1x16xf32>,
        %parallel_loop3A_690 = vector.shape_cast %parallel_loop3A_689 : vector<1x16xf32> to vector<16xf32>
        %parallel_loop3A_691 = arith.addf %parallel_loop3A_682, %parallel_loop3A_690 : vector<16xf32>
        %parallel_loop3A_692 = arith.index_cast %parallel_loop3A_190 : i32 to index
        %parallel_loop3A_693 = arith.constant 160 : index
        %parallel_loop3A_694 = tpu.vector_load %arg13[%parallel_loop3A_692, %parallel_loop3A_693] {strides = array<i32>} : memref<16x384xf32, #tpu.memory_space<vmem>>, vector<1x16xf32>,
        %parallel_loop3A_695 = vector.shape_cast %parallel_loop3A_694 : vector<1x16xf32> to vector<16xf32>
        %parallel_loop3A_696 = vector.shape_cast %parallel_loop3A_691 : vector<16xf32> to vector<1x16xf32>
        tpu.vector_store %arg13[%parallel_loop3A_692, %parallel_loop3A_693], %parallel_loop3A_696 {strides = array<i32>} : memref<16x384xf32, #tpu.memory_space<vmem>>, vector<1x16xf32>,
        %parallel_loop3A_697 = arith.index_cast %parallel_loop3A_190 : i32 to index
        %parallel_loop3A_698 = arith.constant 176 : index
        %parallel_loop3A_699 = tpu.vector_load %arg13[%parallel_loop3A_697, %parallel_loop3A_698] {strides = array<i32>} : memref<16x384xf32, #tpu.memory_space<vmem>>, vector<1x16xf32>,
        %parallel_loop3A_700 = vector.shape_cast %parallel_loop3A_699 : vector<1x16xf32> to vector<16xf32>
        %parallel_loop3A_701 = arith.index_cast %parallel_loop3A_190 : i32 to index
        %parallel_loop3A_702 = arith.constant 176 : index
        %parallel_loop3A_703 = tpu.vector_load %arg14[%parallel_loop3A_701, %parallel_loop3A_702] {strides = array<i32>} : memref<16x384xf32, #tpu.memory_space<vmem>>, vector<1x16xf32>,
        %parallel_loop3A_704 = vector.shape_cast %parallel_loop3A_703 : vector<1x16xf32> to vector<16xf32>
        %parallel_loop3A_705 = arith.addf %parallel_loop3A_700, %parallel_loop3A_704 : vector<16xf32>
        %parallel_loop3A_706 = arith.index_cast %parallel_loop3A_190 : i32 to index
        %parallel_loop3A_707 = arith.constant 176 : index
        %parallel_loop3A_708 = tpu.vector_load %arg15[%parallel_loop3A_706, %parallel_loop3A_707] {strides = array<i32>} : memref<16x384xf32, #tpu.memory_space<vmem>>, vector<1x16xf32>,
        %parallel_loop3A_709 = vector.shape_cast %parallel_loop3A_708 : vector<1x16xf32> to vector<16xf32>
        %parallel_loop3A_710 = arith.addf %parallel_loop3A_705, %parallel_loop3A_709 : vector<16xf32>
        %parallel_loop3A_711 = arith.constant 3 : i32
        %parallel_loop3A_712 = arith.muli %parallel_loop3A_711, %parallel_loop3A_190 : i32
        %parallel_loop3A_713 = arith.constant 1 : i32
        %parallel_loop3A_714 = arith.addi %parallel_loop3A_712, %parallel_loop3A_713 : i32
        %parallel_loop3A_715 = arith.index_cast %parallel_loop3A_714 : i32 to index
        %parallel_loop3A_716 = arith.constant 48 : index
        %parallel_loop3A_717 = tpu.vector_load %arg16[%parallel_loop3A_715, %parallel_loop3A_716] {strides = array<i32>} : memref<48x128xf32, #tpu.memory_space<vmem>>, vector<1x16xf32>,
        %parallel_loop3A_718 = vector.shape_cast %parallel_loop3A_717 : vector<1x16xf32> to vector<16xf32>
        %parallel_loop3A_719 = arith.addf %parallel_loop3A_710, %parallel_loop3A_718 : vector<16xf32>
        %parallel_loop3A_720 = arith.constant 3 : i32
        %parallel_loop3A_721 = arith.muli %parallel_loop3A_720, %parallel_loop3A_190 : i32
        %parallel_loop3A_722 = arith.constant 1 : i32
        %parallel_loop3A_723 = arith.addi %parallel_loop3A_721, %parallel_loop3A_722 : i32
        %parallel_loop3A_724 = arith.index_cast %parallel_loop3A_723 : i32 to index
        %parallel_loop3A_725 = arith.constant 48 : index
        %parallel_loop3A_726 = tpu.vector_load %arg17[%parallel_loop3A_724, %parallel_loop3A_725] {strides = array<i32>} : memref<48x128xf32, #tpu.memory_space<vmem>>, vector<1x16xf32>,
        %parallel_loop3A_727 = vector.shape_cast %parallel_loop3A_726 : vector<1x16xf32> to vector<16xf32>
        %parallel_loop3A_728 = arith.addf %parallel_loop3A_719, %parallel_loop3A_727 : vector<16xf32>
        %parallel_loop3A_729 = arith.constant 3 : i32
        %parallel_loop3A_730 = arith.muli %parallel_loop3A_729, %parallel_loop3A_190 : i32
        %parallel_loop3A_731 = arith.constant 1 : i32
        %parallel_loop3A_732 = arith.addi %parallel_loop3A_730, %parallel_loop3A_731 : i32
        %parallel_loop3A_733 = arith.index_cast %parallel_loop3A_732 : i32 to index
        %parallel_loop3A_734 = arith.constant 48 : index
        %parallel_loop3A_735 = tpu.vector_load %arg18[%parallel_loop3A_733, %parallel_loop3A_734] {strides = array<i32>} : memref<48x128xf32, #tpu.memory_space<vmem>>, vector<1x16xf32>,
        %parallel_loop3A_736 = vector.shape_cast %parallel_loop3A_735 : vector<1x16xf32> to vector<16xf32>
        %parallel_loop3A_737 = arith.addf %parallel_loop3A_728, %parallel_loop3A_736 : vector<16xf32>
        %parallel_loop3A_738 = arith.index_cast %parallel_loop3A_190 : i32 to index
        %parallel_loop3A_739 = arith.constant 176 : index
        %parallel_loop3A_740 = tpu.vector_load %arg13[%parallel_loop3A_738, %parallel_loop3A_739] {strides = array<i32>} : memref<16x384xf32, #tpu.memory_space<vmem>>, vector<1x16xf32>,
        %parallel_loop3A_741 = vector.shape_cast %parallel_loop3A_740 : vector<1x16xf32> to vector<16xf32>
        %parallel_loop3A_742 = vector.shape_cast %parallel_loop3A_737 : vector<16xf32> to vector<1x16xf32>
        tpu.vector_store %arg13[%parallel_loop3A_738, %parallel_loop3A_739], %parallel_loop3A_742 {strides = array<i32>} : memref<16x384xf32, #tpu.memory_space<vmem>>, vector<1x16xf32>,
        %parallel_loop3A_743 = arith.index_cast %parallel_loop3A_190 : i32 to index
        %parallel_loop3A_744 = arith.constant 192 : index
        %parallel_loop3A_745 = tpu.vector_load %arg13[%parallel_loop3A_743, %parallel_loop3A_744] {strides = array<i32>} : memref<16x384xf32, #tpu.memory_space<vmem>>, vector<1x16xf32>,
        %parallel_loop3A_746 = vector.shape_cast %parallel_loop3A_745 : vector<1x16xf32> to vector<16xf32>
        %parallel_loop3A_747 = arith.index_cast %parallel_loop3A_190 : i32 to index
        %parallel_loop3A_748 = arith.constant 192 : index
        %parallel_loop3A_749 = tpu.vector_load %arg14[%parallel_loop3A_747, %parallel_loop3A_748] {strides = array<i32>} : memref<16x384xf32, #tpu.memory_space<vmem>>, vector<1x16xf32>,
        %parallel_loop3A_750 = vector.shape_cast %parallel_loop3A_749 : vector<1x16xf32> to vector<16xf32>
        %parallel_loop3A_751 = arith.addf %parallel_loop3A_746, %parallel_loop3A_750 : vector<16xf32>
        %parallel_loop3A_752 = arith.index_cast %parallel_loop3A_190 : i32 to index
        %parallel_loop3A_753 = arith.constant 192 : index
        %parallel_loop3A_754 = tpu.vector_load %arg15[%parallel_loop3A_752, %parallel_loop3A_753] {strides = array<i32>} : memref<16x384xf32, #tpu.memory_space<vmem>>, vector<1x16xf32>,
        %parallel_loop3A_755 = vector.shape_cast %parallel_loop3A_754 : vector<1x16xf32> to vector<16xf32>
        %parallel_loop3A_756 = arith.addf %parallel_loop3A_751, %parallel_loop3A_755 : vector<16xf32>
        %parallel_loop3A_757 = arith.constant 3 : i32
        %parallel_loop3A_758 = arith.muli %parallel_loop3A_757, %parallel_loop3A_190 : i32
        %parallel_loop3A_759 = arith.constant 1 : i32
        %parallel_loop3A_760 = arith.addi %parallel_loop3A_758, %parallel_loop3A_759 : i32
        %parallel_loop3A_761 = arith.index_cast %parallel_loop3A_760 : i32 to index
        %parallel_loop3A_762 = arith.constant 64 : index
        %parallel_loop3A_763 = tpu.vector_load %arg16[%parallel_loop3A_761, %parallel_loop3A_762] {strides = array<i32>} : memref<48x128xf32, #tpu.memory_space<vmem>>, vector<1x16xf32>,
        %parallel_loop3A_764 = vector.shape_cast %parallel_loop3A_763 : vector<1x16xf32> to vector<16xf32>
        %parallel_loop3A_765 = arith.addf %parallel_loop3A_756, %parallel_loop3A_764 : vector<16xf32>
        %parallel_loop3A_766 = arith.constant 3 : i32
        %parallel_loop3A_767 = arith.muli %parallel_loop3A_766, %parallel_loop3A_190 : i32
        %parallel_loop3A_768 = arith.constant 1 : i32
        %parallel_loop3A_769 = arith.addi %parallel_loop3A_767, %parallel_loop3A_768 : i32
        %parallel_loop3A_770 = arith.index_cast %parallel_loop3A_769 : i32 to index
        %parallel_loop3A_771 = arith.constant 64 : index
        %parallel_loop3A_772 = tpu.vector_load %arg17[%parallel_loop3A_770, %parallel_loop3A_771] {strides = array<i32>} : memref<48x128xf32, #tpu.memory_space<vmem>>, vector<1x16xf32>,
        %parallel_loop3A_773 = vector.shape_cast %parallel_loop3A_772 : vector<1x16xf32> to vector<16xf32>
        %parallel_loop3A_774 = arith.addf %parallel_loop3A_765, %parallel_loop3A_773 : vector<16xf32>
        %parallel_loop3A_775 = arith.constant 3 : i32
        %parallel_loop3A_776 = arith.muli %parallel_loop3A_775, %parallel_loop3A_190 : i32
        %parallel_loop3A_777 = arith.constant 1 : i32
        %parallel_loop3A_778 = arith.addi %parallel_loop3A_776, %parallel_loop3A_777 : i32
        %parallel_loop3A_779 = arith.index_cast %parallel_loop3A_778 : i32 to index
        %parallel_loop3A_780 = arith.constant 64 : index
        %parallel_loop3A_781 = tpu.vector_load %arg18[%parallel_loop3A_779, %parallel_loop3A_780] {strides = array<i32>} : memref<48x128xf32, #tpu.memory_space<vmem>>, vector<1x16xf32>,
        %parallel_loop3A_782 = vector.shape_cast %parallel_loop3A_781 : vector<1x16xf32> to vector<16xf32>
        %parallel_loop3A_783 = arith.addf %parallel_loop3A_774, %parallel_loop3A_782 : vector<16xf32>
        %parallel_loop3A_784 = arith.index_cast %parallel_loop3A_190 : i32 to index
        %parallel_loop3A_785 = arith.constant 192 : index
        %parallel_loop3A_786 = tpu.vector_load %arg13[%parallel_loop3A_784, %parallel_loop3A_785] {strides = array<i32>} : memref<16x384xf32, #tpu.memory_space<vmem>>, vector<1x16xf32>,
        %parallel_loop3A_787 = vector.shape_cast %parallel_loop3A_786 : vector<1x16xf32> to vector<16xf32>
        %parallel_loop3A_788 = vector.shape_cast %parallel_loop3A_783 : vector<16xf32> to vector<1x16xf32>
        tpu.vector_store %arg13[%parallel_loop3A_784, %parallel_loop3A_785], %parallel_loop3A_788 {strides = array<i32>} : memref<16x384xf32, #tpu.memory_space<vmem>>, vector<1x16xf32>,
        %parallel_loop3A_789 = arith.index_cast %parallel_loop3A_190 : i32 to index
        %parallel_loop3A_790 = arith.constant 208 : index
        %parallel_loop3A_791 = tpu.vector_load %arg13[%parallel_loop3A_789, %parallel_loop3A_790] {strides = array<i32>} : memref<16x384xf32, #tpu.memory_space<vmem>>, vector<1x16xf32>,
        %parallel_loop3A_792 = vector.shape_cast %parallel_loop3A_791 : vector<1x16xf32> to vector<16xf32>
        %parallel_loop3A_793 = arith.index_cast %parallel_loop3A_190 : i32 to index
        %parallel_loop3A_794 = arith.constant 208 : index
        %parallel_loop3A_795 = tpu.vector_load %arg14[%parallel_loop3A_793, %parallel_loop3A_794] {strides = array<i32>} : memref<16x384xf32, #tpu.memory_space<vmem>>, vector<1x16xf32>,
        %parallel_loop3A_796 = vector.shape_cast %parallel_loop3A_795 : vector<1x16xf32> to vector<16xf32>
        %parallel_loop3A_797 = arith.addf %parallel_loop3A_792, %parallel_loop3A_796 : vector<16xf32>
        %parallel_loop3A_798 = arith.index_cast %parallel_loop3A_190 : i32 to index
        %parallel_loop3A_799 = arith.constant 208 : index
        %parallel_loop3A_800 = tpu.vector_load %arg15[%parallel_loop3A_798, %parallel_loop3A_799] {strides = array<i32>} : memref<16x384xf32, #tpu.memory_space<vmem>>, vector<1x16xf32>,
        %parallel_loop3A_801 = vector.shape_cast %parallel_loop3A_800 : vector<1x16xf32> to vector<16xf32>
        %parallel_loop3A_802 = arith.addf %parallel_loop3A_797, %parallel_loop3A_801 : vector<16xf32>
        %parallel_loop3A_803 = arith.constant 3 : i32
        %parallel_loop3A_804 = arith.muli %parallel_loop3A_803, %parallel_loop3A_190 : i32
        %parallel_loop3A_805 = arith.constant 1 : i32
        %parallel_loop3A_806 = arith.addi %parallel_loop3A_804, %parallel_loop3A_805 : i32
        %parallel_loop3A_807 = arith.index_cast %parallel_loop3A_806 : i32 to index
        %parallel_loop3A_808 = arith.constant 80 : index
        %parallel_loop3A_809 = tpu.vector_load %arg16[%parallel_loop3A_807, %parallel_loop3A_808] {strides = array<i32>} : memref<48x128xf32, #tpu.memory_space<vmem>>, vector<1x16xf32>,
        %parallel_loop3A_810 = vector.shape_cast %parallel_loop3A_809 : vector<1x16xf32> to vector<16xf32>
        %parallel_loop3A_811 = arith.addf %parallel_loop3A_802, %parallel_loop3A_810 : vector<16xf32>
        %parallel_loop3A_812 = arith.constant 3 : i32
        %parallel_loop3A_813 = arith.muli %parallel_loop3A_812, %parallel_loop3A_190 : i32
        %parallel_loop3A_814 = arith.constant 1 : i32
        %parallel_loop3A_815 = arith.addi %parallel_loop3A_813, %parallel_loop3A_814 : i32
        %parallel_loop3A_816 = arith.index_cast %parallel_loop3A_815 : i32 to index
        %parallel_loop3A_817 = arith.constant 80 : index
        %parallel_loop3A_818 = tpu.vector_load %arg17[%parallel_loop3A_816, %parallel_loop3A_817] {strides = array<i32>} : memref<48x128xf32, #tpu.memory_space<vmem>>, vector<1x16xf32>,
        %parallel_loop3A_819 = vector.shape_cast %parallel_loop3A_818 : vector<1x16xf32> to vector<16xf32>
        %parallel_loop3A_820 = arith.addf %parallel_loop3A_811, %parallel_loop3A_819 : vector<16xf32>
        %parallel_loop3A_821 = arith.constant 3 : i32
        %parallel_loop3A_822 = arith.muli %parallel_loop3A_821, %parallel_loop3A_190 : i32
        %parallel_loop3A_823 = arith.constant 1 : i32
        %parallel_loop3A_824 = arith.addi %parallel_loop3A_822, %parallel_loop3A_823 : i32
        %parallel_loop3A_825 = arith.index_cast %parallel_loop3A_824 : i32 to index
        %parallel_loop3A_826 = arith.constant 80 : index
        %parallel_loop3A_827 = tpu.vector_load %arg18[%parallel_loop3A_825, %parallel_loop3A_826] {strides = array<i32>} : memref<48x128xf32, #tpu.memory_space<vmem>>, vector<1x16xf32>,
        %parallel_loop3A_828 = vector.shape_cast %parallel_loop3A_827 : vector<1x16xf32> to vector<16xf32>
        %parallel_loop3A_829 = arith.addf %parallel_loop3A_820, %parallel_loop3A_828 : vector<16xf32>
        %parallel_loop3A_830 = arith.index_cast %parallel_loop3A_190 : i32 to index
        %parallel_loop3A_831 = arith.constant 208 : index
        %parallel_loop3A_832 = tpu.vector_load %arg13[%parallel_loop3A_830, %parallel_loop3A_831] {strides = array<i32>} : memref<16x384xf32, #tpu.memory_space<vmem>>, vector<1x16xf32>,
        %parallel_loop3A_833 = vector.shape_cast %parallel_loop3A_832 : vector<1x16xf32> to vector<16xf32>
        %parallel_loop3A_834 = vector.shape_cast %parallel_loop3A_829 : vector<16xf32> to vector<1x16xf32>
        tpu.vector_store %arg13[%parallel_loop3A_830, %parallel_loop3A_831], %parallel_loop3A_834 {strides = array<i32>} : memref<16x384xf32, #tpu.memory_space<vmem>>, vector<1x16xf32>,
        %parallel_loop3A_835 = arith.index_cast %parallel_loop3A_190 : i32 to index
        %parallel_loop3A_836 = arith.constant 224 : index
        %parallel_loop3A_837 = tpu.vector_load %arg13[%parallel_loop3A_835, %parallel_loop3A_836] {strides = array<i32>} : memref<16x384xf32, #tpu.memory_space<vmem>>, vector<1x16xf32>,
        %parallel_loop3A_838 = vector.shape_cast %parallel_loop3A_837 : vector<1x16xf32> to vector<16xf32>
        %parallel_loop3A_839 = arith.index_cast %parallel_loop3A_190 : i32 to index
        %parallel_loop3A_840 = arith.constant 224 : index
        %parallel_loop3A_841 = tpu.vector_load %arg14[%parallel_loop3A_839, %parallel_loop3A_840] {strides = array<i32>} : memref<16x384xf32, #tpu.memory_space<vmem>>, vector<1x16xf32>,
        %parallel_loop3A_842 = vector.shape_cast %parallel_loop3A_841 : vector<1x16xf32> to vector<16xf32>
        %parallel_loop3A_843 = arith.addf %parallel_loop3A_838, %parallel_loop3A_842 : vector<16xf32>
        %parallel_loop3A_844 = arith.index_cast %parallel_loop3A_190 : i32 to index
        %parallel_loop3A_845 = arith.constant 224 : index
        %parallel_loop3A_846 = tpu.vector_load %arg15[%parallel_loop3A_844, %parallel_loop3A_845] {strides = array<i32>} : memref<16x384xf32, #tpu.memory_space<vmem>>, vector<1x16xf32>,
        %parallel_loop3A_847 = vector.shape_cast %parallel_loop3A_846 : vector<1x16xf32> to vector<16xf32>
        %parallel_loop3A_848 = arith.addf %parallel_loop3A_843, %parallel_loop3A_847 : vector<16xf32>
        %parallel_loop3A_849 = arith.constant 3 : i32
        %parallel_loop3A_850 = arith.muli %parallel_loop3A_849, %parallel_loop3A_190 : i32
        %parallel_loop3A_851 = arith.constant 1 : i32
        %parallel_loop3A_852 = arith.addi %parallel_loop3A_850, %parallel_loop3A_851 : i32
        %parallel_loop3A_853 = arith.index_cast %parallel_loop3A_852 : i32 to index
        %parallel_loop3A_854 = arith.constant 96 : index
        %parallel_loop3A_855 = tpu.vector_load %arg16[%parallel_loop3A_853, %parallel_loop3A_854] {strides = array<i32>} : memref<48x128xf32, #tpu.memory_space<vmem>>, vector<1x16xf32>,
        %parallel_loop3A_856 = vector.shape_cast %parallel_loop3A_855 : vector<1x16xf32> to vector<16xf32>
        %parallel_loop3A_857 = arith.addf %parallel_loop3A_848, %parallel_loop3A_856 : vector<16xf32>
        %parallel_loop3A_858 = arith.constant 3 : i32
        %parallel_loop3A_859 = arith.muli %parallel_loop3A_858, %parallel_loop3A_190 : i32
        %parallel_loop3A_860 = arith.constant 1 : i32
        %parallel_loop3A_861 = arith.addi %parallel_loop3A_859, %parallel_loop3A_860 : i32
        %parallel_loop3A_862 = arith.index_cast %parallel_loop3A_861 : i32 to index
        %parallel_loop3A_863 = arith.constant 96 : index
        %parallel_loop3A_864 = tpu.vector_load %arg17[%parallel_loop3A_862, %parallel_loop3A_863] {strides = array<i32>} : memref<48x128xf32, #tpu.memory_space<vmem>>, vector<1x16xf32>,
        %parallel_loop3A_865 = vector.shape_cast %parallel_loop3A_864 : vector<1x16xf32> to vector<16xf32>
        %parallel_loop3A_866 = arith.addf %parallel_loop3A_857, %parallel_loop3A_865 : vector<16xf32>
        %parallel_loop3A_867 = arith.constant 3 : i32
        %parallel_loop3A_868 = arith.muli %parallel_loop3A_867, %parallel_loop3A_190 : i32
        %parallel_loop3A_869 = arith.constant 1 : i32
        %parallel_loop3A_870 = arith.addi %parallel_loop3A_868, %parallel_loop3A_869 : i32
        %parallel_loop3A_871 = arith.index_cast %parallel_loop3A_870 : i32 to index
        %parallel_loop3A_872 = arith.constant 96 : index
        %parallel_loop3A_873 = tpu.vector_load %arg18[%parallel_loop3A_871, %parallel_loop3A_872] {strides = array<i32>} : memref<48x128xf32, #tpu.memory_space<vmem>>, vector<1x16xf32>,
        %parallel_loop3A_874 = vector.shape_cast %parallel_loop3A_873 : vector<1x16xf32> to vector<16xf32>
        %parallel_loop3A_875 = arith.addf %parallel_loop3A_866, %parallel_loop3A_874 : vector<16xf32>
        %parallel_loop3A_876 = arith.index_cast %parallel_loop3A_190 : i32 to index
        %parallel_loop3A_877 = arith.constant 224 : index
        %parallel_loop3A_878 = tpu.vector_load %arg13[%parallel_loop3A_876, %parallel_loop3A_877] {strides = array<i32>} : memref<16x384xf32, #tpu.memory_space<vmem>>, vector<1x16xf32>,
        %parallel_loop3A_879 = vector.shape_cast %parallel_loop3A_878 : vector<1x16xf32> to vector<16xf32>
        %parallel_loop3A_880 = vector.shape_cast %parallel_loop3A_875 : vector<16xf32> to vector<1x16xf32>
        tpu.vector_store %arg13[%parallel_loop3A_876, %parallel_loop3A_877], %parallel_loop3A_880 {strides = array<i32>} : memref<16x384xf32, #tpu.memory_space<vmem>>, vector<1x16xf32>,
        %parallel_loop3A_881 = arith.index_cast %parallel_loop3A_190 : i32 to index
        %parallel_loop3A_882 = arith.constant 240 : index
        %parallel_loop3A_883 = tpu.vector_load %arg13[%parallel_loop3A_881, %parallel_loop3A_882] {strides = array<i32>} : memref<16x384xf32, #tpu.memory_space<vmem>>, vector<1x16xf32>,
        %parallel_loop3A_884 = vector.shape_cast %parallel_loop3A_883 : vector<1x16xf32> to vector<16xf32>
        %parallel_loop3A_885 = arith.index_cast %parallel_loop3A_190 : i32 to index
        %parallel_loop3A_886 = arith.constant 240 : index
        %parallel_loop3A_887 = tpu.vector_load %arg14[%parallel_loop3A_885, %parallel_loop3A_886] {strides = array<i32>} : memref<16x384xf32, #tpu.memory_space<vmem>>, vector<1x16xf32>,
        %parallel_loop3A_888 = vector.shape_cast %parallel_loop3A_887 : vector<1x16xf32> to vector<16xf32>
        %parallel_loop3A_889 = arith.addf %parallel_loop3A_884, %parallel_loop3A_888 : vector<16xf32>
        %parallel_loop3A_890 = arith.index_cast %parallel_loop3A_190 : i32 to index
        %parallel_loop3A_891 = arith.constant 240 : index
        %parallel_loop3A_892 = tpu.vector_load %arg15[%parallel_loop3A_890, %parallel_loop3A_891] {strides = array<i32>} : memref<16x384xf32, #tpu.memory_space<vmem>>, vector<1x16xf32>,
        %parallel_loop3A_893 = vector.shape_cast %parallel_loop3A_892 : vector<1x16xf32> to vector<16xf32>
        %parallel_loop3A_894 = arith.addf %parallel_loop3A_889, %parallel_loop3A_893 : vector<16xf32>
        %parallel_loop3A_895 = arith.constant 3 : i32
        %parallel_loop3A_896 = arith.muli %parallel_loop3A_895, %parallel_loop3A_190 : i32
        %parallel_loop3A_897 = arith.constant 1 : i32
        %parallel_loop3A_898 = arith.addi %parallel_loop3A_896, %parallel_loop3A_897 : i32
        %parallel_loop3A_899 = arith.index_cast %parallel_loop3A_898 : i32 to index
        %parallel_loop3A_900 = arith.constant 112 : index
        %parallel_loop3A_901 = tpu.vector_load %arg16[%parallel_loop3A_899, %parallel_loop3A_900] {strides = array<i32>} : memref<48x128xf32, #tpu.memory_space<vmem>>, vector<1x16xf32>,
        %parallel_loop3A_902 = vector.shape_cast %parallel_loop3A_901 : vector<1x16xf32> to vector<16xf32>
        %parallel_loop3A_903 = arith.addf %parallel_loop3A_894, %parallel_loop3A_902 : vector<16xf32>
        %parallel_loop3A_904 = arith.constant 3 : i32
        %parallel_loop3A_905 = arith.muli %parallel_loop3A_904, %parallel_loop3A_190 : i32
        %parallel_loop3A_906 = arith.constant 1 : i32
        %parallel_loop3A_907 = arith.addi %parallel_loop3A_905, %parallel_loop3A_906 : i32
        %parallel_loop3A_908 = arith.index_cast %parallel_loop3A_907 : i32 to index
        %parallel_loop3A_909 = arith.constant 112 : index
        %parallel_loop3A_910 = tpu.vector_load %arg17[%parallel_loop3A_908, %parallel_loop3A_909] {strides = array<i32>} : memref<48x128xf32, #tpu.memory_space<vmem>>, vector<1x16xf32>,
        %parallel_loop3A_911 = vector.shape_cast %parallel_loop3A_910 : vector<1x16xf32> to vector<16xf32>
        %parallel_loop3A_912 = arith.addf %parallel_loop3A_903, %parallel_loop3A_911 : vector<16xf32>
        %parallel_loop3A_913 = arith.constant 3 : i32
        %parallel_loop3A_914 = arith.muli %parallel_loop3A_913, %parallel_loop3A_190 : i32
        %parallel_loop3A_915 = arith.constant 1 : i32
        %parallel_loop3A_916 = arith.addi %parallel_loop3A_914, %parallel_loop3A_915 : i32
        %parallel_loop3A_917 = arith.index_cast %parallel_loop3A_916 : i32 to index
        %parallel_loop3A_918 = arith.constant 112 : index
        %parallel_loop3A_919 = tpu.vector_load %arg18[%parallel_loop3A_917, %parallel_loop3A_918] {strides = array<i32>} : memref<48x128xf32, #tpu.memory_space<vmem>>, vector<1x16xf32>,
        %parallel_loop3A_920 = vector.shape_cast %parallel_loop3A_919 : vector<1x16xf32> to vector<16xf32>
        %parallel_loop3A_921 = arith.addf %parallel_loop3A_912, %parallel_loop3A_920 : vector<16xf32>
        %parallel_loop3A_922 = arith.index_cast %parallel_loop3A_190 : i32 to index
        %parallel_loop3A_923 = arith.constant 240 : index
        %parallel_loop3A_924 = tpu.vector_load %arg13[%parallel_loop3A_922, %parallel_loop3A_923] {strides = array<i32>} : memref<16x384xf32, #tpu.memory_space<vmem>>, vector<1x16xf32>,
        %parallel_loop3A_925 = vector.shape_cast %parallel_loop3A_924 : vector<1x16xf32> to vector<16xf32>
        %parallel_loop3A_926 = vector.shape_cast %parallel_loop3A_921 : vector<16xf32> to vector<1x16xf32>
        tpu.vector_store %arg13[%parallel_loop3A_922, %parallel_loop3A_923], %parallel_loop3A_926 {strides = array<i32>} : memref<16x384xf32, #tpu.memory_space<vmem>>, vector<1x16xf32>,
        %parallel_loop3A_927 = arith.index_cast %parallel_loop3A_190 : i32 to index
        %parallel_loop3A_928 = arith.constant 256 : index
        %parallel_loop3A_929 = tpu.vector_load %arg13[%parallel_loop3A_927, %parallel_loop3A_928] {strides = array<i32>} : memref<16x384xf32, #tpu.memory_space<vmem>>, vector<1x16xf32>,
        %parallel_loop3A_930 = vector.shape_cast %parallel_loop3A_929 : vector<1x16xf32> to vector<16xf32>
        %parallel_loop3A_931 = arith.index_cast %parallel_loop3A_190 : i32 to index
        %parallel_loop3A_932 = arith.constant 256 : index
        %parallel_loop3A_933 = tpu.vector_load %arg14[%parallel_loop3A_931, %parallel_loop3A_932] {strides = array<i32>} : memref<16x384xf32, #tpu.memory_space<vmem>>, vector<1x16xf32>,
        %parallel_loop3A_934 = vector.shape_cast %parallel_loop3A_933 : vector<1x16xf32> to vector<16xf32>
        %parallel_loop3A_935 = arith.addf %parallel_loop3A_930, %parallel_loop3A_934 : vector<16xf32>
        %parallel_loop3A_936 = arith.index_cast %parallel_loop3A_190 : i32 to index
        %parallel_loop3A_937 = arith.constant 256 : index
        %parallel_loop3A_938 = tpu.vector_load %arg15[%parallel_loop3A_936, %parallel_loop3A_937] {strides = array<i32>} : memref<16x384xf32, #tpu.memory_space<vmem>>, vector<1x16xf32>,
        %parallel_loop3A_939 = vector.shape_cast %parallel_loop3A_938 : vector<1x16xf32> to vector<16xf32>
        %parallel_loop3A_940 = arith.addf %parallel_loop3A_935, %parallel_loop3A_939 : vector<16xf32>
        %parallel_loop3A_941 = arith.constant 3 : i32
        %parallel_loop3A_942 = arith.muli %parallel_loop3A_941, %parallel_loop3A_190 : i32
        %parallel_loop3A_943 = arith.constant 2 : i32
        %parallel_loop3A_944 = arith.addi %parallel_loop3A_942, %parallel_loop3A_943 : i32
        %parallel_loop3A_945 = arith.index_cast %parallel_loop3A_944 : i32 to index
        %parallel_loop3A_946 = arith.constant 0 : index
        %parallel_loop3A_947 = tpu.vector_load %arg16[%parallel_loop3A_945, %parallel_loop3A_946] {strides = array<i32>} : memref<48x128xf32, #tpu.memory_space<vmem>>, vector<1x16xf32>,
        %parallel_loop3A_948 = vector.shape_cast %parallel_loop3A_947 : vector<1x16xf32> to vector<16xf32>
        %parallel_loop3A_949 = arith.addf %parallel_loop3A_940, %parallel_loop3A_948 : vector<16xf32>
        %parallel_loop3A_950 = arith.constant 3 : i32
        %parallel_loop3A_951 = arith.muli %parallel_loop3A_950, %parallel_loop3A_190 : i32
        %parallel_loop3A_952 = arith.constant 2 : i32
        %parallel_loop3A_953 = arith.addi %parallel_loop3A_951, %parallel_loop3A_952 : i32
        %parallel_loop3A_954 = arith.index_cast %parallel_loop3A_953 : i32 to index
        %parallel_loop3A_955 = arith.constant 0 : index
        %parallel_loop3A_956 = tpu.vector_load %arg17[%parallel_loop3A_954, %parallel_loop3A_955] {strides = array<i32>} : memref<48x128xf32, #tpu.memory_space<vmem>>, vector<1x16xf32>,
        %parallel_loop3A_957 = vector.shape_cast %parallel_loop3A_956 : vector<1x16xf32> to vector<16xf32>
        %parallel_loop3A_958 = arith.addf %parallel_loop3A_949, %parallel_loop3A_957 : vector<16xf32>
        %parallel_loop3A_959 = arith.constant 3 : i32
        %parallel_loop3A_960 = arith.muli %parallel_loop3A_959, %parallel_loop3A_190 : i32
        %parallel_loop3A_961 = arith.constant 2 : i32
        %parallel_loop3A_962 = arith.addi %parallel_loop3A_960, %parallel_loop3A_961 : i32
        %parallel_loop3A_963 = arith.index_cast %parallel_loop3A_962 : i32 to index
        %parallel_loop3A_964 = arith.constant 0 : index
        %parallel_loop3A_965 = tpu.vector_load %arg18[%parallel_loop3A_963, %parallel_loop3A_964] {strides = array<i32>} : memref<48x128xf32, #tpu.memory_space<vmem>>, vector<1x16xf32>,
        %parallel_loop3A_966 = vector.shape_cast %parallel_loop3A_965 : vector<1x16xf32> to vector<16xf32>
        %parallel_loop3A_967 = arith.addf %parallel_loop3A_958, %parallel_loop3A_966 : vector<16xf32>
        %parallel_loop3A_968 = arith.index_cast %parallel_loop3A_190 : i32 to index
        %parallel_loop3A_969 = arith.constant 256 : index
        %parallel_loop3A_970 = tpu.vector_load %arg13[%parallel_loop3A_968, %parallel_loop3A_969] {strides = array<i32>} : memref<16x384xf32, #tpu.memory_space<vmem>>, vector<1x16xf32>,
        %parallel_loop3A_971 = vector.shape_cast %parallel_loop3A_970 : vector<1x16xf32> to vector<16xf32>
        %parallel_loop3A_972 = vector.shape_cast %parallel_loop3A_967 : vector<16xf32> to vector<1x16xf32>
        tpu.vector_store %arg13[%parallel_loop3A_968, %parallel_loop3A_969], %parallel_loop3A_972 {strides = array<i32>} : memref<16x384xf32, #tpu.memory_space<vmem>>, vector<1x16xf32>,
        %parallel_loop3A_973 = arith.index_cast %parallel_loop3A_190 : i32 to index
        %parallel_loop3A_974 = arith.constant 272 : index
        %parallel_loop3A_975 = tpu.vector_load %arg13[%parallel_loop3A_973, %parallel_loop3A_974] {strides = array<i32>} : memref<16x384xf32, #tpu.memory_space<vmem>>, vector<1x16xf32>,
        %parallel_loop3A_976 = vector.shape_cast %parallel_loop3A_975 : vector<1x16xf32> to vector<16xf32>
        %parallel_loop3A_977 = arith.index_cast %parallel_loop3A_190 : i32 to index
        %parallel_loop3A_978 = arith.constant 272 : index
        %parallel_loop3A_979 = tpu.vector_load %arg14[%parallel_loop3A_977, %parallel_loop3A_978] {strides = array<i32>} : memref<16x384xf32, #tpu.memory_space<vmem>>, vector<1x16xf32>,
        %parallel_loop3A_980 = vector.shape_cast %parallel_loop3A_979 : vector<1x16xf32> to vector<16xf32>
        %parallel_loop3A_981 = arith.addf %parallel_loop3A_976, %parallel_loop3A_980 : vector<16xf32>
        %parallel_loop3A_982 = arith.index_cast %parallel_loop3A_190 : i32 to index
        %parallel_loop3A_983 = arith.constant 272 : index
        %parallel_loop3A_984 = tpu.vector_load %arg15[%parallel_loop3A_982, %parallel_loop3A_983] {strides = array<i32>} : memref<16x384xf32, #tpu.memory_space<vmem>>, vector<1x16xf32>,
        %parallel_loop3A_985 = vector.shape_cast %parallel_loop3A_984 : vector<1x16xf32> to vector<16xf32>
        %parallel_loop3A_986 = arith.addf %parallel_loop3A_981, %parallel_loop3A_985 : vector<16xf32>
        %parallel_loop3A_987 = arith.constant 3 : i32
        %parallel_loop3A_988 = arith.muli %parallel_loop3A_987, %parallel_loop3A_190 : i32
        %parallel_loop3A_989 = arith.constant 2 : i32
        %parallel_loop3A_990 = arith.addi %parallel_loop3A_988, %parallel_loop3A_989 : i32
        %parallel_loop3A_991 = arith.index_cast %parallel_loop3A_990 : i32 to index
        %parallel_loop3A_992 = arith.constant 16 : index
        %parallel_loop3A_993 = tpu.vector_load %arg16[%parallel_loop3A_991, %parallel_loop3A_992] {strides = array<i32>} : memref<48x128xf32, #tpu.memory_space<vmem>>, vector<1x16xf32>,
        %parallel_loop3A_994 = vector.shape_cast %parallel_loop3A_993 : vector<1x16xf32> to vector<16xf32>
        %parallel_loop3A_995 = arith.addf %parallel_loop3A_986, %parallel_loop3A_994 : vector<16xf32>
        %parallel_loop3A_996 = arith.constant 3 : i32
        %parallel_loop3A_997 = arith.muli %parallel_loop3A_996, %parallel_loop3A_190 : i32
        %parallel_loop3A_998 = arith.constant 2 : i32
        %parallel_loop3A_999 = arith.addi %parallel_loop3A_997, %parallel_loop3A_998 : i32
        %parallel_loop3A_1000 = arith.index_cast %parallel_loop3A_999 : i32 to index
        %parallel_loop3A_1001 = arith.constant 16 : index
        %parallel_loop3A_1002 = tpu.vector_load %arg17[%parallel_loop3A_1000, %parallel_loop3A_1001] {strides = array<i32>} : memref<48x128xf32, #tpu.memory_space<vmem>>, vector<1x16xf32>,
        %parallel_loop3A_1003 = vector.shape_cast %parallel_loop3A_1002 : vector<1x16xf32> to vector<16xf32>
        %parallel_loop3A_1004 = arith.addf %parallel_loop3A_995, %parallel_loop3A_1003 : vector<16xf32>
        %parallel_loop3A_1005 = arith.constant 3 : i32
        %parallel_loop3A_1006 = arith.muli %parallel_loop3A_1005, %parallel_loop3A_190 : i32
        %parallel_loop3A_1007 = arith.constant 2 : i32
        %parallel_loop3A_1008 = arith.addi %parallel_loop3A_1006, %parallel_loop3A_1007 : i32
        %parallel_loop3A_1009 = arith.index_cast %parallel_loop3A_1008 : i32 to index
        %parallel_loop3A_1010 = arith.constant 16 : index
        %parallel_loop3A_1011 = tpu.vector_load %arg18[%parallel_loop3A_1009, %parallel_loop3A_1010] {strides = array<i32>} : memref<48x128xf32, #tpu.memory_space<vmem>>, vector<1x16xf32>,
        %parallel_loop3A_1012 = vector.shape_cast %parallel_loop3A_1011 : vector<1x16xf32> to vector<16xf32>
        %parallel_loop3A_1013 = arith.addf %parallel_loop3A_1004, %parallel_loop3A_1012 : vector<16xf32>
        %parallel_loop3A_1014 = arith.index_cast %parallel_loop3A_190 : i32 to index
        %parallel_loop3A_1015 = arith.constant 272 : index
        %parallel_loop3A_1016 = tpu.vector_load %arg13[%parallel_loop3A_1014, %parallel_loop3A_1015] {strides = array<i32>} : memref<16x384xf32, #tpu.memory_space<vmem>>, vector<1x16xf32>,
        %parallel_loop3A_1017 = vector.shape_cast %parallel_loop3A_1016 : vector<1x16xf32> to vector<16xf32>
        %parallel_loop3A_1018 = vector.shape_cast %parallel_loop3A_1013 : vector<16xf32> to vector<1x16xf32>
        tpu.vector_store %arg13[%parallel_loop3A_1014, %parallel_loop3A_1015], %parallel_loop3A_1018 {strides = array<i32>} : memref<16x384xf32, #tpu.memory_space<vmem>>, vector<1x16xf32>,
        %parallel_loop3A_1019 = arith.index_cast %parallel_loop3A_190 : i32 to index
        %parallel_loop3A_1020 = arith.constant 288 : index
        %parallel_loop3A_1021 = tpu.vector_load %arg13[%parallel_loop3A_1019, %parallel_loop3A_1020] {strides = array<i32>} : memref<16x384xf32, #tpu.memory_space<vmem>>, vector<1x16xf32>,
        %parallel_loop3A_1022 = vector.shape_cast %parallel_loop3A_1021 : vector<1x16xf32> to vector<16xf32>
        %parallel_loop3A_1023 = arith.index_cast %parallel_loop3A_190 : i32 to index
        %parallel_loop3A_1024 = arith.constant 288 : index
        %parallel_loop3A_1025 = tpu.vector_load %arg14[%parallel_loop3A_1023, %parallel_loop3A_1024] {strides = array<i32>} : memref<16x384xf32, #tpu.memory_space<vmem>>, vector<1x16xf32>,
        %parallel_loop3A_1026 = vector.shape_cast %parallel_loop3A_1025 : vector<1x16xf32> to vector<16xf32>
        %parallel_loop3A_1027 = arith.addf %parallel_loop3A_1022, %parallel_loop3A_1026 : vector<16xf32>
        %parallel_loop3A_1028 = arith.index_cast %parallel_loop3A_190 : i32 to index
        %parallel_loop3A_1029 = arith.constant 288 : index
        %parallel_loop3A_1030 = tpu.vector_load %arg15[%parallel_loop3A_1028, %parallel_loop3A_1029] {strides = array<i32>} : memref<16x384xf32, #tpu.memory_space<vmem>>, vector<1x16xf32>,
        %parallel_loop3A_1031 = vector.shape_cast %parallel_loop3A_1030 : vector<1x16xf32> to vector<16xf32>
        %parallel_loop3A_1032 = arith.addf %parallel_loop3A_1027, %parallel_loop3A_1031 : vector<16xf32>
        %parallel_loop3A_1033 = arith.constant 3 : i32
        %parallel_loop3A_1034 = arith.muli %parallel_loop3A_1033, %parallel_loop3A_190 : i32
        %parallel_loop3A_1035 = arith.constant 2 : i32
        %parallel_loop3A_1036 = arith.addi %parallel_loop3A_1034, %parallel_loop3A_1035 : i32
        %parallel_loop3A_1037 = arith.index_cast %parallel_loop3A_1036 : i32 to index
        %parallel_loop3A_1038 = arith.constant 32 : index
        %parallel_loop3A_1039 = tpu.vector_load %arg16[%parallel_loop3A_1037, %parallel_loop3A_1038] {strides = array<i32>} : memref<48x128xf32, #tpu.memory_space<vmem>>, vector<1x16xf32>,
        %parallel_loop3A_1040 = vector.shape_cast %parallel_loop3A_1039 : vector<1x16xf32> to vector<16xf32>
        %parallel_loop3A_1041 = arith.addf %parallel_loop3A_1032, %parallel_loop3A_1040 : vector<16xf32>
        %parallel_loop3A_1042 = arith.constant 3 : i32
        %parallel_loop3A_1043 = arith.muli %parallel_loop3A_1042, %parallel_loop3A_190 : i32
        %parallel_loop3A_1044 = arith.constant 2 : i32
        %parallel_loop3A_1045 = arith.addi %parallel_loop3A_1043, %parallel_loop3A_1044 : i32
        %parallel_loop3A_1046 = arith.index_cast %parallel_loop3A_1045 : i32 to index
        %parallel_loop3A_1047 = arith.constant 32 : index
        %parallel_loop3A_1048 = tpu.vector_load %arg17[%parallel_loop3A_1046, %parallel_loop3A_1047] {strides = array<i32>} : memref<48x128xf32, #tpu.memory_space<vmem>>, vector<1x16xf32>,
        %parallel_loop3A_1049 = vector.shape_cast %parallel_loop3A_1048 : vector<1x16xf32> to vector<16xf32>
        %parallel_loop3A_1050 = arith.addf %parallel_loop3A_1041, %parallel_loop3A_1049 : vector<16xf32>
        %parallel_loop3A_1051 = arith.constant 3 : i32
        %parallel_loop3A_1052 = arith.muli %parallel_loop3A_1051, %parallel_loop3A_190 : i32
        %parallel_loop3A_1053 = arith.constant 2 : i32
        %parallel_loop3A_1054 = arith.addi %parallel_loop3A_1052, %parallel_loop3A_1053 : i32
        %parallel_loop3A_1055 = arith.index_cast %parallel_loop3A_1054 : i32 to index
        %parallel_loop3A_1056 = arith.constant 32 : index
        %parallel_loop3A_1057 = tpu.vector_load %arg18[%parallel_loop3A_1055, %parallel_loop3A_1056] {strides = array<i32>} : memref<48x128xf32, #tpu.memory_space<vmem>>, vector<1x16xf32>,
        %parallel_loop3A_1058 = vector.shape_cast %parallel_loop3A_1057 : vector<1x16xf32> to vector<16xf32>
        %parallel_loop3A_1059 = arith.addf %parallel_loop3A_1050, %parallel_loop3A_1058 : vector<16xf32>
        %parallel_loop3A_1060 = arith.index_cast %parallel_loop3A_190 : i32 to index
        %parallel_loop3A_1061 = arith.constant 288 : index
        %parallel_loop3A_1062 = tpu.vector_load %arg13[%parallel_loop3A_1060, %parallel_loop3A_1061] {strides = array<i32>} : memref<16x384xf32, #tpu.memory_space<vmem>>, vector<1x16xf32>,
        %parallel_loop3A_1063 = vector.shape_cast %parallel_loop3A_1062 : vector<1x16xf32> to vector<16xf32>
        %parallel_loop3A_1064 = vector.shape_cast %parallel_loop3A_1059 : vector<16xf32> to vector<1x16xf32>
        tpu.vector_store %arg13[%parallel_loop3A_1060, %parallel_loop3A_1061], %parallel_loop3A_1064 {strides = array<i32>} : memref<16x384xf32, #tpu.memory_space<vmem>>, vector<1x16xf32>,
        %parallel_loop3A_1065 = arith.index_cast %parallel_loop3A_190 : i32 to index
        %parallel_loop3A_1066 = arith.constant 304 : index
        %parallel_loop3A_1067 = tpu.vector_load %arg13[%parallel_loop3A_1065, %parallel_loop3A_1066] {strides = array<i32>} : memref<16x384xf32, #tpu.memory_space<vmem>>, vector<1x16xf32>,
        %parallel_loop3A_1068 = vector.shape_cast %parallel_loop3A_1067 : vector<1x16xf32> to vector<16xf32>
        %parallel_loop3A_1069 = arith.index_cast %parallel_loop3A_190 : i32 to index
        %parallel_loop3A_1070 = arith.constant 304 : index
        %parallel_loop3A_1071 = tpu.vector_load %arg14[%parallel_loop3A_1069, %parallel_loop3A_1070] {strides = array<i32>} : memref<16x384xf32, #tpu.memory_space<vmem>>, vector<1x16xf32>,
        %parallel_loop3A_1072 = vector.shape_cast %parallel_loop3A_1071 : vector<1x16xf32> to vector<16xf32>
        %parallel_loop3A_1073 = arith.addf %parallel_loop3A_1068, %parallel_loop3A_1072 : vector<16xf32>
        %parallel_loop3A_1074 = arith.index_cast %parallel_loop3A_190 : i32 to index
        %parallel_loop3A_1075 = arith.constant 304 : index
        %parallel_loop3A_1076 = tpu.vector_load %arg15[%parallel_loop3A_1074, %parallel_loop3A_1075] {strides = array<i32>} : memref<16x384xf32, #tpu.memory_space<vmem>>, vector<1x16xf32>,
        %parallel_loop3A_1077 = vector.shape_cast %parallel_loop3A_1076 : vector<1x16xf32> to vector<16xf32>
        %parallel_loop3A_1078 = arith.addf %parallel_loop3A_1073, %parallel_loop3A_1077 : vector<16xf32>
        %parallel_loop3A_1079 = arith.constant 3 : i32
        %parallel_loop3A_1080 = arith.muli %parallel_loop3A_1079, %parallel_loop3A_190 : i32
        %parallel_loop3A_1081 = arith.constant 2 : i32
        %parallel_loop3A_1082 = arith.addi %parallel_loop3A_1080, %parallel_loop3A_1081 : i32
        %parallel_loop3A_1083 = arith.index_cast %parallel_loop3A_1082 : i32 to index
        %parallel_loop3A_1084 = arith.constant 48 : index
        %parallel_loop3A_1085 = tpu.vector_load %arg16[%parallel_loop3A_1083, %parallel_loop3A_1084] {strides = array<i32>} : memref<48x128xf32, #tpu.memory_space<vmem>>, vector<1x16xf32>,
        %parallel_loop3A_1086 = vector.shape_cast %parallel_loop3A_1085 : vector<1x16xf32> to vector<16xf32>
        %parallel_loop3A_1087 = arith.addf %parallel_loop3A_1078, %parallel_loop3A_1086 : vector<16xf32>
        %parallel_loop3A_1088 = arith.constant 3 : i32
        %parallel_loop3A_1089 = arith.muli %parallel_loop3A_1088, %parallel_loop3A_190 : i32
        %parallel_loop3A_1090 = arith.constant 2 : i32
        %parallel_loop3A_1091 = arith.addi %parallel_loop3A_1089, %parallel_loop3A_1090 : i32
        %parallel_loop3A_1092 = arith.index_cast %parallel_loop3A_1091 : i32 to index
        %parallel_loop3A_1093 = arith.constant 48 : index
        %parallel_loop3A_1094 = tpu.vector_load %arg17[%parallel_loop3A_1092, %parallel_loop3A_1093] {strides = array<i32>} : memref<48x128xf32, #tpu.memory_space<vmem>>, vector<1x16xf32>,
        %parallel_loop3A_1095 = vector.shape_cast %parallel_loop3A_1094 : vector<1x16xf32> to vector<16xf32>
        %parallel_loop3A_1096 = arith.addf %parallel_loop3A_1087, %parallel_loop3A_1095 : vector<16xf32>
        %parallel_loop3A_1097 = arith.constant 3 : i32
        %parallel_loop3A_1098 = arith.muli %parallel_loop3A_1097, %parallel_loop3A_190 : i32
        %parallel_loop3A_1099 = arith.constant 2 : i32
        %parallel_loop3A_1100 = arith.addi %parallel_loop3A_1098, %parallel_loop3A_1099 : i32
        %parallel_loop3A_1101 = arith.index_cast %parallel_loop3A_1100 : i32 to index
        %parallel_loop3A_1102 = arith.constant 48 : index
        %parallel_loop3A_1103 = tpu.vector_load %arg18[%parallel_loop3A_1101, %parallel_loop3A_1102] {strides = array<i32>} : memref<48x128xf32, #tpu.memory_space<vmem>>, vector<1x16xf32>,
        %parallel_loop3A_1104 = vector.shape_cast %parallel_loop3A_1103 : vector<1x16xf32> to vector<16xf32>
        %parallel_loop3A_1105 = arith.addf %parallel_loop3A_1096, %parallel_loop3A_1104 : vector<16xf32>
        %parallel_loop3A_1106 = arith.index_cast %parallel_loop3A_190 : i32 to index
        %parallel_loop3A_1107 = arith.constant 304 : index
        %parallel_loop3A_1108 = tpu.vector_load %arg13[%parallel_loop3A_1106, %parallel_loop3A_1107] {strides = array<i32>} : memref<16x384xf32, #tpu.memory_space<vmem>>, vector<1x16xf32>,
        %parallel_loop3A_1109 = vector.shape_cast %parallel_loop3A_1108 : vector<1x16xf32> to vector<16xf32>
        %parallel_loop3A_1110 = vector.shape_cast %parallel_loop3A_1105 : vector<16xf32> to vector<1x16xf32>
        tpu.vector_store %arg13[%parallel_loop3A_1106, %parallel_loop3A_1107], %parallel_loop3A_1110 {strides = array<i32>} : memref<16x384xf32, #tpu.memory_space<vmem>>, vector<1x16xf32>,
        %parallel_loop3A_1111 = arith.index_cast %parallel_loop3A_190 : i32 to index
        %parallel_loop3A_1112 = arith.constant 320 : index
        %parallel_loop3A_1113 = tpu.vector_load %arg13[%parallel_loop3A_1111, %parallel_loop3A_1112] {strides = array<i32>} : memref<16x384xf32, #tpu.memory_space<vmem>>, vector<1x16xf32>,
        %parallel_loop3A_1114 = vector.shape_cast %parallel_loop3A_1113 : vector<1x16xf32> to vector<16xf32>
        %parallel_loop3A_1115 = arith.index_cast %parallel_loop3A_190 : i32 to index
        %parallel_loop3A_1116 = arith.constant 320 : index
        %parallel_loop3A_1117 = tpu.vector_load %arg14[%parallel_loop3A_1115, %parallel_loop3A_1116] {strides = array<i32>} : memref<16x384xf32, #tpu.memory_space<vmem>>, vector<1x16xf32>,
        %parallel_loop3A_1118 = vector.shape_cast %parallel_loop3A_1117 : vector<1x16xf32> to vector<16xf32>
        %parallel_loop3A_1119 = arith.addf %parallel_loop3A_1114, %parallel_loop3A_1118 : vector<16xf32>
        %parallel_loop3A_1120 = arith.index_cast %parallel_loop3A_190 : i32 to index
        %parallel_loop3A_1121 = arith.constant 320 : index
        %parallel_loop3A_1122 = tpu.vector_load %arg15[%parallel_loop3A_1120, %parallel_loop3A_1121] {strides = array<i32>} : memref<16x384xf32, #tpu.memory_space<vmem>>, vector<1x16xf32>,
        %parallel_loop3A_1123 = vector.shape_cast %parallel_loop3A_1122 : vector<1x16xf32> to vector<16xf32>
        %parallel_loop3A_1124 = arith.addf %parallel_loop3A_1119, %parallel_loop3A_1123 : vector<16xf32>
        %parallel_loop3A_1125 = arith.constant 3 : i32
        %parallel_loop3A_1126 = arith.muli %parallel_loop3A_1125, %parallel_loop3A_190 : i32
        %parallel_loop3A_1127 = arith.constant 2 : i32
        %parallel_loop3A_1128 = arith.addi %parallel_loop3A_1126, %parallel_loop3A_1127 : i32
        %parallel_loop3A_1129 = arith.index_cast %parallel_loop3A_1128 : i32 to index
        %parallel_loop3A_1130 = arith.constant 64 : index
        %parallel_loop3A_1131 = tpu.vector_load %arg16[%parallel_loop3A_1129, %parallel_loop3A_1130] {strides = array<i32>} : memref<48x128xf32, #tpu.memory_space<vmem>>, vector<1x16xf32>,
        %parallel_loop3A_1132 = vector.shape_cast %parallel_loop3A_1131 : vector<1x16xf32> to vector<16xf32>
        %parallel_loop3A_1133 = arith.addf %parallel_loop3A_1124, %parallel_loop3A_1132 : vector<16xf32>
        %parallel_loop3A_1134 = arith.constant 3 : i32
        %parallel_loop3A_1135 = arith.muli %parallel_loop3A_1134, %parallel_loop3A_190 : i32
        %parallel_loop3A_1136 = arith.constant 2 : i32
        %parallel_loop3A_1137 = arith.addi %parallel_loop3A_1135, %parallel_loop3A_1136 : i32
        %parallel_loop3A_1138 = arith.index_cast %parallel_loop3A_1137 : i32 to index
        %parallel_loop3A_1139 = arith.constant 64 : index
        %parallel_loop3A_1140 = tpu.vector_load %arg17[%parallel_loop3A_1138, %parallel_loop3A_1139] {strides = array<i32>} : memref<48x128xf32, #tpu.memory_space<vmem>>, vector<1x16xf32>,
        %parallel_loop3A_1141 = vector.shape_cast %parallel_loop3A_1140 : vector<1x16xf32> to vector<16xf32>
        %parallel_loop3A_1142 = arith.addf %parallel_loop3A_1133, %parallel_loop3A_1141 : vector<16xf32>
        %parallel_loop3A_1143 = arith.constant 3 : i32
        %parallel_loop3A_1144 = arith.muli %parallel_loop3A_1143, %parallel_loop3A_190 : i32
        %parallel_loop3A_1145 = arith.constant 2 : i32
        %parallel_loop3A_1146 = arith.addi %parallel_loop3A_1144, %parallel_loop3A_1145 : i32
        %parallel_loop3A_1147 = arith.index_cast %parallel_loop3A_1146 : i32 to index
        %parallel_loop3A_1148 = arith.constant 64 : index
        %parallel_loop3A_1149 = tpu.vector_load %arg18[%parallel_loop3A_1147, %parallel_loop3A_1148] {strides = array<i32>} : memref<48x128xf32, #tpu.memory_space<vmem>>, vector<1x16xf32>,
        %parallel_loop3A_1150 = vector.shape_cast %parallel_loop3A_1149 : vector<1x16xf32> to vector<16xf32>
        %parallel_loop3A_1151 = arith.addf %parallel_loop3A_1142, %parallel_loop3A_1150 : vector<16xf32>
        %parallel_loop3A_1152 = arith.index_cast %parallel_loop3A_190 : i32 to index
        %parallel_loop3A_1153 = arith.constant 320 : index
        %parallel_loop3A_1154 = tpu.vector_load %arg13[%parallel_loop3A_1152, %parallel_loop3A_1153] {strides = array<i32>} : memref<16x384xf32, #tpu.memory_space<vmem>>, vector<1x16xf32>,
        %parallel_loop3A_1155 = vector.shape_cast %parallel_loop3A_1154 : vector<1x16xf32> to vector<16xf32>
        %parallel_loop3A_1156 = vector.shape_cast %parallel_loop3A_1151 : vector<16xf32> to vector<1x16xf32>
        tpu.vector_store %arg13[%parallel_loop3A_1152, %parallel_loop3A_1153], %parallel_loop3A_1156 {strides = array<i32>} : memref<16x384xf32, #tpu.memory_space<vmem>>, vector<1x16xf32>,
        %parallel_loop3A_1157 = arith.index_cast %parallel_loop3A_190 : i32 to index
        %parallel_loop3A_1158 = arith.constant 336 : index
        %parallel_loop3A_1159 = tpu.vector_load %arg13[%parallel_loop3A_1157, %parallel_loop3A_1158] {strides = array<i32>} : memref<16x384xf32, #tpu.memory_space<vmem>>, vector<1x16xf32>,
        %parallel_loop3A_1160 = vector.shape_cast %parallel_loop3A_1159 : vector<1x16xf32> to vector<16xf32>
        %parallel_loop3A_1161 = arith.index_cast %parallel_loop3A_190 : i32 to index
        %parallel_loop3A_1162 = arith.constant 336 : index
        %parallel_loop3A_1163 = tpu.vector_load %arg14[%parallel_loop3A_1161, %parallel_loop3A_1162] {strides = array<i32>} : memref<16x384xf32, #tpu.memory_space<vmem>>, vector<1x16xf32>,
        %parallel_loop3A_1164 = vector.shape_cast %parallel_loop3A_1163 : vector<1x16xf32> to vector<16xf32>
        %parallel_loop3A_1165 = arith.addf %parallel_loop3A_1160, %parallel_loop3A_1164 : vector<16xf32>
        %parallel_loop3A_1166 = arith.index_cast %parallel_loop3A_190 : i32 to index
        %parallel_loop3A_1167 = arith.constant 336 : index
        %parallel_loop3A_1168 = tpu.vector_load %arg15[%parallel_loop3A_1166, %parallel_loop3A_1167] {strides = array<i32>} : memref<16x384xf32, #tpu.memory_space<vmem>>, vector<1x16xf32>,
        %parallel_loop3A_1169 = vector.shape_cast %parallel_loop3A_1168 : vector<1x16xf32> to vector<16xf32>
        %parallel_loop3A_1170 = arith.addf %parallel_loop3A_1165, %parallel_loop3A_1169 : vector<16xf32>
        %parallel_loop3A_1171 = arith.constant 3 : i32
        %parallel_loop3A_1172 = arith.muli %parallel_loop3A_1171, %parallel_loop3A_190 : i32
        %parallel_loop3A_1173 = arith.constant 2 : i32
        %parallel_loop3A_1174 = arith.addi %parallel_loop3A_1172, %parallel_loop3A_1173 : i32
        %parallel_loop3A_1175 = arith.index_cast %parallel_loop3A_1174 : i32 to index
        %parallel_loop3A_1176 = arith.constant 80 : index
        %parallel_loop3A_1177 = tpu.vector_load %arg16[%parallel_loop3A_1175, %parallel_loop3A_1176] {strides = array<i32>} : memref<48x128xf32, #tpu.memory_space<vmem>>, vector<1x16xf32>,
        %parallel_loop3A_1178 = vector.shape_cast %parallel_loop3A_1177 : vector<1x16xf32> to vector<16xf32>
        %parallel_loop3A_1179 = arith.addf %parallel_loop3A_1170, %parallel_loop3A_1178 : vector<16xf32>
        %parallel_loop3A_1180 = arith.constant 3 : i32
        %parallel_loop3A_1181 = arith.muli %parallel_loop3A_1180, %parallel_loop3A_190 : i32
        %parallel_loop3A_1182 = arith.constant 2 : i32
        %parallel_loop3A_1183 = arith.addi %parallel_loop3A_1181, %parallel_loop3A_1182 : i32
        %parallel_loop3A_1184 = arith.index_cast %parallel_loop3A_1183 : i32 to index
        %parallel_loop3A_1185 = arith.constant 80 : index
        %parallel_loop3A_1186 = tpu.vector_load %arg17[%parallel_loop3A_1184, %parallel_loop3A_1185] {strides = array<i32>} : memref<48x128xf32, #tpu.memory_space<vmem>>, vector<1x16xf32>,
        %parallel_loop3A_1187 = vector.shape_cast %parallel_loop3A_1186 : vector<1x16xf32> to vector<16xf32>
        %parallel_loop3A_1188 = arith.addf %parallel_loop3A_1179, %parallel_loop3A_1187 : vector<16xf32>
        %parallel_loop3A_1189 = arith.constant 3 : i32
        %parallel_loop3A_1190 = arith.muli %parallel_loop3A_1189, %parallel_loop3A_190 : i32
        %parallel_loop3A_1191 = arith.constant 2 : i32
        %parallel_loop3A_1192 = arith.addi %parallel_loop3A_1190, %parallel_loop3A_1191 : i32
        %parallel_loop3A_1193 = arith.index_cast %parallel_loop3A_1192 : i32 to index
        %parallel_loop3A_1194 = arith.constant 80 : index
        %parallel_loop3A_1195 = tpu.vector_load %arg18[%parallel_loop3A_1193, %parallel_loop3A_1194] {strides = array<i32>} : memref<48x128xf32, #tpu.memory_space<vmem>>, vector<1x16xf32>,
        %parallel_loop3A_1196 = vector.shape_cast %parallel_loop3A_1195 : vector<1x16xf32> to vector<16xf32>
        %parallel_loop3A_1197 = arith.addf %parallel_loop3A_1188, %parallel_loop3A_1196 : vector<16xf32>
        %parallel_loop3A_1198 = arith.index_cast %parallel_loop3A_190 : i32 to index
        %parallel_loop3A_1199 = arith.constant 336 : index
        %parallel_loop3A_1200 = tpu.vector_load %arg13[%parallel_loop3A_1198, %parallel_loop3A_1199] {strides = array<i32>} : memref<16x384xf32, #tpu.memory_space<vmem>>, vector<1x16xf32>,
        %parallel_loop3A_1201 = vector.shape_cast %parallel_loop3A_1200 : vector<1x16xf32> to vector<16xf32>
        %parallel_loop3A_1202 = vector.shape_cast %parallel_loop3A_1197 : vector<16xf32> to vector<1x16xf32>
        tpu.vector_store %arg13[%parallel_loop3A_1198, %parallel_loop3A_1199], %parallel_loop3A_1202 {strides = array<i32>} : memref<16x384xf32, #tpu.memory_space<vmem>>, vector<1x16xf32>,
        %parallel_loop3A_1203 = arith.index_cast %parallel_loop3A_190 : i32 to index
        %parallel_loop3A_1204 = arith.constant 352 : index
        %parallel_loop3A_1205 = tpu.vector_load %arg13[%parallel_loop3A_1203, %parallel_loop3A_1204] {strides = array<i32>} : memref<16x384xf32, #tpu.memory_space<vmem>>, vector<1x16xf32>,
        %parallel_loop3A_1206 = vector.shape_cast %parallel_loop3A_1205 : vector<1x16xf32> to vector<16xf32>
        %parallel_loop3A_1207 = arith.index_cast %parallel_loop3A_190 : i32 to index
        %parallel_loop3A_1208 = arith.constant 352 : index
        %parallel_loop3A_1209 = tpu.vector_load %arg14[%parallel_loop3A_1207, %parallel_loop3A_1208] {strides = array<i32>} : memref<16x384xf32, #tpu.memory_space<vmem>>, vector<1x16xf32>,
        %parallel_loop3A_1210 = vector.shape_cast %parallel_loop3A_1209 : vector<1x16xf32> to vector<16xf32>
        %parallel_loop3A_1211 = arith.addf %parallel_loop3A_1206, %parallel_loop3A_1210 : vector<16xf32>
        %parallel_loop3A_1212 = arith.index_cast %parallel_loop3A_190 : i32 to index
        %parallel_loop3A_1213 = arith.constant 352 : index
        %parallel_loop3A_1214 = tpu.vector_load %arg15[%parallel_loop3A_1212, %parallel_loop3A_1213] {strides = array<i32>} : memref<16x384xf32, #tpu.memory_space<vmem>>, vector<1x16xf32>,
        %parallel_loop3A_1215 = vector.shape_cast %parallel_loop3A_1214 : vector<1x16xf32> to vector<16xf32>
        %parallel_loop3A_1216 = arith.addf %parallel_loop3A_1211, %parallel_loop3A_1215 : vector<16xf32>
        %parallel_loop3A_1217 = arith.constant 3 : i32
        %parallel_loop3A_1218 = arith.muli %parallel_loop3A_1217, %parallel_loop3A_190 : i32
        %parallel_loop3A_1219 = arith.constant 2 : i32
        %parallel_loop3A_1220 = arith.addi %parallel_loop3A_1218, %parallel_loop3A_1219 : i32
        %parallel_loop3A_1221 = arith.index_cast %parallel_loop3A_1220 : i32 to index
        %parallel_loop3A_1222 = arith.constant 96 : index
        %parallel_loop3A_1223 = tpu.vector_load %arg16[%parallel_loop3A_1221, %parallel_loop3A_1222] {strides = array<i32>} : memref<48x128xf32, #tpu.memory_space<vmem>>, vector<1x16xf32>,
        %parallel_loop3A_1224 = vector.shape_cast %parallel_loop3A_1223 : vector<1x16xf32> to vector<16xf32>
        %parallel_loop3A_1225 = arith.addf %parallel_loop3A_1216, %parallel_loop3A_1224 : vector<16xf32>
        %parallel_loop3A_1226 = arith.constant 3 : i32
        %parallel_loop3A_1227 = arith.muli %parallel_loop3A_1226, %parallel_loop3A_190 : i32
        %parallel_loop3A_1228 = arith.constant 2 : i32
        %parallel_loop3A_1229 = arith.addi %parallel_loop3A_1227, %parallel_loop3A_1228 : i32
        %parallel_loop3A_1230 = arith.index_cast %parallel_loop3A_1229 : i32 to index
        %parallel_loop3A_1231 = arith.constant 96 : index
        %parallel_loop3A_1232 = tpu.vector_load %arg17[%parallel_loop3A_1230, %parallel_loop3A_1231] {strides = array<i32>} : memref<48x128xf32, #tpu.memory_space<vmem>>, vector<1x16xf32>,
        %parallel_loop3A_1233 = vector.shape_cast %parallel_loop3A_1232 : vector<1x16xf32> to vector<16xf32>
        %parallel_loop3A_1234 = arith.addf %parallel_loop3A_1225, %parallel_loop3A_1233 : vector<16xf32>
        %parallel_loop3A_1235 = arith.constant 3 : i32
        %parallel_loop3A_1236 = arith.muli %parallel_loop3A_1235, %parallel_loop3A_190 : i32
        %parallel_loop3A_1237 = arith.constant 2 : i32
        %parallel_loop3A_1238 = arith.addi %parallel_loop3A_1236, %parallel_loop3A_1237 : i32
        %parallel_loop3A_1239 = arith.index_cast %parallel_loop3A_1238 : i32 to index
        %parallel_loop3A_1240 = arith.constant 96 : index
        %parallel_loop3A_1241 = tpu.vector_load %arg18[%parallel_loop3A_1239, %parallel_loop3A_1240] {strides = array<i32>} : memref<48x128xf32, #tpu.memory_space<vmem>>, vector<1x16xf32>,
        %parallel_loop3A_1242 = vector.shape_cast %parallel_loop3A_1241 : vector<1x16xf32> to vector<16xf32>
        %parallel_loop3A_1243 = arith.addf %parallel_loop3A_1234, %parallel_loop3A_1242 : vector<16xf32>
        %parallel_loop3A_1244 = arith.index_cast %parallel_loop3A_190 : i32 to index
        %parallel_loop3A_1245 = arith.constant 352 : index
        %parallel_loop3A_1246 = tpu.vector_load %arg13[%parallel_loop3A_1244, %parallel_loop3A_1245] {strides = array<i32>} : memref<16x384xf32, #tpu.memory_space<vmem>>, vector<1x16xf32>,
        %parallel_loop3A_1247 = vector.shape_cast %parallel_loop3A_1246 : vector<1x16xf32> to vector<16xf32>
        %parallel_loop3A_1248 = vector.shape_cast %parallel_loop3A_1243 : vector<16xf32> to vector<1x16xf32>
        tpu.vector_store %arg13[%parallel_loop3A_1244, %parallel_loop3A_1245], %parallel_loop3A_1248 {strides = array<i32>} : memref<16x384xf32, #tpu.memory_space<vmem>>, vector<1x16xf32>,
        %parallel_loop3A_1249 = arith.index_cast %parallel_loop3A_190 : i32 to index
        %parallel_loop3A_1250 = arith.constant 368 : index
        %parallel_loop3A_1251 = tpu.vector_load %arg13[%parallel_loop3A_1249, %parallel_loop3A_1250] {strides = array<i32>} : memref<16x384xf32, #tpu.memory_space<vmem>>, vector<1x16xf32>,
        %parallel_loop3A_1252 = vector.shape_cast %parallel_loop3A_1251 : vector<1x16xf32> to vector<16xf32>
        %parallel_loop3A_1253 = arith.index_cast %parallel_loop3A_190 : i32 to index
        %parallel_loop3A_1254 = arith.constant 368 : index
        %parallel_loop3A_1255 = tpu.vector_load %arg14[%parallel_loop3A_1253, %parallel_loop3A_1254] {strides = array<i32>} : memref<16x384xf32, #tpu.memory_space<vmem>>, vector<1x16xf32>,
        %parallel_loop3A_1256 = vector.shape_cast %parallel_loop3A_1255 : vector<1x16xf32> to vector<16xf32>
        %parallel_loop3A_1257 = arith.addf %parallel_loop3A_1252, %parallel_loop3A_1256 : vector<16xf32>
        %parallel_loop3A_1258 = arith.index_cast %parallel_loop3A_190 : i32 to index
        %parallel_loop3A_1259 = arith.constant 368 : index
        %parallel_loop3A_1260 = tpu.vector_load %arg15[%parallel_loop3A_1258, %parallel_loop3A_1259] {strides = array<i32>} : memref<16x384xf32, #tpu.memory_space<vmem>>, vector<1x16xf32>,
        %parallel_loop3A_1261 = vector.shape_cast %parallel_loop3A_1260 : vector<1x16xf32> to vector<16xf32>
        %parallel_loop3A_1262 = arith.addf %parallel_loop3A_1257, %parallel_loop3A_1261 : vector<16xf32>
        %parallel_loop3A_1263 = arith.constant 3 : i32
        %parallel_loop3A_1264 = arith.muli %parallel_loop3A_1263, %parallel_loop3A_190 : i32
        %parallel_loop3A_1265 = arith.constant 2 : i32
        %parallel_loop3A_1266 = arith.addi %parallel_loop3A_1264, %parallel_loop3A_1265 : i32
        %parallel_loop3A_1267 = arith.index_cast %parallel_loop3A_1266 : i32 to index
        %parallel_loop3A_1268 = arith.constant 112 : index
        %parallel_loop3A_1269 = tpu.vector_load %arg16[%parallel_loop3A_1267, %parallel_loop3A_1268] {strides = array<i32>} : memref<48x128xf32, #tpu.memory_space<vmem>>, vector<1x16xf32>,
        %parallel_loop3A_1270 = vector.shape_cast %parallel_loop3A_1269 : vector<1x16xf32> to vector<16xf32>
        %parallel_loop3A_1271 = arith.addf %parallel_loop3A_1262, %parallel_loop3A_1270 : vector<16xf32>
        %parallel_loop3A_1272 = arith.constant 3 : i32
        %parallel_loop3A_1273 = arith.muli %parallel_loop3A_1272, %parallel_loop3A_190 : i32
        %parallel_loop3A_1274 = arith.constant 2 : i32
        %parallel_loop3A_1275 = arith.addi %parallel_loop3A_1273, %parallel_loop3A_1274 : i32
        %parallel_loop3A_1276 = arith.index_cast %parallel_loop3A_1275 : i32 to index
        %parallel_loop3A_1277 = arith.constant 112 : index
        %parallel_loop3A_1278 = tpu.vector_load %arg17[%parallel_loop3A_1276, %parallel_loop3A_1277] {strides = array<i32>} : memref<48x128xf32, #tpu.memory_space<vmem>>, vector<1x16xf32>,
        %parallel_loop3A_1279 = vector.shape_cast %parallel_loop3A_1278 : vector<1x16xf32> to vector<16xf32>
        %parallel_loop3A_1280 = arith.addf %parallel_loop3A_1271, %parallel_loop3A_1279 : vector<16xf32>
        %parallel_loop3A_1281 = arith.constant 3 : i32
        %parallel_loop3A_1282 = arith.muli %parallel_loop3A_1281, %parallel_loop3A_190 : i32
        %parallel_loop3A_1283 = arith.constant 2 : i32
        %parallel_loop3A_1284 = arith.addi %parallel_loop3A_1282, %parallel_loop3A_1283 : i32
        %parallel_loop3A_1285 = arith.index_cast %parallel_loop3A_1284 : i32 to index
        %parallel_loop3A_1286 = arith.constant 112 : index
        %parallel_loop3A_1287 = tpu.vector_load %arg18[%parallel_loop3A_1285, %parallel_loop3A_1286] {strides = array<i32>} : memref<48x128xf32, #tpu.memory_space<vmem>>, vector<1x16xf32>,
        %parallel_loop3A_1288 = vector.shape_cast %parallel_loop3A_1287 : vector<1x16xf32> to vector<16xf32>
        %parallel_loop3A_1289 = arith.addf %parallel_loop3A_1280, %parallel_loop3A_1288 : vector<16xf32>
        %parallel_loop3A_1290 = arith.index_cast %parallel_loop3A_190 : i32 to index
        %parallel_loop3A_1291 = arith.constant 368 : index
        %parallel_loop3A_1292 = tpu.vector_load %arg13[%parallel_loop3A_1290, %parallel_loop3A_1291] {strides = array<i32>} : memref<16x384xf32, #tpu.memory_space<vmem>>, vector<1x16xf32>,
        %parallel_loop3A_1293 = vector.shape_cast %parallel_loop3A_1292 : vector<1x16xf32> to vector<16xf32>
        %parallel_loop3A_1294 = vector.shape_cast %parallel_loop3A_1289 : vector<16xf32> to vector<1x16xf32>
        tpu.vector_store %arg13[%parallel_loop3A_1290, %parallel_loop3A_1291], %parallel_loop3A_1294 {strides = array<i32>} : memref<16x384xf32, #tpu.memory_space<vmem>>, vector<1x16xf32>,
      } {sc.loop_unroll_factor = 4 : i64, sc.parallel_access}
      %add3A_177 = arith.constant 1 : i32
      %add3A_178 = arith.addi %mul3A_90, %add3A_177 : i32
      %mul3A_179 = arith.constant 40 : i32
      %mul3A_180 = arith.muli %add3A, %mul3A_179 : i32
      %add3A_181 = arith.addi %mul3A_180, %add3A_178 : i32
      %mul3A_182 = arith.constant 16 : i32
      %mul3A_183 = arith.muli %add3A_181, %mul3A_182 : i32
      %dma_start3A_184 = arith.constant 0 : i32
      %dma_start3A_185 = tpu.memref_slice %arg5[%mul3A_183, %dma_start3A_184] : memref<20480x384xf32, #tpu.memory_space<hbm>> -> memref<16x384xf32, #tpu.memory_space<hbm>>
      %dma_start3A_186 = arith.constant 0 : i32
      %dma_start3A_187 = tpu.memref_slice %arg5[%mul3A_183, %dma_start3A_186] : memref<20480x384xf32, #tpu.memory_space<hbm>> -> memref<16x384xf32, #tpu.memory_space<hbm>>
      tpu.enqueue_dma source(%arg13 : memref<16x384xf32, #tpu.memory_space<vmem>>) target(%dma_start3A_187 : memref<16x384xf32, #tpu.memory_space<hbm>>) target_semaphore(%arg22 : memref<!tpu.dma_semaphore, #tpu.memory_space<semaphore_mem>>)
      %lt3A = arith.constant 19 : i32
      %lt3A_188 = arith.cmpi slt, %scan3A_88, %lt3A : i32
      %convert_element_type3A = arith.extui %lt3A_188 : i1 to i32
      %cond3A = arith.constant 0 : i32
      %cond3A_189 = arith.cmpi ne, %convert_element_type3A, %cond3A : i32
      scf.if %cond3A_189 {
        %mul3A_190 = arith.constant 40 : i32
        %mul3A_191 = arith.muli %add3A, %mul3A_190 : i32
        %add3A_192 = arith.constant 0 : i32
        %add3A_193 = arith.addi %mul3A_191, %add3A_192 : i32
        %mul3A_194 = arith.constant 16 : i32
        %mul3A_195 = arith.muli %add3A_193, %mul3A_194 : i32
        %dma_wait3A_196 = arith.constant 0 : i32
        %dma_wait3A_197 = tpu.memref_slice %arg5[%mul3A_195, %dma_wait3A_196] : memref<20480x384xf32, #tpu.memory_space<hbm>> -> memref<16x384xf32, #tpu.memory_space<hbm>>
        %dma_wait3A_198 = arith.constant 0 : i32
        %dma_wait3A_199 = tpu.memref_slice %arg5[%mul3A_195, %dma_wait3A_198] : memref<20480x384xf32, #tpu.memory_space<hbm>> -> memref<16x384xf32, #tpu.memory_space<hbm>>
        tpu.wait_dma2 semaphore(%arg21 : memref<!tpu.dma_semaphore, #tpu.memory_space<semaphore_mem>>) src(%arg7 : memref<16x384xf32, #tpu.memory_space<vmem>>) dst(%dma_wait3A_199 : memref<16x384xf32, #tpu.memory_space<hbm>>)
        %add3A_200 = arith.constant 2 : i32
        %add3A_201 = arith.addi %mul3A_90, %add3A_200 : i32
        %mul3A_202 = arith.constant 192 : i32
        %mul3A_203 = arith.muli %add3A_201, %mul3A_202 : i32
        %dma_start3A_204 = tpu.memref_slice %arg6[%mul3A_203] : memref<7680xi32, #tpu.memory_space<vmem>> -> memref<16xi32, #tpu.memory_space<vmem>>
        %dma_start3A_205 = arith.constant 0 : i32
        %dma_start3A_206 = arith.constant 0 : i32
        %dma_start3A_207 = tpu.memref_slice %arg3[%dma_start3A_205, %dma_start3A_206] : memref<520x384xf32, #tpu.memory_space<hbm>> -> memref<520x384xf32, #tpu.memory_space<hbm>>
        tpu.enqueue_indirect_dma source(%dma_start3A_207 : memref<520x384xf32, #tpu.memory_space<hbm>>) target(%arg7 : memref<16x384xf32, #tpu.memory_space<vmem>>) offsets(%dma_start3A_204 : memref<16xi32, #tpu.memory_space<vmem>>) semaphore(%arg19 : memref<!tpu.dma_semaphore, #tpu.memory_space<semaphore_mem>>)
        %add3A_208 = arith.constant 16 : i32
        %add3A_209 = arith.addi %mul3A_203, %add3A_208 : i32
        %dma_start3A_210 = tpu.memref_slice %arg6[%add3A_209] : memref<7680xi32, #tpu.memory_space<vmem>> -> memref<16xi32, #tpu.memory_space<vmem>>
        %dma_start3A_211 = arith.constant 0 : i32
        %dma_start3A_212 = arith.constant 0 : i32
        %dma_start3A_213 = tpu.memref_slice %arg3[%dma_start3A_211, %dma_start3A_212] : memref<520x384xf32, #tpu.memory_space<hbm>> -> memref<520x384xf32, #tpu.memory_space<hbm>>
        tpu.enqueue_indirect_dma source(%dma_start3A_213 : memref<520x384xf32, #tpu.memory_space<hbm>>) target(%arg8 : memref<16x384xf32, #tpu.memory_space<vmem>>) offsets(%dma_start3A_210 : memref<16xi32, #tpu.memory_space<vmem>>) semaphore(%arg19 : memref<!tpu.dma_semaphore, #tpu.memory_space<semaphore_mem>>)
        %add3A_214 = arith.constant 32 : i32
        %add3A_215 = arith.addi %mul3A_203, %add3A_214 : i32
        %dma_start3A_216 = tpu.memref_slice %arg6[%add3A_215] : memref<7680xi32, #tpu.memory_space<vmem>> -> memref<16xi32, #tpu.memory_space<vmem>>
        %dma_start3A_217 = arith.constant 0 : i32
        %dma_start3A_218 = arith.constant 0 : i32
        %dma_start3A_219 = tpu.memref_slice %arg3[%dma_start3A_217, %dma_start3A_218] : memref<520x384xf32, #tpu.memory_space<hbm>> -> memref<520x384xf32, #tpu.memory_space<hbm>>
        tpu.enqueue_indirect_dma source(%dma_start3A_219 : memref<520x384xf32, #tpu.memory_space<hbm>>) target(%arg9 : memref<16x384xf32, #tpu.memory_space<vmem>>) offsets(%dma_start3A_216 : memref<16xi32, #tpu.memory_space<vmem>>) semaphore(%arg19 : memref<!tpu.dma_semaphore, #tpu.memory_space<semaphore_mem>>)
        %add3A_220 = arith.constant 48 : i32
        %add3A_221 = arith.addi %mul3A_203, %add3A_220 : i32
        %dma_start3A_222 = tpu.memref_slice %arg6[%add3A_221] : memref<7680xi32, #tpu.memory_space<vmem>> -> memref<48xi32, #tpu.memory_space<vmem>>
        %dma_start3A_223 = arith.constant 0 : i32
        %dma_start3A_224 = arith.constant 0 : i32
        %dma_start3A_225 = tpu.memref_slice %arg4[%dma_start3A_223, %dma_start3A_224] : memref<768x128xf32, #tpu.memory_space<hbm>> -> memref<768x128xf32, #tpu.memory_space<hbm>>
        tpu.enqueue_indirect_dma source(%dma_start3A_225 : memref<768x128xf32, #tpu.memory_space<hbm>>) target(%arg10 : memref<48x128xf32, #tpu.memory_space<vmem>>) offsets(%dma_start3A_222 : memref<48xi32, #tpu.memory_space<vmem>>) semaphore(%arg19 : memref<!tpu.dma_semaphore, #tpu.memory_space<semaphore_mem>>)
        %add3A_226 = arith.constant 96 : i32
        %add3A_227 = arith.addi %mul3A_203, %add3A_226 : i32
        %dma_start3A_228 = tpu.memref_slice %arg6[%add3A_227] : memref<7680xi32, #tpu.memory_space<vmem>> -> memref<48xi32, #tpu.memory_space<vmem>>
        %dma_start3A_229 = arith.constant 0 : i32
        %dma_start3A_230 = arith.constant 0 : i32
        %dma_start3A_231 = tpu.memref_slice %arg4[%dma_start3A_229, %dma_start3A_230] : memref<768x128xf32, #tpu.memory_space<hbm>> -> memref<768x128xf32, #tpu.memory_space<hbm>>
        tpu.enqueue_indirect_dma source(%dma_start3A_231 : memref<768x128xf32, #tpu.memory_space<hbm>>) target(%arg11 : memref<48x128xf32, #tpu.memory_space<vmem>>) offsets(%dma_start3A_228 : memref<48xi32, #tpu.memory_space<vmem>>) semaphore(%arg19 : memref<!tpu.dma_semaphore, #tpu.memory_space<semaphore_mem>>)
        %add3A_232 = arith.constant 144 : i32
        %add3A_233 = arith.addi %mul3A_203, %add3A_232 : i32
        %dma_start3A_234 = tpu.memref_slice %arg6[%add3A_233] : memref<7680xi32, #tpu.memory_space<vmem>> -> memref<48xi32, #tpu.memory_space<vmem>>
        %dma_start3A_235 = arith.constant 0 : i32
        %dma_start3A_236 = arith.constant 0 : i32
        %dma_start3A_237 = tpu.memref_slice %arg4[%dma_start3A_235, %dma_start3A_236] : memref<768x128xf32, #tpu.memory_space<hbm>> -> memref<768x128xf32, #tpu.memory_space<hbm>>
        tpu.enqueue_indirect_dma source(%dma_start3A_237 : memref<768x128xf32, #tpu.memory_space<hbm>>) target(%arg12 : memref<48x128xf32, #tpu.memory_space<vmem>>) offsets(%dma_start3A_234 : memref<48xi32, #tpu.memory_space<vmem>>) semaphore(%arg19 : memref<!tpu.dma_semaphore, #tpu.memory_space<semaphore_mem>>)
        %mul3A_238 = arith.constant 40 : i32
        %mul3A_239 = arith.muli %add3A, %mul3A_238 : i32
        %add3A_240 = arith.constant 0 : i32
        %add3A_241 = arith.addi %mul3A_239, %add3A_240 : i32
        %mul3A_242 = arith.constant 16 : i32
        %mul3A_243 = arith.muli %add3A_241, %mul3A_242 : i32
        %dma_wait3A_244 = arith.constant 0 : i32
        %dma_wait3A_245 = tpu.memref_slice %arg5[%mul3A_243, %dma_wait3A_244] : memref<20480x384xf32, #tpu.memory_space<hbm>> -> memref<16x384xf32, #tpu.memory_space<hbm>>
        %dma_wait3A_246 = arith.constant 0 : i32
        %dma_wait3A_247 = tpu.memref_slice %arg5[%mul3A_243, %dma_wait3A_246] : memref<20480x384xf32, #tpu.memory_space<hbm>> -> memref<16x384xf32, #tpu.memory_space<hbm>>
        tpu.wait_dma2 semaphore(%arg22 : memref<!tpu.dma_semaphore, #tpu.memory_space<semaphore_mem>>) src(%arg13 : memref<16x384xf32, #tpu.memory_space<vmem>>) dst(%dma_wait3A_247 : memref<16x384xf32, #tpu.memory_space<hbm>>)
        %add3A_248 = arith.constant 3 : i32
        %add3A_249 = arith.addi %mul3A_90, %add3A_248 : i32
        %mul3A_250 = arith.constant 192 : i32
        %mul3A_251 = arith.muli %add3A_249, %mul3A_250 : i32
        %dma_start3A_252 = tpu.memref_slice %arg6[%mul3A_251] : memref<7680xi32, #tpu.memory_space<vmem>> -> memref<16xi32, #tpu.memory_space<vmem>>
        %dma_start3A_253 = arith.constant 0 : i32
        %dma_start3A_254 = arith.constant 0 : i32
        %dma_start3A_255 = tpu.memref_slice %arg3[%dma_start3A_253, %dma_start3A_254] : memref<520x384xf32, #tpu.memory_space<hbm>> -> memref<520x384xf32, #tpu.memory_space<hbm>>
        tpu.enqueue_indirect_dma source(%dma_start3A_255 : memref<520x384xf32, #tpu.memory_space<hbm>>) target(%arg13 : memref<16x384xf32, #tpu.memory_space<vmem>>) offsets(%dma_start3A_252 : memref<16xi32, #tpu.memory_space<vmem>>) semaphore(%arg20 : memref<!tpu.dma_semaphore, #tpu.memory_space<semaphore_mem>>)
        %add3A_256 = arith.constant 16 : i32
        %add3A_257 = arith.addi %mul3A_251, %add3A_256 : i32
        %dma_start3A_258 = tpu.memref_slice %arg6[%add3A_257] : memref<7680xi32, #tpu.memory_space<vmem>> -> memref<16xi32, #tpu.memory_space<vmem>>
        %dma_start3A_259 = arith.constant 0 : i32
        %dma_start3A_260 = arith.constant 0 : i32
        %dma_start3A_261 = tpu.memref_slice %arg3[%dma_start3A_259, %dma_start3A_260] : memref<520x384xf32, #tpu.memory_space<hbm>> -> memref<520x384xf32, #tpu.memory_space<hbm>>
        tpu.enqueue_indirect_dma source(%dma_start3A_261 : memref<520x384xf32, #tpu.memory_space<hbm>>) target(%arg14 : memref<16x384xf32, #tpu.memory_space<vmem>>) offsets(%dma_start3A_258 : memref<16xi32, #tpu.memory_space<vmem>>) semaphore(%arg20 : memref<!tpu.dma_semaphore, #tpu.memory_space<semaphore_mem>>)
        %add3A_262 = arith.constant 32 : i32
        %add3A_263 = arith.addi %mul3A_251, %add3A_262 : i32
        %dma_start3A_264 = tpu.memref_slice %arg6[%add3A_263] : memref<7680xi32, #tpu.memory_space<vmem>> -> memref<16xi32, #tpu.memory_space<vmem>>
        %dma_start3A_265 = arith.constant 0 : i32
        %dma_start3A_266 = arith.constant 0 : i32
        %dma_start3A_267 = tpu.memref_slice %arg3[%dma_start3A_265, %dma_start3A_266] : memref<520x384xf32, #tpu.memory_space<hbm>> -> memref<520x384xf32, #tpu.memory_space<hbm>>
        tpu.enqueue_indirect_dma source(%dma_start3A_267 : memref<520x384xf32, #tpu.memory_space<hbm>>) target(%arg15 : memref<16x384xf32, #tpu.memory_space<vmem>>) offsets(%dma_start3A_264 : memref<16xi32, #tpu.memory_space<vmem>>) semaphore(%arg20 : memref<!tpu.dma_semaphore, #tpu.memory_space<semaphore_mem>>)
        %add3A_268 = arith.constant 48 : i32
        %add3A_269 = arith.addi %mul3A_251, %add3A_268 : i32
        %dma_start3A_270 = tpu.memref_slice %arg6[%add3A_269] : memref<7680xi32, #tpu.memory_space<vmem>> -> memref<48xi32, #tpu.memory_space<vmem>>
        %dma_start3A_271 = arith.constant 0 : i32
        %dma_start3A_272 = arith.constant 0 : i32
        %dma_start3A_273 = tpu.memref_slice %arg4[%dma_start3A_271, %dma_start3A_272] : memref<768x128xf32, #tpu.memory_space<hbm>> -> memref<768x128xf32, #tpu.memory_space<hbm>>
        tpu.enqueue_indirect_dma source(%dma_start3A_273 : memref<768x128xf32, #tpu.memory_space<hbm>>) target(%arg16 : memref<48x128xf32, #tpu.memory_space<vmem>>) offsets(%dma_start3A_270 : memref<48xi32, #tpu.memory_space<vmem>>) semaphore(%arg20 : memref<!tpu.dma_semaphore, #tpu.memory_space<semaphore_mem>>)
        %add3A_274 = arith.constant 96 : i32
        %add3A_275 = arith.addi %mul3A_251, %add3A_274 : i32
        %dma_start3A_276 = tpu.memref_slice %arg6[%add3A_275] : memref<7680xi32, #tpu.memory_space<vmem>> -> memref<48xi32, #tpu.memory_space<vmem>>
        %dma_start3A_277 = arith.constant 0 : i32
        %dma_start3A_278 = arith.constant 0 : i32
        %dma_start3A_279 = tpu.memref_slice %arg4[%dma_start3A_277, %dma_start3A_278] : memref<768x128xf32, #tpu.memory_space<hbm>> -> memref<768x128xf32, #tpu.memory_space<hbm>>
        tpu.enqueue_indirect_dma source(%dma_start3A_279 : memref<768x128xf32, #tpu.memory_space<hbm>>) target(%arg17 : memref<48x128xf32, #tpu.memory_space<vmem>>) offsets(%dma_start3A_276 : memref<48xi32, #tpu.memory_space<vmem>>) semaphore(%arg20 : memref<!tpu.dma_semaphore, #tpu.memory_space<semaphore_mem>>)
        %add3A_280 = arith.constant 144 : i32
        %add3A_281 = arith.addi %mul3A_251, %add3A_280 : i32
        %dma_start3A_282 = tpu.memref_slice %arg6[%add3A_281] : memref<7680xi32, #tpu.memory_space<vmem>> -> memref<48xi32, #tpu.memory_space<vmem>>
        %dma_start3A_283 = arith.constant 0 : i32
        %dma_start3A_284 = arith.constant 0 : i32
        %dma_start3A_285 = tpu.memref_slice %arg4[%dma_start3A_283, %dma_start3A_284] : memref<768x128xf32, #tpu.memory_space<hbm>> -> memref<768x128xf32, #tpu.memory_space<hbm>>
        tpu.enqueue_indirect_dma source(%dma_start3A_285 : memref<768x128xf32, #tpu.memory_space<hbm>>) target(%arg18 : memref<48x128xf32, #tpu.memory_space<vmem>>) offsets(%dma_start3A_282 : memref<48xi32, #tpu.memory_space<vmem>>) semaphore(%arg20 : memref<!tpu.dma_semaphore, #tpu.memory_space<semaphore_mem>>)
      } else {
      }
    }
    %scan3A_68 = arith.constant 20 : i32
    %mul3A_69 = arith.constant 40 : i32
    %mul3A_70 = arith.muli %add3A, %mul3A_69 : i32
    %add3A_71 = arith.constant 0 : i32
    %add3A_72 = arith.addi %mul3A_70, %add3A_71 : i32
    %mul3A_73 = arith.constant 16 : i32
    %mul3A_74 = arith.muli %add3A_72, %mul3A_73 : i32
    %dma_wait3A = arith.constant 0 : i32
    %dma_wait3A_75 = tpu.memref_slice %arg5[%mul3A_74, %dma_wait3A] : memref<20480x384xf32, #tpu.memory_space<hbm>> -> memref<16x384xf32, #tpu.memory_space<hbm>>
    %dma_wait3A_76 = arith.constant 0 : i32
    %dma_wait3A_77 = tpu.memref_slice %arg5[%mul3A_74, %dma_wait3A_76] : memref<20480x384xf32, #tpu.memory_space<hbm>> -> memref<16x384xf32, #tpu.memory_space<hbm>>
    tpu.wait_dma2 semaphore(%arg21 : memref<!tpu.dma_semaphore, #tpu.memory_space<semaphore_mem>>) src(%arg7 : memref<16x384xf32, #tpu.memory_space<vmem>>) dst(%dma_wait3A_77 : memref<16x384xf32, #tpu.memory_space<hbm>>)
    %mul3A_78 = arith.constant 40 : i32
    %mul3A_79 = arith.muli %add3A, %mul3A_78 : i32
    %add3A_80 = arith.constant 0 : i32
    %add3A_81 = arith.addi %mul3A_79, %add3A_80 : i32
    %mul3A_82 = arith.constant 16 : i32
    %mul3A_83 = arith.muli %add3A_81, %mul3A_82 : i32
    %dma_wait3A_84 = arith.constant 0 : i32
    %dma_wait3A_85 = tpu.memref_slice %arg5[%mul3A_83, %dma_wait3A_84] : memref<20480x384xf32, #tpu.memory_space<hbm>> -> memref<16x384xf32, #tpu.memory_space<hbm>>
    %dma_wait3A_86 = arith.constant 0 : i32
    %dma_wait3A_87 = tpu.memref_slice %arg5[%mul3A_83, %dma_wait3A_86] : memref<20480x384xf32, #tpu.memory_space<hbm>> -> memref<16x384xf32, #tpu.memory_space<hbm>>
    tpu.wait_dma2 semaphore(%arg22 : memref<!tpu.dma_semaphore, #tpu.memory_space<semaphore_mem>>) src(%arg13 : memref<16x384xf32, #tpu.memory_space<vmem>>) dst(%dma_wait3A_87 : memref<16x384xf32, #tpu.memory_space<hbm>>)
    return
  }
}

module attributes {stable_mosaic.version = 14 : i64} {
  func.func @_conv_body(%arg0: i32, %arg1: memref<10x800x18xf32, #tpu.memory_space<vmem>>, %arg2: memref<800x13xi32, #tpu.memory_space<vmem>>, %arg3: memref<18x384xf32, #tpu.memory_space<vmem>>, %arg4: memref<1x384xf32, #tpu.memory_space<vmem>>, %arg5: memref<384x384xbf16, #tpu.memory_space<vmem>>, %arg6: memref<384x384xbf16, #tpu.memory_space<vmem>>, %arg7: memref<384x384xbf16, #tpu.memory_space<vmem>>, %arg8: memref<1x384xf32, #tpu.memory_space<vmem>>, %arg9: memref<384x384xbf16, #tpu.memory_space<vmem>>, %arg10: memref<1x384xf32, #tpu.memory_space<vmem>>, %arg11: memref<800x384xf32, #tpu.memory_space<vmem>>) attributes {dimension_semantics = [#tpu.dimension_semantics<arbitrary>], iteration_bounds = array<i64: 25>, scalar_prefetch = 0 : i64, scratch_operands = 0 : i64, tpu.core_type = #tpu.core_type<tc>, window_params = [{transform_indices = @transform_0, window_bounds = array<i64: 10, 800, 18>}, {transform_indices = @transform_1, window_bounds = array<i64: 800, 13>}, {pipeline_mode = #tpu.pipeline_mode<synchronous>, transform_indices = @transform_2, window_bounds = array<i64: 18, 384>}, {pipeline_mode = #tpu.pipeline_mode<synchronous>, transform_indices = @transform_3, window_bounds = array<i64: 1, 384>}, {pipeline_mode = #tpu.pipeline_mode<synchronous>, transform_indices = @transform_4, window_bounds = array<i64: 384, 384>}, {pipeline_mode = #tpu.pipeline_mode<synchronous>, transform_indices = @transform_5, window_bounds = array<i64: 384, 384>}, {pipeline_mode = #tpu.pipeline_mode<synchronous>, transform_indices = @transform_6, window_bounds = array<i64: 384, 384>}, {pipeline_mode = #tpu.pipeline_mode<synchronous>, transform_indices = @transform_7, window_bounds = array<i64: 1, 384>}, {pipeline_mode = #tpu.pipeline_mode<synchronous>, transform_indices = @transform_8, window_bounds = array<i64: 384, 384>}, {pipeline_mode = #tpu.pipeline_mode<synchronous>, transform_indices = @transform_9, window_bounds = array<i64: 1, 384>}, {transform_indices = @transform_10, window_bounds = array<i64: 800, 384>}]} {
    %get3A = arith.constant 0 : index
    %get3A_0 = arith.constant 0 : index
    %get3A_1 = arith.constant 0 : index
    %get3A_2 = vector.load %arg1[%get3A, %get3A_0, %get3A_1] : memref<10x800x18xf32, #tpu.memory_space<vmem>>, vector<10x800x18xf32>
    %reshape3A = vector.shape_cast %get3A_2 : vector<10x800x18xf32> to vector<8000x18xf32>
    %get3A_3 = arith.constant 0 : index
    %get3A_4 = arith.constant 0 : index
    %get3A_5 = vector.load %arg3[%get3A_3, %get3A_4] : memref<18x384xf32, #tpu.memory_space<vmem>>, vector<18x384xf32>
    %dot_general3A = arith.constant dense<0.000000e+00> : vector<8000x384xf32>
    %dot_general3A_6 = tpu.matmul %reshape3A, %get3A_5, %dot_general3A {dimension_numbers = #tpu.dot_dimension_numbers<[1], [0], [0], [1], [0, 0, 1, 1], [], []>, transpose_lhs_hint = false} : vector<8000x18xf32>, vector<18x384xf32>, vector<8000x384xf32> -> vector<8000x384xf32>
    %get3A_7 = arith.constant 0 : index
    %get3A_8 = arith.constant 0 : index
    %get3A_9 = vector.load %arg4[%get3A_7, %get3A_8] : memref<1x384xf32, #tpu.memory_space<vmem>>, vector<1x384xf32>
    %add3A = vector.broadcast %get3A_9 : vector<1x384xf32> to vector<8000x384xf32>
    %add3A_10 = arith.addf %dot_general3A_6, %add3A : vector<8000x384xf32>
    %gt3A = arith.constant 0.000000e+00 : f32
    %gt3A_11 = vector.broadcast %gt3A : f32 to vector<8000x384xf32>
    %gt3A_12 = arith.cmpf ogt, %add3A_10, %gt3A_11 : vector<8000x384xf32>
    %min3A = arith.constant 0.000000e+00 : f32
    %min3A_13 = vector.broadcast %min3A : f32 to vector<8000x384xf32>
    %min3A_14 = arith.minimumf %add3A_10, %min3A_13 : vector<8000x384xf32>
    %exp3A = math.exp %min3A_14 : vector<8000x384xf32>
    %sub3A = arith.constant 1.000000e+00 : f32
    %sub3A_15 = vector.broadcast %sub3A : f32 to vector<8000x384xf32>
    %sub3A_16 = arith.subf %exp3A, %sub3A_15 : vector<8000x384xf32>
    %select_n3A = arith.select %gt3A_12, %add3A_10, %sub3A_16 : vector<8000x384xi1>, vector<8000x384xf32>
    %convert_element_type3A = arith.truncf %select_n3A : vector<8000x384xf32> to vector<8000x384xbf16>
    %reshape3A_17 = vector.shape_cast %convert_element_type3A : vector<8000x384xbf16> to vector<10x800x384xbf16>
    %broadcast_in_dim3A = arith.constant 0.000000e+00 : bf16
    %broadcast_in_dim3A_18 = vector.broadcast %broadcast_in_dim3A : bf16 to vector<1x800x384xbf16>
    %slice3A = vector.extract_strided_slice %reshape3A_17 {offsets = [0, 0, 0], sizes = [9, 800, 384], strides = [1, 1, 1]} : vector<10x800x384xbf16> to vector<9x800x384xbf16>
    %concatenate3A = tpu.concatenate %broadcast_in_dim3A_18, %slice3A in 0 : vector<1x800x384xbf16>, vector<9x800x384xbf16> -> vector<10x800x384xbf16>
    %reshape3A_19 = vector.shape_cast %concatenate3A : vector<10x800x384xbf16> to vector<8000x384xbf16>
    %get3A_20 = arith.constant 0 : index
    %get3A_21 = arith.constant 0 : index
    %get3A_22 = vector.load %arg5[%get3A_20, %get3A_21] : memref<384x384xbf16, #tpu.memory_space<vmem>>, vector<384x384xbf16>
    %dot_general3A_23 = arith.constant dense<0.000000e+00> : vector<8000x384xf32>
    %dot_general3A_24 = tpu.matmul %reshape3A_19, %get3A_22, %dot_general3A_23 {dimension_numbers = #tpu.dot_dimension_numbers<[1], [0], [0], [1], [0, 0, 1, 1], [], []>, transpose_lhs_hint = false} : vector<8000x384xbf16>, vector<384x384xbf16>, vector<8000x384xf32> -> vector<8000x384xf32>
    %get3A_25 = arith.constant 0 : index
    %get3A_26 = arith.constant 0 : index
    %get3A_27 = vector.load %arg6[%get3A_25, %get3A_26] : memref<384x384xbf16, #tpu.memory_space<vmem>>, vector<384x384xbf16>
    %dot_general3A_28 = arith.constant dense<0.000000e+00> : vector<8000x384xf32>
    %dot_general3A_29 = tpu.matmul %convert_element_type3A, %get3A_27, %dot_general3A_28 {dimension_numbers = #tpu.dot_dimension_numbers<[1], [0], [0], [1], [0, 0, 1, 1], [], []>, transpose_lhs_hint = false} : vector<8000x384xbf16>, vector<384x384xbf16>, vector<8000x384xf32> -> vector<8000x384xf32>
    %add3A_30 = arith.addf %dot_general3A_24, %dot_general3A_29 : vector<8000x384xf32>
    %broadcast_in_dim3A_31 = arith.constant 0.000000e+00 : bf16
    %broadcast_in_dim3A_32 = vector.broadcast %broadcast_in_dim3A_31 : bf16 to vector<1x800x384xbf16>
    %slice3A_33 = vector.extract_strided_slice %reshape3A_17 {offsets = [1, 0, 0], sizes = [9, 800, 384], strides = [1, 1, 1]} : vector<10x800x384xbf16> to vector<9x800x384xbf16>
    %concatenate3A_34 = tpu.concatenate %slice3A_33, %broadcast_in_dim3A_32 in 0 : vector<9x800x384xbf16>, vector<1x800x384xbf16> -> vector<10x800x384xbf16>
    %reshape3A_35 = vector.shape_cast %concatenate3A_34 : vector<10x800x384xbf16> to vector<8000x384xbf16>
    %get3A_36 = arith.constant 0 : index
    %get3A_37 = arith.constant 0 : index
    %get3A_38 = vector.load %arg7[%get3A_36, %get3A_37] : memref<384x384xbf16, #tpu.memory_space<vmem>>, vector<384x384xbf16>
    %dot_general3A_39 = arith.constant dense<0.000000e+00> : vector<8000x384xf32>
    %dot_general3A_40 = tpu.matmul %reshape3A_35, %get3A_38, %dot_general3A_39 {dimension_numbers = #tpu.dot_dimension_numbers<[1], [0], [0], [1], [0, 0, 1, 1], [], []>, transpose_lhs_hint = false} : vector<8000x384xbf16>, vector<384x384xbf16>, vector<8000x384xf32> -> vector<8000x384xf32>
    %add3A_41 = arith.addf %add3A_30, %dot_general3A_40 : vector<8000x384xf32>
    %get3A_42 = arith.constant 0 : index
    %get3A_43 = arith.constant 0 : index
    %get3A_44 = vector.load %arg8[%get3A_42, %get3A_43] : memref<1x384xf32, #tpu.memory_space<vmem>>, vector<1x384xf32>
    %add3A_45 = vector.broadcast %get3A_44 : vector<1x384xf32> to vector<8000x384xf32>
    %add3A_46 = arith.addf %add3A_41, %add3A_45 : vector<8000x384xf32>
    %gt3A_47 = arith.constant 0.000000e+00 : f32
    %gt3A_48 = vector.broadcast %gt3A_47 : f32 to vector<8000x384xf32>
    %gt3A_49 = arith.cmpf ogt, %add3A_46, %gt3A_48 : vector<8000x384xf32>
    %min3A_50 = arith.constant 0.000000e+00 : f32
    %min3A_51 = vector.broadcast %min3A_50 : f32 to vector<8000x384xf32>
    %min3A_52 = arith.minimumf %add3A_46, %min3A_51 : vector<8000x384xf32>
    %exp3A_53 = math.exp %min3A_52 : vector<8000x384xf32>
    %sub3A_54 = arith.constant 1.000000e+00 : f32
    %sub3A_55 = vector.broadcast %sub3A_54 : f32 to vector<8000x384xf32>
    %sub3A_56 = arith.subf %exp3A_53, %sub3A_55 : vector<8000x384xf32>
    %select_n3A_57 = arith.select %gt3A_49, %add3A_46, %sub3A_56 : vector<8000x384xi1>, vector<8000x384xf32>
    %reshape3A_58 = vector.shape_cast %select_n3A_57 : vector<8000x384xf32> to vector<10x800x384xf32>
    %reduce_sum3A = arith.constant dense<0.000000e+00> : vector<800x384xf32>
    %reduce_sum3A_59 = vector.multi_reduction <add>, %reshape3A_58, %reduce_sum3A [0] : vector<10x800x384xf32> to vector<800x384xf32>
    %mul3A = arith.constant 1.000000e-01 : f32
    %mul3A_60 = vector.broadcast %mul3A : f32 to vector<800x384xf32>
    %mul3A_61 = arith.mulf %reduce_sum3A_59, %mul3A_60 : vector<800x384xf32>
    %convert_element_type3A_62 = arith.truncf %mul3A_61 : vector<800x384xf32> to vector<800x384xbf16>
    %get3A_63 = arith.constant 0 : index
    %get3A_64 = arith.constant 0 : index
    %get3A_65 = vector.load %arg9[%get3A_63, %get3A_64] : memref<384x384xbf16, #tpu.memory_space<vmem>>, vector<384x384xbf16>
    %dot_general3A_66 = arith.constant dense<0.000000e+00> : vector<800x384xf32>
    %dot_general3A_67 = tpu.matmul %convert_element_type3A_62, %get3A_65, %dot_general3A_66 {dimension_numbers = #tpu.dot_dimension_numbers<[1], [0], [0], [1], [0, 0, 1, 1], [], []>, transpose_lhs_hint = false} : vector<800x384xbf16>, vector<384x384xbf16>, vector<800x384xf32> -> vector<800x384xf32>
    %get3A_68 = arith.constant 0 : index
    %get3A_69 = arith.constant 0 : index
    %get3A_70 = vector.load %arg10[%get3A_68, %get3A_69] : memref<1x384xf32, #tpu.memory_space<vmem>>, vector<1x384xf32>
    %add3A_71 = vector.broadcast %get3A_70 : vector<1x384xf32> to vector<800x384xf32>
    %add3A_72 = arith.addf %dot_general3A_67, %add3A_71 : vector<800x384xf32>
    %get3A_73 = arith.constant 0 : index
    %get3A_74 = arith.constant 0 : index
    %get3A_75 = vector.load %arg2[%get3A_73, %get3A_74] : memref<800x13xi32, #tpu.memory_space<vmem>>, vector<800x13xi32>
    %slice3A_76 = vector.extract_strided_slice %get3A_75 {offsets = [0, 0], sizes = [800, 1], strides = [1, 1]} : vector<800x13xi32> to vector<800x1xi32>
    %le3A = arith.constant 0 : i32
    %le3A_77 = vector.broadcast %le3A : i32 to vector<800x1xi32>
    %le3A_78 = arith.cmpi sle, %slice3A_76, %le3A_77 : vector<800x1xi32>
    %convert_element_type3A_79 = arith.extui %le3A_78 : vector<800x1xi1> to vector<800x1xi32>
    %convert_element_type3A_80 = arith.sitofp %convert_element_type3A_79 : vector<800x1xi32> to vector<800x1xf32>
    %mul3A_81 = vector.broadcast %convert_element_type3A_80 : vector<800x1xf32> to vector<800x384xf32>
    %mul3A_82 = arith.mulf %mul3A_81, %add3A_72 : vector<800x384xf32>
    %swap3A = arith.constant 0 : index
    %swap3A_83 = arith.constant 0 : index
    %swap3A_84 = vector.load %arg11[%swap3A, %swap3A_83] : memref<800x384xf32, #tpu.memory_space<vmem>>, vector<800x384xf32>
    tpu.vector_store %arg11[%swap3A, %swap3A_83], %mul3A_82 {strides = array<i32>} : memref<800x384xf32, #tpu.memory_space<vmem>>, vector<800x384xf32>,
    return
  }
  func.func @transform_0(%arg0: i32) -> (i32, i32, i32) {
    %c0_i32 = arith.constant 0 : i32
    %c0_i32_0 = arith.constant 0 : i32
    %c0_i32_1 = arith.constant 0 : i32
    return %c0_i32, %arg0, %c0_i32_0 : i32, i32, i32
  }
  func.func @transform_1(%arg0: i32) -> (i32, i32) {
    %c0_i32 = arith.constant 0 : i32
    %c0_i32_0 = arith.constant 0 : i32
    return %arg0, %c0_i32 : i32, i32
  }
  func.func @transform_2(%arg0: i32) -> (i32, i32) {
    %c0_i32 = arith.constant 0 : i32
    %c0_i32_0 = arith.constant 0 : i32
    %c0_i32_1 = arith.constant 0 : i32
    return %c0_i32, %c0_i32_0 : i32, i32
  }
  func.func @transform_3(%arg0: i32) -> (i32, i32) {
    %c0_i32 = arith.constant 0 : i32
    %c0_i32_0 = arith.constant 0 : i32
    %c0_i32_1 = arith.constant 0 : i32
    return %c0_i32, %c0_i32_0 : i32, i32
  }
  func.func @transform_4(%arg0: i32) -> (i32, i32) {
    %c0_i32 = arith.constant 0 : i32
    %c0_i32_0 = arith.constant 0 : i32
    %c0_i32_1 = arith.constant 0 : i32
    return %c0_i32, %c0_i32_0 : i32, i32
  }
  func.func @transform_5(%arg0: i32) -> (i32, i32) {
    %c0_i32 = arith.constant 0 : i32
    %c0_i32_0 = arith.constant 0 : i32
    %c0_i32_1 = arith.constant 0 : i32
    return %c0_i32, %c0_i32_0 : i32, i32
  }
  func.func @transform_6(%arg0: i32) -> (i32, i32) {
    %c0_i32 = arith.constant 0 : i32
    %c0_i32_0 = arith.constant 0 : i32
    %c0_i32_1 = arith.constant 0 : i32
    return %c0_i32, %c0_i32_0 : i32, i32
  }
  func.func @transform_7(%arg0: i32) -> (i32, i32) {
    %c0_i32 = arith.constant 0 : i32
    %c0_i32_0 = arith.constant 0 : i32
    %c0_i32_1 = arith.constant 0 : i32
    return %c0_i32, %c0_i32_0 : i32, i32
  }
  func.func @transform_8(%arg0: i32) -> (i32, i32) {
    %c0_i32 = arith.constant 0 : i32
    %c0_i32_0 = arith.constant 0 : i32
    %c0_i32_1 = arith.constant 0 : i32
    return %c0_i32, %c0_i32_0 : i32, i32
  }
  func.func @transform_9(%arg0: i32) -> (i32, i32) {
    %c0_i32 = arith.constant 0 : i32
    %c0_i32_0 = arith.constant 0 : i32
    %c0_i32_1 = arith.constant 0 : i32
    return %c0_i32, %c0_i32_0 : i32, i32
  }
  func.func @transform_10(%arg0: i32) -> (i32, i32) {
    %c0_i32 = arith.constant 0 : i32
    %c0_i32_0 = arith.constant 0 : i32
    return %arg0, %c0_i32 : i32, i32
  }
}

module attributes {stable_mosaic.version = 14 : i64} {
  func.func @_mlp_body(%arg0: i32, %arg1: memref<800x384xf32, #tpu.memory_space<vmem>>, %arg2: memref<800x13xi32, #tpu.memory_space<vmem>>, %arg3: memref<800x384xf32, #tpu.memory_space<vmem>>, %arg4: memref<1x384xf32, #tpu.memory_space<vmem>>, %arg5: memref<1x384xf32, #tpu.memory_space<vmem>>, %arg6: memref<384x1536xbf16, #tpu.memory_space<vmem>>, %arg7: memref<1x1536xf32, #tpu.memory_space<vmem>>, %arg8: memref<1536x384xbf16, #tpu.memory_space<vmem>>, %arg9: memref<1x384xf32, #tpu.memory_space<vmem>>, %arg10: memref<800x384xf32, #tpu.memory_space<vmem>>) attributes {dimension_semantics = [#tpu.dimension_semantics<arbitrary>], iteration_bounds = array<i64: 25>, scalar_prefetch = 0 : i64, scratch_operands = 0 : i64, tpu.core_type = #tpu.core_type<tc>, window_params = [{transform_indices = @transform_0, window_bounds = array<i64: 800, 384>}, {transform_indices = @transform_1, window_bounds = array<i64: 800, 13>}, {transform_indices = @transform_2, window_bounds = array<i64: 800, 384>}, {pipeline_mode = #tpu.pipeline_mode<synchronous>, transform_indices = @transform_3, window_bounds = array<i64: 1, 384>}, {pipeline_mode = #tpu.pipeline_mode<synchronous>, transform_indices = @transform_4, window_bounds = array<i64: 1, 384>}, {pipeline_mode = #tpu.pipeline_mode<synchronous>, transform_indices = @transform_5, window_bounds = array<i64: 384, 1536>}, {pipeline_mode = #tpu.pipeline_mode<synchronous>, transform_indices = @transform_6, window_bounds = array<i64: 1, 1536>}, {pipeline_mode = #tpu.pipeline_mode<synchronous>, transform_indices = @transform_7, window_bounds = array<i64: 1536, 384>}, {pipeline_mode = #tpu.pipeline_mode<synchronous>, transform_indices = @transform_8, window_bounds = array<i64: 1, 384>}, {transform_indices = @transform_9, window_bounds = array<i64: 800, 384>}]} {
    %get3A = arith.constant 0 : index
    %get3A_0 = arith.constant 0 : index
    %get3A_1 = vector.load %arg2[%get3A, %get3A_0] : memref<800x13xi32, #tpu.memory_space<vmem>>, vector<800x13xi32>
    %slice3A = vector.extract_strided_slice %get3A_1 {offsets = [0, 0], sizes = [800, 1], strides = [1, 1]} : vector<800x13xi32> to vector<800x1xi32>
    %le3A = arith.constant 0 : i32
    %le3A_2 = vector.broadcast %le3A : i32 to vector<800x1xi32>
    %le3A_3 = arith.cmpi sle, %slice3A, %le3A_2 : vector<800x1xi32>
    %convert_element_type3A = arith.extui %le3A_3 : vector<800x1xi1> to vector<800x1xi32>
    %convert_element_type3A_4 = arith.sitofp %convert_element_type3A : vector<800x1xi32> to vector<800x1xf32>
    %get3A_5 = arith.constant 0 : index
    %get3A_6 = arith.constant 0 : index
    %get3A_7 = vector.load %arg1[%get3A_5, %get3A_6] : memref<800x384xf32, #tpu.memory_space<vmem>>, vector<800x384xf32>
    %get3A_8 = arith.constant 0 : index
    %get3A_9 = arith.constant 0 : index
    %get3A_10 = vector.load %arg3[%get3A_8, %get3A_9] : memref<800x384xf32, #tpu.memory_space<vmem>>, vector<800x384xf32>
    %mul3A = vector.broadcast %convert_element_type3A_4 : vector<800x1xf32> to vector<800x384xf32>
    %mul3A_11 = arith.mulf %mul3A, %get3A_10 : vector<800x384xf32>
    %add3A = arith.addf %get3A_7, %mul3A_11 : vector<800x384xf32>
    %reduce_sum3A = arith.constant dense<0.000000e+00> : vector<800xf32>
    %reduce_sum3A_12 = vector.multi_reduction <add>, %add3A, %reduce_sum3A [1] : vector<800x384xf32> to vector<800xf32>
    %broadcast_in_dim3A = vector.shape_cast %reduce_sum3A_12 : vector<800xf32> to vector<800x1xf32>
    %div3A = arith.constant 3.840000e+02 : f32
    %div3A_13 = vector.broadcast %div3A : f32 to vector<800x1xf32>
    %div3A_14 = arith.divf %broadcast_in_dim3A, %div3A_13 : vector<800x1xf32>
    %sub3A = vector.broadcast %div3A_14 : vector<800x1xf32> to vector<800x384xf32>
    %sub3A_15 = arith.subf %add3A, %sub3A : vector<800x384xf32>
    %integer_pow3A = arith.mulf %sub3A_15, %sub3A_15 : vector<800x384xf32>
    %reduce_sum3A_16 = arith.constant dense<0.000000e+00> : vector<800xf32>
    %reduce_sum3A_17 = vector.multi_reduction <add>, %integer_pow3A, %reduce_sum3A_16 [1] : vector<800x384xf32> to vector<800xf32>
    %broadcast_in_dim3A_18 = vector.shape_cast %reduce_sum3A_17 : vector<800xf32> to vector<800x1xf32>
    %div3A_19 = arith.constant 3.840000e+02 : f32
    %div3A_20 = vector.broadcast %div3A_19 : f32 to vector<800x1xf32>
    %div3A_21 = arith.divf %broadcast_in_dim3A_18, %div3A_20 : vector<800x1xf32>
    %sub3A_22 = vector.broadcast %div3A_14 : vector<800x1xf32> to vector<800x384xf32>
    %sub3A_23 = arith.subf %add3A, %sub3A_22 : vector<800x384xf32>
    %add3A_24 = arith.constant 9.99999974E-6 : f32
    %add3A_25 = vector.broadcast %add3A_24 : f32 to vector<800x1xf32>
    %add3A_26 = arith.addf %div3A_21, %add3A_25 : vector<800x1xf32>
    %rsqrt3A = math.rsqrt %add3A_26 : vector<800x1xf32>
    %mul3A_27 = vector.broadcast %rsqrt3A : vector<800x1xf32> to vector<800x384xf32>
    %mul3A_28 = arith.mulf %sub3A_23, %mul3A_27 : vector<800x384xf32>
    %get3A_29 = arith.constant 0 : index
    %get3A_30 = arith.constant 0 : index
    %get3A_31 = vector.load %arg4[%get3A_29, %get3A_30] : memref<1x384xf32, #tpu.memory_space<vmem>>, vector<1x384xf32>
    %mul3A_32 = vector.broadcast %get3A_31 : vector<1x384xf32> to vector<800x384xf32>
    %mul3A_33 = arith.mulf %mul3A_28, %mul3A_32 : vector<800x384xf32>
    %get3A_34 = arith.constant 0 : index
    %get3A_35 = arith.constant 0 : index
    %get3A_36 = vector.load %arg5[%get3A_34, %get3A_35] : memref<1x384xf32, #tpu.memory_space<vmem>>, vector<1x384xf32>
    %add3A_37 = vector.broadcast %get3A_36 : vector<1x384xf32> to vector<800x384xf32>
    %add3A_38 = arith.addf %mul3A_33, %add3A_37 : vector<800x384xf32>
    %convert_element_type3A_39 = arith.truncf %add3A_38 : vector<800x384xf32> to vector<800x384xbf16>
    %get3A_40 = arith.constant 0 : index
    %get3A_41 = arith.constant 0 : index
    %get3A_42 = vector.load %arg6[%get3A_40, %get3A_41] : memref<384x1536xbf16, #tpu.memory_space<vmem>>, vector<384x1536xbf16>
    %dot_general3A = arith.constant dense<0.000000e+00> : vector<800x1536xf32>
    %dot_general3A_43 = tpu.matmul %convert_element_type3A_39, %get3A_42, %dot_general3A {dimension_numbers = #tpu.dot_dimension_numbers<[1], [0], [0], [1], [0, 0, 1, 1], [], []>, transpose_lhs_hint = false} : vector<800x384xbf16>, vector<384x1536xbf16>, vector<800x1536xf32> -> vector<800x1536xf32>
    %get3A_44 = arith.constant 0 : index
    %get3A_45 = arith.constant 0 : index
    %get3A_46 = vector.load %arg7[%get3A_44, %get3A_45] : memref<1x1536xf32, #tpu.memory_space<vmem>>, vector<1x1536xf32>
    %add3A_47 = vector.broadcast %get3A_46 : vector<1x1536xf32> to vector<800x1536xf32>
    %add3A_48 = arith.addf %dot_general3A_43, %add3A_47 : vector<800x1536xf32>
    %mul3A_49 = arith.constant 5.000000e-01 : f32
    %mul3A_50 = vector.broadcast %mul3A_49 : f32 to vector<800x1536xf32>
    %mul3A_51 = arith.mulf %mul3A_50, %add3A_48 : vector<800x1536xf32>
    %mul3A_52 = arith.constant 0.707106769 : f32
    %mul3A_53 = vector.broadcast %mul3A_52 : f32 to vector<800x1536xf32>
    %mul3A_54 = arith.mulf %add3A_48, %mul3A_53 : vector<800x1536xf32>
    %sign3A = tpu.bitcast %mul3A_54 : vector<800x1536xf32> -> vector<800x1536xi32>
    %sign3A_55 = arith.constant -2147483648 : i32
    %sign3A_56 = vector.broadcast %sign3A_55 : i32 to vector<800x1536xi32>
    %sign3A_57 = arith.andi %sign3A, %sign3A_56 : vector<800x1536xi32>
    %sign3A_58 = arith.constant 1065353216 : i32
    %sign3A_59 = vector.broadcast %sign3A_58 : i32 to vector<800x1536xi32>
    %sign3A_60 = arith.ori %sign3A_59, %sign3A_57 : vector<800x1536xi32>
    %sign3A_61 = tpu.bitcast %sign3A_60 : vector<800x1536xi32> -> vector<800x1536xf32>
    %sign3A_62 = math.absf %mul3A_54 : vector<800x1536xf32>
    %sign3A_63 = arith.constant 0.000000e+00 : f32
    %sign3A_64 = vector.broadcast %sign3A_63 : f32 to vector<800x1536xf32>
    %sign3A_65 = arith.cmpf ogt, %sign3A_62, %sign3A_64 : vector<800x1536xf32>
    %sign3A_66 = arith.select %sign3A_65, %sign3A_61, %mul3A_54 : vector<800x1536xi1>, vector<800x1536xf32>
    %abs3A = math.absf %mul3A_54 : vector<800x1536xf32>
    %mul3A_67 = arith.constant 0.327591091 : f32
    %mul3A_68 = vector.broadcast %mul3A_67 : f32 to vector<800x1536xf32>
    %mul3A_69 = arith.mulf %mul3A_68, %abs3A : vector<800x1536xf32>
    %add3A_70 = arith.constant 1.000000e+00 : f32
    %add3A_71 = vector.broadcast %add3A_70 : f32 to vector<800x1536xf32>
    %add3A_72 = arith.addf %add3A_71, %mul3A_69 : vector<800x1536xf32>
    %div3A_73 = arith.constant 1.000000e+00 : f32
    %div3A_74 = vector.broadcast %div3A_73 : f32 to vector<800x1536xf32>
    %div3A_75 = arith.divf %div3A_74, %add3A_72 : vector<800x1536xf32>
    %mul3A_76 = arith.constant 1.06140542 : f32
    %mul3A_77 = vector.broadcast %mul3A_76 : f32 to vector<800x1536xf32>
    %mul3A_78 = arith.mulf %div3A_75, %mul3A_77 : vector<800x1536xf32>
    %add3A_79 = arith.constant -1.45315206 : f32
    %add3A_80 = vector.broadcast %add3A_79 : f32 to vector<800x1536xf32>
    %add3A_81 = arith.addf %add3A_80, %mul3A_78 : vector<800x1536xf32>
    %mul3A_82 = arith.mulf %div3A_75, %add3A_81 : vector<800x1536xf32>
    %add3A_83 = arith.constant 1.42141378 : f32
    %add3A_84 = vector.broadcast %add3A_83 : f32 to vector<800x1536xf32>
    %add3A_85 = arith.addf %add3A_84, %mul3A_82 : vector<800x1536xf32>
    %mul3A_86 = arith.mulf %div3A_75, %add3A_85 : vector<800x1536xf32>
    %add3A_87 = arith.constant -0.284496725 : f32
    %add3A_88 = vector.broadcast %add3A_87 : f32 to vector<800x1536xf32>
    %add3A_89 = arith.addf %add3A_88, %mul3A_86 : vector<800x1536xf32>
    %mul3A_90 = arith.mulf %div3A_75, %add3A_89 : vector<800x1536xf32>
    %add3A_91 = arith.constant 0.254829586 : f32
    %add3A_92 = vector.broadcast %add3A_91 : f32 to vector<800x1536xf32>
    %add3A_93 = arith.addf %add3A_92, %mul3A_90 : vector<800x1536xf32>
    %mul3A_94 = arith.mulf %div3A_75, %add3A_93 : vector<800x1536xf32>
    %neg3A = arith.constant 0.000000e+00 : f32
    %neg3A_95 = vector.broadcast %neg3A : f32 to vector<800x1536xf32>
    %neg3A_96 = arith.subf %neg3A_95, %abs3A : vector<800x1536xf32>
    %mul3A_97 = arith.mulf %neg3A_96, %abs3A : vector<800x1536xf32>
    %exp3A = math.exp %mul3A_97 : vector<800x1536xf32>
    %mul3A_98 = arith.mulf %mul3A_94, %exp3A : vector<800x1536xf32>
    %sub3A_99 = arith.constant 1.000000e+00 : f32
    %sub3A_100 = vector.broadcast %sub3A_99 : f32 to vector<800x1536xf32>
    %sub3A_101 = arith.subf %sub3A_100, %mul3A_98 : vector<800x1536xf32>
    %mul3A_102 = arith.mulf %sign3A_66, %sub3A_101 : vector<800x1536xf32>
    %add3A_103 = arith.constant 1.000000e+00 : f32
    %add3A_104 = vector.broadcast %add3A_103 : f32 to vector<800x1536xf32>
    %add3A_105 = arith.addf %add3A_104, %mul3A_102 : vector<800x1536xf32>
    %mul3A_106 = arith.mulf %mul3A_51, %add3A_105 : vector<800x1536xf32>
    %convert_element_type3A_107 = arith.truncf %mul3A_106 : vector<800x1536xf32> to vector<800x1536xbf16>
    %get3A_108 = arith.constant 0 : index
    %get3A_109 = arith.constant 0 : index
    %get3A_110 = vector.load %arg8[%get3A_108, %get3A_109] : memref<1536x384xbf16, #tpu.memory_space<vmem>>, vector<1536x384xbf16>
    %dot_general3A_111 = arith.constant dense<0.000000e+00> : vector<800x384xf32>
    %dot_general3A_112 = tpu.matmul %convert_element_type3A_107, %get3A_110, %dot_general3A_111 {dimension_numbers = #tpu.dot_dimension_numbers<[1], [0], [0], [1], [0, 0, 1, 1], [], []>, transpose_lhs_hint = false} : vector<800x1536xbf16>, vector<1536x384xbf16>, vector<800x384xf32> -> vector<800x384xf32>
    %add3A_113 = arith.addf %add3A, %dot_general3A_112 : vector<800x384xf32>
    %get3A_114 = arith.constant 0 : index
    %get3A_115 = arith.constant 0 : index
    %get3A_116 = vector.load %arg9[%get3A_114, %get3A_115] : memref<1x384xf32, #tpu.memory_space<vmem>>, vector<1x384xf32>
    %add3A_117 = vector.broadcast %get3A_116 : vector<1x384xf32> to vector<800x384xf32>
    %add3A_118 = arith.addf %add3A_113, %add3A_117 : vector<800x384xf32>
    %swap3A = arith.constant 0 : index
    %swap3A_119 = arith.constant 0 : index
    %swap3A_120 = vector.load %arg10[%swap3A, %swap3A_119] : memref<800x384xf32, #tpu.memory_space<vmem>>, vector<800x384xf32>
    tpu.vector_store %arg10[%swap3A, %swap3A_119], %add3A_118 {strides = array<i32>} : memref<800x384xf32, #tpu.memory_space<vmem>>, vector<800x384xf32>,
    return
  }
  func.func @transform_0(%arg0: i32) -> (i32, i32) {
    %c0_i32 = arith.constant 0 : i32
    %c0_i32_0 = arith.constant 0 : i32
    return %arg0, %c0_i32 : i32, i32
  }
  func.func @transform_1(%arg0: i32) -> (i32, i32) {
    %c0_i32 = arith.constant 0 : i32
    %c0_i32_0 = arith.constant 0 : i32
    return %arg0, %c0_i32 : i32, i32
  }
  func.func @transform_2(%arg0: i32) -> (i32, i32) {
    %c0_i32 = arith.constant 0 : i32
    %c0_i32_0 = arith.constant 0 : i32
    return %arg0, %c0_i32 : i32, i32
  }
  func.func @transform_3(%arg0: i32) -> (i32, i32) {
    %c0_i32 = arith.constant 0 : i32
    %c0_i32_0 = arith.constant 0 : i32
    %c0_i32_1 = arith.constant 0 : i32
    return %c0_i32, %c0_i32_0 : i32, i32
  }
  func.func @transform_4(%arg0: i32) -> (i32, i32) {
    %c0_i32 = arith.constant 0 : i32
    %c0_i32_0 = arith.constant 0 : i32
    %c0_i32_1 = arith.constant 0 : i32
    return %c0_i32, %c0_i32_0 : i32, i32
  }
  func.func @transform_5(%arg0: i32) -> (i32, i32) {
    %c0_i32 = arith.constant 0 : i32
    %c0_i32_0 = arith.constant 0 : i32
    %c0_i32_1 = arith.constant 0 : i32
    return %c0_i32, %c0_i32_0 : i32, i32
  }
  func.func @transform_6(%arg0: i32) -> (i32, i32) {
    %c0_i32 = arith.constant 0 : i32
    %c0_i32_0 = arith.constant 0 : i32
    %c0_i32_1 = arith.constant 0 : i32
    return %c0_i32, %c0_i32_0 : i32, i32
  }
  func.func @transform_7(%arg0: i32) -> (i32, i32) {
    %c0_i32 = arith.constant 0 : i32
    %c0_i32_0 = arith.constant 0 : i32
    %c0_i32_1 = arith.constant 0 : i32
    return %c0_i32, %c0_i32_0 : i32, i32
  }
  func.func @transform_8(%arg0: i32) -> (i32, i32) {
    %c0_i32 = arith.constant 0 : i32
    %c0_i32_0 = arith.constant 0 : i32
    %c0_i32_1 = arith.constant 0 : i32
    return %c0_i32, %c0_i32_0 : i32, i32
  }
  func.func @transform_9(%arg0: i32) -> (i32, i32) {
    %c0_i32 = arith.constant 0 : i32
    %c0_i32_0 = arith.constant 0 : i32
    return %arg0, %c0_i32 : i32, i32
  }
}

</mosaic_0001>

<sc_bundles>
// kernel: kernel.5.cloned.1.call-start
scs
__scs_entry_jumppad:
0x0: {  	(pc) =	sbr.rel $0x88, $3  }
0x1: {  	(tag) =	ssettag $0x0;
	lr =	simm.s32 $0x1  }
0x2: {  	[smem:$0x3F8B] =	sst lr;
	_ =	strace $0xD0000000  }
0x3: {  	_ = 	snop  }
0x4: {  	_ = 	snop  }
0x5: {  	_ = 	snop  }
0x6: {  	_ = 	snop  }
0x7: {  	_ = 	snop  }
__scs_overlays_trampoline_lowered:
0x8: {  	[smem:$0x3F9A] =	sst s0  }
0x9: {  	[smem:$0x3F9B] =	sst s1  }
0xa: {  	[smem:$0x3F9C] =	sst s2  }
0xb: {  	[smem:$0x3F9D] =	sst s3  }
0xc: {  	[smem:$0x3F9E] =	sst s4  }
0xd: {  	[smem:$0x3F9F] =	sst s5  }
0xe: {  	[smem:$0x3FA0] =	sst s6  }
0xf: {  	[smem:$0x3FA1] =	sst s7  }
0x10: {  	[smem:$0x3FA2] =	sst s8  }
0x11: {  	[smem:$0x3FA3] =	sst s9;
	s0 =	simm.s32 @!p0 $0x0  }
0x12: {  	s1 =	sld [smem:$0x3F89];
	s0 =	simm.s32 @p0 $0x1  }
0x13: {  	[smem:$0x3FA4] =	sst s0;
	s0 =	simm.s32 @!p1 $0x0  }
0x14: {  	s2 =	sld [smem:$0x3F88];
	s0 =	simm.s32 @p1 $0x1  }
0x15: {  	[smem:$0x3FA5] =	sst s0;
	s0 =	simm.s32 @!p2 $0x0  }
0x16: {  	s3 =	sld [smem:$0x3FDB];
	s0 =	simm.s32 @p2 $0x1  }
0x17: {  	s4 =	simm.s32 $0x1BF5;
	[smem:$0x3FA7] =	sst s0  }
0x18: {  	s0 =	sld [smem:$0x3F8A];
	_ =	swait.ge [sflag:s4], $0x0  }
0x19: {  	s7 =	sld [smem:$0x3F8B]  }
0x1a: {  	s8 =	sadd.s32 $0xFFFFE003, lr  }
0x1b: {  	s9 =	sadd.s32 $0xFFFFFEF7, lr;
	s5 =	simm.s32 $0xFFFFFFFF;
	p2 =	slt.u32 s8, $0xFFFFF086  }
0x1c: {  	p1 =	slt.u32 s9, $0xF7A;
	s5 =	simm.s32 @!p2 $0x0  }
0x1d: {  	s5 =	simm.s32 @p1 $0x1;
	p0 =	seq.s32 s7, s2  }
0x1e: {  	s7 =	smul.u32 @!p0 $0xF7A, s2;
	p2 =	seq.s32 @!p0 s5, $0x0  }
0x1f: {  	s9 =	smul.u32 $0xF7A, s1;
	s8 =	simm.s32 @!p0 $0x1BF5;
	p2 =	por !p2, p0  }
0x20: {  	[sflag:s8] =	ssyncset.s32 @!p0 $0xFFFFF086;
	s6 =	sadd.s32 @!p0 s3, s7;
	s7 =	simm.s32 @!p0 $0x108  }
0x21: {  	s3 =	sadd.s32 s3, s9;
	s6 =	sadd.s32 @!p0 $0x88, s6;
	s7 =	simm.s32 @p2 $0x1082  }
0x22: {  	[simem:s7], [sflag:s8] =	dma.local @!p0 [hbm:s6], $0xF7A  }
0x23: {  	s9 =	sor.u32 $0xD0000000, s2;
	s6 =	simm.s32 $0x108;
	_ =	swait.ge @!p0 [sflag:s8], $0x0  }
0x24: {  	s3 =	sadd.s32 $0x88, s3;
	s6 =	simm.s32 @!p1 $0x1082;
	[sflag:s4] =	ssyncset.s32 $0xFFFFF086  }
0x25: {  	[simem:s6], [sflag:s4] =	dma.local [hbm:s3], $0xF7A  }
0x26: {  	[smem:$0x3F8B] =	sst s1;
	(tag) =	ssettag s2;
	_ =	strace s9  }
0x27: {  	s1 =	sld [smem:$0x3F9B]  }
0x28: {  	s2 =	sld [smem:$0x3F9C]  }
0x29: {  	s4 =	sld [smem:$0x3F9E]  }
0x2a: {  	p0 =	seq.s32 s5, $0x0;
	s5 =	sld [smem:$0x3F9F]  }
0x2b: {  	s6 =	sld [smem:$0x3FA0]  }
0x2c: {  	s7 =	sld [smem:$0x3FA1]  }
0x2d: {  	s3 =	simm.s32 $0x108;
	s8 =	sld [smem:$0x3FA2]  }
0x2e: {  	s3 =	simm.s32 @!p0 $0x1082;
	s9 =	sld [smem:$0x3FA3]  }
0x2f: {  	lr =	sadd.s32 s0, s3;
	s0 =	sld [smem:$0x3F9A]  }
0x30: {  	s3 =	sld [smem:$0x3F9D]  }
0x31: {  	[smem:$0x3FA6] =	sst s10  }
0x32: {  	s10 =	sld [smem:$0x3FA4];
	_ =	sdelay $0x3  }
0x33: {  	p0 =	seq.s32 s10, $0x1;
	s10 =	sld [smem:$0x3FA6];
	_ =	sdelay $0x3  }
0x34: {  	[smem:$0x3FA6] =	sst s10  }
0x35: {  	s10 =	sld [smem:$0x3FA5];
	_ =	sdelay $0x3  }
0x36: {  	p1 =	seq.s32 s10, $0x1;
	s10 =	sld [smem:$0x3FA6];
	_ =	sdelay $0x3  }
0x37: {  	[smem:$0x3FA6] =	sst s10  }
0x38: {  	s10 =	sld [smem:$0x3FA7]  }
0x39: {  	_ = 	snop;
	(pc) =	sbr.ind lr, $3  }
0x3a: {  	_ = 	snop  }
0x3b: {  	_ = 	snop  }
0x3c: {  	p2 =	seq.s32 s10, $0x1;
	s10 =	sld [smem:$0x3FA6]  }
0x3d: {  	_ =	shalt  }
0x3e: {  	_ =	shalt  }
0x3f: {  	_ =	shalt  }
0x40: {  	_ =	shalt  }
0x41: {  	_ =	shalt  }
0x42: {  	_ =	shalt  }
0x43: {  	_ =	shalt  }
0x44: {  	_ =	shalt  }
0x45: {  	_ =	shalt  }
0x46: {  	_ =	shalt  }
0x47: {  	_ =	shalt  }
0x48: {  	_ =	shalt  }
0x49: {  	_ =	shalt  }
0x4a: {  	_ =	shalt  }
0x4b: {  	_ =	shalt  }
0x4c: {  	_ =	shalt  }
0x4d: {  	_ =	shalt  }
0x4e: {  	_ =	shalt  }
0x4f: {  	_ =	shalt  }
0x50: {  	_ =	shalt  }
0x51: {  	_ =	shalt  }
0x52: {  	_ =	shalt  }
0x53: {  	_ =	shalt  }
0x54: {  	_ =	shalt  }
0x55: {  	_ =	shalt  }
0x56: {  	_ =	shalt  }
0x57: {  	_ =	shalt  }
0x58: {  	_ =	shalt  }
0x59: {  	_ =	shalt  }
0x5a: {  	_ =	shalt  }
0x5b: {  	_ =	shalt  }
0x5c: {  	_ =	shalt  }
0x5d: {  	_ =	shalt  }
0x5e: {  	_ =	shalt  }
0x5f: {  	_ =	shalt  }
0x60: {  	_ =	shalt  }
0x61: {  	_ =	shalt  }
0x62: {  	_ =	shalt  }
0x63: {  	_ =	shalt  }
0x64: {  	_ =	shalt  }
0x65: {  	_ =	shalt  }
0x66: {  	_ =	shalt  }
0x67: {  	_ =	shalt  }
0x68: {  	_ =	shalt  }
0x69: {  	_ =	shalt  }
0x6a: {  	_ =	shalt  }
0x6b: {  	_ =	shalt  }
0x6c: {  	_ =	shalt  }
0x6d: {  	_ =	shalt  }
0x6e: {  	_ =	shalt  }
0x6f: {  	_ =	shalt  }
0x70: {  	_ =	shalt  }
0x71: {  	_ =	shalt  }
0x72: {  	_ =	shalt  }
0x73: {  	_ =	shalt  }
0x74: {  	_ =	shalt  }
0x75: {  	_ =	shalt  }
0x76: {  	_ =	shalt  }
0x77: {  	_ =	shalt  }
0x78: {  	_ =	shalt  }
0x79: {  	_ =	shalt  }
0x7a: {  	_ =	shalt  }
0x7b: {  	_ =	shalt  }
0x7c: {  	_ =	shalt  }
0x7d: {  	_ =	shalt  }
0x7e: {  	_ =	shalt  }
0x7f: {  	_ =	shalt  }
0x80: {  	_ =	shalt  }
0x81: {  	_ =	shalt  }
0x82: {  	_ =	shalt  }
0x83: {  	_ =	shalt  }
0x84: {  	_ =	shalt  }
0x85: {  	_ =	shalt  }
0x86: {  	_ =	shalt  }
0x87: {  	_ =	shalt  }
.Lfunc_end0:
.L_simem_size_0:
called_computation_lowered:
.L_overlay_start_0:
0x88: {  	s2 =	sld [smem:$0x3FD9]  }
0x89: {  	s3 =	sld [smem:$0x3FFE];
	_ =	sdelay $0x1  }
0x8a: {  	s1 =	srdreg.scid  }
0x8b: {  	s0 =	sand.u32 $0x1, s1  }
0x8c: {  	s14 =	sshll.u32 s0, $0xA;
	s2 =	sadd.s32 s3, s2  }
0x8d: {  	s2 =	sadd.s32 s2, s14  }
0x8e: {  	[smem:$0x3FB2] =	sst s2  }
0x8f: {  	_ = 	snop  }
0x90: {  	s2 =	sld [smem:$0x3FD0];
	_ =	sdelay $0x2  }
0x91: {  	s15 =	simm.s32 $0xA;
	s4 =	simm.s32 $0x10  }
0x92: {  	[smem:s4], [sflag:s15] =	dma.local [hbm:s2], $0x1  }
0x93: {  	_ =	swait.eq [sflag:s15], $0x1  }
0x94: {  	[sflag:s15] =	ssyncset.done $0x0  }
0x95: {  	s16 =	sld [smem:$0x10];
	[sflag:s15] =	ssyncadd.s32 $0xFFFFFFFF  }
0x96: {  	s17 =	sld [smem:$0x11];
	(tm) =	ssettm $0x1  }
0x97: {  	s18 =	sld [smem:$0x3FFB];
	_ =	sdelay $0x3  }
0x98: {  	_ =	strace s18  }
0x99: {  	s4 =	sld [smem:$0x3FFC];
	_ =	sdelay $0x3  }
0x9a: {  	_ =	strace s4  }
0x9b: {  	s4 =	sld [smem:$0x3FFD];
	_ =	sdelay $0x3  }
0x9c: {  	_ =	strace s4  }
0x9d: {  	_ =	strace $0x8FFFFFFF  }
0x9e: {  	s19 =	sld [smem:$0x3FDB];
	_ =	sdelay $0x1  }
0x9f: {  	s5 =	simm.s32 $_scs_section_size  }
0xa0: {  	s6 =	simm.s32 $_size__tile_overlayer_lowered;
	s7 =	simm.s32 $_tile_overlayer_lowered  }
0xa1: {  	s22 =	simm.s32 $0x1BFF;
	s21 =	sshll.u32 s7, $0x1;
	s4 =	sadd.s32 s5, s19  }
0xa2: {  	s8 =	simm.s32 $0x0;
	s20 =	sshll.u32 s6, $0x1;
	s6 =	sadd.s32 s21, s4  }
0xa3: {  	[timem:s8], [sflag:s22] =	dma.local [hbm:s6], s20  }
0xa4: {  	_ =	swait.ge [sflag:s22], s20  }
0xa5: {  	s5 =	ssub.s32 $0x0, s20;
	[sflag:s22] =	ssyncset.done $0x0  }
0xa6: {  	[sflag:s22] =	ssyncadd.s32 s5;
	_ =	sdelay $0x1  }
0xa7: {  	s23 =	simm.s32 $0x1B8B  }
0xa8: {  	_ =	swait.ge [sflag:s23], $0x1  }
0xa9: {  	[sflag:s23] =	ssyncset.done $0x0  }
0xaa: {  	s25 =	simm.s32 $0x1B8E;
	s24 =	sld [smem:$0x3FFE];
	[sflag:s23] =	ssyncadd.s32 $0xFFFFFFFF  }
0xab: {  	s26 =	simm.s32 $execute0_lowered;
	[smem:$0x3FD2] =	sst s25  }
0xac: {  	s6 =	sshll.u32 s26, $0x1;
	_ =	strace $0x80000046;
	[dreg:$0x1] =	wrdreg $0xFFFFFFFF  }
0xad: {  	s28 =	simm.s32 $_size_execute0_lowered;
	s4 =	sadd.s32 s4, s6;
	[dreg:$0x0] =	wrdreg $0x0  }
0xae: {  	s6 =	sshll.u32 s28, $0x1;
	[dreg:$0x2] =	wrdreg s4  }
0xaf: {  	[dreg:$0x3] =	wrdreg s6  }
0xb0: {  	[dreg:$0x4] =	wrdreg $0xC0  }
0xb1: {  	_ =	task [dreg:s8], $0x5FFFF  }
0xb2: {  	[dreg:$0x1] =	wrdreg $0xFFFFFFFF  }
0xb3: {  	[dreg:$0x0] =	wrdreg $0x60  }
0xb4: {  	[dreg:$0x2] =	wrdreg s16  }
0xb5: {  	[dreg:$0x3] =	wrdreg s17  }
0xb6: {  	[dreg:$0x4] =	wrdreg s24  }
0xb7: {  	[dreg:$0x5] =	wrdreg $0x9  }
0xb8: {  	_ =	task.clear_ibuf [dreg:s8], $0x6FFFF;
	_ =	strace $0x90000046  }
0xb9: {  	s29 =	simm.s32 $0x9;
	_ =	strace $0x80000048  }
0xba: {  	_ =	swait.ge [sflag:s29], $0x1  }
0xbb: {  	[sflag:s29] =	ssyncadd.s32 $0xFFFFFFFF  }
0xbc: {  	_ =	strace $0x90000048  }
0xbd: {  	_ =	sfence  }
0xbe: {  	s30 =	sld [smem:$0x0];
	_ =	sdelay $0x2  }
0xbf: {  	s31 =	sshll.u32 s1, $0xD;
	s1 =	sshrl.u32 s1, $0x2  }
0xc0: {  	s3 =	sand.u32 $0x4000, s31;
	s1 =	sadd.s32 s1, s30  }
0xc1: {  	s0 =	sor.u32 s3, s0;
	s1 =	sshll.u32 s1, $0x11  }
0xc2: {  	s0 =	sor.u32 s1, s0  }
0xc3: {  	s0 =	sadd.s32 $0x8F2B, s0  }
0xc4: {  	[sflag:s0] =	ssyncadd.remote.s32 $0x1  }
0xc5: {  	_ =	sfence.sel $0xFFFF  }
0xc6: {  	[dreg:$0x0] =	wrdreg $0xFFFFFFFF;
	(pc) =	sbr.abs _section_cstart, $3  }
0xc7: {  	[dreg:$0x1] =	wrdreg $0xFFFFFFFF  }
0xc8: {  	_ =	task.clear_ibuf [dreg:s8], $0x2FFFF;
	_ =	strace $0x9FFFFFFF  }
0xc9: {  	(tm) =	ssettm $0x7FFFFFFF  }
tec
execute0_lowered:
.L_overlay_start_1:
0x0: {  	(tag) =	ssettag $0x1  }
0x1: {  	s0 =	rddreg [dreg:$0x0]  }
0x2: {  	s2 =	rddreg [dreg:$0x1]  }
0x3: {  	s1 =	rddreg [dreg:$0x2]  }
0x4: {  	s4 =	srdreg.scid;
	s5 =	stileid.u32;
	s3 =	simm.s32 $0x0  }
0x5: {  	s12 =	simm.s32 $0x1E00;
	s24 =	simm.s32 $0x30;
	s31 =	simm.s32 $0xAE00  }
0x6: {  	s17 =	simm.s32 $0xF600;
	s18 =	simm.s32 $0x10E00;
	s19 =	simm.s32 $0x12600  }
0x7: {  	s20 =	simm.s32 $0x1;
	s4 =	sand.u32 $0x1, s4;
	s5 =	sshll.u32 s5, $0x1  }
0x8: {  	s21 =	simm.s32 $0x2;
	s22 =	simm.s32 $0x3;
	s5 =	sor.u32 s4, s5  }
0x9: {  	s23 =	simm.s32 $0x4;
	[smem:$0x7FF] =	sst s3;
	s8 =	smul.u32 $0x3C0, s5  }
.Ltmp0:
0xa: {  	s6 =	sadd.s32 $0x5C00, s1;
	s7 =	ssub.s32 $0x2, s4;
	(pc) =	sbr.rel .LBB2_1-.Ltmp0, $4  }
0xb: {  	_ =	strace $0x80000047;
	s4 =	sadd.s32 $0x2C00, s1;
	s9 =	sshrl.u32 s7, $0x1  }
0xc: {  	v2 =	vlaneseq.u32;
	s5 =	smul.u32 $0x28, s5;
	s29 =	ssub.s32 s7, s9;
	s0 =	sadd.s32 s0, s8  }
0xd: {  	vm0 =	vmmov $0xffff;
	vm1 =	vmmov $0xff;
	v1 =	vshrl.u32 v2, $0x3;
	s1 =	simm.s32 $0x0;
	s30 =	smax.u32 s29, $0x1;
	[dreg:$0x4] =	wrdreg s0  }
0xe: {  	v0 =	vand.u32 $0x7, v2;
	v2 =	vor.u32 $0x8, v2;
	v1 =	vmul.u32 $0x8, v1;
	s8 =	sadd.s32 $0x100, s2;
	s9 =	sor.u32 $0x1, s5;
	[dreg:$0x5] =	wrdreg s30  }
.LBB2_8:
0xf: {  	_ =	swait.ge [sflag:s23], $0x1800  }
0x10: {  	s1 =	rddreg [dreg:$0x6]  }
0x11: {  	s0 =	rddreg [dreg:$0x5];
	s1 =	sadd.s32 $0x1, s1  }
0x12: {  	p0 =	sne.s32 s1, s0  }
.Ltmp1:
0x13: {  	_ = 	snop;
	(pc) =	sbr.rel @!p0 .LBB2_9-.Ltmp1, $3  }
0x14: {  	_ =	sdelay $0x1  }
0x15: {  	[sflag:s23] =	ssyncset.done $0x0  }
0x16: {  	[sflag:s23] =	ssyncadd.s32 $0xFFFFE800  }
.LBB2_1:
0x17: {  	[dreg:$0x6] =	wrdreg s1  }
0x18: {  	s0 =	rddreg [dreg:$0x4];
	s25 =	simm.s32 $0x5  }
0x19: {  	[tilespmem:s3], [sflag:$0x5] =	stream.linear.gather [hbm4b:s0+s3], $0x1E00, $0x38;
	[tilespmem:$0x13E00] =	vst v63  }
0x1a: {  	_ =	swait.ge [sflag:s25], $0x1E00  }
0x1b: {  	[sflag:s25] =	ssyncset.done $0x0  }
0x1c: {  	[sflag:s25] =	ssyncadd.s32 $0xFFFFE200  }
0x1d: {  	v3 =	vld [tilespmem:$0x0];
	_ =	sdelay $0x4  }
0x1e: {  	v4 =	vshrl.u32 v3, $0x3  }
0x1f: {  	v4 =	vmul.u32 $0x18, v4  }
0x20: {  	v3 =	vand.u32 $0x7, v3  }
0x21: {  	v3 =	vor.u32 v3, v4  }
0x22: {  	v4 =	vperm.xlane v3, v0;
	_ =	sdelay $0x1  }
0x23: {  	v4 =	vadd.s32 v1, v4;
	_ =	sdelay $0x1  }
0x24: {  	v3 =	vperm.xlane v3, v2;
	_ =	sdelay $0x1  }
0x25: {  	v3 =	vadd.s32 v1, v3  }
0x26: {  	[tilespmem:s12], [sflag:$0x1] =	stream.indirect_vreg.gather [hbm4b:s2+s3], $0x80, v4, vm0, $0xb8;
	[tilespmem:$0x13E00] =	vst v63  }
0x27: {  	s26 =	simm.s32 $0x2600  }
0x28: {  	[tilespmem:s26], [sflag:$0x1] =	stream.indirect_vreg.gather [hbm4b:s8+s3], $0x80, v4, vm1, $0xb8;
	[tilespmem:$0x13E00] =	vst v63  }
0x29: {  	s28 =	simm.s32 $0x2A00  }
0x2a: {  	[tilespmem:s28], [sflag:$0x1] =	stream.indirect_vreg.gather [hbm4b:s2+s3], $0x80, v3, vm0, $0xb8;
	[tilespmem:$0x13E00] =	vst v63  }
0x2b: {  	s29 =	simm.s32 $0x3200  }
0x2c: {  	[tilespmem:s29], [sflag:$0x1] =	stream.indirect_vreg.gather [hbm4b:s8+s3], $0x80, v3, vm1, $0xb8;
	[tilespmem:$0x13E00] =	vst v63  }
0x2d: {  	v3 =	vld [tilespmem:$0x10];
	_ =	sdelay $0x4  }
0x2e: {  	v59 =	vshrl.u32 v3, $0x3  }
0x2f: {  	v4 =	vmul.u32 $0x18, v59  }
0x30: {  	v3 =	vand.u32 $0x7, v3  }
0x31: {  	v3 =	vor.u32 v3, v4  }
0x32: {  	v4 =	vperm.xlane v3, v0;
	_ =	sdelay $0x1  }
0x33: {  	v4 =	vadd.s32 v1, v4;
	_ =	sdelay $0x1  }
0x34: {  	v3 =	vperm.xlane v3, v2;
	_ =	sdelay $0x1  }
0x35: {  	s30 =	simm.s32 $0x3600;
	v3 =	vadd.s32 v1, v3  }
0x36: {  	[tilespmem:s30], [sflag:$0x1] =	stream.indirect_vreg.gather [hbm4b:s2+s3], $0x80, v4, vm0, $0xb8;
	[tilespmem:$0x13E00] =	vst v63  }
0x37: {  	s1 =	simm.s32 $0x3E00  }
0x38: {  	[tilespmem:s1], [sflag:$0x1] =	stream.indirect_vreg.gather [hbm4b:s8+s3], $0x80, v4, vm1, $0xb8;
	[tilespmem:$0x13E00] =	vst v63  }
0x39: {  	s7 =	simm.s32 $0x4200  }
0x3a: {  	[tilespmem:s7], [sflag:$0x1] =	stream.indirect_vreg.gather [hbm4b:s2+s3], $0x80, v3, vm0, $0xb8;
	[tilespmem:$0x13E00] =	vst v63  }
0x3b: {  	s10 =	simm.s32 $0x4A00  }
0x3c: {  	[tilespmem:s10], [sflag:$0x1] =	stream.indirect_vreg.gather [hbm4b:s8+s3], $0x80, v3, vm1, $0xb8;
	[tilespmem:$0x13E00] =	vst v63  }
0x3d: {  	v3 =	vld [tilespmem:$0x20];
	_ =	sdelay $0x4  }
0x3e: {  	v60 =	vshrl.u32 v3, $0x3  }
0x3f: {  	v4 =	vmul.u32 $0x18, v60  }
0x40: {  	v3 =	vand.u32 $0x7, v3  }
0x41: {  	v3 =	vor.u32 v3, v4  }
0x42: {  	v4 =	vperm.xlane v3, v0;
	_ =	sdelay $0x1  }
0x43: {  	v4 =	vadd.s32 v1, v4;
	_ =	sdelay $0x1  }
0x44: {  	v3 =	vperm.xlane v3, v2;
	_ =	sdelay $0x1  }
0x45: {  	s11 =	simm.s32 $0x4E00;
	v3 =	vadd.s32 v1, v3  }
0x46: {  	[tilespmem:s11], [sflag:$0x1] =	stream.indirect_vreg.gather [hbm4b:s2+s3], $0x80, v4, vm0, $0xb8;
	[tilespmem:$0x13E00] =	vst v63  }
0x47: {  	s13 =	simm.s32 $0x5600  }
0x48: {  	[tilespmem:s13], [sflag:$0x1] =	stream.indirect_vreg.gather [hbm4b:s8+s3], $0x80, v4, vm1, $0xb8;
	[tilespmem:$0x13E00] =	vst v63  }
0x49: {  	s14 =	simm.s32 $0x5A00  }
0x4a: {  	[tilespmem:s14], [sflag:$0x1] =	stream.indirect_vreg.gather [hbm4b:s2+s3], $0x80, v3, vm0, $0xb8;
	[tilespmem:$0x13E00] =	vst v63  }
0x4b: {  	s15 =	simm.s32 $0x6200  }
0x4c: {  	[tilespmem:s15], [sflag:$0x1] =	stream.indirect_vreg.gather [hbm4b:s8+s3], $0x80, v3, vm1, $0xb8;
	[tilespmem:$0x13E00] =	vst v63  }
0x4d: {  	s16 =	simm.s32 $0x6600  }
0x4e: {  	[tilespmem:s16], [sflag:$0x1] =	stream.indirect.gather [hbm4b:s4+s24], $0x80, s24, s24, $0xb8;
	[tilespmem:$0x13E00] =	vst v63  }
0x4f: {  	s25 =	simm.s32 $0x60;
	s26 =	simm.s32 $0x7E00  }
0x50: {  	[tilespmem:s26], [sflag:$0x1] =	stream.indirect.gather [hbm4b:s4+s24], $0x80, s25, s24, $0xb8;
	[tilespmem:$0x13E00] =	vst v63  }
0x51: {  	s28 =	simm.s32 $0x90;
	s29 =	simm.s32 $0x9600  }
0x52: {  	[tilespmem:s29], [sflag:$0x1] =	stream.indirect.gather [hbm4b:s4+s24], $0x80, s28, s24, $0xb8;
	[tilespmem:$0x13E00] =	vst v63  }
0x53: {  	v3 =	vld [tilespmem:$0xC0];
	_ =	sdelay $0x4  }
0x54: {  	v61 =	vshrl.u32 v3, $0x3  }
0x55: {  	v4 =	vmul.u32 $0x18, v61  }
0x56: {  	v3 =	vand.u32 $0x7, v3  }
0x57: {  	v3 =	vor.u32 v3, v4  }
0x58: {  	v4 =	vperm.xlane v3, v0;
	_ =	sdelay $0x1  }
0x59: {  	v4 =	vadd.s32 v1, v4;
	_ =	sdelay $0x1  }
0x5a: {  	v3 =	vperm.xlane v3, v2;
	_ =	sdelay $0x1  }
0x5b: {  	v3 =	vadd.s32 v1, v3  }
0x5c: {  	[tilespmem:s31], [sflag:$0x2] =	stream.indirect_vreg.gather [hbm4b:s2+s3], $0x80, v4, vm0, $0xb8;
	[tilespmem:$0x13E00] =	vst v63  }
0x5d: {  	s30 =	simm.s32 $0xB600  }
0x5e: {  	[tilespmem:s30], [sflag:$0x2] =	stream.indirect_vreg.gather [hbm4b:s8+s3], $0x80, v4, vm1, $0xb8;
	[tilespmem:$0x13E00] =	vst v63  }
0x5f: {  	s1 =	simm.s32 $0xBA00  }
0x60: {  	[tilespmem:s1], [sflag:$0x2] =	stream.indirect_vreg.gather [hbm4b:s2+s3], $0x80, v3, vm0, $0xb8;
	[tilespmem:$0x13E00] =	vst v63  }
0x61: {  	s7 =	simm.s32 $0xC200  }
0x62: {  	[tilespmem:s7], [sflag:$0x2] =	stream.indirect_vreg.gather [hbm4b:s8+s3], $0x80, v3, vm1, $0xb8;
	[tilespmem:$0x13E00] =	vst v63  }
0x63: {  	v3 =	vld [tilespmem:$0xD0];
	_ =	sdelay $0x4  }
0x64: {  	v62 =	vshrl.u32 v3, $0x3  }
0x65: {  	v4 =	vmul.u32 $0x18, v62  }
0x66: {  	v3 =	vand.u32 $0x7, v3  }
0x67: {  	v3 =	vor.u32 v3, v4  }
0x68: {  	v4 =	vperm.xlane v3, v0;
	_ =	sdelay $0x1  }
0x69: {  	v4 =	vadd.s32 v1, v4;
	_ =	sdelay $0x1  }
0x6a: {  	v3 =	vperm.xlane v3, v2;
	_ =	sdelay $0x1  }
0x6b: {  	s10 =	simm.s32 $0xC600;
	v3 =	vadd.s32 v1, v3  }
0x6c: {  	[tilespmem:s10], [sflag:$0x2] =	stream.indirect_vreg.gather [hbm4b:s2+s3], $0x80, v4, vm0, $0xb8;
	[tilespmem:$0x13E00] =	vst v63  }
0x6d: {  	s11 =	simm.s32 $0xCE00  }
0x6e: {  	[tilespmem:s11], [sflag:$0x2] =	stream.indirect_vreg.gather [hbm4b:s8+s3], $0x80, v4, vm1, $0xb8;
	[tilespmem:$0x13E00] =	vst v63  }
0x6f: {  	s13 =	simm.s32 $0xD200  }
0x70: {  	[tilespmem:s13], [sflag:$0x2] =	stream.indirect_vreg.gather [hbm4b:s2+s3], $0x80, v3, vm0, $0xb8;
	[tilespmem:$0x13E00] =	vst v63  }
0x71: {  	s14 =	simm.s32 $0xDA00  }
0x72: {  	[tilespmem:s14], [sflag:$0x2] =	stream.indirect_vreg.gather [hbm4b:s8+s3], $0x80, v3, vm1, $0xb8;
	[tilespmem:$0x13E00] =	vst v63  }
0x73: {  	v3 =	vld [tilespmem:$0xE0];
	_ =	sdelay $0x4  }
0x74: {  	v63 =	vshrl.u32 v3, $0x3  }
0x75: {  	v4 =	vmul.u32 $0x18, v63  }
0x76: {  	v3 =	vand.u32 $0x7, v3  }
0x77: {  	v3 =	vor.u32 v3, v4  }
0x78: {  	v4 =	vperm.xlane v3, v0;
	_ =	sdelay $0x1  }
0x79: {  	v4 =	vadd.s32 v1, v4;
	_ =	sdelay $0x1  }
0x7a: {  	v3 =	vperm.xlane v3, v2;
	_ =	sdelay $0x1  }
0x7b: {  	s15 =	simm.s32 $0xDE00;
	v3 =	vadd.s32 v1, v3  }
0x7c: {  	[tilespmem:s15], [sflag:$0x2] =	stream.indirect_vreg.gather [hbm4b:s2+s3], $0x80, v4, vm0, $0xb8;
	[tilespmem:$0x13E00] =	vst v63  }
0x7d: {  	s16 =	simm.s32 $0xE600  }
0x7e: {  	[tilespmem:s16], [sflag:$0x2] =	stream.indirect_vreg.gather [hbm4b:s8+s3], $0x80, v4, vm1, $0xb8;
	[tilespmem:$0x13E00] =	vst v63  }
0x7f: {  	s25 =	simm.s32 $0xEA00  }
0x80: {  	[tilespmem:s25], [sflag:$0x2] =	stream.indirect_vreg.gather [hbm4b:s2+s3], $0x80, v3, vm0, $0xb8;
	[tilespmem:$0x13E00] =	vst v63  }
0x81: {  	s26 =	simm.s32 $0xF200  }
0x82: {  	[tilespmem:s26], [sflag:$0x2] =	stream.indirect_vreg.gather [hbm4b:s8+s3], $0x80, v3, vm1, $0xb8;
	[tilespmem:$0x13E00] =	vst v63  }
0x83: {  	s28 =	simm.s32 $0xF0  }
0x84: {  	[tilespmem:s17], [sflag:$0x2] =	stream.indirect.gather [hbm4b:s4+s24], $0x80, s28, s24, $0xb8;
	[tilespmem:$0x13E00] =	vst v63  }
0x85: {  	s29 =	simm.s32 $0x120  }
0x86: {  	[tilespmem:s18], [sflag:$0x2] =	stream.indirect.gather [hbm4b:s4+s24], $0x80, s29, s24, $0xb8;
	[tilespmem:$0x13E00] =	vst v63  }
0x87: {  	s30 =	simm.s32 $0x150;
	s25 =	simm.s32 $0x0  }
0x88: {  	[tilespmem:s19], [sflag:$0x2] =	stream.indirect.gather [hbm4b:s4+s24], $0x80, s30, s24, $0xb8;
	[tilespmem:$0x13E00] =	vst v63  }
.LBB2_2:
0x89: {  	_ =	swait.ge [sflag:s20], $0x1800  }
0x8a: {  	[sflag:s20] =	ssyncset.done $0x0  }
0x8b: {  	[sflag:s20] =	ssyncadd.s32 $0xFFFFE800  }
0x8c: {  	_ =	swait.ge [sflag:s20], $0x1800  }
0x8d: {  	[sflag:s20] =	ssyncset.done $0x0  }
0x8e: {  	[sflag:s20] =	ssyncadd.s32 $0xFFFFE800  }
0x8f: {  	_ =	swait.ge [sflag:s20], $0x1800  }
0x90: {  	[sflag:s20] =	ssyncset.done $0x0  }
0x91: {  	[sflag:s20] =	ssyncadd.s32 $0xFFFFE800  }
0x92: {  	_ =	swait.ge [sflag:s20], $0x1800  }
0x93: {  	[sflag:s20] =	ssyncset.done $0x0  }
0x94: {  	[sflag:s20] =	ssyncadd.s32 $0xFFFFE800  }
0x95: {  	_ =	swait.ge [sflag:s20], $0x1800  }
0x96: {  	[sflag:s20] =	ssyncset.done $0x0  }
0x97: {  	[sflag:s20] =	ssyncadd.s32 $0xFFFFE800  }
0x98: {  	_ =	swait.ge [sflag:s20], $0x1800  }
0x99: {  	[sflag:s20] =	ssyncset.done $0x0  }
0x9a: {  	s28 =	simm.s32 $0x0;
	[sflag:s20] =	ssyncadd.s32 $0xFFFFE800  }
.LBB2_3:
0x9b: {  	s0 =	sshrl.u32 s28, $0x3  }
0x9c: {  	s14 =	sshll.u32 s28, $0x7;
	s29 =	smul.u32 $0xC00, s0  }
0x9d: {  	s7 =	sand.u32 $0x200, s14  }
0x9e: {  	s10 =	sor.u32 s7, s29  }
0x9f: {  	v3 =	vld [tilespmem:s10+$0x1E00]  }
0xa0: {  	v4 =	vld [tilespmem:s10+$0x3600];
	_ =	sdelay $0x1  }
0xa1: {  	s1 =	smul.u32 $0x180, s28;
	v5 =	vld [tilespmem:s10+$0x4E00];
	_ =	sdelay $0x1  }
0xa2: {  	v6 =	vld [tilespmem:s1+$0x6600]  }
0xa3: {  	v3 =	vadd.f32 v4, v3  }
0xa4: {  	v46 =	vld [tilespmem:s1+$0x7E00]  }
0xa5: {  	v3 =	vadd.f32 v5, v3  }
0xa6: {  	v47 =	vld [tilespmem:s1+$0x9600]  }
0xa7: {  	v3 =	vadd.f32 v6, v3;
	_ =	sdelay $0x1  }
0xa8: {  	v48 =	vld [tilespmem:s10+$0x1E10];
	v3 =	vadd.f32 v46, v3  }
0xa9: {  	v49 =	vld [tilespmem:s10+$0x3610]  }
0xaa: {  	v3 =	vadd.f32 v47, v3  }
0xab: {  	v50 =	vld [tilespmem:s10+$0x4E10]  }
0xac: {  	[tilespmem:s10+$0x1E00] =	vst v3  }
0xad: {  	v3 =	vld [tilespmem:s1+$0x6610]  }
0xae: {  	v4 =	vadd.f32 v49, v48  }
0xaf: {  	v51 =	vld [tilespmem:s1+$0x7E10]  }
0xb0: {  	v4 =	vadd.f32 v50, v4  }
0xb1: {  	v52 =	vld [tilespmem:s1+$0x9610]  }
0xb2: {  	v3 =	vadd.f32 v3, v4;
	_ =	sdelay $0x1  }
0xb3: {  	v53 =	vld [tilespmem:s10+$0x1E20];
	v3 =	vadd.f32 v51, v3  }
0xb4: {  	v54 =	vld [tilespmem:s10+$0x3620]  }
0xb5: {  	v3 =	vadd.f32 v52, v3  }
0xb6: {  	v55 =	vld [tilespmem:s10+$0x4E20]  }
0xb7: {  	[tilespmem:s10+$0x1E10] =	vst v3  }
0xb8: {  	v3 =	vld [tilespmem:s1+$0x6620]  }
0xb9: {  	v4 =	vadd.f32 v54, v53  }
0xba: {  	v56 =	vld [tilespmem:s1+$0x7E20]  }
0xbb: {  	v4 =	vadd.f32 v55, v4  }
0xbc: {  	v57 =	vld [tilespmem:s1+$0x9620]  }
0xbd: {  	v3 =	vadd.f32 v3, v4;
	_ =	sdelay $0x1  }
0xbe: {  	v58 =	vld [tilespmem:s10+$0x1E30];
	v3 =	vadd.f32 v56, v3  }
0xbf: {  	v59 =	vld [tilespmem:s10+$0x3630]  }
0xc0: {  	v3 =	vadd.f32 v57, v3  }
0xc1: {  	v60 =	vld [tilespmem:s10+$0x4E30]  }
0xc2: {  	[tilespmem:s10+$0x1E20] =	vst v3  }
0xc3: {  	v3 =	vld [tilespmem:s1+$0x6630]  }
0xc4: {  	v4 =	vadd.f32 v59, v58  }
0xc5: {  	v61 =	vld [tilespmem:s1+$0x7E30]  }
0xc6: {  	v4 =	vadd.f32 v60, v4  }
0xc7: {  	v62 =	vld [tilespmem:s1+$0x9630]  }
0xc8: {  	v3 =	vadd.f32 v3, v4;
	_ =	sdelay $0x1  }
0xc9: {  	v63 =	vld [tilespmem:s10+$0x1E40];
	v3 =	vadd.f32 v61, v3  }
0xca: {  	v9 =	vld [tilespmem:s10+$0x3640]  }
0xcb: {  	v3 =	vadd.f32 v62, v3  }
0xcc: {  	v10 =	vld [tilespmem:s10+$0x4E40]  }
0xcd: {  	[tilespmem:s10+$0x1E30] =	vst v3  }
0xce: {  	v3 =	vld [tilespmem:s1+$0x6640]  }
0xcf: {  	v4 =	vadd.f32 v9, v63  }
0xd0: {  	v11 =	vld [tilespmem:s1+$0x7E40]  }
0xd1: {  	v4 =	vadd.f32 v10, v4  }
0xd2: {  	v12 =	vld [tilespmem:s1+$0x9640]  }
0xd3: {  	v3 =	vadd.f32 v3, v4;
	_ =	sdelay $0x1  }
0xd4: {  	v13 =	vld [tilespmem:s10+$0x1E50];
	v3 =	vadd.f32 v11, v3  }
0xd5: {  	v14 =	vld [tilespmem:s10+$0x3650]  }
0xd6: {  	v3 =	vadd.f32 v12, v3  }
0xd7: {  	v15 =	vld [tilespmem:s10+$0x4E50]  }
0xd8: {  	[tilespmem:s10+$0x1E40] =	vst v3  }
0xd9: {  	v3 =	vld [tilespmem:s1+$0x6650]  }
0xda: {  	v4 =	vadd.f32 v14, v13  }
0xdb: {  	v16 =	vld [tilespmem:s1+$0x7E50]  }
0xdc: {  	v4 =	vadd.f32 v15, v4  }
0xdd: {  	v17 =	vld [tilespmem:s1+$0x9650]  }
0xde: {  	v3 =	vadd.f32 v3, v4;
	_ =	sdelay $0x1  }
0xdf: {  	v18 =	vld [tilespmem:s10+$0x1E60];
	v3 =	vadd.f32 v16, v3  }
0xe0: {  	v19 =	vld [tilespmem:s10+$0x3660]  }
0xe1: {  	v3 =	vadd.f32 v17, v3  }
0xe2: {  	v20 =	vld [tilespmem:s10+$0x4E60]  }
0xe3: {  	[tilespmem:s10+$0x1E50] =	vst v3  }
0xe4: {  	v3 =	vld [tilespmem:s1+$0x6660]  }
0xe5: {  	v4 =	vadd.f32 v19, v18  }
0xe6: {  	v21 =	vld [tilespmem:s1+$0x7E60]  }
0xe7: {  	v4 =	vadd.f32 v20, v4  }
0xe8: {  	v22 =	vld [tilespmem:s1+$0x9660]  }
0xe9: {  	v3 =	vadd.f32 v3, v4;
	_ =	sdelay $0x1  }
0xea: {  	v23 =	vld [tilespmem:s10+$0x1E70];
	v3 =	vadd.f32 v21, v3  }
0xeb: {  	v24 =	vld [tilespmem:s10+$0x3670]  }
0xec: {  	v3 =	vadd.f32 v22, v3  }
0xed: {  	v25 =	vld [tilespmem:s10+$0x4E70]  }
0xee: {  	[tilespmem:s10+$0x1E60] =	vst v3  }
0xef: {  	v3 =	vld [tilespmem:s1+$0x6670]  }
0xf0: {  	v4 =	vadd.f32 v24, v23  }
0xf1: {  	v26 =	vld [tilespmem:s1+$0x7E70]  }
0xf2: {  	v4 =	vadd.f32 v25, v4  }
0xf3: {  	v27 =	vld [tilespmem:s1+$0x9670]  }
0xf4: {  	v3 =	vadd.f32 v3, v4;
	_ =	sdelay $0x1  }
0xf5: {  	v3 =	vadd.f32 v26, v3;
	_ =	sdelay $0x1  }
0xf6: {  	s0 =	sadd.s32 $0x400, s29;
	v3 =	vadd.f32 v27, v3  }
0xf7: {  	s11 =	sor.u32 s7, s0  }
0xf8: {  	[tilespmem:s10+$0x1E70] =	vst v3;
	v3 =	vld [tilespmem:s11+$0x1E00]  }
0xf9: {  	v28 =	vld [tilespmem:s11+$0x3600];
	_ =	sdelay $0x1  }
0xfa: {  	v29 =	vld [tilespmem:s11+$0x4E00];
	_ =	sdelay $0x1  }
0xfb: {  	v30 =	vld [tilespmem:s1+$0x6680]  }
0xfc: {  	v3 =	vadd.f32 v28, v3  }
0xfd: {  	v31 =	vld [tilespmem:s1+$0x7E80]  }
0xfe: {  	v3 =	vadd.f32 v29, v3  }
0xff: {  	v32 =	vld [tilespmem:s1+$0x9680]  }
0x100: {  	v3 =	vadd.f32 v30, v3;
	_ =	sdelay $0x1  }
0x101: {  	v33 =	vld [tilespmem:s11+$0x1E10];
	v3 =	vadd.f32 v31, v3  }
0x102: {  	v34 =	vld [tilespmem:s11+$0x3610]  }
0x103: {  	v3 =	vadd.f32 v32, v3  }
0x104: {  	v35 =	vld [tilespmem:s11+$0x4E10]  }
0x105: {  	[tilespmem:s11+$0x1E00] =	vst v3  }
0x106: {  	v3 =	vld [tilespmem:s1+$0x6690]  }
0x107: {  	v4 =	vadd.f32 v34, v33  }
0x108: {  	v36 =	vld [tilespmem:s1+$0x7E90]  }
0x109: {  	v4 =	vadd.f32 v35, v4  }
0x10a: {  	v37 =	vld [tilespmem:s1+$0x9690]  }
0x10b: {  	v3 =	vadd.f32 v3, v4;
	_ =	sdelay $0x1  }
0x10c: {  	v38 =	vld [tilespmem:s11+$0x1E20];
	v3 =	vadd.f32 v36, v3  }
0x10d: {  	v39 =	vld [tilespmem:s11+$0x3620]  }
0x10e: {  	v3 =	vadd.f32 v37, v3  }
0x10f: {  	v40 =	vld [tilespmem:s11+$0x4E20]  }
0x110: {  	[tilespmem:s11+$0x1E10] =	vst v3  }
0x111: {  	v3 =	vld [tilespmem:s1+$0x66A0]  }
0x112: {  	v4 =	vadd.f32 v39, v38  }
0x113: {  	v41 =	vld [tilespmem:s1+$0x7EA0]  }
0x114: {  	v4 =	vadd.f32 v40, v4  }
0x115: {  	v42 =	vld [tilespmem:s1+$0x96A0]  }
0x116: {  	v3 =	vadd.f32 v3, v4;
	_ =	sdelay $0x1  }
0x117: {  	v43 =	vld [tilespmem:s11+$0x1E30];
	v3 =	vadd.f32 v41, v3  }
0x118: {  	v44 =	vld [tilespmem:s11+$0x3630]  }
0x119: {  	v3 =	vadd.f32 v42, v3  }
0x11a: {  	v45 =	vld [tilespmem:s11+$0x4E30]  }
0x11b: {  	[tilespmem:s11+$0x1E20] =	vst v3  }
0x11c: {  	v3 =	vld [tilespmem:s1+$0x66B0]  }
0x11d: {  	v4 =	vadd.f32 v44, v43  }
0x11e: {  	v46 =	vld [tilespmem:s1+$0x7EB0]  }
0x11f: {  	v4 =	vadd.f32 v45, v4  }
0x120: {  	v47 =	vld [tilespmem:s1+$0x96B0]  }
0x121: {  	v3 =	vadd.f32 v3, v4;
	_ =	sdelay $0x1  }
0x122: {  	v48 =	vld [tilespmem:s11+$0x1E40];
	v3 =	vadd.f32 v46, v3  }
0x123: {  	v49 =	vld [tilespmem:s11+$0x3640]  }
0x124: {  	v3 =	vadd.f32 v47, v3  }
0x125: {  	v50 =	vld [tilespmem:s11+$0x4E40]  }
0x126: {  	[tilespmem:s11+$0x1E30] =	vst v3  }
0x127: {  	v3 =	vld [tilespmem:s1+$0x66C0]  }
0x128: {  	v4 =	vadd.f32 v49, v48  }
0x129: {  	v51 =	vld [tilespmem:s1+$0x7EC0]  }
0x12a: {  	v4 =	vadd.f32 v50, v4  }
0x12b: {  	v52 =	vld [tilespmem:s1+$0x96C0]  }
0x12c: {  	v3 =	vadd.f32 v3, v4;
	_ =	sdelay $0x1  }
0x12d: {  	v53 =	vld [tilespmem:s11+$0x1E50];
	v3 =	vadd.f32 v51, v3  }
0x12e: {  	v54 =	vld [tilespmem:s11+$0x3650]  }
0x12f: {  	v3 =	vadd.f32 v52, v3  }
0x130: {  	v55 =	vld [tilespmem:s11+$0x4E50]  }
0x131: {  	[tilespmem:s11+$0x1E40] =	vst v3  }
0x132: {  	v3 =	vld [tilespmem:s1+$0x66D0]  }
0x133: {  	v4 =	vadd.f32 v54, v53  }
0x134: {  	v56 =	vld [tilespmem:s1+$0x7ED0]  }
0x135: {  	v4 =	vadd.f32 v55, v4  }
0x136: {  	v57 =	vld [tilespmem:s1+$0x96D0]  }
0x137: {  	v3 =	vadd.f32 v3, v4;
	_ =	sdelay $0x1  }
0x138: {  	v58 =	vld [tilespmem:s11+$0x1E60];
	v3 =	vadd.f32 v56, v3  }
0x139: {  	v59 =	vld [tilespmem:s11+$0x3660]  }
0x13a: {  	v3 =	vadd.f32 v57, v3  }
0x13b: {  	v60 =	vld [tilespmem:s11+$0x4E60]  }
0x13c: {  	[tilespmem:s11+$0x1E50] =	vst v3  }
0x13d: {  	v3 =	vld [tilespmem:s1+$0x66E0]  }
0x13e: {  	v4 =	vadd.f32 v59, v58  }
0x13f: {  	v61 =	vld [tilespmem:s1+$0x7EE0]  }
0x140: {  	v4 =	vadd.f32 v60, v4  }
0x141: {  	v62 =	vld [tilespmem:s1+$0x96E0]  }
0x142: {  	v3 =	vadd.f32 v3, v4;
	_ =	sdelay $0x1  }
0x143: {  	v63 =	vld [tilespmem:s11+$0x1E70];
	v3 =	vadd.f32 v61, v3  }
0x144: {  	v9 =	vld [tilespmem:s11+$0x3670]  }
0x145: {  	v3 =	vadd.f32 v62, v3  }
0x146: {  	v10 =	vld [tilespmem:s11+$0x4E70]  }
0x147: {  	[tilespmem:s11+$0x1E60] =	vst v3  }
0x148: {  	v3 =	vld [tilespmem:s1+$0x66F0]  }
0x149: {  	v4 =	vadd.f32 v9, v63  }
0x14a: {  	v11 =	vld [tilespmem:s1+$0x7EF0]  }
0x14b: {  	v4 =	vadd.f32 v10, v4  }
0x14c: {  	v12 =	vld [tilespmem:s1+$0x96F0]  }
0x14d: {  	v3 =	vadd.f32 v3, v4;
	_ =	sdelay $0x1  }
0x14e: {  	v3 =	vadd.f32 v11, v3;
	_ =	sdelay $0x1  }
0x14f: {  	s30 =	sadd.s32 $0x800, s29;
	v3 =	vadd.f32 v12, v3  }
0x150: {  	s15 =	sor.u32 s7, s30  }
0x151: {  	[tilespmem:s11+$0x1E70] =	vst v3;
	v3 =	vld [tilespmem:s15+$0x1E00]  }
0x152: {  	v13 =	vld [tilespmem:s15+$0x3600];
	_ =	sdelay $0x1  }
0x153: {  	v14 =	vld [tilespmem:s15+$0x4E00];
	_ =	sdelay $0x1  }
0x154: {  	v15 =	vld [tilespmem:s1+$0x6700]  }
0x155: {  	v3 =	vadd.f32 v13, v3  }
0x156: {  	v16 =	vld [tilespmem:s1+$0x7F00]  }
0x157: {  	v3 =	vadd.f32 v14, v3  }
0x158: {  	v17 =	vld [tilespmem:s1+$0x9700]  }
0x159: {  	v3 =	vadd.f32 v15, v3;
	_ =	sdelay $0x1  }
0x15a: {  	v18 =	vld [tilespmem:s15+$0x1E10];
	v3 =	vadd.f32 v16, v3  }
0x15b: {  	v19 =	vld [tilespmem:s15+$0x3610]  }
0x15c: {  	v3 =	vadd.f32 v17, v3  }
0x15d: {  	v20 =	vld [tilespmem:s15+$0x4E10]  }
0x15e: {  	[tilespmem:s15+$0x1E00] =	vst v3  }
0x15f: {  	v3 =	vld [tilespmem:s1+$0x6710]  }
0x160: {  	v4 =	vadd.f32 v19, v18  }
0x161: {  	v21 =	vld [tilespmem:s1+$0x7F10]  }
0x162: {  	v4 =	vadd.f32 v20, v4  }
0x163: {  	v22 =	vld [tilespmem:s1+$0x9710]  }
0x164: {  	v3 =	vadd.f32 v3, v4;
	_ =	sdelay $0x1  }
0x165: {  	v23 =	vld [tilespmem:s15+$0x1E20];
	v3 =	vadd.f32 v21, v3  }
0x166: {  	v24 =	vld [tilespmem:s15+$0x3620]  }
0x167: {  	v3 =	vadd.f32 v22, v3  }
0x168: {  	v25 =	vld [tilespmem:s15+$0x4E20]  }
0x169: {  	[tilespmem:s15+$0x1E10] =	vst v3  }
0x16a: {  	v3 =	vld [tilespmem:s1+$0x6720]  }
0x16b: {  	v4 =	vadd.f32 v24, v23  }
0x16c: {  	v26 =	vld [tilespmem:s1+$0x7F20]  }
0x16d: {  	v4 =	vadd.f32 v25, v4  }
0x16e: {  	v27 =	vld [tilespmem:s1+$0x9720]  }
0x16f: {  	v3 =	vadd.f32 v3, v4;
	_ =	sdelay $0x1  }
0x170: {  	v28 =	vld [tilespmem:s15+$0x1E30];
	v3 =	vadd.f32 v26, v3  }
0x171: {  	v29 =	vld [tilespmem:s15+$0x3630]  }
0x172: {  	v3 =	vadd.f32 v27, v3  }
0x173: {  	v30 =	vld [tilespmem:s15+$0x4E30]  }
0x174: {  	[tilespmem:s15+$0x1E20] =	vst v3  }
0x175: {  	v3 =	vld [tilespmem:s1+$0x6730]  }
0x176: {  	v4 =	vadd.f32 v29, v28  }
0x177: {  	v31 =	vld [tilespmem:s1+$0x7F30]  }
0x178: {  	v4 =	vadd.f32 v30, v4  }
0x179: {  	v32 =	vld [tilespmem:s1+$0x9730]  }
0x17a: {  	v3 =	vadd.f32 v3, v4;
	_ =	sdelay $0x1  }
0x17b: {  	v33 =	vld [tilespmem:s15+$0x1E40];
	v3 =	vadd.f32 v31, v3  }
0x17c: {  	v34 =	vld [tilespmem:s15+$0x3640]  }
0x17d: {  	v3 =	vadd.f32 v32, v3  }
0x17e: {  	v35 =	vld [tilespmem:s15+$0x4E40]  }
0x17f: {  	[tilespmem:s15+$0x1E30] =	vst v3  }
0x180: {  	v3 =	vld [tilespmem:s1+$0x6740]  }
0x181: {  	v4 =	vadd.f32 v34, v33  }
0x182: {  	v36 =	vld [tilespmem:s1+$0x7F40]  }
0x183: {  	v4 =	vadd.f32 v35, v4  }
0x184: {  	v37 =	vld [tilespmem:s1+$0x9740]  }
0x185: {  	v3 =	vadd.f32 v3, v4;
	_ =	sdelay $0x1  }
0x186: {  	v38 =	vld [tilespmem:s15+$0x1E50];
	v3 =	vadd.f32 v36, v3  }
0x187: {  	v39 =	vld [tilespmem:s15+$0x3650]  }
0x188: {  	v3 =	vadd.f32 v37, v3  }
0x189: {  	v40 =	vld [tilespmem:s15+$0x4E50]  }
0x18a: {  	[tilespmem:s15+$0x1E40] =	vst v3  }
0x18b: {  	v3 =	vld [tilespmem:s1+$0x6750]  }
0x18c: {  	v4 =	vadd.f32 v39, v38  }
0x18d: {  	v41 =	vld [tilespmem:s1+$0x7F50]  }
0x18e: {  	v4 =	vadd.f32 v40, v4  }
0x18f: {  	v42 =	vld [tilespmem:s1+$0x9750]  }
0x190: {  	v3 =	vadd.f32 v3, v4;
	_ =	sdelay $0x1  }
0x191: {  	v43 =	vld [tilespmem:s15+$0x1E60];
	v3 =	vadd.f32 v41, v3  }
0x192: {  	v44 =	vld [tilespmem:s15+$0x3660]  }
0x193: {  	v3 =	vadd.f32 v42, v3  }
0x194: {  	v45 =	vld [tilespmem:s15+$0x4E60]  }
0x195: {  	[tilespmem:s15+$0x1E50] =	vst v3  }
0x196: {  	v3 =	vld [tilespmem:s1+$0x6760]  }
0x197: {  	v4 =	vadd.f32 v44, v43  }
0x198: {  	v46 =	vld [tilespmem:s1+$0x7F60]  }
0x199: {  	v4 =	vadd.f32 v45, v4  }
0x19a: {  	v47 =	vld [tilespmem:s1+$0x9760]  }
0x19b: {  	v3 =	vadd.f32 v3, v4;
	_ =	sdelay $0x1  }
0x19c: {  	v48 =	vld [tilespmem:s15+$0x1E70];
	v3 =	vadd.f32 v46, v3  }
0x19d: {  	v49 =	vld [tilespmem:s15+$0x3670]  }
0x19e: {  	v3 =	vadd.f32 v47, v3  }
0x19f: {  	v50 =	vld [tilespmem:s15+$0x4E70]  }
0x1a0: {  	[tilespmem:s15+$0x1E60] =	vst v3  }
0x1a1: {  	v3 =	vld [tilespmem:s1+$0x6770]  }
0x1a2: {  	s16 =	sor.u32 $0x1, s28;
	v4 =	vadd.f32 v49, v48  }
0x1a3: {  	s26 =	sshll.u32 s16, $0x7;
	v51 =	vld [tilespmem:s1+$0x7F70]  }
0x1a4: {  	s7 =	sand.u32 $0x280, s26;
	v4 =	vadd.f32 v50, v4  }
0x1a5: {  	s13 =	sor.u32 s29, s7;
	v52 =	vld [tilespmem:s1+$0x9770]  }
0x1a6: {  	v7 =	vld [tilespmem:s13+$0x3600];
	v3 =	vadd.f32 v3, v4  }
0x1a7: {  	v53 =	vld [tilespmem:s13+$0x1E00]  }
0x1a8: {  	v3 =	vadd.f32 v51, v3  }
0x1a9: {  	s26 =	smul.u32 $0x180, s16;
	v54 =	vld [tilespmem:s13+$0x4E00]  }
0x1aa: {  	v3 =	vadd.f32 v52, v3  }
0x1ab: {  	v55 =	vld [tilespmem:s26+$0x6600]  }
0x1ac: {  	[tilespmem:s15+$0x1E70] =	vst v3;
	v3 =	vadd.f32 v7, v53  }
0x1ad: {  	v56 =	vld [tilespmem:s26+$0x7E00]  }
0x1ae: {  	v3 =	vadd.f32 v54, v3  }
0x1af: {  	v57 =	vld [tilespmem:s26+$0x9600]  }
0x1b0: {  	v3 =	vadd.f32 v55, v3;
	_ =	sdelay $0x1  }
0x1b1: {  	v58 =	vld [tilespmem:s13+$0x1E10];
	v3 =	vadd.f32 v56, v3  }
0x1b2: {  	v59 =	vld [tilespmem:s13+$0x3610]  }
0x1b3: {  	v3 =	vadd.f32 v57, v3  }
0x1b4: {  	v60 =	vld [tilespmem:s13+$0x4E10]  }
0x1b5: {  	[tilespmem:s13+$0x1E00] =	vst v3  }
0x1b6: {  	v3 =	vld [tilespmem:s26+$0x6610]  }
0x1b7: {  	v4 =	vadd.f32 v59, v58  }
0x1b8: {  	v61 =	vld [tilespmem:s26+$0x7E10]  }
0x1b9: {  	v4 =	vadd.f32 v60, v4  }
0x1ba: {  	v62 =	vld [tilespmem:s26+$0x9610]  }
0x1bb: {  	v3 =	vadd.f32 v3, v4;
	_ =	sdelay $0x1  }
0x1bc: {  	v63 =	vld [tilespmem:s13+$0x1E20];
	v3 =	vadd.f32 v61, v3  }
0x1bd: {  	v9 =	vld [tilespmem:s13+$0x3620]  }
0x1be: {  	v3 =	vadd.f32 v62, v3  }
0x1bf: {  	v10 =	vld [tilespmem:s13+$0x4E20]  }
0x1c0: {  	[tilespmem:s13+$0x1E10] =	vst v3  }
0x1c1: {  	v3 =	vld [tilespmem:s26+$0x6620]  }
0x1c2: {  	v4 =	vadd.f32 v9, v63  }
0x1c3: {  	v11 =	vld [tilespmem:s26+$0x7E20]  }
0x1c4: {  	v4 =	vadd.f32 v10, v4  }
0x1c5: {  	v12 =	vld [tilespmem:s26+$0x9620]  }
0x1c6: {  	v3 =	vadd.f32 v3, v4;
	_ =	sdelay $0x1  }
0x1c7: {  	v13 =	vld [tilespmem:s13+$0x1E30];
	v3 =	vadd.f32 v11, v3  }
0x1c8: {  	v14 =	vld [tilespmem:s13+$0x3630]  }
0x1c9: {  	v3 =	vadd.f32 v12, v3  }
0x1ca: {  	v15 =	vld [tilespmem:s13+$0x4E30]  }
0x1cb: {  	[tilespmem:s13+$0x1E20] =	vst v3  }
0x1cc: {  	v3 =	vld [tilespmem:s26+$0x6630]  }
0x1cd: {  	v4 =	vadd.f32 v14, v13  }
0x1ce: {  	v16 =	vld [tilespmem:s26+$0x7E30]  }
0x1cf: {  	v4 =	vadd.f32 v15, v4  }
0x1d0: {  	v17 =	vld [tilespmem:s26+$0x9630]  }
0x1d1: {  	v3 =	vadd.f32 v3, v4;
	_ =	sdelay $0x1  }
0x1d2: {  	v18 =	vld [tilespmem:s13+$0x1E40];
	v3 =	vadd.f32 v16, v3  }
0x1d3: {  	v19 =	vld [tilespmem:s13+$0x3640]  }
0x1d4: {  	v3 =	vadd.f32 v17, v3  }
0x1d5: {  	v20 =	vld [tilespmem:s13+$0x4E40]  }
0x1d6: {  	[tilespmem:s13+$0x1E30] =	vst v3  }
0x1d7: {  	v3 =	vld [tilespmem:s26+$0x6640]  }
0x1d8: {  	v4 =	vadd.f32 v19, v18  }
0x1d9: {  	v21 =	vld [tilespmem:s26+$0x7E40]  }
0x1da: {  	v4 =	vadd.f32 v20, v4  }
0x1db: {  	v22 =	vld [tilespmem:s26+$0x9640]  }
0x1dc: {  	v3 =	vadd.f32 v3, v4;
	_ =	sdelay $0x1  }
0x1dd: {  	v23 =	vld [tilespmem:s13+$0x1E50];
	v3 =	vadd.f32 v21, v3  }
0x1de: {  	v24 =	vld [tilespmem:s13+$0x3650]  }
0x1df: {  	v3 =	vadd.f32 v22, v3  }
0x1e0: {  	v25 =	vld [tilespmem:s13+$0x4E50]  }
0x1e1: {  	[tilespmem:s13+$0x1E40] =	vst v3  }
0x1e2: {  	v3 =	vld [tilespmem:s26+$0x6650]  }
0x1e3: {  	v4 =	vadd.f32 v24, v23  }
0x1e4: {  	v26 =	vld [tilespmem:s26+$0x7E50]  }
0x1e5: {  	v4 =	vadd.f32 v25, v4  }
0x1e6: {  	v27 =	vld [tilespmem:s26+$0x9650]  }
0x1e7: {  	v3 =	vadd.f32 v3, v4;
	_ =	sdelay $0x1  }
0x1e8: {  	v28 =	vld [tilespmem:s13+$0x1E60];
	v3 =	vadd.f32 v26, v3  }
0x1e9: {  	v29 =	vld [tilespmem:s13+$0x3660]  }
0x1ea: {  	v3 =	vadd.f32 v27, v3  }
0x1eb: {  	v30 =	vld [tilespmem:s13+$0x4E60]  }
0x1ec: {  	[tilespmem:s13+$0x1E50] =	vst v3  }
0x1ed: {  	v3 =	vld [tilespmem:s26+$0x6660]  }
0x1ee: {  	v4 =	vadd.f32 v29, v28  }
0x1ef: {  	v31 =	vld [tilespmem:s26+$0x7E60]  }
0x1f0: {  	v4 =	vadd.f32 v30, v4  }
0x1f1: {  	v32 =	vld [tilespmem:s26+$0x9660]  }
0x1f2: {  	v3 =	vadd.f32 v3, v4;
	_ =	sdelay $0x1  }
0x1f3: {  	v33 =	vld [tilespmem:s13+$0x1E70];
	v3 =	vadd.f32 v31, v3  }
0x1f4: {  	v34 =	vld [tilespmem:s13+$0x3670]  }
0x1f5: {  	v3 =	vadd.f32 v32, v3  }
0x1f6: {  	v35 =	vld [tilespmem:s13+$0x4E70]  }
0x1f7: {  	[tilespmem:s13+$0x1E60] =	vst v3  }
0x1f8: {  	v3 =	vld [tilespmem:s26+$0x6670]  }
0x1f9: {  	v4 =	vadd.f32 v34, v33  }
0x1fa: {  	v36 =	vld [tilespmem:s26+$0x7E70]  }
0x1fb: {  	v4 =	vadd.f32 v35, v4  }
0x1fc: {  	v37 =	vld [tilespmem:s26+$0x9670]  }
0x1fd: {  	v3 =	vadd.f32 v3, v4;
	_ =	sdelay $0x1  }
0x1fe: {  	v3 =	vadd.f32 v36, v3;
	_ =	sdelay $0x1  }
0x1ff: {  	v3 =	vadd.f32 v37, v3;
	_ =	sdelay $0x1  }
0x200: {  	s14 =	sor.u32 s7, s0;
	[tilespmem:s13+$0x1E70] =	vst v3  }
0x201: {  	v3 =	vld [tilespmem:s14+$0x1E00]  }
0x202: {  	v38 =	vld [tilespmem:s14+$0x3600];
	_ =	sdelay $0x1  }
0x203: {  	v39 =	vld [tilespmem:s14+$0x4E00];
	_ =	sdelay $0x1  }
0x204: {  	v40 =	vld [tilespmem:s26+$0x6680]  }
0x205: {  	v3 =	vadd.f32 v38, v3  }
0x206: {  	v41 =	vld [tilespmem:s26+$0x7E80]  }
0x207: {  	v3 =	vadd.f32 v39, v3  }
0x208: {  	v42 =	vld [tilespmem:s26+$0x9680]  }
0x209: {  	v3 =	vadd.f32 v40, v3;
	_ =	sdelay $0x1  }
0x20a: {  	v43 =	vld [tilespmem:s14+$0x1E10];
	v3 =	vadd.f32 v41, v3  }
0x20b: {  	v44 =	vld [tilespmem:s14+$0x3610]  }
0x20c: {  	v3 =	vadd.f32 v42, v3  }
0x20d: {  	v45 =	vld [tilespmem:s14+$0x4E10]  }
0x20e: {  	[tilespmem:s14+$0x1E00] =	vst v3  }
0x20f: {  	v3 =	vld [tilespmem:s26+$0x6690]  }
0x210: {  	v4 =	vadd.f32 v44, v43  }
0x211: {  	v46 =	vld [tilespmem:s26+$0x7E90]  }
0x212: {  	v4 =	vadd.f32 v45, v4  }
0x213: {  	v47 =	vld [tilespmem:s26+$0x9690]  }
0x214: {  	v3 =	vadd.f32 v3, v4;
	_ =	sdelay $0x1  }
0x215: {  	v48 =	vld [tilespmem:s14+$0x1E20];
	v3 =	vadd.f32 v46, v3  }
0x216: {  	v49 =	vld [tilespmem:s14+$0x3620]  }
0x217: {  	v3 =	vadd.f32 v47, v3  }
0x218: {  	v50 =	vld [tilespmem:s14+$0x4E20]  }
0x219: {  	[tilespmem:s14+$0x1E10] =	vst v3  }
0x21a: {  	v3 =	vld [tilespmem:s26+$0x66A0]  }
0x21b: {  	v4 =	vadd.f32 v49, v48  }
0x21c: {  	v51 =	vld [tilespmem:s26+$0x7EA0]  }
0x21d: {  	v4 =	vadd.f32 v50, v4  }
0x21e: {  	v52 =	vld [tilespmem:s26+$0x96A0]  }
0x21f: {  	v3 =	vadd.f32 v3, v4;
	_ =	sdelay $0x1  }
0x220: {  	v53 =	vld [tilespmem:s14+$0x1E30];
	v3 =	vadd.f32 v51, v3  }
0x221: {  	v54 =	vld [tilespmem:s14+$0x3630]  }
0x222: {  	v3 =	vadd.f32 v52, v3  }
0x223: {  	v55 =	vld [tilespmem:s14+$0x4E30]  }
0x224: {  	[tilespmem:s14+$0x1E20] =	vst v3  }
0x225: {  	v3 =	vld [tilespmem:s26+$0x66B0]  }
0x226: {  	v4 =	vadd.f32 v54, v53  }
0x227: {  	v56 =	vld [tilespmem:s26+$0x7EB0]  }
0x228: {  	v4 =	vadd.f32 v55, v4  }
0x229: {  	v57 =	vld [tilespmem:s26+$0x96B0]  }
0x22a: {  	v3 =	vadd.f32 v3, v4;
	_ =	sdelay $0x1  }
0x22b: {  	v58 =	vld [tilespmem:s14+$0x1E40];
	v3 =	vadd.f32 v56, v3  }
0x22c: {  	v59 =	vld [tilespmem:s14+$0x3640]  }
0x22d: {  	v3 =	vadd.f32 v57, v3  }
0x22e: {  	v60 =	vld [tilespmem:s14+$0x4E40]  }
0x22f: {  	[tilespmem:s14+$0x1E30] =	vst v3  }
0x230: {  	v3 =	vld [tilespmem:s26+$0x66C0]  }
0x231: {  	v4 =	vadd.f32 v59, v58  }
0x232: {  	v61 =	vld [tilespmem:s26+$0x7EC0]  }
0x233: {  	v4 =	vadd.f32 v60, v4  }
0x234: {  	v62 =	vld [tilespmem:s26+$0x96C0]  }
0x235: {  	v3 =	vadd.f32 v3, v4;
	_ =	sdelay $0x1  }
0x236: {  	v63 =	vld [tilespmem:s14+$0x1E50];
	v3 =	vadd.f32 v61, v3  }
0x237: {  	v9 =	vld [tilespmem:s14+$0x3650]  }
0x238: {  	v3 =	vadd.f32 v62, v3  }
0x239: {  	v10 =	vld [tilespmem:s14+$0x4E50]  }
0x23a: {  	[tilespmem:s14+$0x1E40] =	vst v3  }
0x23b: {  	v3 =	vld [tilespmem:s26+$0x66D0]  }
0x23c: {  	v4 =	vadd.f32 v9, v63  }
0x23d: {  	v11 =	vld [tilespmem:s26+$0x7ED0]  }
0x23e: {  	v4 =	vadd.f32 v10, v4  }
0x23f: {  	v12 =	vld [tilespmem:s26+$0x96D0]  }
0x240: {  	v3 =	vadd.f32 v3, v4;
	_ =	sdelay $0x1  }
0x241: {  	v13 =	vld [tilespmem:s14+$0x1E60];
	v3 =	vadd.f32 v11, v3  }
0x242: {  	v14 =	vld [tilespmem:s14+$0x3660]  }
0x243: {  	s1 =	sor.u32 s7, s30;
	s7 =	sor.u32 $0x2, s28;
	v3 =	vadd.f32 v12, v3  }
0x244: {  	s15 =	sshll.u32 s7, $0x7;
	v15 =	vld [tilespmem:s14+$0x4E60]  }
0x245: {  	s10 =	sand.u32 $0x300, s15;
	[tilespmem:s14+$0x1E50] =	vst v3  }
0x246: {  	s13 =	sor.u32 s29, s10;
	v3 =	vld [tilespmem:s26+$0x66E0]  }
0x247: {  	v9 =	vld [tilespmem:s13+$0x1E00];
	v4 =	vadd.f32 v14, v13  }
0x248: {  	v16 =	vld [tilespmem:s26+$0x7EE0]  }
0x249: {  	v10 =	vld [tilespmem:s13+$0x3600];
	v4 =	vadd.f32 v15, v4  }
0x24a: {  	v17 =	vld [tilespmem:s26+$0x96E0]  }
0x24b: {  	v18 =	vld [tilespmem:s14+$0x1E70];
	v3 =	vadd.f32 v3, v4  }
0x24c: {  	s7 =	smul.u32 $0x180, s7;
	v13 =	vld [tilespmem:s13+$0x4E00]  }
0x24d: {  	v19 =	vld [tilespmem:s14+$0x3670];
	v3 =	vadd.f32 v16, v3  }
0x24e: {  	v15 =	vld [tilespmem:s7+$0x6600]  }
0x24f: {  	v20 =	vld [tilespmem:s14+$0x4E70];
	v9 =	vadd.f32 v10, v9;
	v3 =	vadd.f32 v17, v3  }
0x250: {  	v54 =	vld [tilespmem:s7+$0x7E00]  }
0x251: {  	v56 =	vld [tilespmem:s7+$0x9600];
	v9 =	vadd.f32 v13, v9;
	[tilespmem:s14+$0x1E60] =	vst v3  }
0x252: {  	v3 =	vld [tilespmem:s26+$0x66F0]  }
0x253: {  	v9 =	vadd.f32 v15, v9;
	v4 =	vadd.f32 v19, v18  }
0x254: {  	v21 =	vld [tilespmem:s26+$0x7EF0]  }
0x255: {  	v9 =	vadd.f32 v54, v9;
	v4 =	vadd.f32 v20, v4  }
0x256: {  	v22 =	vld [tilespmem:s26+$0x96F0]  }
0x257: {  	v58 =	vld [tilespmem:s13+$0x1E10];
	v9 =	vadd.f32 v56, v9;
	v3 =	vadd.f32 v3, v4  }
0x258: {  	v59 =	vld [tilespmem:s13+$0x3610]  }
0x259: {  	v62 =	vld [tilespmem:s13+$0x4E10];
	[tilespmem:s13+$0x1E00] =	vst v9;
	v3 =	vadd.f32 v21, v3  }
0x25a: {  	v18 =	vld [tilespmem:s7+$0x6610]  }
0x25b: {  	v20 =	vld [tilespmem:s7+$0x7E10];
	v3 =	vadd.f32 v22, v3  }
0x25c: {  	v38 =	vld [tilespmem:s1+$0x1E30]  }
0x25d: {  	v22 =	vld [tilespmem:s7+$0x9610];
	[tilespmem:s14+$0x1E70] =	vst v3  }
0x25e: {  	v3 =	vld [tilespmem:s1+$0x1E00]  }
0x25f: {  	v23 =	vld [tilespmem:s1+$0x3600]  }
0x260: {  	v24 =	vld [tilespmem:s1+$0x4E00]  }
0x261: {  	v25 =	vld [tilespmem:s26+$0x6700]  }
0x262: {  	v26 =	vld [tilespmem:s26+$0x7F00]  }
0x263: {  	v27 =	vld [tilespmem:s26+$0x9700]  }
0x264: {  	v28 =	vld [tilespmem:s1+$0x1E10]  }
0x265: {  	v29 =	vld [tilespmem:s1+$0x3610]  }
0x266: {  	v30 =	vld [tilespmem:s1+$0x4E10]  }
0x267: {  	v33 =	vld [tilespmem:s1+$0x1E20]  }
0x268: {  	v34 =	vld [tilespmem:s1+$0x3620]  }
0x269: {  	v35 =	vld [tilespmem:s1+$0x4E20]  }
0x26a: {  	v39 =	vld [tilespmem:s1+$0x3630]  }
0x26b: {  	v40 =	vld [tilespmem:s1+$0x4E30];
	v3 =	vadd.f32 v23, v3  }
0x26c: {  	v43 =	vld [tilespmem:s1+$0x1E40]  }
0x26d: {  	v44 =	vld [tilespmem:s1+$0x3640];
	v3 =	vadd.f32 v24, v3  }
0x26e: {  	v45 =	vld [tilespmem:s1+$0x4E40]  }
0x26f: {  	v48 =	vld [tilespmem:s1+$0x1E50];
	v3 =	vadd.f32 v25, v3  }
0x270: {  	v49 =	vld [tilespmem:s1+$0x3650]  }
0x271: {  	s14 =	sor.u32 $0x3, s28;
	v50 =	vld [tilespmem:s1+$0x4E50];
	v3 =	vadd.f32 v26, v3  }
0x272: {  	v7 =	vld [tilespmem:s1+$0x1E60];
	s16 =	sshll.u32 s14, $0x7  }
0x273: {  	v8 =	vld [tilespmem:s1+$0x3660];
	s11 =	sand.u32 $0x380, s16;
	v3 =	vadd.f32 v27, v3  }
0x274: {  	v6 =	vld [tilespmem:s1+$0x4E60];
	s15 =	sor.u32 s29, s11  }
0x275: {  	v11 =	vld [tilespmem:s15+$0x1E00];
	[tilespmem:s1+$0x1E00] =	vst v3  }
0x276: {  	v3 =	vld [tilespmem:s26+$0x6710]  }
0x277: {  	v12 =	vld [tilespmem:s15+$0x3600];
	v4 =	vadd.f32 v29, v28  }
0x278: {  	v31 =	vld [tilespmem:s26+$0x7F10]  }
0x279: {  	v14 =	vld [tilespmem:s15+$0x4E00];
	v4 =	vadd.f32 v30, v4  }
0x27a: {  	v32 =	vld [tilespmem:s26+$0x9710]  }
0x27b: {  	s29 =	smul.u32 $0x180, s14;
	v60 =	vld [tilespmem:s15+$0x1E10];
	v3 =	vadd.f32 v3, v4  }
0x27c: {  	v61 =	vld [tilespmem:s15+$0x3610]  }
0x27d: {  	v53 =	vld [tilespmem:s29+$0x6600];
	v3 =	vadd.f32 v31, v3  }
0x27e: {  	v63 =	vld [tilespmem:s15+$0x4E10];
	v11 =	vadd.f32 v12, v11  }
0x27f: {  	v55 =	vld [tilespmem:s29+$0x7E00];
	v3 =	vadd.f32 v32, v3  }
0x280: {  	v57 =	vld [tilespmem:s29+$0x9600];
	v11 =	vadd.f32 v14, v11  }
0x281: {  	v28 =	vld [tilespmem:s13+$0x4E20];
	[tilespmem:s1+$0x1E10] =	vst v3  }
0x282: {  	v10 =	vadd.f32 v53, v11;
	v3 =	vld [tilespmem:s26+$0x6720]  }
0x283: {  	v29 =	vld [tilespmem:s15+$0x4E20];
	v4 =	vadd.f32 v34, v33  }
0x284: {  	v10 =	vadd.f32 v55, v10;
	v36 =	vld [tilespmem:s26+$0x7F20]  }
0x285: {  	v24 =	vld [tilespmem:s13+$0x1E20];
	v4 =	vadd.f32 v35, v4  }
0x286: {  	v10 =	vadd.f32 v57, v10;
	v37 =	vld [tilespmem:s26+$0x9720]  }
0x287: {  	v13 =	vadd.f32 v61, v60;
	v60 =	vld [tilespmem:s13+$0x1E50];
	v3 =	vadd.f32 v3, v4  }
0x288: {  	v61 =	vld [tilespmem:s13+$0x3650];
	v11 =	vadd.f32 v59, v58;
	[tilespmem:s15+$0x1E00] =	vst v10  }
0x289: {  	v19 =	vld [tilespmem:s29+$0x6610];
	v3 =	vadd.f32 v36, v3  }
0x28a: {  	v25 =	vld [tilespmem:s13+$0x3620];
	v11 =	vadd.f32 v62, v11  }
0x28b: {  	v21 =	vld [tilespmem:s29+$0x7E10];
	v3 =	vadd.f32 v37, v3  }
0x28c: {  	v9 =	vadd.f32 v63, v13;
	v63 =	vld [tilespmem:s15+$0x3650];
	v10 =	vadd.f32 v18, v11  }
0x28d: {  	v23 =	vld [tilespmem:s29+$0x9610];
	[tilespmem:s1+$0x1E20] =	vst v3  }
0x28e: {  	v10 =	vadd.f32 v20, v10;
	v9 =	vadd.f32 v19, v9;
	v3 =	vld [tilespmem:s26+$0x6730]  }
0x28f: {  	v26 =	vld [tilespmem:s15+$0x1E20];
	v4 =	vadd.f32 v39, v38  }
0x290: {  	v10 =	vadd.f32 v22, v10;
	v9 =	vadd.f32 v21, v9;
	v41 =	vld [tilespmem:s26+$0x7F30]  }
0x291: {  	v27 =	vld [tilespmem:s15+$0x3620];
	v4 =	vadd.f32 v40, v4  }
0x292: {  	[tilespmem:s13+$0x1E10] =	vst v10;
	v9 =	vadd.f32 v23, v9;
	v42 =	vld [tilespmem:s26+$0x9730]  }
0x293: {  	v30 =	vld [tilespmem:s7+$0x6620];
	v3 =	vadd.f32 v3, v4  }
0x294: {  	v32 =	vld [tilespmem:s7+$0x7E20];
	[tilespmem:s15+$0x1E10] =	vst v9  }
0x295: {  	v31 =	vld [tilespmem:s29+$0x6620];
	v3 =	vadd.f32 v41, v3  }
0x296: {  	v13 =	vadd.f32 v27, v26;
	v34 =	vld [tilespmem:s7+$0x9620]  }
0x297: {  	v12 =	vadd.f32 v25, v24;
	v33 =	vld [tilespmem:s29+$0x7E20];
	v3 =	vadd.f32 v42, v3  }
0x298: {  	v10 =	vadd.f32 v29, v13;
	v35 =	vld [tilespmem:s29+$0x9620]  }
0x299: {  	v11 =	vadd.f32 v28, v12;
	v38 =	vld [tilespmem:s15+$0x1E30];
	[tilespmem:s1+$0x1E30] =	vst v3  }
0x29a: {  	v10 =	vadd.f32 v31, v10;
	v3 =	vld [tilespmem:s26+$0x6740]  }
0x29b: {  	v9 =	vadd.f32 v30, v11;
	v39 =	vld [tilespmem:s15+$0x3630];
	v4 =	vadd.f32 v44, v43  }
0x29c: {  	v10 =	vadd.f32 v33, v10;
	v46 =	vld [tilespmem:s26+$0x7F40]  }
0x29d: {  	v9 =	vadd.f32 v32, v9;
	v36 =	vld [tilespmem:s13+$0x1E30];
	v4 =	vadd.f32 v45, v4  }
0x29e: {  	v10 =	vadd.f32 v35, v10;
	v47 =	vld [tilespmem:s26+$0x9740]  }
0x29f: {  	v9 =	vadd.f32 v34, v9;
	v40 =	vld [tilespmem:s13+$0x4E30];
	v3 =	vadd.f32 v3, v4  }
0x2a0: {  	v37 =	vld [tilespmem:s13+$0x3630];
	[tilespmem:s15+$0x1E20] =	vst v10  }
0x2a1: {  	[tilespmem:s13+$0x1E20] =	vst v9;
	v43 =	vld [tilespmem:s29+$0x6630];
	v3 =	vadd.f32 v46, v3  }
0x2a2: {  	v44 =	vld [tilespmem:s7+$0x7E30]  }
0x2a3: {  	v41 =	vld [tilespmem:s15+$0x4E30];
	v3 =	vadd.f32 v47, v3  }
0x2a4: {  	v45 =	vld [tilespmem:s29+$0x7E30]  }
0x2a5: {  	v42 =	vld [tilespmem:s7+$0x6630];
	[tilespmem:s1+$0x1E40] =	vst v3  }
0x2a6: {  	v14 =	vadd.f32 v37, v36;
	v3 =	vld [tilespmem:s26+$0x6750]  }
0x2a7: {  	v12 =	vadd.f32 v39, v38;
	v4 =	vadd.f32 v49, v48;
	v46 =	vld [tilespmem:s7+$0x9630]  }
0x2a8: {  	v11 =	vadd.f32 v40, v14;
	v51 =	vld [tilespmem:s26+$0x7F50]  }
0x2a9: {  	v9 =	vadd.f32 v41, v12;
	v4 =	vadd.f32 v50, v4;
	v47 =	vld [tilespmem:s29+$0x9630]  }
0x2aa: {  	v10 =	vadd.f32 v42, v11;
	v52 =	vld [tilespmem:s26+$0x9750]  }
0x2ab: {  	v9 =	vadd.f32 v43, v9;
	v48 =	vld [tilespmem:s13+$0x1E40];
	v3 =	vadd.f32 v3, v4  }
0x2ac: {  	v10 =	vadd.f32 v44, v10;
	v49 =	vld [tilespmem:s13+$0x3640]  }
0x2ad: {  	v9 =	vadd.f32 v45, v9;
	v50 =	vld [tilespmem:s15+$0x1E40];
	v3 =	vadd.f32 v51, v3  }
0x2ae: {  	v10 =	vadd.f32 v46, v10;
	v51 =	vld [tilespmem:s15+$0x3640]  }
0x2af: {  	v9 =	vadd.f32 v47, v9;
	v3 =	vadd.f32 v52, v3;
	v52 =	vld [tilespmem:s13+$0x4E40]  }
0x2b0: {  	v53 =	vld [tilespmem:s15+$0x4E40];
	[tilespmem:s13+$0x1E30] =	vst v10  }
0x2b1: {  	v54 =	vld [tilespmem:s7+$0x6640];
	[tilespmem:s15+$0x1E30] =	vst v9  }
0x2b2: {  	v13 =	vadd.f32 v49, v48;
	v55 =	vld [tilespmem:s29+$0x6640]  }
0x2b3: {  	v56 =	vld [tilespmem:s7+$0x7E40];
	v12 =	vadd.f32 v51, v50  }
0x2b4: {  	v57 =	vld [tilespmem:s29+$0x7E40];
	v11 =	vadd.f32 v52, v13  }
0x2b5: {  	v58 =	vld [tilespmem:s7+$0x9640];
	v10 =	vadd.f32 v53, v12  }
0x2b6: {  	v59 =	vld [tilespmem:s29+$0x9640];
	v9 =	vadd.f32 v54, v11  }
0x2b7: {  	v62 =	vld [tilespmem:s15+$0x1E50];
	v10 =	vadd.f32 v55, v10  }
0x2b8: {  	v18 =	vld [tilespmem:s13+$0x4E50];
	v9 =	vadd.f32 v56, v9  }
0x2b9: {  	v26 =	vld [tilespmem:s13+$0x1E60];
	v10 =	vadd.f32 v57, v10  }
0x2ba: {  	v27 =	vld [tilespmem:s13+$0x3660];
	v9 =	vadd.f32 v58, v9  }
0x2bb: {  	v28 =	vld [tilespmem:s15+$0x1E60];
	v10 =	vadd.f32 v59, v10  }
0x2bc: {  	v19 =	vld [tilespmem:s15+$0x4E50];
	[tilespmem:s13+$0x1E40] =	vst v9  }
0x2bd: {  	[tilespmem:s15+$0x1E40] =	vst v10;
	v20 =	vld [tilespmem:s7+$0x6650]  }
0x2be: {  	v14 =	vadd.f32 v61, v60;
	v21 =	vld [tilespmem:s29+$0x6650]  }
0x2bf: {  	v12 =	vadd.f32 v63, v62;
	v22 =	vld [tilespmem:s7+$0x7E50]  }
0x2c0: {  	v11 =	vadd.f32 v18, v14;
	v23 =	vld [tilespmem:s29+$0x7E50]  }
0x2c1: {  	v9 =	vadd.f32 v19, v12;
	v24 =	vld [tilespmem:s7+$0x9650]  }
0x2c2: {  	v25 =	vld [tilespmem:s29+$0x9650];
	v10 =	vadd.f32 v20, v11  }
0x2c3: {  	v29 =	vld [tilespmem:s15+$0x3660];
	v9 =	vadd.f32 v21, v9  }
0x2c4: {  	v30 =	vld [tilespmem:s13+$0x4E60];
	v10 =	vadd.f32 v22, v10  }
0x2c5: {  	v31 =	vld [tilespmem:s15+$0x4E60];
	v9 =	vadd.f32 v23, v9  }
0x2c6: {  	v38 =	vld [tilespmem:s13+$0x1E70];
	v10 =	vadd.f32 v24, v10  }
0x2c7: {  	v39 =	vld [tilespmem:s13+$0x3670];
	v9 =	vadd.f32 v25, v9  }
0x2c8: {  	v40 =	vld [tilespmem:s15+$0x1E70];
	[tilespmem:s13+$0x1E50] =	vst v10  }
0x2c9: {  	[tilespmem:s15+$0x1E50] =	vst v9;
	v32 =	vld [tilespmem:s7+$0x6660]  }
0x2ca: {  	v13 =	vadd.f32 v27, v26;
	v33 =	vld [tilespmem:s29+$0x6660]  }
0x2cb: {  	v12 =	vadd.f32 v29, v28;
	v34 =	vld [tilespmem:s7+$0x7E60]  }
0x2cc: {  	v11 =	vadd.f32 v30, v13;
	v35 =	vld [tilespmem:s29+$0x7E60]  }
0x2cd: {  	v10 =	vadd.f32 v31, v12;
	v36 =	vld [tilespmem:s7+$0x9660]  }
0x2ce: {  	v37 =	vld [tilespmem:s29+$0x9660];
	v9 =	vadd.f32 v32, v11  }
0x2cf: {  	v41 =	vld [tilespmem:s15+$0x3670];
	v10 =	vadd.f32 v33, v10  }
0x2d0: {  	v42 =	vld [tilespmem:s13+$0x4E70];
	v9 =	vadd.f32 v34, v9  }
0x2d1: {  	v43 =	vld [tilespmem:s15+$0x4E70];
	[tilespmem:s1+$0x1E50] =	vst v3;
	v10 =	vadd.f32 v35, v10  }
0x2d2: {  	v5 =	vld [tilespmem:s26+$0x6760];
	v9 =	vadd.f32 v36, v9  }
0x2d3: {  	v4 =	vld [tilespmem:s26+$0x7F60];
	v10 =	vadd.f32 v37, v10  }
0x2d4: {  	v3 =	vld [tilespmem:s26+$0x9760];
	[tilespmem:s13+$0x1E60] =	vst v9  }
0x2d5: {  	v7 =	vadd.f32 v8, v7;
	[tilespmem:s15+$0x1E60] =	vst v10;
	v9 =	vld [tilespmem:s7+$0x6670]  }
0x2d6: {  	v44 =	vadd.f32 v39, v38;
	v10 =	vld [tilespmem:s29+$0x6670]  }
0x2d7: {  	v6 =	vadd.f32 v6, v7;
	v12 =	vadd.f32 v41, v40;
	v45 =	vld [tilespmem:s7+$0x7E70]  }
0x2d8: {  	v46 =	vadd.f32 v42, v44;
	v47 =	vld [tilespmem:s29+$0x7E70]  }
0x2d9: {  	v5 =	vadd.f32 v5, v6;
	v8 =	vadd.f32 v43, v12;
	v48 =	vld [tilespmem:s7+$0x9670]  }
0x2da: {  	v50 =	vld [tilespmem:s29+$0x9670];
	v49 =	vadd.f32 v9, v46  }
0x2db: {  	v4 =	vadd.f32 v4, v5;
	v8 =	vadd.f32 v10, v8  }
0x2dc: {  	v51 =	vadd.f32 v45, v49  }
0x2dd: {  	v3 =	vadd.f32 v3, v4;
	v52 =	vadd.f32 v47, v8  }
0x2de: {  	s14 =	sor.u32 s10, s0;
	v4 =	vadd.f32 v48, v51  }
0x2df: {  	v53 =	vld [tilespmem:s14+$0x1E00];
	[tilespmem:s1+$0x1E60] =	vst v3;
	v5 =	vadd.f32 v50, v52  }
0x2e0: {  	v3 =	vld [tilespmem:s26+$0x6770];
	[tilespmem:s13+$0x1E70] =	vst v4  }
0x2e1: {  	[tilespmem:s15+$0x1E70] =	vst v5;
	s15 =	sor.u32 s11, s0;
	v54 =	vld [tilespmem:s14+$0x3600]  }
0x2e2: {  	v55 =	vld [tilespmem:s15+$0x1E00]  }
0x2e3: {  	v56 =	vld [tilespmem:s15+$0x3600]  }
0x2e4: {  	v57 =	vld [tilespmem:s14+$0x4E00]  }
0x2e5: {  	v58 =	vld [tilespmem:s15+$0x4E00]  }
0x2e6: {  	v59 =	vld [tilespmem:s7+$0x6680]  }
0x2e7: {  	v60 =	vld [tilespmem:s29+$0x6680];
	v4 =	vadd.f32 v54, v53  }
0x2e8: {  	v61 =	vld [tilespmem:s7+$0x7E80];
	v6 =	vadd.f32 v56, v55  }
0x2e9: {  	v62 =	vld [tilespmem:s29+$0x7E80];
	v4 =	vadd.f32 v57, v4  }
0x2ea: {  	v63 =	vld [tilespmem:s7+$0x9680];
	v6 =	vadd.f32 v58, v6  }
0x2eb: {  	v12 =	vld [tilespmem:s29+$0x9680];
	v4 =	vadd.f32 v59, v4  }
0x2ec: {  	v13 =	vld [tilespmem:s14+$0x1E10];
	v5 =	vadd.f32 v60, v6  }
0x2ed: {  	v14 =	vld [tilespmem:s14+$0x3610];
	v4 =	vadd.f32 v61, v4  }
0x2ee: {  	v15 =	vld [tilespmem:s15+$0x1E10];
	v5 =	vadd.f32 v62, v5  }
0x2ef: {  	v16 =	vld [tilespmem:s15+$0x3610];
	v4 =	vadd.f32 v63, v4  }
0x2f0: {  	v17 =	vld [tilespmem:s14+$0x4E10];
	v5 =	vadd.f32 v12, v5  }
0x2f1: {  	v18 =	vld [tilespmem:s15+$0x4E10];
	[tilespmem:s14+$0x1E00] =	vst v4  }
0x2f2: {  	[tilespmem:s15+$0x1E00] =	vst v5;
	v19 =	vld [tilespmem:s7+$0x6690]  }
0x2f3: {  	v20 =	vadd.f32 v14, v13;
	v21 =	vld [tilespmem:s29+$0x6690]  }
0x2f4: {  	v7 =	vadd.f32 v16, v15;
	v22 =	vld [tilespmem:s7+$0x7E90]  }
0x2f5: {  	v5 =	vadd.f32 v17, v20;
	v23 =	vld [tilespmem:s29+$0x7E90]  }
0x2f6: {  	v4 =	vadd.f32 v18, v7;
	v24 =	vld [tilespmem:s7+$0x9690]  }
0x2f7: {  	v25 =	vld [tilespmem:s29+$0x9690];
	v5 =	vadd.f32 v19, v5  }
0x2f8: {  	v26 =	vld [tilespmem:s14+$0x1E20];
	v4 =	vadd.f32 v21, v4  }
0x2f9: {  	v27 =	vld [tilespmem:s14+$0x3620];
	v5 =	vadd.f32 v22, v5  }
0x2fa: {  	v28 =	vld [tilespmem:s15+$0x1E20];
	v4 =	vadd.f32 v23, v4  }
0x2fb: {  	v29 =	vld [tilespmem:s15+$0x3620];
	v5 =	vadd.f32 v24, v5  }
0x2fc: {  	v30 =	vld [tilespmem:s14+$0x4E20];
	v4 =	vadd.f32 v25, v4  }
0x2fd: {  	v31 =	vld [tilespmem:s15+$0x4E20];
	[tilespmem:s14+$0x1E10] =	vst v5  }
0x2fe: {  	[tilespmem:s15+$0x1E10] =	vst v4;
	v32 =	vld [tilespmem:s7+$0x66A0]  }
0x2ff: {  	v33 =	vadd.f32 v27, v26;
	v34 =	vld [tilespmem:s29+$0x66A0]  }
0x300: {  	v8 =	vadd.f32 v29, v28;
	v35 =	vld [tilespmem:s7+$0x7EA0]  }
0x301: {  	v4 =	vadd.f32 v30, v33;
	v36 =	vld [tilespmem:s29+$0x7EA0]  }
0x302: {  	v5 =	vadd.f32 v31, v8;
	v37 =	vld [tilespmem:s7+$0x96A0]  }
0x303: {  	v38 =	vld [tilespmem:s29+$0x96A0];
	v4 =	vadd.f32 v32, v4  }
0x304: {  	v39 =	vld [tilespmem:s14+$0x1E30];
	v5 =	vadd.f32 v34, v5  }
0x305: {  	v40 =	vld [tilespmem:s14+$0x3630];
	v4 =	vadd.f32 v35, v4  }
0x306: {  	v41 =	vld [tilespmem:s15+$0x1E30];
	v5 =	vadd.f32 v36, v5  }
0x307: {  	v42 =	vld [tilespmem:s15+$0x3630];
	v4 =	vadd.f32 v37, v4  }
0x308: {  	v43 =	vld [tilespmem:s14+$0x4E30];
	v5 =	vadd.f32 v38, v5  }
0x309: {  	v44 =	vld [tilespmem:s15+$0x4E30];
	[tilespmem:s14+$0x1E20] =	vst v4  }
0x30a: {  	[tilespmem:s15+$0x1E20] =	vst v5;
	v45 =	vld [tilespmem:s7+$0x66B0]  }
0x30b: {  	v46 =	vadd.f32 v40, v39;
	v47 =	vld [tilespmem:s29+$0x66B0]  }
0x30c: {  	v9 =	vadd.f32 v42, v41;
	v48 =	vld [tilespmem:s7+$0x7EB0]  }
0x30d: {  	v5 =	vadd.f32 v43, v46;
	v49 =	vld [tilespmem:s29+$0x7EB0]  }
0x30e: {  	v4 =	vadd.f32 v44, v9;
	v50 =	vld [tilespmem:s7+$0x96B0]  }
0x30f: {  	v51 =	vld [tilespmem:s29+$0x96B0];
	v5 =	vadd.f32 v45, v5  }
0x310: {  	v52 =	vld [tilespmem:s14+$0x1E40];
	v4 =	vadd.f32 v47, v4  }
0x311: {  	v53 =	vld [tilespmem:s14+$0x3640];
	v5 =	vadd.f32 v48, v5  }
0x312: {  	v54 =	vld [tilespmem:s15+$0x1E40];
	v4 =	vadd.f32 v49, v4  }
0x313: {  	v55 =	vld [tilespmem:s15+$0x3640];
	v5 =	vadd.f32 v50, v5  }
0x314: {  	v56 =	vld [tilespmem:s14+$0x4E40];
	v4 =	vadd.f32 v51, v4  }
0x315: {  	v57 =	vld [tilespmem:s15+$0x4E40];
	[tilespmem:s14+$0x1E30] =	vst v5  }
0x316: {  	[tilespmem:s15+$0x1E30] =	vst v4;
	v58 =	vld [tilespmem:s7+$0x66C0]  }
0x317: {  	v59 =	vadd.f32 v53, v52;
	v60 =	vld [tilespmem:s29+$0x66C0]  }
0x318: {  	v8 =	vadd.f32 v55, v54;
	v61 =	vld [tilespmem:s7+$0x7EC0]  }
0x319: {  	v4 =	vadd.f32 v56, v59;
	v62 =	vld [tilespmem:s29+$0x7EC0]  }
0x31a: {  	v5 =	vadd.f32 v57, v8;
	v63 =	vld [tilespmem:s7+$0x96C0]  }
0x31b: {  	v12 =	vld [tilespmem:s29+$0x96C0];
	v4 =	vadd.f32 v58, v4  }
0x31c: {  	v13 =	vld [tilespmem:s14+$0x1E50];
	v5 =	vadd.f32 v60, v5  }
0x31d: {  	v14 =	vld [tilespmem:s14+$0x3650];
	v4 =	vadd.f32 v61, v4  }
0x31e: {  	v15 =	vld [tilespmem:s15+$0x1E50];
	v5 =	vadd.f32 v62, v5  }
0x31f: {  	v16 =	vld [tilespmem:s15+$0x3650];
	v4 =	vadd.f32 v63, v4  }
0x320: {  	v17 =	vld [tilespmem:s14+$0x4E50];
	v5 =	vadd.f32 v12, v5  }
0x321: {  	v18 =	vld [tilespmem:s15+$0x4E50];
	[tilespmem:s14+$0x1E40] =	vst v4  }
0x322: {  	[tilespmem:s15+$0x1E40] =	vst v5;
	v19 =	vld [tilespmem:s7+$0x66D0]  }
0x323: {  	v20 =	vadd.f32 v14, v13;
	v21 =	vld [tilespmem:s29+$0x66D0]  }
0x324: {  	v9 =	vadd.f32 v16, v15;
	v22 =	vld [tilespmem:s7+$0x7ED0]  }
0x325: {  	v5 =	vadd.f32 v17, v20;
	v23 =	vld [tilespmem:s29+$0x7ED0]  }
0x326: {  	v4 =	vadd.f32 v18, v9;
	v24 =	vld [tilespmem:s7+$0x96D0]  }
0x327: {  	v25 =	vld [tilespmem:s29+$0x96D0];
	v5 =	vadd.f32 v19, v5  }
0x328: {  	v26 =	vld [tilespmem:s14+$0x1E60];
	v4 =	vadd.f32 v21, v4  }
0x329: {  	v27 =	vld [tilespmem:s14+$0x3660];
	v5 =	vadd.f32 v22, v5  }
0x32a: {  	v28 =	vld [tilespmem:s15+$0x1E60];
	v4 =	vadd.f32 v23, v4  }
0x32b: {  	v29 =	vld [tilespmem:s15+$0x3660];
	v5 =	vadd.f32 v24, v5  }
0x32c: {  	v30 =	vld [tilespmem:s14+$0x4E60];
	v4 =	vadd.f32 v25, v4  }
0x32d: {  	v31 =	vld [tilespmem:s15+$0x4E60];
	[tilespmem:s14+$0x1E50] =	vst v5  }
0x32e: {  	[tilespmem:s15+$0x1E50] =	vst v4;
	v32 =	vld [tilespmem:s7+$0x66E0]  }
0x32f: {  	v33 =	vadd.f32 v27, v26;
	v34 =	vld [tilespmem:s29+$0x66E0]  }
0x330: {  	v8 =	vadd.f32 v29, v28;
	v35 =	vld [tilespmem:s7+$0x7EE0]  }
0x331: {  	v4 =	vadd.f32 v30, v33;
	v36 =	vld [tilespmem:s29+$0x7EE0]  }
0x332: {  	v5 =	vadd.f32 v31, v8;
	v37 =	vld [tilespmem:s7+$0x96E0]  }
0x333: {  	v38 =	vld [tilespmem:s29+$0x96E0];
	v4 =	vadd.f32 v32, v4  }
0x334: {  	v39 =	vld [tilespmem:s14+$0x1E70];
	v5 =	vadd.f32 v34, v5  }
0x335: {  	v40 =	vld [tilespmem:s14+$0x3670];
	v4 =	vadd.f32 v35, v4  }
0x336: {  	v41 =	vld [tilespmem:s15+$0x1E70];
	v5 =	vadd.f32 v36, v5  }
0x337: {  	v42 =	vld [tilespmem:s15+$0x3670];
	v4 =	vadd.f32 v37, v4  }
0x338: {  	v43 =	vld [tilespmem:s14+$0x4E70];
	v5 =	vadd.f32 v38, v5  }
0x339: {  	v44 =	vld [tilespmem:s15+$0x4E70];
	[tilespmem:s14+$0x1E60] =	vst v4  }
0x33a: {  	[tilespmem:s15+$0x1E60] =	vst v5;
	v45 =	vld [tilespmem:s7+$0x66F0]  }
0x33b: {  	v46 =	vadd.f32 v40, v39;
	v47 =	vld [tilespmem:s29+$0x66F0]  }
0x33c: {  	v9 =	vadd.f32 v42, v41;
	v48 =	vld [tilespmem:s7+$0x7EF0]  }
0x33d: {  	v5 =	vadd.f32 v43, v46;
	v49 =	vld [tilespmem:s29+$0x7EF0]  }
0x33e: {  	v4 =	vadd.f32 v44, v9;
	v50 =	vld [tilespmem:s7+$0x96F0]  }
0x33f: {  	s16 =	sor.u32 s10, s30;
	v51 =	vld [tilespmem:s29+$0x96F0];
	v7 =	vadd.f32 v45, v5  }
0x340: {  	v53 =	vld [tilespmem:s16+$0x1E00];
	v6 =	vadd.f32 v47, v4  }
0x341: {  	v19 =	vld [tilespmem:s16+$0x1E10];
	v52 =	vadd.f32 v48, v7  }
0x342: {  	v8 =	vld [tilespmem:s1+$0x3670];
	v10 =	vadd.f32 v49, v6  }
0x343: {  	v31 =	vld [tilespmem:s16+$0x1E20];
	v11 =	vadd.f32 v50, v52  }
0x344: {  	v5 =	vld [tilespmem:s26+$0x7F70];
	v9 =	vadd.f32 v51, v10  }
0x345: {  	v4 =	vld [tilespmem:s26+$0x9770];
	[tilespmem:s14+$0x1E70] =	vst v11  }
0x346: {  	s26 =	sor.u32 s11, s30;
	[tilespmem:s15+$0x1E70] =	vst v9;
	v54 =	vld [tilespmem:s16+$0x3600]  }
0x347: {  	v55 =	vld [tilespmem:s26+$0x1E00]  }
0x348: {  	v56 =	vld [tilespmem:s26+$0x3600]  }
0x349: {  	v57 =	vld [tilespmem:s16+$0x4E00]  }
0x34a: {  	v58 =	vld [tilespmem:s26+$0x4E00]  }
0x34b: {  	v59 =	vld [tilespmem:s7+$0x6700]  }
0x34c: {  	v60 =	vld [tilespmem:s29+$0x6700];
	v9 =	vadd.f32 v54, v53  }
0x34d: {  	v61 =	vld [tilespmem:s7+$0x7F00];
	v11 =	vadd.f32 v56, v55  }
0x34e: {  	v62 =	vld [tilespmem:s29+$0x7F00];
	v9 =	vadd.f32 v57, v9  }
0x34f: {  	v63 =	vld [tilespmem:s7+$0x9700];
	v11 =	vadd.f32 v58, v11  }
0x350: {  	v18 =	vld [tilespmem:s29+$0x9700];
	v9 =	vadd.f32 v59, v9  }
0x351: {  	v43 =	vld [tilespmem:s16+$0x1E30];
	v10 =	vadd.f32 v60, v11  }
0x352: {  	v20 =	vld [tilespmem:s16+$0x3610];
	v9 =	vadd.f32 v61, v9  }
0x353: {  	v21 =	vld [tilespmem:s26+$0x1E10];
	v10 =	vadd.f32 v62, v10  }
0x354: {  	v22 =	vld [tilespmem:s26+$0x3610];
	v9 =	vadd.f32 v63, v9  }
0x355: {  	v23 =	vld [tilespmem:s16+$0x4E10];
	v10 =	vadd.f32 v18, v10  }
0x356: {  	v24 =	vld [tilespmem:s26+$0x4E10];
	[tilespmem:s16+$0x1E00] =	vst v9  }
0x357: {  	[tilespmem:s26+$0x1E00] =	vst v10;
	v25 =	vld [tilespmem:s7+$0x6710]  }
0x358: {  	v11 =	vadd.f32 v20, v19;
	v26 =	vld [tilespmem:s29+$0x6710]  }
0x359: {  	v13 =	vadd.f32 v22, v21;
	v27 =	vld [tilespmem:s7+$0x7F10]  }
0x35a: {  	v11 =	vadd.f32 v23, v11;
	v28 =	vld [tilespmem:s29+$0x7F10]  }
0x35b: {  	v9 =	vadd.f32 v24, v13;
	v29 =	vld [tilespmem:s7+$0x9710]  }
0x35c: {  	v30 =	vld [tilespmem:s29+$0x9710];
	v10 =	vadd.f32 v25, v11  }
0x35d: {  	v45 =	vld [tilespmem:s26+$0x1E30];
	v9 =	vadd.f32 v26, v9  }
0x35e: {  	v32 =	vld [tilespmem:s16+$0x3620];
	v10 =	vadd.f32 v27, v10  }
0x35f: {  	v33 =	vld [tilespmem:s26+$0x1E20];
	v9 =	vadd.f32 v28, v9  }
0x360: {  	v34 =	vld [tilespmem:s26+$0x3620];
	v10 =	vadd.f32 v29, v10  }
0x361: {  	v35 =	vld [tilespmem:s16+$0x4E20];
	v9 =	vadd.f32 v30, v9  }
0x362: {  	v36 =	vld [tilespmem:s26+$0x4E20];
	[tilespmem:s16+$0x1E10] =	vst v10  }
0x363: {  	[tilespmem:s26+$0x1E10] =	vst v9;
	v37 =	vld [tilespmem:s7+$0x6720]  }
0x364: {  	v12 =	vadd.f32 v32, v31;
	v38 =	vld [tilespmem:s29+$0x6720]  }
0x365: {  	v13 =	vadd.f32 v34, v33;
	v39 =	vld [tilespmem:s7+$0x7F20]  }
0x366: {  	v11 =	vadd.f32 v35, v12;
	v40 =	vld [tilespmem:s29+$0x7F20]  }
0x367: {  	v10 =	vadd.f32 v36, v13;
	v41 =	vld [tilespmem:s7+$0x9720]  }
0x368: {  	v42 =	vld [tilespmem:s29+$0x9720];
	v9 =	vadd.f32 v37, v11  }
0x369: {  	v7 =	vld [tilespmem:s1+$0x1E70];
	v10 =	vadd.f32 v38, v10  }
0x36a: {  	v6 =	vld [tilespmem:s1+$0x4E70];
	v9 =	vadd.f32 v39, v9  }
0x36b: {  	v44 =	vld [tilespmem:s16+$0x3630];
	v10 =	vadd.f32 v40, v10  }
0x36c: {  	v46 =	vld [tilespmem:s26+$0x3630];
	v9 =	vadd.f32 v41, v9  }
0x36d: {  	v47 =	vld [tilespmem:s16+$0x4E30];
	v10 =	vadd.f32 v42, v10  }
0x36e: {  	v48 =	vld [tilespmem:s26+$0x4E30];
	[tilespmem:s16+$0x1E20] =	vst v9  }
0x36f: {  	[tilespmem:s26+$0x1E20] =	vst v10;
	v49 =	vld [tilespmem:s7+$0x6730]  }
0x370: {  	v14 =	vadd.f32 v44, v43;
	v50 =	vld [tilespmem:s29+$0x6730]  }
0x371: {  	v12 =	vadd.f32 v46, v45;
	v51 =	vld [tilespmem:s7+$0x7F30]  }
0x372: {  	v11 =	vadd.f32 v47, v14;
	v52 =	vld [tilespmem:s29+$0x7F30]  }
0x373: {  	v9 =	vadd.f32 v48, v12;
	v53 =	vld [tilespmem:s7+$0x9730]  }
0x374: {  	v54 =	vld [tilespmem:s29+$0x9730];
	v10 =	vadd.f32 v49, v11  }
0x375: {  	v55 =	vld [tilespmem:s16+$0x1E40];
	v9 =	vadd.f32 v50, v9  }
0x376: {  	v56 =	vld [tilespmem:s16+$0x3640];
	v10 =	vadd.f32 v51, v10  }
0x377: {  	v57 =	vld [tilespmem:s26+$0x1E40];
	v9 =	vadd.f32 v52, v9  }
0x378: {  	v58 =	vld [tilespmem:s26+$0x3640];
	v10 =	vadd.f32 v53, v10  }
0x379: {  	v59 =	vld [tilespmem:s16+$0x4E40];
	v9 =	vadd.f32 v54, v9  }
0x37a: {  	v60 =	vld [tilespmem:s26+$0x4E40];
	[tilespmem:s16+$0x1E30] =	vst v10  }
0x37b: {  	[tilespmem:s26+$0x1E30] =	vst v9;
	v61 =	vld [tilespmem:s7+$0x6740]  }
0x37c: {  	v13 =	vadd.f32 v56, v55;
	v62 =	vld [tilespmem:s29+$0x6740]  }
0x37d: {  	v12 =	vadd.f32 v58, v57;
	v63 =	vld [tilespmem:s7+$0x7F40]  }
0x37e: {  	v11 =	vadd.f32 v59, v13;
	v18 =	vld [tilespmem:s29+$0x7F40]  }
0x37f: {  	v10 =	vadd.f32 v60, v12;
	v19 =	vld [tilespmem:s7+$0x9740]  }
0x380: {  	v20 =	vld [tilespmem:s29+$0x9740];
	v9 =	vadd.f32 v61, v11  }
0x381: {  	v21 =	vld [tilespmem:s16+$0x1E50];
	v10 =	vadd.f32 v62, v10  }
0x382: {  	v22 =	vld [tilespmem:s16+$0x3650];
	v9 =	vadd.f32 v63, v9  }
0x383: {  	v23 =	vld [tilespmem:s26+$0x1E50];
	v10 =	vadd.f32 v18, v10  }
0x384: {  	v24 =	vld [tilespmem:s26+$0x3650];
	v9 =	vadd.f32 v19, v9  }
0x385: {  	v25 =	vld [tilespmem:s16+$0x4E50];
	v10 =	vadd.f32 v20, v10  }
0x386: {  	v26 =	vld [tilespmem:s26+$0x4E50];
	[tilespmem:s16+$0x1E40] =	vst v9  }
0x387: {  	[tilespmem:s26+$0x1E40] =	vst v10;
	v27 =	vld [tilespmem:s7+$0x6750]  }
0x388: {  	v14 =	vadd.f32 v22, v21;
	v28 =	vld [tilespmem:s29+$0x6750]  }
0x389: {  	v12 =	vadd.f32 v24, v23;
	v29 =	vld [tilespmem:s7+$0x7F50]  }
0x38a: {  	v11 =	vadd.f32 v25, v14;
	v30 =	vld [tilespmem:s29+$0x7F50]  }
0x38b: {  	v9 =	vadd.f32 v26, v12;
	v31 =	vld [tilespmem:s7+$0x9750]  }
0x38c: {  	v32 =	vld [tilespmem:s29+$0x9750];
	v10 =	vadd.f32 v27, v11  }
0x38d: {  	v33 =	vld [tilespmem:s16+$0x1E60];
	v9 =	vadd.f32 v28, v9  }
0x38e: {  	v34 =	vld [tilespmem:s16+$0x3660];
	v10 =	vadd.f32 v29, v10  }
0x38f: {  	v35 =	vld [tilespmem:s26+$0x1E60];
	v9 =	vadd.f32 v30, v9  }
0x390: {  	v36 =	vld [tilespmem:s26+$0x3660];
	v10 =	vadd.f32 v31, v10  }
0x391: {  	v37 =	vld [tilespmem:s16+$0x4E60];
	v9 =	vadd.f32 v32, v9  }
0x392: {  	v38 =	vld [tilespmem:s26+$0x4E60];
	[tilespmem:s16+$0x1E50] =	vst v10  }
0x393: {  	[tilespmem:s26+$0x1E50] =	vst v9;
	v39 =	vld [tilespmem:s7+$0x6760]  }
0x394: {  	v13 =	vadd.f32 v34, v33;
	v40 =	vld [tilespmem:s29+$0x6760]  }
0x395: {  	v12 =	vadd.f32 v36, v35;
	v41 =	vld [tilespmem:s7+$0x7F60]  }
0x396: {  	v11 =	vadd.f32 v37, v13;
	v42 =	vld [tilespmem:s29+$0x7F60]  }
0x397: {  	v10 =	vadd.f32 v38, v12;
	v43 =	vld [tilespmem:s7+$0x9760]  }
0x398: {  	v44 =	vld [tilespmem:s29+$0x9760];
	v9 =	vadd.f32 v39, v11  }
0x399: {  	v45 =	vld [tilespmem:s16+$0x1E70];
	v10 =	vadd.f32 v40, v10  }
0x39a: {  	v46 =	vld [tilespmem:s16+$0x3670];
	v9 =	vadd.f32 v41, v9  }
0x39b: {  	v47 =	vld [tilespmem:s26+$0x1E70];
	v10 =	vadd.f32 v42, v10  }
0x39c: {  	v48 =	vld [tilespmem:s26+$0x3670];
	v9 =	vadd.f32 v43, v9  }
0x39d: {  	v49 =	vld [tilespmem:s16+$0x4E70];
	v10 =	vadd.f32 v44, v10  }
0x39e: {  	v50 =	vld [tilespmem:s26+$0x4E70];
	[tilespmem:s16+$0x1E60] =	vst v9  }
0x39f: {  	v7 =	vadd.f32 v8, v7;
	[tilespmem:s26+$0x1E60] =	vst v10;
	v51 =	vld [tilespmem:s7+$0x6770]  }
0x3a0: {  	v52 =	vadd.f32 v46, v45;
	v53 =	vld [tilespmem:s29+$0x6770]  }
0x3a1: {  	v6 =	vadd.f32 v6, v7;
	v54 =	vadd.f32 v48, v47;
	v55 =	vld [tilespmem:s7+$0x7F70]  }
0x3a2: {  	v10 =	vadd.f32 v49, v52;
	v56 =	vld [tilespmem:s29+$0x7F70]  }
0x3a3: {  	v3 =	vadd.f32 v3, v6;
	v57 =	vadd.f32 v50, v54;
	v58 =	vld [tilespmem:s7+$0x9770]  }
0x3a4: {  	v59 =	vld [tilespmem:s29+$0x9770];
	v8 =	vadd.f32 v51, v10  }
0x3a5: {  	v3 =	vadd.f32 v5, v3;
	v60 =	vadd.f32 v53, v57  }
0x3a6: {  	p0 =	slt.u32 s28, $0xC;
	v61 =	vadd.f32 v55, v8  }
.Ltmp2:
0x3a7: {  	v3 =	vadd.f32 v4, v3;
	v62 =	vadd.f32 v56, v60;
	(pc) =	sbr.rel @p0 .LBB2_3-.Ltmp2, $4  }
0x3a8: {  	v63 =	vadd.f32 v58, v61  }
0x3a9: {  	[tilespmem:s1+$0x1E70] =	vst v3;
	v3 =	vadd.f32 v59, v62  }
0x3aa: {  	s30 =	sadd.s32 $0x4, s28;
	[tilespmem:s16+$0x1E70] =	vst v63  }
0x3ab: {  	s28 =	smov.u32 s30;
	[tilespmem:s26+$0x1E70] =	vst v3  }
0x3ac: {  	s28 =	sshll.u32 s25, $0x1  }
0x3ad: {  	s0 =	sadd.s32 s5, s28  }
0x3ae: {  	s0 =	smul.u32 $0x300, s0;
	_ =	sdelay $0x1  }
0x3af: {  	s30 =	simm.s32 $0x0;
	s0 =	sadd.s32 s6, s0  }
0x3b0: {  	[hbm4b:s0+s30] =	stream.linear.scatter [tilespmem:s12], [sflag:$0x3], $0x1800, $0x38;
	[tilespmem:$0x13E00] =	vst v63  }
0x3b1: {  	_ =	swait.ge [sflag:s21], $0x1800  }
0x3b2: {  	[sflag:s21] =	ssyncset.done $0x0  }
0x3b3: {  	[sflag:s21] =	ssyncadd.s32 $0xFFFFE800  }
0x3b4: {  	_ =	swait.ge [sflag:s21], $0x1800  }
0x3b5: {  	[sflag:s21] =	ssyncset.done $0x0  }
0x3b6: {  	[sflag:s21] =	ssyncadd.s32 $0xFFFFE800  }
0x3b7: {  	_ =	swait.ge [sflag:s21], $0x1800  }
0x3b8: {  	[sflag:s21] =	ssyncset.done $0x0  }
0x3b9: {  	[sflag:s21] =	ssyncadd.s32 $0xFFFFE800  }
0x3ba: {  	_ =	swait.ge [sflag:s21], $0x1800  }
0x3bb: {  	[sflag:s21] =	ssyncset.done $0x0  }
0x3bc: {  	[sflag:s21] =	ssyncadd.s32 $0xFFFFE800  }
0x3bd: {  	_ =	swait.ge [sflag:s21], $0x1800  }
0x3be: {  	[sflag:s21] =	ssyncset.done $0x0  }
0x3bf: {  	[sflag:s21] =	ssyncadd.s32 $0xFFFFE800  }
0x3c0: {  	_ =	swait.ge [sflag:s21], $0x1800  }
0x3c1: {  	[sflag:s21] =	ssyncset.done $0x0  }
0x3c2: {  	[sflag:s21] =	ssyncadd.s32 $0xFFFFE800  }
.LBB2_5:
0x3c3: {  	s0 =	sshrl.u32 s30, $0x3  }
0x3c4: {  	s14 =	sshll.u32 s30, $0x7;
	s7 =	smul.u32 $0xC00, s0  }
0x3c5: {  	s11 =	sand.u32 $0x200, s14  }
0x3c6: {  	s0 =	sor.u32 s11, s7  }
0x3c7: {  	v3 =	vld [tilespmem:s0+$0xAE00]  }
0x3c8: {  	v4 =	vld [tilespmem:s0+$0xC600];
	_ =	sdelay $0x1  }
0x3c9: {  	s10 =	smul.u32 $0x180, s30;
	v5 =	vld [tilespmem:s0+$0xDE00];
	_ =	sdelay $0x1  }
0x3ca: {  	v6 =	vld [tilespmem:s10+$0xF600]  }
0x3cb: {  	v3 =	vadd.f32 v4, v3  }
0x3cc: {  	v46 =	vld [tilespmem:s10+$0x10E00]  }
0x3cd: {  	v3 =	vadd.f32 v5, v3  }
0x3ce: {  	v47 =	vld [tilespmem:s10+$0x12600]  }
0x3cf: {  	v3 =	vadd.f32 v6, v3;
	_ =	sdelay $0x1  }
0x3d0: {  	v48 =	vld [tilespmem:s0+$0xAE10];
	v3 =	vadd.f32 v46, v3  }
0x3d1: {  	v49 =	vld [tilespmem:s0+$0xC610]  }
0x3d2: {  	v3 =	vadd.f32 v47, v3  }
0x3d3: {  	v50 =	vld [tilespmem:s0+$0xDE10]  }
0x3d4: {  	[tilespmem:s0+$0xAE00] =	vst v3  }
0x3d5: {  	v3 =	vld [tilespmem:s10+$0xF610]  }
0x3d6: {  	v4 =	vadd.f32 v49, v48  }
0x3d7: {  	v51 =	vld [tilespmem:s10+$0x10E10]  }
0x3d8: {  	v4 =	vadd.f32 v50, v4  }
0x3d9: {  	v52 =	vld [tilespmem:s10+$0x12610]  }
0x3da: {  	v3 =	vadd.f32 v3, v4;
	_ =	sdelay $0x1  }
0x3db: {  	v53 =	vld [tilespmem:s0+$0xAE20];
	v3 =	vadd.f32 v51, v3  }
0x3dc: {  	v54 =	vld [tilespmem:s0+$0xC620]  }
0x3dd: {  	v3 =	vadd.f32 v52, v3  }
0x3de: {  	v55 =	vld [tilespmem:s0+$0xDE20]  }
0x3df: {  	[tilespmem:s0+$0xAE10] =	vst v3  }
0x3e0: {  	v3 =	vld [tilespmem:s10+$0xF620]  }
0x3e1: {  	v4 =	vadd.f32 v54, v53  }
0x3e2: {  	v56 =	vld [tilespmem:s10+$0x10E20]  }
0x3e3: {  	v4 =	vadd.f32 v55, v4  }
0x3e4: {  	v57 =	vld [tilespmem:s10+$0x12620]  }
0x3e5: {  	v3 =	vadd.f32 v3, v4;
	_ =	sdelay $0x1  }
0x3e6: {  	v58 =	vld [tilespmem:s0+$0xAE30];
	v3 =	vadd.f32 v56, v3  }
0x3e7: {  	v59 =	vld [tilespmem:s0+$0xC630]  }
0x3e8: {  	v3 =	vadd.f32 v57, v3  }
0x3e9: {  	v60 =	vld [tilespmem:s0+$0xDE30]  }
0x3ea: {  	[tilespmem:s0+$0xAE20] =	vst v3  }
0x3eb: {  	v3 =	vld [tilespmem:s10+$0xF630]  }
0x3ec: {  	v4 =	vadd.f32 v59, v58  }
0x3ed: {  	v61 =	vld [tilespmem:s10+$0x10E30]  }
0x3ee: {  	v4 =	vadd.f32 v60, v4  }
0x3ef: {  	v62 =	vld [tilespmem:s10+$0x12630]  }
0x3f0: {  	v3 =	vadd.f32 v3, v4;
	_ =	sdelay $0x1  }
0x3f1: {  	v63 =	vld [tilespmem:s0+$0xAE40];
	v3 =	vadd.f32 v61, v3  }
0x3f2: {  	v9 =	vld [tilespmem:s0+$0xC640]  }
0x3f3: {  	v3 =	vadd.f32 v62, v3  }
0x3f4: {  	v10 =	vld [tilespmem:s0+$0xDE40]  }
0x3f5: {  	[tilespmem:s0+$0xAE30] =	vst v3  }
0x3f6: {  	v3 =	vld [tilespmem:s10+$0xF640]  }
0x3f7: {  	v4 =	vadd.f32 v9, v63  }
0x3f8: {  	v11 =	vld [tilespmem:s10+$0x10E40]  }
0x3f9: {  	v4 =	vadd.f32 v10, v4  }
0x3fa: {  	v12 =	vld [tilespmem:s10+$0x12640]  }
0x3fb: {  	v3 =	vadd.f32 v3, v4;
	_ =	sdelay $0x1  }
0x3fc: {  	v13 =	vld [tilespmem:s0+$0xAE50];
	v3 =	vadd.f32 v11, v3  }
0x3fd: {  	v14 =	vld [tilespmem:s0+$0xC650]  }
0x3fe: {  	v3 =	vadd.f32 v12, v3  }
0x3ff: {  	v15 =	vld [tilespmem:s0+$0xDE50]  }
0x400: {  	[tilespmem:s0+$0xAE40] =	vst v3  }
0x401: {  	v3 =	vld [tilespmem:s10+$0xF650]  }
0x402: {  	v4 =	vadd.f32 v14, v13  }
0x403: {  	v16 =	vld [tilespmem:s10+$0x10E50]  }
0x404: {  	v4 =	vadd.f32 v15, v4  }
0x405: {  	v17 =	vld [tilespmem:s10+$0x12650]  }
0x406: {  	v3 =	vadd.f32 v3, v4;
	_ =	sdelay $0x1  }
0x407: {  	v18 =	vld [tilespmem:s0+$0xAE60];
	v3 =	vadd.f32 v16, v3  }
0x408: {  	v19 =	vld [tilespmem:s0+$0xC660]  }
0x409: {  	v3 =	vadd.f32 v17, v3  }
0x40a: {  	v20 =	vld [tilespmem:s0+$0xDE60]  }
0x40b: {  	[tilespmem:s0+$0xAE50] =	vst v3  }
0x40c: {  	v3 =	vld [tilespmem:s10+$0xF660]  }
0x40d: {  	v4 =	vadd.f32 v19, v18  }
0x40e: {  	v21 =	vld [tilespmem:s10+$0x10E60]  }
0x40f: {  	v4 =	vadd.f32 v20, v4  }
0x410: {  	v22 =	vld [tilespmem:s10+$0x12660]  }
0x411: {  	v3 =	vadd.f32 v3, v4;
	_ =	sdelay $0x1  }
0x412: {  	v23 =	vld [tilespmem:s0+$0xAE70];
	v3 =	vadd.f32 v21, v3  }
0x413: {  	v24 =	vld [tilespmem:s0+$0xC670]  }
0x414: {  	v3 =	vadd.f32 v22, v3  }
0x415: {  	v25 =	vld [tilespmem:s0+$0xDE70]  }
0x416: {  	[tilespmem:s0+$0xAE60] =	vst v3  }
0x417: {  	v3 =	vld [tilespmem:s10+$0xF670]  }
0x418: {  	v4 =	vadd.f32 v24, v23  }
0x419: {  	v26 =	vld [tilespmem:s10+$0x10E70]  }
0x41a: {  	v4 =	vadd.f32 v25, v4  }
0x41b: {  	v27 =	vld [tilespmem:s10+$0x12670]  }
0x41c: {  	v3 =	vadd.f32 v3, v4;
	_ =	sdelay $0x1  }
0x41d: {  	v3 =	vadd.f32 v26, v3;
	_ =	sdelay $0x1  }
0x41e: {  	s1 =	sadd.s32 $0x400, s7;
	v3 =	vadd.f32 v27, v3  }
0x41f: {  	s14 =	sor.u32 s11, s1  }
0x420: {  	[tilespmem:s0+$0xAE70] =	vst v3;
	v3 =	vld [tilespmem:s14+$0xAE00]  }
0x421: {  	v28 =	vld [tilespmem:s14+$0xC600];
	_ =	sdelay $0x1  }
0x422: {  	v29 =	vld [tilespmem:s14+$0xDE00];
	_ =	sdelay $0x1  }
0x423: {  	v30 =	vld [tilespmem:s10+$0xF680]  }
0x424: {  	v3 =	vadd.f32 v28, v3  }
0x425: {  	v31 =	vld [tilespmem:s10+$0x10E80]  }
0x426: {  	v3 =	vadd.f32 v29, v3  }
0x427: {  	v32 =	vld [tilespmem:s10+$0x12680]  }
0x428: {  	v3 =	vadd.f32 v30, v3;
	_ =	sdelay $0x1  }
0x429: {  	v33 =	vld [tilespmem:s14+$0xAE10];
	v3 =	vadd.f32 v31, v3  }
0x42a: {  	v34 =	vld [tilespmem:s14+$0xC610]  }
0x42b: {  	v3 =	vadd.f32 v32, v3  }
0x42c: {  	v35 =	vld [tilespmem:s14+$0xDE10]  }
0x42d: {  	[tilespmem:s14+$0xAE00] =	vst v3  }
0x42e: {  	v3 =	vld [tilespmem:s10+$0xF690]  }
0x42f: {  	v4 =	vadd.f32 v34, v33  }
0x430: {  	v36 =	vld [tilespmem:s10+$0x10E90]  }
0x431: {  	v4 =	vadd.f32 v35, v4  }
0x432: {  	v37 =	vld [tilespmem:s10+$0x12690]  }
0x433: {  	v3 =	vadd.f32 v3, v4;
	_ =	sdelay $0x1  }
0x434: {  	v38 =	vld [tilespmem:s14+$0xAE20];
	v3 =	vadd.f32 v36, v3  }
0x435: {  	v39 =	vld [tilespmem:s14+$0xC620]  }
0x436: {  	v3 =	vadd.f32 v37, v3  }
0x437: {  	v40 =	vld [tilespmem:s14+$0xDE20]  }
0x438: {  	[tilespmem:s14+$0xAE10] =	vst v3  }
0x439: {  	v3 =	vld [tilespmem:s10+$0xF6A0]  }
0x43a: {  	v4 =	vadd.f32 v39, v38  }
0x43b: {  	v41 =	vld [tilespmem:s10+$0x10EA0]  }
0x43c: {  	v4 =	vadd.f32 v40, v4  }
0x43d: {  	v42 =	vld [tilespmem:s10+$0x126A0]  }
0x43e: {  	v3 =	vadd.f32 v3, v4;
	_ =	sdelay $0x1  }
0x43f: {  	v43 =	vld [tilespmem:s14+$0xAE30];
	v3 =	vadd.f32 v41, v3  }
0x440: {  	v44 =	vld [tilespmem:s14+$0xC630]  }
0x441: {  	v3 =	vadd.f32 v42, v3  }
0x442: {  	v45 =	vld [tilespmem:s14+$0xDE30]  }
0x443: {  	[tilespmem:s14+$0xAE20] =	vst v3  }
0x444: {  	v3 =	vld [tilespmem:s10+$0xF6B0]  }
0x445: {  	v4 =	vadd.f32 v44, v43  }
0x446: {  	v46 =	vld [tilespmem:s10+$0x10EB0]  }
0x447: {  	v4 =	vadd.f32 v45, v4  }
0x448: {  	v47 =	vld [tilespmem:s10+$0x126B0]  }
0x449: {  	v3 =	vadd.f32 v3, v4;
	_ =	sdelay $0x1  }
0x44a: {  	v48 =	vld [tilespmem:s14+$0xAE40];
	v3 =	vadd.f32 v46, v3  }
0x44b: {  	v49 =	vld [tilespmem:s14+$0xC640]  }
0x44c: {  	v3 =	vadd.f32 v47, v3  }
0x44d: {  	v50 =	vld [tilespmem:s14+$0xDE40]  }
0x44e: {  	[tilespmem:s14+$0xAE30] =	vst v3  }
0x44f: {  	v3 =	vld [tilespmem:s10+$0xF6C0]  }
0x450: {  	v4 =	vadd.f32 v49, v48  }
0x451: {  	v51 =	vld [tilespmem:s10+$0x10EC0]  }
0x452: {  	v4 =	vadd.f32 v50, v4  }
0x453: {  	v52 =	vld [tilespmem:s10+$0x126C0]  }
0x454: {  	v3 =	vadd.f32 v3, v4;
	_ =	sdelay $0x1  }
0x455: {  	v53 =	vld [tilespmem:s14+$0xAE50];
	v3 =	vadd.f32 v51, v3  }
0x456: {  	v54 =	vld [tilespmem:s14+$0xC650]  }
0x457: {  	v3 =	vadd.f32 v52, v3  }
0x458: {  	v55 =	vld [tilespmem:s14+$0xDE50]  }
0x459: {  	[tilespmem:s14+$0xAE40] =	vst v3  }
0x45a: {  	v3 =	vld [tilespmem:s10+$0xF6D0]  }
0x45b: {  	v4 =	vadd.f32 v54, v53  }
0x45c: {  	v56 =	vld [tilespmem:s10+$0x10ED0]  }
0x45d: {  	v4 =	vadd.f32 v55, v4  }
0x45e: {  	v57 =	vld [tilespmem:s10+$0x126D0]  }
0x45f: {  	v3 =	vadd.f32 v3, v4;
	_ =	sdelay $0x1  }
0x460: {  	v58 =	vld [tilespmem:s14+$0xAE60];
	v3 =	vadd.f32 v56, v3  }
0x461: {  	v59 =	vld [tilespmem:s14+$0xC660]  }
0x462: {  	v3 =	vadd.f32 v57, v3  }
0x463: {  	v60 =	vld [tilespmem:s14+$0xDE60]  }
0x464: {  	[tilespmem:s14+$0xAE50] =	vst v3  }
0x465: {  	v3 =	vld [tilespmem:s10+$0xF6E0]  }
0x466: {  	v4 =	vadd.f32 v59, v58  }
0x467: {  	v61 =	vld [tilespmem:s10+$0x10EE0]  }
0x468: {  	v4 =	vadd.f32 v60, v4  }
0x469: {  	v62 =	vld [tilespmem:s10+$0x126E0]  }
0x46a: {  	v3 =	vadd.f32 v3, v4;
	_ =	sdelay $0x1  }
0x46b: {  	v63 =	vld [tilespmem:s14+$0xAE70];
	v3 =	vadd.f32 v61, v3  }
0x46c: {  	v9 =	vld [tilespmem:s14+$0xC670]  }
0x46d: {  	v3 =	vadd.f32 v62, v3  }
0x46e: {  	v10 =	vld [tilespmem:s14+$0xDE70]  }
0x46f: {  	[tilespmem:s14+$0xAE60] =	vst v3  }
0x470: {  	v3 =	vld [tilespmem:s10+$0xF6F0]  }
0x471: {  	v4 =	vadd.f32 v9, v63  }
0x472: {  	v11 =	vld [tilespmem:s10+$0x10EF0]  }
0x473: {  	v4 =	vadd.f32 v10, v4  }
0x474: {  	v12 =	vld [tilespmem:s10+$0x126F0]  }
0x475: {  	v3 =	vadd.f32 v3, v4;
	_ =	sdelay $0x1  }
0x476: {  	v3 =	vadd.f32 v11, v3;
	_ =	sdelay $0x1  }
0x477: {  	s0 =	sadd.s32 $0x800, s7;
	v3 =	vadd.f32 v12, v3  }
0x478: {  	s13 =	sor.u32 s11, s0  }
0x479: {  	[tilespmem:s14+$0xAE70] =	vst v3;
	v3 =	vld [tilespmem:s13+$0xAE00]  }
0x47a: {  	v13 =	vld [tilespmem:s13+$0xC600];
	_ =	sdelay $0x1  }
0x47b: {  	v14 =	vld [tilespmem:s13+$0xDE00];
	_ =	sdelay $0x1  }
0x47c: {  	v15 =	vld [tilespmem:s10+$0xF700]  }
0x47d: {  	v3 =	vadd.f32 v13, v3  }
0x47e: {  	v16 =	vld [tilespmem:s10+$0x10F00]  }
0x47f: {  	v3 =	vadd.f32 v14, v3  }
0x480: {  	v17 =	vld [tilespmem:s10+$0x12700]  }
0x481: {  	v3 =	vadd.f32 v15, v3;
	_ =	sdelay $0x1  }
0x482: {  	v18 =	vld [tilespmem:s13+$0xAE10];
	v3 =	vadd.f32 v16, v3  }
0x483: {  	v19 =	vld [tilespmem:s13+$0xC610]  }
0x484: {  	v3 =	vadd.f32 v17, v3  }
0x485: {  	v20 =	vld [tilespmem:s13+$0xDE10]  }
0x486: {  	[tilespmem:s13+$0xAE00] =	vst v3  }
0x487: {  	v3 =	vld [tilespmem:s10+$0xF710]  }
0x488: {  	v4 =	vadd.f32 v19, v18  }
0x489: {  	v21 =	vld [tilespmem:s10+$0x10F10]  }
0x48a: {  	v4 =	vadd.f32 v20, v4  }
0x48b: {  	v22 =	vld [tilespmem:s10+$0x12710]  }
0x48c: {  	v3 =	vadd.f32 v3, v4;
	_ =	sdelay $0x1  }
0x48d: {  	v23 =	vld [tilespmem:s13+$0xAE20];
	v3 =	vadd.f32 v21, v3  }
0x48e: {  	v24 =	vld [tilespmem:s13+$0xC620]  }
0x48f: {  	v3 =	vadd.f32 v22, v3  }
0x490: {  	v25 =	vld [tilespmem:s13+$0xDE20]  }
0x491: {  	[tilespmem:s13+$0xAE10] =	vst v3  }
0x492: {  	v3 =	vld [tilespmem:s10+$0xF720]  }
0x493: {  	v4 =	vadd.f32 v24, v23  }
0x494: {  	v26 =	vld [tilespmem:s10+$0x10F20]  }
0x495: {  	v4 =	vadd.f32 v25, v4  }
0x496: {  	v27 =	vld [tilespmem:s10+$0x12720]  }
0x497: {  	v3 =	vadd.f32 v3, v4;
	_ =	sdelay $0x1  }
0x498: {  	v28 =	vld [tilespmem:s13+$0xAE30];
	v3 =	vadd.f32 v26, v3  }
0x499: {  	v29 =	vld [tilespmem:s13+$0xC630]  }
0x49a: {  	v3 =	vadd.f32 v27, v3  }
0x49b: {  	v30 =	vld [tilespmem:s13+$0xDE30]  }
0x49c: {  	[tilespmem:s13+$0xAE20] =	vst v3  }
0x49d: {  	v3 =	vld [tilespmem:s10+$0xF730]  }
0x49e: {  	v4 =	vadd.f32 v29, v28  }
0x49f: {  	v31 =	vld [tilespmem:s10+$0x10F30]  }
0x4a0: {  	v4 =	vadd.f32 v30, v4  }
0x4a1: {  	v32 =	vld [tilespmem:s10+$0x12730]  }
0x4a2: {  	v3 =	vadd.f32 v3, v4;
	_ =	sdelay $0x1  }
0x4a3: {  	v33 =	vld [tilespmem:s13+$0xAE40];
	v3 =	vadd.f32 v31, v3  }
0x4a4: {  	v34 =	vld [tilespmem:s13+$0xC640]  }
0x4a5: {  	v3 =	vadd.f32 v32, v3  }
0x4a6: {  	v35 =	vld [tilespmem:s13+$0xDE40]  }
0x4a7: {  	[tilespmem:s13+$0xAE30] =	vst v3  }
0x4a8: {  	v3 =	vld [tilespmem:s10+$0xF740]  }
0x4a9: {  	v4 =	vadd.f32 v34, v33  }
0x4aa: {  	v36 =	vld [tilespmem:s10+$0x10F40]  }
0x4ab: {  	v4 =	vadd.f32 v35, v4  }
0x4ac: {  	v37 =	vld [tilespmem:s10+$0x12740]  }
0x4ad: {  	v3 =	vadd.f32 v3, v4;
	_ =	sdelay $0x1  }
0x4ae: {  	v38 =	vld [tilespmem:s13+$0xAE50];
	v3 =	vadd.f32 v36, v3  }
0x4af: {  	v39 =	vld [tilespmem:s13+$0xC650]  }
0x4b0: {  	v3 =	vadd.f32 v37, v3  }
0x4b1: {  	v40 =	vld [tilespmem:s13+$0xDE50]  }
0x4b2: {  	[tilespmem:s13+$0xAE40] =	vst v3  }
0x4b3: {  	v3 =	vld [tilespmem:s10+$0xF750]  }
0x4b4: {  	v4 =	vadd.f32 v39, v38  }
0x4b5: {  	v41 =	vld [tilespmem:s10+$0x10F50]  }
0x4b6: {  	v4 =	vadd.f32 v40, v4  }
0x4b7: {  	v42 =	vld [tilespmem:s10+$0x12750]  }
0x4b8: {  	v3 =	vadd.f32 v3, v4;
	_ =	sdelay $0x1  }
0x4b9: {  	v43 =	vld [tilespmem:s13+$0xAE60];
	v3 =	vadd.f32 v41, v3  }
0x4ba: {  	v44 =	vld [tilespmem:s13+$0xC660]  }
0x4bb: {  	v3 =	vadd.f32 v42, v3  }
0x4bc: {  	v45 =	vld [tilespmem:s13+$0xDE60]  }
0x4bd: {  	[tilespmem:s13+$0xAE50] =	vst v3  }
0x4be: {  	v3 =	vld [tilespmem:s10+$0xF760]  }
0x4bf: {  	v4 =	vadd.f32 v44, v43  }
0x4c0: {  	v46 =	vld [tilespmem:s10+$0x10F60]  }
0x4c1: {  	v4 =	vadd.f32 v45, v4  }
0x4c2: {  	v47 =	vld [tilespmem:s10+$0x12760]  }
0x4c3: {  	v3 =	vadd.f32 v3, v4;
	_ =	sdelay $0x1  }
0x4c4: {  	v48 =	vld [tilespmem:s13+$0xAE70];
	v3 =	vadd.f32 v46, v3  }
0x4c5: {  	v49 =	vld [tilespmem:s13+$0xC670]  }
0x4c6: {  	v3 =	vadd.f32 v47, v3  }
0x4c7: {  	v50 =	vld [tilespmem:s13+$0xDE70]  }
0x4c8: {  	[tilespmem:s13+$0xAE60] =	vst v3  }
0x4c9: {  	v3 =	vld [tilespmem:s10+$0xF770]  }
0x4ca: {  	s15 =	sor.u32 $0x1, s30;
	v4 =	vadd.f32 v49, v48  }
0x4cb: {  	s16 =	sshll.u32 s15, $0x7;
	v51 =	vld [tilespmem:s10+$0x10F70]  }
0x4cc: {  	s11 =	sand.u32 $0x280, s16;
	v4 =	vadd.f32 v50, v4  }
0x4cd: {  	s26 =	sor.u32 s7, s11;
	v52 =	vld [tilespmem:s10+$0x12770]  }
0x4ce: {  	v7 =	vld [tilespmem:s26+$0xC600];
	v3 =	vadd.f32 v3, v4  }
0x4cf: {  	v53 =	vld [tilespmem:s26+$0xAE00]  }
0x4d0: {  	v3 =	vadd.f32 v51, v3  }
0x4d1: {  	s29 =	smul.u32 $0x180, s15;
	v54 =	vld [tilespmem:s26+$0xDE00]  }
0x4d2: {  	v3 =	vadd.f32 v52, v3  }
0x4d3: {  	v55 =	vld [tilespmem:s29+$0xF600]  }
0x4d4: {  	[tilespmem:s13+$0xAE70] =	vst v3;
	v3 =	vadd.f32 v7, v53  }
0x4d5: {  	v56 =	vld [tilespmem:s29+$0x10E00]  }
0x4d6: {  	v3 =	vadd.f32 v54, v3  }
0x4d7: {  	v57 =	vld [tilespmem:s29+$0x12600]  }
0x4d8: {  	v3 =	vadd.f32 v55, v3;
	_ =	sdelay $0x1  }
0x4d9: {  	v58 =	vld [tilespmem:s26+$0xAE10];
	v3 =	vadd.f32 v56, v3  }
0x4da: {  	v59 =	vld [tilespmem:s26+$0xC610]  }
0x4db: {  	v3 =	vadd.f32 v57, v3  }
0x4dc: {  	v60 =	vld [tilespmem:s26+$0xDE10]  }
0x4dd: {  	[tilespmem:s26+$0xAE00] =	vst v3  }
0x4de: {  	v3 =	vld [tilespmem:s29+$0xF610]  }
0x4df: {  	v4 =	vadd.f32 v59, v58  }
0x4e0: {  	v61 =	vld [tilespmem:s29+$0x10E10]  }
0x4e1: {  	v4 =	vadd.f32 v60, v4  }
0x4e2: {  	v62 =	vld [tilespmem:s29+$0x12610]  }
0x4e3: {  	v3 =	vadd.f32 v3, v4;
	_ =	sdelay $0x1  }
0x4e4: {  	v63 =	vld [tilespmem:s26+$0xAE20];
	v3 =	vadd.f32 v61, v3  }
0x4e5: {  	v9 =	vld [tilespmem:s26+$0xC620]  }
0x4e6: {  	v3 =	vadd.f32 v62, v3  }
0x4e7: {  	v10 =	vld [tilespmem:s26+$0xDE20]  }
0x4e8: {  	[tilespmem:s26+$0xAE10] =	vst v3  }
0x4e9: {  	v3 =	vld [tilespmem:s29+$0xF620]  }
0x4ea: {  	v4 =	vadd.f32 v9, v63  }
0x4eb: {  	v11 =	vld [tilespmem:s29+$0x10E20]  }
0x4ec: {  	v4 =	vadd.f32 v10, v4  }
0x4ed: {  	v12 =	vld [tilespmem:s29+$0x12620]  }
0x4ee: {  	v3 =	vadd.f32 v3, v4;
	_ =	sdelay $0x1  }
0x4ef: {  	v13 =	vld [tilespmem:s26+$0xAE30];
	v3 =	vadd.f32 v11, v3  }
0x4f0: {  	v14 =	vld [tilespmem:s26+$0xC630]  }
0x4f1: {  	v3 =	vadd.f32 v12, v3  }
0x4f2: {  	v15 =	vld [tilespmem:s26+$0xDE30]  }
0x4f3: {  	[tilespmem:s26+$0xAE20] =	vst v3  }
0x4f4: {  	v3 =	vld [tilespmem:s29+$0xF630]  }
0x4f5: {  	v4 =	vadd.f32 v14, v13  }
0x4f6: {  	v16 =	vld [tilespmem:s29+$0x10E30]  }
0x4f7: {  	v4 =	vadd.f32 v15, v4  }
0x4f8: {  	v17 =	vld [tilespmem:s29+$0x12630]  }
0x4f9: {  	v3 =	vadd.f32 v3, v4;
	_ =	sdelay $0x1  }
0x4fa: {  	v18 =	vld [tilespmem:s26+$0xAE40];
	v3 =	vadd.f32 v16, v3  }
0x4fb: {  	v19 =	vld [tilespmem:s26+$0xC640]  }
0x4fc: {  	v3 =	vadd.f32 v17, v3  }
0x4fd: {  	v20 =	vld [tilespmem:s26+$0xDE40]  }
0x4fe: {  	[tilespmem:s26+$0xAE30] =	vst v3  }
0x4ff: {  	v3 =	vld [tilespmem:s29+$0xF640]  }
0x500: {  	v4 =	vadd.f32 v19, v18  }
0x501: {  	v21 =	vld [tilespmem:s29+$0x10E40]  }
0x502: {  	v4 =	vadd.f32 v20, v4  }
0x503: {  	v22 =	vld [tilespmem:s29+$0x12640]  }
0x504: {  	v3 =	vadd.f32 v3, v4;
	_ =	sdelay $0x1  }
0x505: {  	v23 =	vld [tilespmem:s26+$0xAE50];
	v3 =	vadd.f32 v21, v3  }
0x506: {  	v24 =	vld [tilespmem:s26+$0xC650]  }
0x507: {  	v3 =	vadd.f32 v22, v3  }
0x508: {  	v25 =	vld [tilespmem:s26+$0xDE50]  }
0x509: {  	[tilespmem:s26+$0xAE40] =	vst v3  }
0x50a: {  	v3 =	vld [tilespmem:s29+$0xF650]  }
0x50b: {  	v4 =	vadd.f32 v24, v23  }
0x50c: {  	v26 =	vld [tilespmem:s29+$0x10E50]  }
0x50d: {  	v4 =	vadd.f32 v25, v4  }
0x50e: {  	v27 =	vld [tilespmem:s29+$0x12650]  }
0x50f: {  	v3 =	vadd.f32 v3, v4;
	_ =	sdelay $0x1  }
0x510: {  	v28 =	vld [tilespmem:s26+$0xAE60];
	v3 =	vadd.f32 v26, v3  }
0x511: {  	v29 =	vld [tilespmem:s26+$0xC660]  }
0x512: {  	v3 =	vadd.f32 v27, v3  }
0x513: {  	v30 =	vld [tilespmem:s26+$0xDE60]  }
0x514: {  	[tilespmem:s26+$0xAE50] =	vst v3  }
0x515: {  	v3 =	vld [tilespmem:s29+$0xF660]  }
0x516: {  	v4 =	vadd.f32 v29, v28  }
0x517: {  	v31 =	vld [tilespmem:s29+$0x10E60]  }
0x518: {  	v4 =	vadd.f32 v30, v4  }
0x519: {  	v32 =	vld [tilespmem:s29+$0x12660]  }
0x51a: {  	v3 =	vadd.f32 v3, v4;
	_ =	sdelay $0x1  }
0x51b: {  	v33 =	vld [tilespmem:s26+$0xAE70];
	v3 =	vadd.f32 v31, v3  }
0x51c: {  	v34 =	vld [tilespmem:s26+$0xC670]  }
0x51d: {  	v3 =	vadd.f32 v32, v3  }
0x51e: {  	v35 =	vld [tilespmem:s26+$0xDE70]  }
0x51f: {  	[tilespmem:s26+$0xAE60] =	vst v3  }
0x520: {  	v3 =	vld [tilespmem:s29+$0xF670]  }
0x521: {  	v4 =	vadd.f32 v34, v33  }
0x522: {  	v36 =	vld [tilespmem:s29+$0x10E70]  }
0x523: {  	v4 =	vadd.f32 v35, v4  }
0x524: {  	v37 =	vld [tilespmem:s29+$0x12670]  }
0x525: {  	v3 =	vadd.f32 v3, v4;
	_ =	sdelay $0x1  }
0x526: {  	v3 =	vadd.f32 v36, v3;
	_ =	sdelay $0x1  }
0x527: {  	v3 =	vadd.f32 v37, v3;
	_ =	sdelay $0x1  }
0x528: {  	s14 =	sor.u32 s11, s1;
	[tilespmem:s26+$0xAE70] =	vst v3  }
0x529: {  	v3 =	vld [tilespmem:s14+$0xAE00]  }
0x52a: {  	v38 =	vld [tilespmem:s14+$0xC600];
	_ =	sdelay $0x1  }
0x52b: {  	v39 =	vld [tilespmem:s14+$0xDE00];
	_ =	sdelay $0x1  }
0x52c: {  	v40 =	vld [tilespmem:s29+$0xF680]  }
0x52d: {  	v3 =	vadd.f32 v38, v3  }
0x52e: {  	v41 =	vld [tilespmem:s29+$0x10E80]  }
0x52f: {  	v3 =	vadd.f32 v39, v3  }
0x530: {  	v42 =	vld [tilespmem:s29+$0x12680]  }
0x531: {  	v3 =	vadd.f32 v40, v3;
	_ =	sdelay $0x1  }
0x532: {  	v43 =	vld [tilespmem:s14+$0xAE10];
	v3 =	vadd.f32 v41, v3  }
0x533: {  	v44 =	vld [tilespmem:s14+$0xC610]  }
0x534: {  	v3 =	vadd.f32 v42, v3  }
0x535: {  	v45 =	vld [tilespmem:s14+$0xDE10]  }
0x536: {  	[tilespmem:s14+$0xAE00] =	vst v3  }
0x537: {  	v3 =	vld [tilespmem:s29+$0xF690]  }
0x538: {  	v4 =	vadd.f32 v44, v43  }
0x539: {  	v46 =	vld [tilespmem:s29+$0x10E90]  }
0x53a: {  	v4 =	vadd.f32 v45, v4  }
0x53b: {  	v47 =	vld [tilespmem:s29+$0x12690]  }
0x53c: {  	v3 =	vadd.f32 v3, v4;
	_ =	sdelay $0x1  }
0x53d: {  	v48 =	vld [tilespmem:s14+$0xAE20];
	v3 =	vadd.f32 v46, v3  }
0x53e: {  	v49 =	vld [tilespmem:s14+$0xC620]  }
0x53f: {  	v3 =	vadd.f32 v47, v3  }
0x540: {  	v50 =	vld [tilespmem:s14+$0xDE20]  }
0x541: {  	[tilespmem:s14+$0xAE10] =	vst v3  }
0x542: {  	v3 =	vld [tilespmem:s29+$0xF6A0]  }
0x543: {  	v4 =	vadd.f32 v49, v48  }
0x544: {  	v51 =	vld [tilespmem:s29+$0x10EA0]  }
0x545: {  	v4 =	vadd.f32 v50, v4  }
0x546: {  	v52 =	vld [tilespmem:s29+$0x126A0]  }
0x547: {  	v3 =	vadd.f32 v3, v4;
	_ =	sdelay $0x1  }
0x548: {  	v53 =	vld [tilespmem:s14+$0xAE30];
	v3 =	vadd.f32 v51, v3  }
0x549: {  	v54 =	vld [tilespmem:s14+$0xC630]  }
0x54a: {  	v3 =	vadd.f32 v52, v3  }
0x54b: {  	v55 =	vld [tilespmem:s14+$0xDE30]  }
0x54c: {  	[tilespmem:s14+$0xAE20] =	vst v3  }
0x54d: {  	v3 =	vld [tilespmem:s29+$0xF6B0]  }
0x54e: {  	v4 =	vadd.f32 v54, v53  }
0x54f: {  	v56 =	vld [tilespmem:s29+$0x10EB0]  }
0x550: {  	v4 =	vadd.f32 v55, v4  }
0x551: {  	v57 =	vld [tilespmem:s29+$0x126B0]  }
0x552: {  	v3 =	vadd.f32 v3, v4;
	_ =	sdelay $0x1  }
0x553: {  	v58 =	vld [tilespmem:s14+$0xAE40];
	v3 =	vadd.f32 v56, v3  }
0x554: {  	v59 =	vld [tilespmem:s14+$0xC640]  }
0x555: {  	v3 =	vadd.f32 v57, v3  }
0x556: {  	v60 =	vld [tilespmem:s14+$0xDE40]  }
0x557: {  	[tilespmem:s14+$0xAE30] =	vst v3  }
0x558: {  	v3 =	vld [tilespmem:s29+$0xF6C0]  }
0x559: {  	v4 =	vadd.f32 v59, v58  }
0x55a: {  	v61 =	vld [tilespmem:s29+$0x10EC0]  }
0x55b: {  	v4 =	vadd.f32 v60, v4  }
0x55c: {  	v62 =	vld [tilespmem:s29+$0x126C0]  }
0x55d: {  	v3 =	vadd.f32 v3, v4;
	_ =	sdelay $0x1  }
0x55e: {  	v63 =	vld [tilespmem:s14+$0xAE50];
	v3 =	vadd.f32 v61, v3  }
0x55f: {  	v9 =	vld [tilespmem:s14+$0xC650]  }
0x560: {  	v3 =	vadd.f32 v62, v3  }
0x561: {  	v10 =	vld [tilespmem:s14+$0xDE50]  }
0x562: {  	[tilespmem:s14+$0xAE40] =	vst v3  }
0x563: {  	v3 =	vld [tilespmem:s29+$0xF6D0]  }
0x564: {  	v4 =	vadd.f32 v9, v63  }
0x565: {  	v11 =	vld [tilespmem:s29+$0x10ED0]  }
0x566: {  	v4 =	vadd.f32 v10, v4  }
0x567: {  	v12 =	vld [tilespmem:s29+$0x126D0]  }
0x568: {  	v3 =	vadd.f32 v3, v4;
	_ =	sdelay $0x1  }
0x569: {  	v13 =	vld [tilespmem:s14+$0xAE60];
	v3 =	vadd.f32 v11, v3  }
0x56a: {  	v14 =	vld [tilespmem:s14+$0xC660]  }
0x56b: {  	v3 =	vadd.f32 v12, v3  }
0x56c: {  	v15 =	vld [tilespmem:s14+$0xDE60]  }
0x56d: {  	[tilespmem:s14+$0xAE50] =	vst v3  }
0x56e: {  	v3 =	vld [tilespmem:s29+$0xF6E0]  }
0x56f: {  	v4 =	vadd.f32 v14, v13  }
0x570: {  	v16 =	vld [tilespmem:s29+$0x10EE0]  }
0x571: {  	v4 =	vadd.f32 v15, v4  }
0x572: {  	v17 =	vld [tilespmem:s29+$0x126E0]  }
0x573: {  	v3 =	vadd.f32 v3, v4;
	_ =	sdelay $0x1  }
0x574: {  	v18 =	vld [tilespmem:s14+$0xAE70];
	v3 =	vadd.f32 v16, v3  }
0x575: {  	v19 =	vld [tilespmem:s14+$0xC670]  }
0x576: {  	v3 =	vadd.f32 v17, v3  }
0x577: {  	v20 =	vld [tilespmem:s14+$0xDE70]  }
0x578: {  	s10 =	sor.u32 $0x2, s30;
	[tilespmem:s14+$0xAE60] =	vst v3  }
0x579: {  	s15 =	sshll.u32 s10, $0x7;
	v3 =	vld [tilespmem:s29+$0xF6F0]  }
0x57a: {  	s26 =	sor.u32 s11, s0;
	s11 =	sand.u32 $0x300, s15;
	s15 =	sor.u32 $0x3, s30;
	v4 =	vadd.f32 v19, v18  }
0x57b: {  	s16 =	sshll.u32 s15, $0x7;
	v21 =	vld [tilespmem:s29+$0x10EF0]  }
0x57c: {  	s13 =	sand.u32 $0x380, s16;
	v4 =	vadd.f32 v20, v4  }
0x57d: {  	s16 =	sor.u32 s7, s13;
	v22 =	vld [tilespmem:s29+$0x126F0]  }
0x57e: {  	v60 =	vld [tilespmem:s16+$0xAE10];
	v3 =	vadd.f32 v3, v4  }
0x57f: {  	v63 =	vld [tilespmem:s16+$0xDE10]  }
0x580: {  	v61 =	vld [tilespmem:s16+$0xC610];
	v3 =	vadd.f32 v21, v3  }
0x581: {  	v14 =	vld [tilespmem:s16+$0xDE00]  }
0x582: {  	v11 =	vld [tilespmem:s16+$0xAE00];
	v3 =	vadd.f32 v22, v3  }
0x583: {  	v12 =	vld [tilespmem:s16+$0xC600]  }
0x584: {  	v38 =	vld [tilespmem:s26+$0xAE30];
	[tilespmem:s14+$0xAE70] =	vst v3  }
0x585: {  	v3 =	vld [tilespmem:s26+$0xAE00]  }
0x586: {  	v23 =	vld [tilespmem:s26+$0xC600]  }
0x587: {  	v24 =	vld [tilespmem:s26+$0xDE00]  }
0x588: {  	v25 =	vld [tilespmem:s29+$0xF700]  }
0x589: {  	v26 =	vld [tilespmem:s29+$0x10F00]  }
0x58a: {  	v27 =	vld [tilespmem:s29+$0x12700]  }
0x58b: {  	v28 =	vld [tilespmem:s26+$0xAE10]  }
0x58c: {  	v29 =	vld [tilespmem:s26+$0xC610]  }
0x58d: {  	v30 =	vld [tilespmem:s26+$0xDE10]  }
0x58e: {  	v33 =	vld [tilespmem:s26+$0xAE20]  }
0x58f: {  	v34 =	vld [tilespmem:s26+$0xC620]  }
0x590: {  	v35 =	vld [tilespmem:s26+$0xDE20]  }
0x591: {  	v39 =	vld [tilespmem:s26+$0xC630]  }
0x592: {  	v40 =	vld [tilespmem:s26+$0xDE30]  }
0x593: {  	v43 =	vld [tilespmem:s26+$0xAE40]  }
0x594: {  	v44 =	vld [tilespmem:s26+$0xC640]  }
0x595: {  	v45 =	vld [tilespmem:s26+$0xDE40]  }
0x596: {  	v48 =	vld [tilespmem:s26+$0xAE50]  }
0x597: {  	v49 =	vld [tilespmem:s26+$0xC650]  }
0x598: {  	v50 =	vld [tilespmem:s26+$0xDE50];
	v3 =	vadd.f32 v23, v3  }
0x599: {  	v7 =	vld [tilespmem:s26+$0xAE60]  }
0x59a: {  	v8 =	vld [tilespmem:s26+$0xC660];
	v3 =	vadd.f32 v24, v3  }
0x59b: {  	s14 =	sor.u32 s7, s11;
	v6 =	vld [tilespmem:s26+$0xDE60]  }
0x59c: {  	v9 =	vld [tilespmem:s14+$0xAE00];
	v3 =	vadd.f32 v25, v3  }
0x59d: {  	v10 =	vld [tilespmem:s14+$0xC600]  }
0x59e: {  	v13 =	vld [tilespmem:s14+$0xDE00];
	v3 =	vadd.f32 v26, v3  }
0x59f: {  	v58 =	vld [tilespmem:s14+$0xAE10]  }
0x5a0: {  	s7 =	smul.u32 $0x180, s10;
	v59 =	vld [tilespmem:s14+$0xC610];
	v3 =	vadd.f32 v27, v3  }
0x5a1: {  	v62 =	vld [tilespmem:s14+$0xDE10]  }
0x5a2: {  	s10 =	smul.u32 $0x180, s15;
	v15 =	vld [tilespmem:s7+$0xF600];
	[tilespmem:s26+$0xAE00] =	vst v3  }
0x5a3: {  	v3 =	vld [tilespmem:s29+$0xF710]  }
0x5a4: {  	v53 =	vld [tilespmem:s10+$0xF600];
	v4 =	vadd.f32 v29, v28  }
0x5a5: {  	v31 =	vld [tilespmem:s29+$0x10F10]  }
0x5a6: {  	v54 =	vld [tilespmem:s7+$0x10E00];
	v4 =	vadd.f32 v30, v4  }
0x5a7: {  	v32 =	vld [tilespmem:s29+$0x12710]  }
0x5a8: {  	v55 =	vld [tilespmem:s10+$0x10E00];
	v3 =	vadd.f32 v3, v4  }
0x5a9: {  	v11 =	vadd.f32 v12, v11;
	v56 =	vld [tilespmem:s7+$0x12600]  }
0x5aa: {  	v57 =	vld [tilespmem:s10+$0x12600];
	v3 =	vadd.f32 v31, v3  }
0x5ab: {  	v11 =	vadd.f32 v14, v11;
	v28 =	vld [tilespmem:s14+$0xDE20]  }
0x5ac: {  	v9 =	vadd.f32 v10, v9;
	v29 =	vld [tilespmem:s16+$0xDE20];
	v3 =	vadd.f32 v32, v3  }
0x5ad: {  	v10 =	vadd.f32 v53, v11;
	v53 =	vld [tilespmem:s16+$0xDE40]  }
0x5ae: {  	v9 =	vadd.f32 v13, v9;
	v24 =	vld [tilespmem:s14+$0xAE20];
	[tilespmem:s26+$0xAE10] =	vst v3  }
0x5af: {  	v13 =	vadd.f32 v61, v60;
	v10 =	vadd.f32 v55, v10;
	v3 =	vld [tilespmem:s29+$0xF720]  }
0x5b0: {  	v60 =	vld [tilespmem:s14+$0xAE50];
	v9 =	vadd.f32 v15, v9;
	v4 =	vadd.f32 v34, v33  }
0x5b1: {  	v10 =	vadd.f32 v57, v10;
	v36 =	vld [tilespmem:s29+$0x10F20]  }
0x5b2: {  	v61 =	vld [tilespmem:s14+$0xC650];
	v9 =	vadd.f32 v54, v9;
	v4 =	vadd.f32 v35, v4  }
0x5b3: {  	[tilespmem:s16+$0xAE00] =	vst v10;
	v37 =	vld [tilespmem:s29+$0x12720]  }
0x5b4: {  	v9 =	vadd.f32 v56, v9;
	v19 =	vld [tilespmem:s10+$0xF610];
	v3 =	vadd.f32 v3, v4  }
0x5b5: {  	v25 =	vld [tilespmem:s14+$0xC620]  }
0x5b6: {  	v21 =	vld [tilespmem:s10+$0x10E10];
	[tilespmem:s14+$0xAE00] =	vst v9;
	v3 =	vadd.f32 v36, v3  }
0x5b7: {  	v9 =	vadd.f32 v63, v13;
	v18 =	vld [tilespmem:s7+$0xF610]  }
0x5b8: {  	v11 =	vadd.f32 v59, v58;
	v23 =	vld [tilespmem:s10+$0x12610];
	v3 =	vadd.f32 v37, v3  }
0x5b9: {  	v20 =	vld [tilespmem:s7+$0x10E10];
	v9 =	vadd.f32 v19, v9  }
0x5ba: {  	v11 =	vadd.f32 v62, v11;
	v22 =	vld [tilespmem:s7+$0x12610];
	[tilespmem:s26+$0xAE20] =	vst v3  }
0x5bb: {  	v9 =	vadd.f32 v21, v9;
	v3 =	vld [tilespmem:s29+$0xF730]  }
0x5bc: {  	v26 =	vld [tilespmem:s16+$0xAE20];
	v10 =	vadd.f32 v18, v11;
	v4 =	vadd.f32 v39, v38  }
0x5bd: {  	v9 =	vadd.f32 v23, v9;
	v41 =	vld [tilespmem:s29+$0x10F30]  }
0x5be: {  	v27 =	vld [tilespmem:s16+$0xC620];
	v10 =	vadd.f32 v20, v10;
	v4 =	vadd.f32 v40, v4  }
0x5bf: {  	[tilespmem:s16+$0xAE10] =	vst v9;
	v42 =	vld [tilespmem:s29+$0x12730]  }
0x5c0: {  	v10 =	vadd.f32 v22, v10;
	v31 =	vld [tilespmem:s10+$0xF620];
	v3 =	vadd.f32 v3, v4  }
0x5c1: {  	v33 =	vld [tilespmem:s10+$0x10E20]  }
0x5c2: {  	v35 =	vld [tilespmem:s10+$0x12620];
	[tilespmem:s14+$0xAE10] =	vst v10;
	v3 =	vadd.f32 v41, v3  }
0x5c3: {  	v13 =	vadd.f32 v27, v26;
	v30 =	vld [tilespmem:s7+$0xF620]  }
0x5c4: {  	v12 =	vadd.f32 v25, v24;
	v32 =	vld [tilespmem:s7+$0x10E20];
	v3 =	vadd.f32 v42, v3  }
0x5c5: {  	v10 =	vadd.f32 v29, v13;
	v34 =	vld [tilespmem:s7+$0x12620]  }
0x5c6: {  	v11 =	vadd.f32 v28, v12;
	v38 =	vld [tilespmem:s16+$0xAE30];
	[tilespmem:s26+$0xAE30] =	vst v3  }
0x5c7: {  	v10 =	vadd.f32 v31, v10;
	v3 =	vld [tilespmem:s29+$0xF740]  }
0x5c8: {  	v9 =	vadd.f32 v30, v11;
	v39 =	vld [tilespmem:s16+$0xC630];
	v4 =	vadd.f32 v44, v43  }
0x5c9: {  	v10 =	vadd.f32 v33, v10;
	v46 =	vld [tilespmem:s29+$0x10F40]  }
0x5ca: {  	v36 =	vld [tilespmem:s14+$0xAE30];
	v9 =	vadd.f32 v32, v9;
	v4 =	vadd.f32 v45, v4  }
0x5cb: {  	v10 =	vadd.f32 v35, v10;
	v47 =	vld [tilespmem:s29+$0x12740]  }
0x5cc: {  	v40 =	vld [tilespmem:s14+$0xDE30];
	v9 =	vadd.f32 v34, v9;
	v3 =	vadd.f32 v3, v4  }
0x5cd: {  	[tilespmem:s16+$0xAE20] =	vst v10;
	v37 =	vld [tilespmem:s14+$0xC630]  }
0x5ce: {  	[tilespmem:s14+$0xAE20] =	vst v9;
	v43 =	vld [tilespmem:s10+$0xF630];
	v3 =	vadd.f32 v46, v3  }
0x5cf: {  	v44 =	vld [tilespmem:s7+$0x10E30]  }
0x5d0: {  	v41 =	vld [tilespmem:s16+$0xDE30];
	v3 =	vadd.f32 v47, v3  }
0x5d1: {  	v45 =	vld [tilespmem:s10+$0x10E30]  }
0x5d2: {  	v42 =	vld [tilespmem:s7+$0xF630];
	[tilespmem:s26+$0xAE40] =	vst v3  }
0x5d3: {  	v14 =	vadd.f32 v37, v36;
	v3 =	vld [tilespmem:s29+$0xF750]  }
0x5d4: {  	v12 =	vadd.f32 v39, v38;
	v4 =	vadd.f32 v49, v48;
	v46 =	vld [tilespmem:s7+$0x12630]  }
0x5d5: {  	v11 =	vadd.f32 v40, v14;
	v51 =	vld [tilespmem:s29+$0x10F50]  }
0x5d6: {  	v9 =	vadd.f32 v41, v12;
	v4 =	vadd.f32 v50, v4;
	v47 =	vld [tilespmem:s10+$0x12630]  }
0x5d7: {  	v10 =	vadd.f32 v42, v11;
	v52 =	vld [tilespmem:s29+$0x12750]  }
0x5d8: {  	v9 =	vadd.f32 v43, v9;
	v48 =	vld [tilespmem:s14+$0xAE40];
	v3 =	vadd.f32 v3, v4  }
0x5d9: {  	v10 =	vadd.f32 v44, v10;
	v49 =	vld [tilespmem:s14+$0xC640]  }
0x5da: {  	v9 =	vadd.f32 v45, v9;
	v50 =	vld [tilespmem:s16+$0xAE40];
	v3 =	vadd.f32 v51, v3  }
0x5db: {  	v10 =	vadd.f32 v46, v10;
	v51 =	vld [tilespmem:s16+$0xC640]  }
0x5dc: {  	v9 =	vadd.f32 v47, v9;
	v3 =	vadd.f32 v52, v3;
	v52 =	vld [tilespmem:s14+$0xDE40]  }
0x5dd: {  	v62 =	vld [tilespmem:s16+$0xAE50];
	[tilespmem:s14+$0xAE30] =	vst v10  }
0x5de: {  	v54 =	vld [tilespmem:s7+$0xF640];
	[tilespmem:s16+$0xAE30] =	vst v9  }
0x5df: {  	v13 =	vadd.f32 v49, v48;
	v55 =	vld [tilespmem:s10+$0xF640]  }
0x5e0: {  	v56 =	vld [tilespmem:s7+$0x10E40];
	v12 =	vadd.f32 v51, v50  }
0x5e1: {  	v57 =	vld [tilespmem:s10+$0x10E40];
	v11 =	vadd.f32 v52, v13  }
0x5e2: {  	v58 =	vld [tilespmem:s7+$0x12640];
	v10 =	vadd.f32 v53, v12  }
0x5e3: {  	v59 =	vld [tilespmem:s10+$0x12640];
	v9 =	vadd.f32 v54, v11  }
0x5e4: {  	v63 =	vld [tilespmem:s16+$0xC650];
	v10 =	vadd.f32 v55, v10  }
0x5e5: {  	v19 =	vld [tilespmem:s16+$0xDE50];
	v9 =	vadd.f32 v56, v9  }
0x5e6: {  	v26 =	vld [tilespmem:s14+$0xAE60];
	v10 =	vadd.f32 v57, v10  }
0x5e7: {  	v27 =	vld [tilespmem:s14+$0xC660];
	v9 =	vadd.f32 v58, v9  }
0x5e8: {  	v18 =	vld [tilespmem:s14+$0xDE50];
	v10 =	vadd.f32 v59, v10  }
0x5e9: {  	v28 =	vld [tilespmem:s16+$0xAE60];
	[tilespmem:s14+$0xAE40] =	vst v9  }
0x5ea: {  	[tilespmem:s16+$0xAE40] =	vst v10;
	v20 =	vld [tilespmem:s7+$0xF650]  }
0x5eb: {  	v14 =	vadd.f32 v61, v60;
	v21 =	vld [tilespmem:s10+$0xF650]  }
0x5ec: {  	v12 =	vadd.f32 v63, v62;
	v22 =	vld [tilespmem:s7+$0x10E50]  }
0x5ed: {  	v11 =	vadd.f32 v18, v14;
	v23 =	vld [tilespmem:s10+$0x10E50]  }
0x5ee: {  	v9 =	vadd.f32 v19, v12;
	v24 =	vld [tilespmem:s7+$0x12650]  }
0x5ef: {  	v25 =	vld [tilespmem:s10+$0x12650];
	v10 =	vadd.f32 v20, v11  }
0x5f0: {  	v29 =	vld [tilespmem:s16+$0xC660];
	v9 =	vadd.f32 v21, v9  }
0x5f1: {  	v31 =	vld [tilespmem:s16+$0xDE60];
	v10 =	vadd.f32 v22, v10  }
0x5f2: {  	v30 =	vld [tilespmem:s14+$0xDE60];
	v9 =	vadd.f32 v23, v9  }
0x5f3: {  	v38 =	vld [tilespmem:s14+$0xAE70];
	v10 =	vadd.f32 v24, v10  }
0x5f4: {  	v39 =	vld [tilespmem:s14+$0xC670];
	v9 =	vadd.f32 v25, v9  }
0x5f5: {  	v40 =	vld [tilespmem:s16+$0xAE70];
	[tilespmem:s14+$0xAE50] =	vst v10  }
0x5f6: {  	[tilespmem:s16+$0xAE50] =	vst v9;
	v32 =	vld [tilespmem:s7+$0xF660]  }
0x5f7: {  	v13 =	vadd.f32 v27, v26;
	v33 =	vld [tilespmem:s10+$0xF660]  }
0x5f8: {  	v12 =	vadd.f32 v29, v28;
	v34 =	vld [tilespmem:s7+$0x10E60]  }
0x5f9: {  	v11 =	vadd.f32 v30, v13;
	v35 =	vld [tilespmem:s10+$0x10E60]  }
0x5fa: {  	v10 =	vadd.f32 v31, v12;
	v36 =	vld [tilespmem:s7+$0x12660]  }
0x5fb: {  	v37 =	vld [tilespmem:s10+$0x12660];
	v9 =	vadd.f32 v32, v11  }
0x5fc: {  	v41 =	vld [tilespmem:s16+$0xC670];
	v10 =	vadd.f32 v33, v10  }
0x5fd: {  	v42 =	vld [tilespmem:s14+$0xDE70];
	v9 =	vadd.f32 v34, v9  }
0x5fe: {  	v43 =	vld [tilespmem:s16+$0xDE70];
	[tilespmem:s26+$0xAE50] =	vst v3;
	v10 =	vadd.f32 v35, v10  }
0x5ff: {  	v5 =	vld [tilespmem:s29+$0xF760];
	v9 =	vadd.f32 v36, v9  }
0x600: {  	v4 =	vld [tilespmem:s29+$0x10F60];
	v10 =	vadd.f32 v37, v10  }
0x601: {  	v3 =	vld [tilespmem:s29+$0x12760];
	[tilespmem:s14+$0xAE60] =	vst v9  }
0x602: {  	v7 =	vadd.f32 v8, v7;
	[tilespmem:s16+$0xAE60] =	vst v10;
	v9 =	vld [tilespmem:s7+$0xF670]  }
0x603: {  	v44 =	vadd.f32 v39, v38;
	v10 =	vld [tilespmem:s10+$0xF670]  }
0x604: {  	v6 =	vadd.f32 v6, v7;
	v12 =	vadd.f32 v41, v40;
	v45 =	vld [tilespmem:s7+$0x10E70]  }
0x605: {  	v46 =	vadd.f32 v42, v44;
	v47 =	vld [tilespmem:s10+$0x10E70]  }
0x606: {  	v5 =	vadd.f32 v5, v6;
	v8 =	vadd.f32 v43, v12;
	v48 =	vld [tilespmem:s7+$0x12670]  }
0x607: {  	v50 =	vld [tilespmem:s10+$0x12670];
	v49 =	vadd.f32 v9, v46  }
0x608: {  	v4 =	vadd.f32 v4, v5;
	v8 =	vadd.f32 v10, v8  }
0x609: {  	v51 =	vadd.f32 v45, v49  }
0x60a: {  	v3 =	vadd.f32 v3, v4;
	v52 =	vadd.f32 v47, v8  }
0x60b: {  	s15 =	sor.u32 s11, s1;
	v4 =	vadd.f32 v48, v51  }
0x60c: {  	v53 =	vld [tilespmem:s15+$0xAE00];
	[tilespmem:s26+$0xAE60] =	vst v3;
	v5 =	vadd.f32 v50, v52  }
0x60d: {  	v3 =	vld [tilespmem:s29+$0xF770];
	[tilespmem:s14+$0xAE70] =	vst v4  }
0x60e: {  	s1 =	sor.u32 s13, s1;
	[tilespmem:s16+$0xAE70] =	vst v5;
	v54 =	vld [tilespmem:s15+$0xC600]  }
0x60f: {  	v55 =	vld [tilespmem:s1+$0xAE00]  }
0x610: {  	v56 =	vld [tilespmem:s1+$0xC600]  }
0x611: {  	v57 =	vld [tilespmem:s15+$0xDE00]  }
0x612: {  	v58 =	vld [tilespmem:s1+$0xDE00]  }
0x613: {  	v59 =	vld [tilespmem:s7+$0xF680]  }
0x614: {  	v60 =	vld [tilespmem:s10+$0xF680];
	v4 =	vadd.f32 v54, v53  }
0x615: {  	v61 =	vld [tilespmem:s7+$0x10E80];
	v6 =	vadd.f32 v56, v55  }
0x616: {  	v62 =	vld [tilespmem:s10+$0x10E80];
	v4 =	vadd.f32 v57, v4  }
0x617: {  	v63 =	vld [tilespmem:s7+$0x12680];
	v6 =	vadd.f32 v58, v6  }
0x618: {  	v12 =	vld [tilespmem:s10+$0x12680];
	v4 =	vadd.f32 v59, v4  }
0x619: {  	v13 =	vld [tilespmem:s15+$0xAE10];
	v5 =	vadd.f32 v60, v6  }
0x61a: {  	v14 =	vld [tilespmem:s15+$0xC610];
	v4 =	vadd.f32 v61, v4  }
0x61b: {  	v15 =	vld [tilespmem:s1+$0xAE10];
	v5 =	vadd.f32 v62, v5  }
0x61c: {  	v16 =	vld [tilespmem:s1+$0xC610];
	v4 =	vadd.f32 v63, v4  }
0x61d: {  	v17 =	vld [tilespmem:s15+$0xDE10];
	v5 =	vadd.f32 v12, v5  }
0x61e: {  	v18 =	vld [tilespmem:s1+$0xDE10];
	[tilespmem:s15+$0xAE00] =	vst v4  }
0x61f: {  	[tilespmem:s1+$0xAE00] =	vst v5;
	v19 =	vld [tilespmem:s7+$0xF690]  }
0x620: {  	v20 =	vadd.f32 v14, v13;
	v21 =	vld [tilespmem:s10+$0xF690]  }
0x621: {  	v7 =	vadd.f32 v16, v15;
	v22 =	vld [tilespmem:s7+$0x10E90]  }
0x622: {  	v5 =	vadd.f32 v17, v20;
	v23 =	vld [tilespmem:s10+$0x10E90]  }
0x623: {  	v4 =	vadd.f32 v18, v7;
	v24 =	vld [tilespmem:s7+$0x12690]  }
0x624: {  	v25 =	vld [tilespmem:s10+$0x12690];
	v5 =	vadd.f32 v19, v5  }
0x625: {  	v26 =	vld [tilespmem:s15+$0xAE20];
	v4 =	vadd.f32 v21, v4  }
0x626: {  	v27 =	vld [tilespmem:s15+$0xC620];
	v5 =	vadd.f32 v22, v5  }
0x627: {  	v28 =	vld [tilespmem:s1+$0xAE20];
	v4 =	vadd.f32 v23, v4  }
0x628: {  	v29 =	vld [tilespmem:s1+$0xC620];
	v5 =	vadd.f32 v24, v5  }
0x629: {  	v30 =	vld [tilespmem:s15+$0xDE20];
	v4 =	vadd.f32 v25, v4  }
0x62a: {  	v31 =	vld [tilespmem:s1+$0xDE20];
	[tilespmem:s15+$0xAE10] =	vst v5  }
0x62b: {  	[tilespmem:s1+$0xAE10] =	vst v4;
	v32 =	vld [tilespmem:s7+$0xF6A0]  }
0x62c: {  	v33 =	vadd.f32 v27, v26;
	v34 =	vld [tilespmem:s10+$0xF6A0]  }
0x62d: {  	v8 =	vadd.f32 v29, v28;
	v35 =	vld [tilespmem:s7+$0x10EA0]  }
0x62e: {  	v4 =	vadd.f32 v30, v33;
	v36 =	vld [tilespmem:s10+$0x10EA0]  }
0x62f: {  	v5 =	vadd.f32 v31, v8;
	v37 =	vld [tilespmem:s7+$0x126A0]  }
0x630: {  	v38 =	vld [tilespmem:s10+$0x126A0];
	v4 =	vadd.f32 v32, v4  }
0x631: {  	v39 =	vld [tilespmem:s15+$0xAE30];
	v5 =	vadd.f32 v34, v5  }
0x632: {  	v41 =	vld [tilespmem:s1+$0xAE30];
	v4 =	vadd.f32 v35, v4  }
0x633: {  	v40 =	vld [tilespmem:s15+$0xC630];
	v5 =	vadd.f32 v36, v5  }
0x634: {  	v42 =	vld [tilespmem:s1+$0xC630];
	v4 =	vadd.f32 v37, v4  }
0x635: {  	v43 =	vld [tilespmem:s15+$0xDE30];
	v5 =	vadd.f32 v38, v5  }
0x636: {  	v44 =	vld [tilespmem:s1+$0xDE30];
	[tilespmem:s15+$0xAE20] =	vst v4  }
0x637: {  	[tilespmem:s1+$0xAE20] =	vst v5;
	v45 =	vld [tilespmem:s7+$0xF6B0]  }
0x638: {  	v46 =	vadd.f32 v40, v39;
	v47 =	vld [tilespmem:s10+$0xF6B0]  }
0x639: {  	v9 =	vadd.f32 v42, v41;
	v48 =	vld [tilespmem:s7+$0x10EB0]  }
0x63a: {  	v5 =	vadd.f32 v43, v46;
	v49 =	vld [tilespmem:s10+$0x10EB0]  }
0x63b: {  	v4 =	vadd.f32 v44, v9;
	v50 =	vld [tilespmem:s7+$0x126B0]  }
0x63c: {  	v51 =	vld [tilespmem:s10+$0x126B0];
	v5 =	vadd.f32 v45, v5  }
0x63d: {  	v52 =	vld [tilespmem:s15+$0xAE40];
	v4 =	vadd.f32 v47, v4  }
0x63e: {  	v53 =	vld [tilespmem:s15+$0xC640];
	v5 =	vadd.f32 v48, v5  }
0x63f: {  	v54 =	vld [tilespmem:s1+$0xAE40];
	v4 =	vadd.f32 v49, v4  }
0x640: {  	v55 =	vld [tilespmem:s1+$0xC640];
	v5 =	vadd.f32 v50, v5  }
0x641: {  	v56 =	vld [tilespmem:s15+$0xDE40];
	v4 =	vadd.f32 v51, v4  }
0x642: {  	v57 =	vld [tilespmem:s1+$0xDE40];
	[tilespmem:s15+$0xAE30] =	vst v5  }
0x643: {  	[tilespmem:s1+$0xAE30] =	vst v4;
	v58 =	vld [tilespmem:s7+$0xF6C0]  }
0x644: {  	v59 =	vadd.f32 v53, v52;
	v60 =	vld [tilespmem:s10+$0xF6C0]  }
0x645: {  	v8 =	vadd.f32 v55, v54;
	v61 =	vld [tilespmem:s7+$0x10EC0]  }
0x646: {  	v4 =	vadd.f32 v56, v59;
	v62 =	vld [tilespmem:s10+$0x10EC0]  }
0x647: {  	v5 =	vadd.f32 v57, v8;
	v63 =	vld [tilespmem:s7+$0x126C0]  }
0x648: {  	v12 =	vld [tilespmem:s10+$0x126C0];
	v4 =	vadd.f32 v58, v4  }
0x649: {  	v13 =	vld [tilespmem:s15+$0xAE50];
	v5 =	vadd.f32 v60, v5  }
0x64a: {  	v14 =	vld [tilespmem:s15+$0xC650];
	v4 =	vadd.f32 v61, v4  }
0x64b: {  	v15 =	vld [tilespmem:s1+$0xAE50];
	v5 =	vadd.f32 v62, v5  }
0x64c: {  	v16 =	vld [tilespmem:s1+$0xC650];
	v4 =	vadd.f32 v63, v4  }
0x64d: {  	v17 =	vld [tilespmem:s15+$0xDE50];
	v5 =	vadd.f32 v12, v5  }
0x64e: {  	v18 =	vld [tilespmem:s1+$0xDE50];
	[tilespmem:s15+$0xAE40] =	vst v4  }
0x64f: {  	[tilespmem:s1+$0xAE40] =	vst v5;
	v19 =	vld [tilespmem:s7+$0xF6D0]  }
0x650: {  	v20 =	vadd.f32 v14, v13;
	v21 =	vld [tilespmem:s10+$0xF6D0]  }
0x651: {  	v9 =	vadd.f32 v16, v15;
	v22 =	vld [tilespmem:s7+$0x10ED0]  }
0x652: {  	v5 =	vadd.f32 v17, v20;
	v23 =	vld [tilespmem:s10+$0x10ED0]  }
0x653: {  	v4 =	vadd.f32 v18, v9;
	v24 =	vld [tilespmem:s7+$0x126D0]  }
0x654: {  	v25 =	vld [tilespmem:s10+$0x126D0];
	v5 =	vadd.f32 v19, v5  }
0x655: {  	v26 =	vld [tilespmem:s15+$0xAE60];
	v4 =	vadd.f32 v21, v4  }
0x656: {  	v27 =	vld [tilespmem:s15+$0xC660];
	v5 =	vadd.f32 v22, v5  }
0x657: {  	v28 =	vld [tilespmem:s1+$0xAE60];
	v4 =	vadd.f32 v23, v4  }
0x658: {  	v29 =	vld [tilespmem:s1+$0xC660];
	v5 =	vadd.f32 v24, v5  }
0x659: {  	v30 =	vld [tilespmem:s15+$0xDE60];
	v4 =	vadd.f32 v25, v4  }
0x65a: {  	v31 =	vld [tilespmem:s1+$0xDE60];
	[tilespmem:s15+$0xAE50] =	vst v5  }
0x65b: {  	[tilespmem:s1+$0xAE50] =	vst v4;
	v32 =	vld [tilespmem:s7+$0xF6E0]  }
0x65c: {  	v33 =	vadd.f32 v27, v26;
	v34 =	vld [tilespmem:s10+$0xF6E0]  }
0x65d: {  	v8 =	vadd.f32 v29, v28;
	v35 =	vld [tilespmem:s7+$0x10EE0]  }
0x65e: {  	v4 =	vadd.f32 v30, v33;
	v36 =	vld [tilespmem:s10+$0x10EE0]  }
0x65f: {  	v5 =	vadd.f32 v31, v8;
	v37 =	vld [tilespmem:s7+$0x126E0]  }
0x660: {  	v38 =	vld [tilespmem:s10+$0x126E0];
	v4 =	vadd.f32 v32, v4  }
0x661: {  	v39 =	vld [tilespmem:s15+$0xAE70];
	v5 =	vadd.f32 v34, v5  }
0x662: {  	v40 =	vld [tilespmem:s15+$0xC670];
	v4 =	vadd.f32 v35, v4  }
0x663: {  	v41 =	vld [tilespmem:s1+$0xAE70];
	v5 =	vadd.f32 v36, v5  }
0x664: {  	v42 =	vld [tilespmem:s1+$0xC670];
	v4 =	vadd.f32 v37, v4  }
0x665: {  	v43 =	vld [tilespmem:s15+$0xDE70];
	v5 =	vadd.f32 v38, v5  }
0x666: {  	v44 =	vld [tilespmem:s1+$0xDE70];
	[tilespmem:s15+$0xAE60] =	vst v4  }
0x667: {  	[tilespmem:s1+$0xAE60] =	vst v5;
	v45 =	vld [tilespmem:s7+$0xF6F0]  }
0x668: {  	v46 =	vadd.f32 v40, v39;
	v47 =	vld [tilespmem:s10+$0xF6F0]  }
0x669: {  	v9 =	vadd.f32 v42, v41;
	v48 =	vld [tilespmem:s7+$0x10EF0]  }
0x66a: {  	v5 =	vadd.f32 v43, v46;
	v49 =	vld [tilespmem:s10+$0x10EF0]  }
0x66b: {  	v4 =	vadd.f32 v44, v9;
	v50 =	vld [tilespmem:s7+$0x126F0]  }
0x66c: {  	s16 =	sor.u32 s11, s0;
	v51 =	vld [tilespmem:s10+$0x126F0];
	v7 =	vadd.f32 v45, v5  }
0x66d: {  	v53 =	vld [tilespmem:s16+$0xAE00];
	v6 =	vadd.f32 v47, v4  }
0x66e: {  	v19 =	vld [tilespmem:s16+$0xAE10];
	v52 =	vadd.f32 v48, v7  }
0x66f: {  	v8 =	vld [tilespmem:s26+$0xC670];
	v10 =	vadd.f32 v49, v6  }
0x670: {  	v31 =	vld [tilespmem:s16+$0xAE20];
	v11 =	vadd.f32 v50, v52  }
0x671: {  	v43 =	vld [tilespmem:s16+$0xAE30];
	v9 =	vadd.f32 v51, v10  }
0x672: {  	v5 =	vld [tilespmem:s29+$0x10F70];
	[tilespmem:s15+$0xAE70] =	vst v11  }
0x673: {  	s0 =	sor.u32 s13, s0;
	[tilespmem:s1+$0xAE70] =	vst v9;
	v54 =	vld [tilespmem:s16+$0xC600]  }
0x674: {  	v55 =	vld [tilespmem:s0+$0xAE00]  }
0x675: {  	v56 =	vld [tilespmem:s0+$0xC600]  }
0x676: {  	v57 =	vld [tilespmem:s16+$0xDE00]  }
0x677: {  	v58 =	vld [tilespmem:s0+$0xDE00]  }
0x678: {  	v59 =	vld [tilespmem:s7+$0xF700]  }
0x679: {  	v60 =	vld [tilespmem:s10+$0xF700];
	v9 =	vadd.f32 v54, v53  }
0x67a: {  	v61 =	vld [tilespmem:s7+$0x10F00];
	v11 =	vadd.f32 v56, v55  }
0x67b: {  	v62 =	vld [tilespmem:s10+$0x10F00];
	v9 =	vadd.f32 v57, v9  }
0x67c: {  	v63 =	vld [tilespmem:s7+$0x12700];
	v11 =	vadd.f32 v58, v11  }
0x67d: {  	v18 =	vld [tilespmem:s10+$0x12700];
	v9 =	vadd.f32 v59, v9  }
0x67e: {  	v4 =	vld [tilespmem:s29+$0x12770];
	v10 =	vadd.f32 v60, v11  }
0x67f: {  	v20 =	vld [tilespmem:s16+$0xC610];
	v9 =	vadd.f32 v61, v9  }
0x680: {  	v21 =	vld [tilespmem:s0+$0xAE10];
	v10 =	vadd.f32 v62, v10  }
0x681: {  	v22 =	vld [tilespmem:s0+$0xC610];
	v9 =	vadd.f32 v63, v9  }
0x682: {  	v23 =	vld [tilespmem:s16+$0xDE10];
	v10 =	vadd.f32 v18, v10  }
0x683: {  	v24 =	vld [tilespmem:s0+$0xDE10];
	[tilespmem:s16+$0xAE00] =	vst v9  }
0x684: {  	[tilespmem:s0+$0xAE00] =	vst v10;
	v25 =	vld [tilespmem:s7+$0xF710]  }
0x685: {  	v11 =	vadd.f32 v20, v19;
	v26 =	vld [tilespmem:s10+$0xF710]  }
0x686: {  	v13 =	vadd.f32 v22, v21;
	v27 =	vld [tilespmem:s7+$0x10F10]  }
0x687: {  	v11 =	vadd.f32 v23, v11;
	v28 =	vld [tilespmem:s10+$0x10F10]  }
0x688: {  	v9 =	vadd.f32 v24, v13;
	v29 =	vld [tilespmem:s7+$0x12710]  }
0x689: {  	v30 =	vld [tilespmem:s10+$0x12710];
	v10 =	vadd.f32 v25, v11  }
0x68a: {  	v45 =	vld [tilespmem:s0+$0xAE30];
	v9 =	vadd.f32 v26, v9  }
0x68b: {  	v32 =	vld [tilespmem:s16+$0xC620];
	v10 =	vadd.f32 v27, v10  }
0x68c: {  	v33 =	vld [tilespmem:s0+$0xAE20];
	v9 =	vadd.f32 v28, v9  }
0x68d: {  	v34 =	vld [tilespmem:s0+$0xC620];
	v10 =	vadd.f32 v29, v10  }
0x68e: {  	v35 =	vld [tilespmem:s16+$0xDE20];
	v9 =	vadd.f32 v30, v9  }
0x68f: {  	v36 =	vld [tilespmem:s0+$0xDE20];
	[tilespmem:s16+$0xAE10] =	vst v10  }
0x690: {  	[tilespmem:s0+$0xAE10] =	vst v9;
	v37 =	vld [tilespmem:s7+$0xF720]  }
0x691: {  	v12 =	vadd.f32 v32, v31;
	v38 =	vld [tilespmem:s10+$0xF720]  }
0x692: {  	v13 =	vadd.f32 v34, v33;
	v39 =	vld [tilespmem:s7+$0x10F20]  }
0x693: {  	v11 =	vadd.f32 v35, v12;
	v40 =	vld [tilespmem:s10+$0x10F20]  }
0x694: {  	v10 =	vadd.f32 v36, v13;
	v41 =	vld [tilespmem:s7+$0x12720]  }
0x695: {  	v42 =	vld [tilespmem:s10+$0x12720];
	v9 =	vadd.f32 v37, v11  }
0x696: {  	v7 =	vld [tilespmem:s26+$0xAE70];
	v10 =	vadd.f32 v38, v10  }
0x697: {  	v6 =	vld [tilespmem:s26+$0xDE70];
	v9 =	vadd.f32 v39, v9  }
0x698: {  	v44 =	vld [tilespmem:s16+$0xC630];
	v10 =	vadd.f32 v40, v10  }
0x699: {  	v46 =	vld [tilespmem:s0+$0xC630];
	v9 =	vadd.f32 v41, v9  }
0x69a: {  	v47 =	vld [tilespmem:s16+$0xDE30];
	v10 =	vadd.f32 v42, v10  }
0x69b: {  	v48 =	vld [tilespmem:s0+$0xDE30];
	[tilespmem:s16+$0xAE20] =	vst v9  }
0x69c: {  	[tilespmem:s0+$0xAE20] =	vst v10;
	v49 =	vld [tilespmem:s7+$0xF730]  }
0x69d: {  	v14 =	vadd.f32 v44, v43;
	v50 =	vld [tilespmem:s10+$0xF730]  }
0x69e: {  	v12 =	vadd.f32 v46, v45;
	v51 =	vld [tilespmem:s7+$0x10F30]  }
0x69f: {  	v11 =	vadd.f32 v47, v14;
	v52 =	vld [tilespmem:s10+$0x10F30]  }
0x6a0: {  	v9 =	vadd.f32 v48, v12;
	v53 =	vld [tilespmem:s7+$0x12730]  }
0x6a1: {  	v54 =	vld [tilespmem:s10+$0x12730];
	v10 =	vadd.f32 v49, v11  }
0x6a2: {  	v55 =	vld [tilespmem:s16+$0xAE40];
	v9 =	vadd.f32 v50, v9  }
0x6a3: {  	v56 =	vld [tilespmem:s16+$0xC640];
	v10 =	vadd.f32 v51, v10  }
0x6a4: {  	v57 =	vld [tilespmem:s0+$0xAE40];
	v9 =	vadd.f32 v52, v9  }
0x6a5: {  	v58 =	vld [tilespmem:s0+$0xC640];
	v10 =	vadd.f32 v53, v10  }
0x6a6: {  	v59 =	vld [tilespmem:s16+$0xDE40];
	v9 =	vadd.f32 v54, v9  }
0x6a7: {  	v60 =	vld [tilespmem:s0+$0xDE40];
	[tilespmem:s16+$0xAE30] =	vst v10  }
0x6a8: {  	[tilespmem:s0+$0xAE30] =	vst v9;
	v61 =	vld [tilespmem:s7+$0xF740]  }
0x6a9: {  	v13 =	vadd.f32 v56, v55;
	v62 =	vld [tilespmem:s10+$0xF740]  }
0x6aa: {  	v12 =	vadd.f32 v58, v57;
	v63 =	vld [tilespmem:s7+$0x10F40]  }
0x6ab: {  	v11 =	vadd.f32 v59, v13;
	v18 =	vld [tilespmem:s10+$0x10F40]  }
0x6ac: {  	v10 =	vadd.f32 v60, v12;
	v19 =	vld [tilespmem:s7+$0x12740]  }
0x6ad: {  	v20 =	vld [tilespmem:s10+$0x12740];
	v9 =	vadd.f32 v61, v11  }
0x6ae: {  	v21 =	vld [tilespmem:s16+$0xAE50];
	v10 =	vadd.f32 v62, v10  }
0x6af: {  	v22 =	vld [tilespmem:s16+$0xC650];
	v9 =	vadd.f32 v63, v9  }
0x6b0: {  	v23 =	vld [tilespmem:s0+$0xAE50];
	v10 =	vadd.f32 v18, v10  }
0x6b1: {  	v24 =	vld [tilespmem:s0+$0xC650];
	v9 =	vadd.f32 v19, v9  }
0x6b2: {  	v25 =	vld [tilespmem:s16+$0xDE50];
	v10 =	vadd.f32 v20, v10  }
0x6b3: {  	v26 =	vld [tilespmem:s0+$0xDE50];
	[tilespmem:s16+$0xAE40] =	vst v9  }
0x6b4: {  	[tilespmem:s0+$0xAE40] =	vst v10;
	v27 =	vld [tilespmem:s7+$0xF750]  }
0x6b5: {  	v14 =	vadd.f32 v22, v21;
	v28 =	vld [tilespmem:s10+$0xF750]  }
0x6b6: {  	v12 =	vadd.f32 v24, v23;
	v29 =	vld [tilespmem:s7+$0x10F50]  }
0x6b7: {  	v11 =	vadd.f32 v25, v14;
	v30 =	vld [tilespmem:s10+$0x10F50]  }
0x6b8: {  	v9 =	vadd.f32 v26, v12;
	v31 =	vld [tilespmem:s7+$0x12750]  }
0x6b9: {  	v32 =	vld [tilespmem:s10+$0x12750];
	v10 =	vadd.f32 v27, v11  }
0x6ba: {  	v33 =	vld [tilespmem:s16+$0xAE60];
	v9 =	vadd.f32 v28, v9  }
0x6bb: {  	v34 =	vld [tilespmem:s16+$0xC660];
	v10 =	vadd.f32 v29, v10  }
0x6bc: {  	v35 =	vld [tilespmem:s0+$0xAE60];
	v9 =	vadd.f32 v30, v9  }
0x6bd: {  	v36 =	vld [tilespmem:s0+$0xC660];
	v10 =	vadd.f32 v31, v10  }
0x6be: {  	v37 =	vld [tilespmem:s16+$0xDE60];
	v9 =	vadd.f32 v32, v9  }
0x6bf: {  	v38 =	vld [tilespmem:s0+$0xDE60];
	[tilespmem:s16+$0xAE50] =	vst v10  }
0x6c0: {  	[tilespmem:s0+$0xAE50] =	vst v9;
	v39 =	vld [tilespmem:s7+$0xF760]  }
0x6c1: {  	v13 =	vadd.f32 v34, v33;
	v40 =	vld [tilespmem:s10+$0xF760]  }
0x6c2: {  	v12 =	vadd.f32 v36, v35;
	v41 =	vld [tilespmem:s7+$0x10F60]  }
0x6c3: {  	v11 =	vadd.f32 v37, v13;
	v42 =	vld [tilespmem:s10+$0x10F60]  }
0x6c4: {  	v10 =	vadd.f32 v38, v12;
	v43 =	vld [tilespmem:s7+$0x12760]  }
0x6c5: {  	v44 =	vld [tilespmem:s10+$0x12760];
	v9 =	vadd.f32 v39, v11  }
0x6c6: {  	v45 =	vld [tilespmem:s16+$0xAE70];
	v10 =	vadd.f32 v40, v10  }
0x6c7: {  	v46 =	vld [tilespmem:s16+$0xC670];
	v9 =	vadd.f32 v41, v9  }
0x6c8: {  	v47 =	vld [tilespmem:s0+$0xAE70];
	v10 =	vadd.f32 v42, v10  }
0x6c9: {  	v48 =	vld [tilespmem:s0+$0xC670];
	v9 =	vadd.f32 v43, v9  }
0x6ca: {  	v49 =	vld [tilespmem:s16+$0xDE70];
	v10 =	vadd.f32 v44, v10  }
0x6cb: {  	v50 =	vld [tilespmem:s0+$0xDE70];
	[tilespmem:s16+$0xAE60] =	vst v9  }
0x6cc: {  	v7 =	vadd.f32 v8, v7;
	[tilespmem:s0+$0xAE60] =	vst v10;
	v51 =	vld [tilespmem:s7+$0xF770]  }
0x6cd: {  	v52 =	vadd.f32 v46, v45;
	v53 =	vld [tilespmem:s10+$0xF770]  }
0x6ce: {  	v6 =	vadd.f32 v6, v7;
	v54 =	vadd.f32 v48, v47;
	v55 =	vld [tilespmem:s7+$0x10F70]  }
0x6cf: {  	v10 =	vadd.f32 v49, v52;
	v56 =	vld [tilespmem:s10+$0x10F70]  }
0x6d0: {  	v3 =	vadd.f32 v3, v6;
	v57 =	vadd.f32 v50, v54;
	v58 =	vld [tilespmem:s7+$0x12770]  }
0x6d1: {  	v59 =	vld [tilespmem:s10+$0x12770];
	v8 =	vadd.f32 v51, v10  }
0x6d2: {  	v3 =	vadd.f32 v5, v3;
	v60 =	vadd.f32 v53, v57  }
0x6d3: {  	p0 =	slt.u32 s30, $0xC;
	v61 =	vadd.f32 v55, v8  }
.Ltmp3:
0x6d4: {  	v3 =	vadd.f32 v4, v3;
	v62 =	vadd.f32 v56, v60;
	(pc) =	sbr.rel @p0 .LBB2_5-.Ltmp3, $4  }
0x6d5: {  	v63 =	vadd.f32 v58, v61  }
0x6d6: {  	[tilespmem:s26+$0xAE70] =	vst v3;
	v3 =	vadd.f32 v59, v62  }
0x6d7: {  	s29 =	sadd.s32 $0x4, s30;
	[tilespmem:s16+$0xAE70] =	vst v63  }
0x6d8: {  	s30 =	smov.u32 s29;
	[tilespmem:s0+$0xAE70] =	vst v3  }
0x6d9: {  	s0 =	sadd.s32 s28, s9  }
0x6da: {  	s0 =	smul.u32 $0x300, s0  }
0x6db: {  	p0 =	seq.s32 s25, $0x13  }
.Ltmp4:
0x6dc: {  	s0 =	sadd.s32 s6, s0;
	(pc) =	sbr.rel @p0 .LBB2_8-.Ltmp4, $4  }
0x6dd: {  	[hbm4b:s0+s3] =	stream.linear.scatter [tilespmem:s31], [sflag:$0x4], $0x1800, $0x38;
	[tilespmem:$0x13E00] =	vst v63  }
0x6de: {  	_ =	swait.ge [sflag:s22], $0x1800  }
0x6df: {  	[sflag:s22] =	ssyncset.done $0x0  }
0x6e0: {  	[sflag:s22] =	ssyncadd.s32 $0xFFFFE800  }
0x6e1: {  	s0 =	smul.u32 $0x600, s25;
	_ =	sdelay $0x1  }
0x6e2: {  	s0 =	sshra.s32 s0, $0x2  }
0x6e3: {  	v3 =	vld [tilespmem:s0+$0x180];
	_ =	sdelay $0x4  }
0x6e4: {  	v4 =	vshrl.u32 v3, $0x3  }
0x6e5: {  	v4 =	vmul.u32 $0x18, v4  }
0x6e6: {  	v3 =	vand.u32 $0x7, v3  }
0x6e7: {  	v3 =	vor.u32 v3, v4  }
0x6e8: {  	v4 =	vperm.xlane v3, v0;
	_ =	sdelay $0x1  }
0x6e9: {  	v4 =	vadd.s32 v1, v4;
	_ =	sdelay $0x1  }
0x6ea: {  	v3 =	vperm.xlane v3, v2;
	_ =	sdelay $0x1  }
0x6eb: {  	v3 =	vadd.s32 v1, v3  }
0x6ec: {  	[tilespmem:s12], [sflag:$0x1] =	stream.indirect_vreg.gather [hbm4b:s2+s3], $0x80, v4, vm0, $0xb8;
	[tilespmem:$0x13E00] =	vst v63  }
0x6ed: {  	s1 =	simm.s32 $0x2600  }
0x6ee: {  	[tilespmem:s1], [sflag:$0x1] =	stream.indirect_vreg.gather [hbm4b:s8+s3], $0x80, v4, vm1, $0xb8;
	[tilespmem:$0x13E00] =	vst v63  }
0x6ef: {  	s15 =	simm.s32 $0x2A00  }
0x6f0: {  	[tilespmem:s15], [sflag:$0x1] =	stream.indirect_vreg.gather [hbm4b:s2+s3], $0x80, v3, vm0, $0xb8;
	[tilespmem:$0x13E00] =	vst v63  }
0x6f1: {  	s16 =	simm.s32 $0x3200  }
0x6f2: {  	[tilespmem:s16], [sflag:$0x1] =	stream.indirect_vreg.gather [hbm4b:s8+s3], $0x80, v3, vm1, $0xb8;
	[tilespmem:$0x13E00] =	vst v63  }
0x6f3: {  	v3 =	vld [tilespmem:s0+$0x190];
	_ =	sdelay $0x4  }
0x6f4: {  	v59 =	vshrl.u32 v3, $0x3  }
0x6f5: {  	v4 =	vmul.u32 $0x18, v59  }
0x6f6: {  	v3 =	vand.u32 $0x7, v3  }
0x6f7: {  	v3 =	vor.u32 v3, v4  }
0x6f8: {  	v4 =	vperm.xlane v3, v0;
	_ =	sdelay $0x1  }
0x6f9: {  	v4 =	vadd.s32 v1, v4;
	_ =	sdelay $0x1  }
0x6fa: {  	v3 =	vperm.xlane v3, v2;
	_ =	sdelay $0x1  }
0x6fb: {  	s26 =	simm.s32 $0x3600;
	v3 =	vadd.s32 v1, v3  }
0x6fc: {  	[tilespmem:s26], [sflag:$0x1] =	stream.indirect_vreg.gather [hbm4b:s2+s3], $0x80, v4, vm0, $0xb8;
	[tilespmem:$0x13E00] =	vst v63  }
0x6fd: {  	s28 =	simm.s32 $0x3E00  }
0x6fe: {  	[tilespmem:s28], [sflag:$0x1] =	stream.indirect_vreg.gather [hbm4b:s8+s3], $0x80, v4, vm1, $0xb8;
	[tilespmem:$0x13E00] =	vst v63  }
0x6ff: {  	s29 =	simm.s32 $0x4200  }
0x700: {  	[tilespmem:s29], [sflag:$0x1] =	stream.indirect_vreg.gather [hbm4b:s2+s3], $0x80, v3, vm0, $0xb8;
	[tilespmem:$0x13E00] =	vst v63  }
0x701: {  	s30 =	simm.s32 $0x4A00  }
0x702: {  	[tilespmem:s30], [sflag:$0x1] =	stream.indirect_vreg.gather [hbm4b:s8+s3], $0x80, v3, vm1, $0xb8;
	[tilespmem:$0x13E00] =	vst v63  }
0x703: {  	v3 =	vld [tilespmem:s0+$0x1A0];
	_ =	sdelay $0x4  }
0x704: {  	v60 =	vshrl.u32 v3, $0x3  }
0x705: {  	v4 =	vmul.u32 $0x18, v60  }
0x706: {  	v3 =	vand.u32 $0x7, v3  }
0x707: {  	v3 =	vor.u32 v3, v4  }
0x708: {  	v4 =	vperm.xlane v3, v0;
	_ =	sdelay $0x1  }
0x709: {  	v4 =	vadd.s32 v1, v4;
	_ =	sdelay $0x1  }
0x70a: {  	v3 =	vperm.xlane v3, v2;
	_ =	sdelay $0x1  }
0x70b: {  	s7 =	simm.s32 $0x4E00;
	v3 =	vadd.s32 v1, v3  }
0x70c: {  	[tilespmem:s7], [sflag:$0x1] =	stream.indirect_vreg.gather [hbm4b:s2+s3], $0x80, v4, vm0, $0xb8;
	[tilespmem:$0x13E00] =	vst v63  }
0x70d: {  	s10 =	simm.s32 $0x5600  }
0x70e: {  	[tilespmem:s10], [sflag:$0x1] =	stream.indirect_vreg.gather [hbm4b:s8+s3], $0x80, v4, vm1, $0xb8;
	[tilespmem:$0x13E00] =	vst v63  }
0x70f: {  	s11 =	simm.s32 $0x5A00  }
0x710: {  	[tilespmem:s11], [sflag:$0x1] =	stream.indirect_vreg.gather [hbm4b:s2+s3], $0x80, v3, vm0, $0xb8;
	[tilespmem:$0x13E00] =	vst v63  }
0x711: {  	s13 =	simm.s32 $0x6200  }
0x712: {  	[tilespmem:s13], [sflag:$0x1] =	stream.indirect_vreg.gather [hbm4b:s8+s3], $0x80, v3, vm1, $0xb8;
	[tilespmem:$0x13E00] =	vst v63  }
0x713: {  	s14 =	sadd.s32 $0x1B0, s0;
	s7 =	simm.s32 $0x6600  }
0x714: {  	[tilespmem:s7], [sflag:$0x1] =	stream.indirect.gather [hbm4b:s4+s24], $0x80, s14, s24, $0xb8;
	[tilespmem:$0x13E00] =	vst v63  }
0x715: {  	s15 =	sadd.s32 $0x1E0, s0;
	s16 =	simm.s32 $0x7E00  }
0x716: {  	[tilespmem:s16], [sflag:$0x1] =	stream.indirect.gather [hbm4b:s4+s24], $0x80, s15, s24, $0xb8;
	[tilespmem:$0x13E00] =	vst v63  }
0x717: {  	s26 =	sadd.s32 $0x210, s0;
	s28 =	simm.s32 $0x9600  }
0x718: {  	[tilespmem:s28], [sflag:$0x1] =	stream.indirect.gather [hbm4b:s4+s24], $0x80, s26, s24, $0xb8;
	[tilespmem:$0x13E00] =	vst v63  }
0x719: {  	_ =	swait.ge [sflag:s23], $0x1800  }
0x71a: {  	[sflag:s23] =	ssyncset.done $0x0  }
0x71b: {  	[sflag:s23] =	ssyncadd.s32 $0xFFFFE800  }
0x71c: {  	v3 =	vld [tilespmem:s0+$0x240];
	_ =	sdelay $0x4  }
0x71d: {  	v61 =	vshrl.u32 v3, $0x3  }
0x71e: {  	v4 =	vmul.u32 $0x18, v61  }
0x71f: {  	v3 =	vand.u32 $0x7, v3  }
0x720: {  	v3 =	vor.u32 v3, v4  }
0x721: {  	v4 =	vperm.xlane v3, v0;
	_ =	sdelay $0x1  }
0x722: {  	v4 =	vadd.s32 v1, v4;
	_ =	sdelay $0x1  }
0x723: {  	v3 =	vperm.xlane v3, v2;
	_ =	sdelay $0x1  }
0x724: {  	v3 =	vadd.s32 v1, v3  }
0x725: {  	[tilespmem:s31], [sflag:$0x2] =	stream.indirect_vreg.gather [hbm4b:s2+s3], $0x80, v4, vm0, $0xb8;
	[tilespmem:$0x13E00] =	vst v63  }
0x726: {  	s29 =	simm.s32 $0xB600  }
0x727: {  	[tilespmem:s29], [sflag:$0x2] =	stream.indirect_vreg.gather [hbm4b:s8+s3], $0x80, v4, vm1, $0xb8;
	[tilespmem:$0x13E00] =	vst v63  }
0x728: {  	s30 =	simm.s32 $0xBA00  }
0x729: {  	[tilespmem:s30], [sflag:$0x2] =	stream.indirect_vreg.gather [hbm4b:s2+s3], $0x80, v3, vm0, $0xb8;
	[tilespmem:$0x13E00] =	vst v63  }
0x72a: {  	s7 =	simm.s32 $0xC200  }
0x72b: {  	[tilespmem:s7], [sflag:$0x2] =	stream.indirect_vreg.gather [hbm4b:s8+s3], $0x80, v3, vm1, $0xb8;
	[tilespmem:$0x13E00] =	vst v63  }
0x72c: {  	v3 =	vld [tilespmem:s0+$0x250];
	_ =	sdelay $0x4  }
0x72d: {  	v62 =	vshrl.u32 v3, $0x3  }
0x72e: {  	v4 =	vmul.u32 $0x18, v62  }
0x72f: {  	v3 =	vand.u32 $0x7, v3  }
0x730: {  	v3 =	vor.u32 v3, v4  }
0x731: {  	v4 =	vperm.xlane v3, v0;
	_ =	sdelay $0x1  }
0x732: {  	v4 =	vadd.s32 v1, v4;
	_ =	sdelay $0x1  }
0x733: {  	v3 =	vperm.xlane v3, v2;
	_ =	sdelay $0x1  }
0x734: {  	s10 =	simm.s32 $0xC600;
	v3 =	vadd.s32 v1, v3  }
0x735: {  	[tilespmem:s10], [sflag:$0x2] =	stream.indirect_vreg.gather [hbm4b:s2+s3], $0x80, v4, vm0, $0xb8;
	[tilespmem:$0x13E00] =	vst v63  }
0x736: {  	s11 =	simm.s32 $0xCE00  }
0x737: {  	[tilespmem:s11], [sflag:$0x2] =	stream.indirect_vreg.gather [hbm4b:s8+s3], $0x80, v4, vm1, $0xb8;
	[tilespmem:$0x13E00] =	vst v63  }
0x738: {  	s13 =	simm.s32 $0xD200  }
0x739: {  	[tilespmem:s13], [sflag:$0x2] =	stream.indirect_vreg.gather [hbm4b:s2+s3], $0x80, v3, vm0, $0xb8;
	[tilespmem:$0x13E00] =	vst v63  }
0x73a: {  	s14 =	simm.s32 $0xDA00  }
0x73b: {  	[tilespmem:s14], [sflag:$0x2] =	stream.indirect_vreg.gather [hbm4b:s8+s3], $0x80, v3, vm1, $0xb8;
	[tilespmem:$0x13E00] =	vst v63  }
0x73c: {  	v3 =	vld [tilespmem:s0+$0x260];
	_ =	sdelay $0x4  }
0x73d: {  	v63 =	vshrl.u32 v3, $0x3  }
0x73e: {  	v4 =	vmul.u32 $0x18, v63  }
0x73f: {  	v3 =	vand.u32 $0x7, v3  }
0x740: {  	v3 =	vor.u32 v3, v4  }
0x741: {  	v4 =	vperm.xlane v3, v0;
	_ =	sdelay $0x1  }
0x742: {  	v4 =	vadd.s32 v1, v4;
	_ =	sdelay $0x1  }
0x743: {  	v3 =	vperm.xlane v3, v2;
	_ =	sdelay $0x1  }
0x744: {  	s15 =	simm.s32 $0xDE00;
	v3 =	vadd.s32 v1, v3  }
0x745: {  	[tilespmem:s15], [sflag:$0x2] =	stream.indirect_vreg.gather [hbm4b:s2+s3], $0x80, v4, vm0, $0xb8;
	[tilespmem:$0x13E00] =	vst v63  }
0x746: {  	s16 =	simm.s32 $0xE600  }
0x747: {  	[tilespmem:s16], [sflag:$0x2] =	stream.indirect_vreg.gather [hbm4b:s8+s3], $0x80, v4, vm1, $0xb8;
	[tilespmem:$0x13E00] =	vst v63  }
0x748: {  	s26 =	simm.s32 $0xEA00  }
0x749: {  	[tilespmem:s26], [sflag:$0x2] =	stream.indirect_vreg.gather [hbm4b:s2+s3], $0x80, v3, vm0, $0xb8;
	[tilespmem:$0x13E00] =	vst v63  }
0x74a: {  	s28 =	simm.s32 $0xF200  }
0x74b: {  	[tilespmem:s28], [sflag:$0x2] =	stream.indirect_vreg.gather [hbm4b:s8+s3], $0x80, v3, vm1, $0xb8;
	[tilespmem:$0x13E00] =	vst v63  }
0x74c: {  	s29 =	sadd.s32 $0x270, s0  }
0x74d: {  	[tilespmem:s17], [sflag:$0x2] =	stream.indirect.gather [hbm4b:s4+s24], $0x80, s29, s24, $0xb8;
	[tilespmem:$0x13E00] =	vst v63  }
.Ltmp5:
0x74e: {  	_ = 	snop;
	(pc) =	sbr.rel .LBB2_2-.Ltmp5, $4  }
0x74f: {  	s30 =	sadd.s32 $0x2A0, s0  }
0x750: {  	[tilespmem:s18], [sflag:$0x2] =	stream.indirect.gather [hbm4b:s4+s24], $0x80, s30, s24, $0xb8;
	[tilespmem:$0x13E00] =	vst v63  }
0x751: {  	s25 =	sadd.s32 $0x1, s25;
	s0 =	sadd.s32 $0x2D0, s0  }
0x752: {  	[tilespmem:s19], [sflag:$0x2] =	stream.indirect.gather [hbm4b:s4+s24], $0x80, s0, s24, $0xb8;
	[tilespmem:$0x13E00] =	vst v63  }
.LBB2_9:
0x753: {  	_ =	sfence.sel $0x180000  }
0x754: {  	[bflag:$0x0] =	sbarrier.arrive $0xFFFF  }
0x755: {  	_ =	strace $0x90000047  }
0x756: {  	s0 =	stileid.u32;
	[bflag:$0x2] =	sbarrier.arrive $0xFFFF  }
0x757: {  	p0 =	sne.s32 s0, $0x0;
	s0 =	rddreg [dreg:$0x3]  }
0x758: {  	s0 =	sadd.s32 @!p0 $0x100000, s0  }
0x759: {  	[sflag:s0] =	ssyncadd.tile.s32 @!p0 $0x1;
	_ =	shalt  }
.Lfunc_end2:
_tile_overlayer_lowered:
.L_overlay_start_2:
0x75a: {  	(tag) =	ssettag $0x2  }
0x75b: {  	s0 =	rddreg [dreg:$0x0];
	s2 =	stileid.u32  }
0x75c: {  	s1 =	rddreg [dreg:$0x1];
	p0 =	sne.s32 s2, $0x0  }
0x75d: {  	s3 =	rddreg [dreg:$0x2];
	[bflag:$0x3] =	sbarrier.arrive $0xFFFF;
	s2 =	simm.s32 @!p0 $0x1C05  }
0x75e: {  	[timem:s3], [sflag:s2] =	dma.local @!p0 [hbm:s0], s1  }
0x75f: {  	s0 =	simm.s32 @!p0 $0x5  }
0x760: {  	_ =	swait.ge @!p0 [sflag:s0], s1  }
0x761: {  	s1 =	ssub.s32 @!p0 $0x0, s1;
	[sflag:s0] =	ssyncset.done @!p0 $0x0  }
0x762: {  	[sflag:s0] =	ssyncadd.s32 @!p0 s1  }
0x763: {  	[bflag:$0x3] =	sbarrier.arrive $0xFFFF  }
0x764: {  	_ =	shalt  }

</sc_bundles>
